<compile_context>
chip_gen: v7x
topology: tpu7x:2x2x1
jax: 0.10.2.dev20260603
libtpu: 0.0.44.dev20260713+nightly
codegen_flags: <defaults>
</compile_context>

<pallas_src>
import jax
import jax.numpy as jnp
from jax import lax
from jax.experimental import pallas as pl
from jax.experimental.pallas import tpu as pltpu
from jax.experimental.pallas import tpu_sc as plsc

N = 10000
E = 320000
D = 128
H = 64
C = 10
B = 128

NH = N // 2
NC = 2
NS = 16
NW = NC * NS
K = 128
NCHUNK = E // K
BUFC = 88
BUFD = 88
NP = 10240
RPT = NP // NS
DEGW = 16
PB = 320
NBUF = 8

BLK = 1000
GRID = NH // BLK


def _chunk_range(idx, nparts, buf):
  s = (NCHUNK * idx) // nparts
  e = (NCHUNK * (idx + 1)) // nparts
  base = jnp.minimum(s - lax.rem(s, 8), NCHUNK - buf)
  return s - base, e - s, base


def _deg_body(pdst2, ones_hbm, zeros_hbm, deg_out, didx, ones_v, dsem, degl,
              dbuf, dacc):
  cid = lax.axis_index("c")
  sid = lax.axis_index("s")
  w = sid * NC + cid
  pltpu.sync_copy(zeros_hbm, dacc.at[pl.ds(sid * RPT, RPT)])
  pltpu.sync_copy(ones_hbm, ones_v)
  off, cnt, base = _chunk_range(w, NW, BUFD)
  pltpu.sync_copy(pdst2.at[pl.ds(base, BUFD)], didx)
  plsc.subcore_barrier()

  G = 20

  def group(g, carry):
    def fire(j, c):
      @pl.when(g * G + j < cnt)
      def _():
        pltpu.async_copy(ones_v, dacc.at[didx.at[off + g * G + j]], dsem,
                         add=True)
      return c

    lax.fori_loop(0, G, fire, 0)

    def drain(j, c):
      @pl.when(g * G + j < cnt)
      def _():
        pltpu.make_async_copy(ones_v, dacc.at[didx.at[off + g * G + j]],
                              dsem).wait()
      return c

    lax.fori_loop(0, G, drain, 0)
    return carry

  lax.fori_loop(0, 4, group, 0)
  plsc.subcore_barrier()

  pstart = jnp.minimum(PB * sid, NH - PB)
  pltpu.sync_copy(dacc.at[pl.ds(2 * pstart, 2 * PB)], degl)

  def finrow(i, carry):
    ylo = degl[2 * i, :]
    yhi = degl[2 * i + 1, :]
    for k2 in range(4):
      dbuf[i, pl.ds(16 * k2, 16)] = ylo
      dbuf[i, pl.ds(64 + 16 * k2, 16)] = yhi
    return carry

  lax.fori_loop(0, PB, finrow, 0)
  pltpu.sync_copy(dbuf, deg_out.at[cid, pl.ds(pstart, PB)])


def _spmv_body(hs, psrc2, pdst2, zeros_hbm, out, sidx, didx, rows, gsem, ssem,
               acc):
  cid = lax.axis_index("c")
  sid = lax.axis_index("s")
  w = sid * NC + cid
  pltpu.sync_copy(zeros_hbm, acc.at[pl.ds(sid * RPT, RPT)])
  off, cnt, base = _chunk_range(w, NW, BUFC)
  pltpu.sync_copy(psrc2.at[pl.ds(base, BUFC)], sidx)
  pltpu.sync_copy(pdst2.at[pl.ds(base, BUFC)], didx)
  plsc.subcore_barrier()

  for b in range(NBUF):
    @pl.when(b < cnt)
    def _(b=b):
      pltpu.async_copy(hs.at[sidx.at[off + b]], rows.at[b], gsem.at[b])

  def body(j, carry):
    b = lax.rem(j, NBUF)
    pltpu.make_async_copy(hs.at[sidx.at[off + j]], rows.at[b],
                          gsem.at[b]).wait()
    pltpu.async_copy(rows.at[b], acc.at[didx.at[off + j]], ssem.at[b],
                     add=True)

    @pl.when((j >= 1) & (j - 1 + NBUF < cnt))
    def _():
      bp = lax.rem(j - 1, NBUF)
      pltpu.make_async_copy(rows.at[bp], acc.at[didx.at[off + j - 1]],
                            ssem.at[bp]).wait()
      pltpu.async_copy(hs.at[sidx.at[off + j - 1 + NBUF]], rows.at[bp],
                       gsem.at[bp])
    return carry

  lax.fori_loop(0, cnt, body, 0)
  for b in range(NBUF):
    @pl.when(b < cnt)
    def _(b=b):
      pltpu.make_async_copy(rows.at[b], acc.at[didx.at[off]], ssem.at[b]).wait()
  plsc.subcore_barrier()
  pltpu.sync_copy(acc.at[pl.ds(sid * RPT, RPT)],
                  out.at[cid, pl.ds(sid * RPT, RPT)])


_deg_call = pl.kernel(
    _deg_body,
    out_type=jax.ShapeDtypeStruct((NC, NH, D), jnp.float32),
    mesh=plsc.VectorSubcoreMesh(core_axis_name="c", subcore_axis_name="s"),
    scratch_types=[
        pltpu.VMEM((BUFD, K), jnp.int32),
        pltpu.VMEM((K, DEGW), jnp.float32),
        pltpu.SemaphoreType.DMA,
        pltpu.VMEM((2 * PB, DEGW), jnp.float32),
        pltpu.VMEM((PB, D), jnp.float32),
        pltpu.VMEM_SHARED((NP, DEGW), jnp.float32),
    ],
    compiler_params=pltpu.CompilerParams(use_tc_tiling_on_sc=False),
)

_spmv_call = pl.kernel(
    _spmv_body,
    out_type=jax.ShapeDtypeStruct((NC, NP, H), jnp.float32),
    mesh=plsc.VectorSubcoreMesh(core_axis_name="c", subcore_axis_name="s"),
    scratch_types=[
        pltpu.VMEM((BUFC, K), jnp.int32),
        pltpu.VMEM((BUFC, K), jnp.int32),
        pltpu.VMEM((NBUF, K, H), jnp.float32),
        pltpu.SemaphoreType.DMA((NBUF,)),
        pltpu.SemaphoreType.DMA((NBUF,)),
        pltpu.VMEM_SHARED((NP, H), jnp.float32),
    ],
    compiler_params=pltpu.CompilerParams(use_tc_tiling_on_sc=False),
)

_DOT = dict(preferred_element_type=jnp.float32, precision=lax.Precision.DEFAULT)


def _eprep_body(ei, psrc_out, pdst_out):
  v = ei[...]
  p = v + v - jnp.where(v < NH, 0, N - 1)
  psrc_out[...] = p[0].reshape(NCHUNK, K)
  pdst_out[...] = p[1].reshape(NCHUNK, K)


_eprep_call = pl.pallas_call(
    _eprep_body,
    grid=(1,),
    in_specs=[pl.BlockSpec((2, E), lambda i: (0, 0))],
    out_specs=[
        pl.BlockSpec((NCHUNK, K), lambda i: (0, 0)),
        pl.BlockSpec((NCHUNK, K), lambda i: (0, 0)),
    ],
    out_shape=[
        jax.ShapeDtypeStruct((NCHUNK, K), jnp.int32),
        jax.ShapeDtypeStruct((NCHUNK, K), jnp.int32),
    ],
)


def _mm1_body(xlo, xhi, degp, w1b, hs_out, dinv_out):
  d = degp[...]
  dinv = lax.rsqrt(d[0] + d[1] + 1.0)
  xp = jnp.concatenate([xlo[...], xhi[...]], axis=1)
  hs_out[...] = jnp.dot(xp, w1b[...], **_DOT) * dinv
  dinv_out[...] = dinv


def _mm2_body(part, hs, dinvp, w2b, b1w, hs2_out):
  p = part[...]
  dv = dinvp[...]
  z = (p[0] + p[1] + hs[...]) * dv + b1w[...]
  h1 = jnp.maximum(z, 0.0)
  hs2_out[...] = jnp.dot(h1, w2b[...], **_DOT) * dv


def _pool_body(part, hs2, dinvp, b2w, batch4, wfc, bfc, out, accs, accc):
  i = pl.program_id(0)

  @pl.when(i == 0)
  def _():
    accs[...] = jnp.zeros((B, H), jnp.float32)
    accc[...] = jnp.zeros((B, 8), jnp.float32)

  p = part[...]
  h2 = jnp.maximum((p[0] + p[1] + hs2[...]) * dinvp[...] + b2w[...], 0.0)
  cdims = (((0,), (0,)), ((), ()))
  ones8 = jnp.ones((BLK, 8), jnp.float32)
  iota = lax.broadcasted_iota(jnp.int32, (BLK, B), 1)
  for half in range(2):
    bt = batch4[half, 0, :, :]
    oneh = (bt == iota).astype(jnp.float32)
    h2h = h2[:, half * H:(half + 1) * H]
    accs[...] += lax.dot_general(oneh, h2h, cdims, **_DOT)
    accc[...] += lax.dot_general(oneh, ones8, cdims, **_DOT)

  @pl.when(i == pl.num_programs(0) - 1)
  def _():
    cnt = jnp.maximum(accc[:, 0:1], 1.0)
    pooled = accs[...] / cnt
    logits = jnp.dot(pooled, wfc[...], **_DOT) + bfc[...]
    m = jnp.max(logits, axis=1, keepdims=True)
    e = jnp.exp(logits - m)
    out[...] = logits - m - jnp.log(jnp.sum(e, axis=1, keepdims=True))


_mm1_call = pl.pallas_call(
    _mm1_body,
    grid=(GRID,),
    in_specs=[
        pl.BlockSpec((BLK, D), lambda i: (i, 0)),
        pl.BlockSpec((BLK, D), lambda i: (i + GRID, 0)),
        pl.BlockSpec((NC, BLK, D), lambda i: (0, i, 0)),
        pl.BlockSpec((2 * D, D), lambda i: (0, 0)),
    ],
    out_specs=[
        pl.BlockSpec((BLK, D), lambda i: (i, 0)),
        pl.BlockSpec((BLK, D), lambda i: (i, 0)),
    ],
    out_shape=[
        jax.ShapeDtypeStruct((NH, D), jnp.float32),
        jax.ShapeDtypeStruct((NH, D), jnp.float32),
    ],
)

_mm2_call = pl.pallas_call(
    _mm2_body,
    grid=(GRID,),
    in_specs=[
        pl.BlockSpec((NC, BLK, D), lambda i: (0, i, 0)),
        pl.BlockSpec((BLK, D), lambda i: (i, 0)),
        pl.BlockSpec((BLK, D), lambda i: (i, 0)),
        pl.BlockSpec((D, D), lambda i: (0, 0)),
        pl.BlockSpec((1, D), lambda i: (0, 0)),
    ],
    out_specs=pl.BlockSpec((BLK, D), lambda i: (i, 0)),
    out_shape=jax.ShapeDtypeStruct((NH, D), jnp.float32),
)

_pool_call = pl.pallas_call(
    _pool_body,
    grid=(GRID,),
    in_specs=[
        pl.BlockSpec((NC, BLK, D), lambda i: (0, i, 0)),
        pl.BlockSpec((BLK, D), lambda i: (i, 0)),
        pl.BlockSpec((BLK, D), lambda i: (i, 0)),
        pl.BlockSpec((1, D), lambda i: (0, 0)),
        pl.BlockSpec((2, 1, BLK, 1), lambda i: (0, i, 0, 0)),
        pl.BlockSpec((H, C), lambda i: (0, 0)),
        pl.BlockSpec((1, C), lambda i: (0, 0)),
    ],
    out_specs=pl.BlockSpec((B, C), lambda i: (0, 0)),
    out_shape=jax.ShapeDtypeStruct((B, C), jnp.float32),
    scratch_shapes=[
        pltpu.VMEM((B, H), jnp.float32),
        pltpu.VMEM((B, 8), jnp.float32),
    ],
)


def _blockdiag2(w):
  k, m = w.shape
  z = jnp.zeros((k, m), w.dtype)
  return jnp.concatenate(
      [jnp.concatenate([w, z], axis=1), jnp.concatenate([z, w], axis=1)],
      axis=0)


def kernel(x, edge_index, batch, W1, b1, W2, b2, Wfc, bfc):
  psrc2, pdst2 = _eprep_call(edge_index.astype(jnp.int32))
  ones_hbm = jnp.ones((K, DEGW), jnp.float32)
  zeros16 = jnp.zeros((RPT, DEGW), jnp.float32)
  zerosH = jnp.zeros((RPT, H), jnp.float32)
  batch4 = batch.astype(jnp.int32).reshape(2, GRID, BLK, 1)
  w1b = _blockdiag2(W1)
  w2b = _blockdiag2(W2)
  b1w = jnp.concatenate([b1, b1]).reshape(1, D)
  b2w = jnp.concatenate([b2, b2]).reshape(1, D)

  degp = _deg_call(pdst2, ones_hbm, zeros16)
  hs1, dinvp = _mm1_call(x, x, degp, w1b)
  part1 = _spmv_call(hs1.reshape(N, H), psrc2, pdst2, zerosH)
  hs2 = _mm2_call(part1.reshape(NC, NP // 2, D), hs1, dinvp, w2b, b1w)
  part2 = _spmv_call(hs2.reshape(N, H), psrc2, pdst2, zerosH)
  ls = _pool_call(part2.reshape(NC, NP // 2, D), hs2, dinvp, b2w, batch4, Wfc,
                  bfc.reshape(1, C))
  return (ls, jnp.array(1))

# --- scband reference (transcript-rebuilt; emitter-appended) ---
"""Pipeline reference for scband-gcnet-69432441307814 (READ-ONLY COPY).

The authoritative reference and input builder live on the scoring server;
editing this copy changes nothing except your own understanding.
"""

import jax, jax.numpy as jnp
import numpy as np

N = 10000
E = 320000
D = 128
H = 64
C = 10
B = 128


def gcn_conv(x, edge_index, W, b):
    # GCNConv: x' = D^{-1/2} (A + I) D^{-1/2} X W + b  (symmetric norm, self-loops)
    h = x @ W
    loop = jnp.arange(N)
    src = jnp.concatenate([edge_index[0], loop])
    dst = jnp.concatenate([edge_index[1], loop])
    deg = jax.ops.segment_sum(jnp.ones_like(src, dtype=h.dtype), dst, num_segments=N)
    dinv = jnp.where(deg > 0, jax.lax.rsqrt(deg), 0.0)
    norm = dinv[src] * dinv[dst]
    msg = h[src] * norm[:, None]
    out = jax.ops.segment_sum(msg, dst, num_segments=N)
    return out + b


def setup_inputs(seed: int = 0) -> dict:
    key = jax.random.key(seed)
    ks = jax.random.split(key, 10)
    x = jax.random.normal(ks[0], (N, D), dtype=jnp.float32)
    edge_index = jax.random.randint(ks[1], (2, E), 0, N)
    batch = jnp.sort(jax.random.randint(ks[2], (N,), 0, B))
    W1 = jax.random.normal(ks[3], (D, H), dtype=jnp.float32) * (1.0 / np.sqrt(D))
    b1 = jnp.zeros((H,), dtype=jnp.float32)
    W2 = jax.random.normal(ks[4], (H, H), dtype=jnp.float32) * (1.0 / np.sqrt(H))
    b2 = jnp.zeros((H,), dtype=jnp.float32)
    Wfc = jax.random.normal(ks[5], (H, C), dtype=jnp.float32) * (1.0 / np.sqrt(H))
    bfc = jnp.zeros((C,), dtype=jnp.float32)
    return {"x": x, "edge_index": edge_index, "batch": batch,
            "W1": W1, "b1": b1, "W2": W2, "b2": b2, "Wfc": Wfc, "bfc": bfc}


def reference(x, edge_index, batch, W1, b1, W2, b2, Wfc, bfc):
    h = jax.nn.relu(gcn_conv(x, edge_index, W1, b1))
    h = jax.nn.relu(gcn_conv(h, edge_index, W2, b2))
    # global_mean_pool over graph assignment `batch`
    s = jax.ops.segment_sum(h, batch, num_segments=B)
    cnt = jax.ops.segment_sum(jnp.ones((N,), dtype=h.dtype), batch, num_segments=B)
    pooled = s / jnp.maximum(cnt, 1.0)[:, None]
    logits = pooled @ Wfc + bfc
    return (jax.nn.log_softmax(logits, axis=1), jnp.array(1))

if __name__ == "__main__":
    import jax
    _d = setup_inputs()
    print(jax.jit(kernel)(*tuple(_d.values())))

</pallas_src>

<mosaic_0001>
#map = affine_map<(d0, d1) -> (0, 0)>
#map1 = affine_map<(d0, d1) -> (0, 0, 0)>
module attributes {stable_mosaic.version = 14 : i64} {
  func.func @_spmv_body(%arg0: i32, %arg1: i32, %arg2: memref<10000x64xf32, #tpu.memory_space<hbm>>, %arg3: memref<2500x128xi32, #tpu.memory_space<hbm>>, %arg4: memref<2500x128xi32, #tpu.memory_space<hbm>>, %arg5: memref<640x64xf32, #tpu.memory_space<hbm>>, %arg6: memref<2x10240x64xf32, #tpu.memory_space<hbm>>, %arg7: memref<88x128xi32, #tpu.memory_space<vmem>>, %arg8: memref<88x128xi32, #tpu.memory_space<vmem>>, %arg9: memref<8x128x64xf32, #tpu.memory_space<vmem>>, %arg10: memref<8x!tpu.dma_semaphore, #tpu.memory_space<semaphore_mem>>, %arg11: memref<8x!tpu.dma_semaphore, #tpu.memory_space<semaphore_mem>>, %arg12: memref<10240x64xf32, #tpu.memory_space<vmem_shared>>) attributes {dimension_semantics = [#tpu.dimension_semantics<core_parallel>, #tpu.dimension_semantics<subcore_parallel>], iteration_bounds = array<i64: 2, 16>, scalar_prefetch = 0 : i64, scratch_operands = 6 : i64, tpu.core_type = #tpu.core_type<sc_vector_subcore>, window_params = [{transform_indices = #map}, {transform_indices = #map}, {transform_indices = #map}, {transform_indices = #map}, {transform_indices = #map1}]} {
    %mul3A = arith.constant 2 : i32
    %mul3A_0 = arith.muli %arg1, %mul3A : i32
    %add3A = arith.addi %mul3A_0, %arg0 : i32
    %mul3A_1 = arith.constant 640 : i32
    %mul3A_2 = arith.muli %arg1, %mul3A_1 : i32
    "tpu.region"() ({
      %run_scoped3A = tpu.sem_alloc : memref<!tpu.dma_semaphore, #tpu.memory_space<semaphore_mem>>
      %dma_start3A = arith.constant 0 : i32
      %dma_start3A_146 = tpu.memref_slice %arg12[%mul3A_2, %dma_start3A] : memref<10240x64xf32, #tpu.memory_space<vmem_shared>> -> memref<640x64xf32, #tpu.memory_space<vmem_shared>>
      tpu.enqueue_dma source(%arg5 : memref<640x64xf32, #tpu.memory_space<hbm>>) target(%dma_start3A_146 : memref<640x64xf32, #tpu.memory_space<vmem_shared>>) target_semaphore(%run_scoped3A : memref<!tpu.dma_semaphore, #tpu.memory_space<semaphore_mem>>)
      %dma_wait3A = arith.constant 0 : i32
      %dma_wait3A_147 = tpu.memref_slice %arg12[%mul3A_2, %dma_wait3A] : memref<10240x64xf32, #tpu.memory_space<vmem_shared>> -> memref<640x64xf32, #tpu.memory_space<vmem_shared>>
      tpu.wait_dma2 semaphore(%run_scoped3A : memref<!tpu.dma_semaphore, #tpu.memory_space<semaphore_mem>>) src(%arg5 : memref<640x64xf32, #tpu.memory_space<hbm>>) dst(%dma_wait3A_147 : memref<640x64xf32, #tpu.memory_space<vmem_shared>>)
      tpu.yield
    }) : () -> ()
    %mul3A_3 = arith.constant 2500 : i32
    %mul3A_4 = arith.muli %mul3A_3, %add3A : i32
    %jit3A = arith.constant 32 : i32
    %div3A = arith.divsi %mul3A_4, %jit3A : i32
    %sign3A = arith.constant 0 : i32
    %sign3A_5 = arith.cmpi sgt, %mul3A_4, %sign3A : i32
    %sign3A_6 = arith.extui %sign3A_5 : i1 to i32
    %sign3A_7 = arith.constant 0 : i32
    %sign3A_8 = arith.cmpi slt, %mul3A_4, %sign3A_7 : i32
    %sign3A_9 = arith.extui %sign3A_8 : i1 to i32
    %sign3A_10 = arith.subi %sign3A_6, %sign3A_9 : i32
    %sign3A_11 = arith.constant 0 : i32
    %sign3A_12 = arith.cmpi sgt, %jit3A, %sign3A_11 : i32
    %sign3A_13 = arith.extui %sign3A_12 : i1 to i32
    %sign3A_14 = arith.constant 0 : i32
    %sign3A_15 = arith.cmpi slt, %jit3A, %sign3A_14 : i32
    %sign3A_16 = arith.extui %sign3A_15 : i1 to i32
    %sign3A_17 = arith.subi %sign3A_13, %sign3A_16 : i32
    %ne3A = arith.cmpi ne, %sign3A_10, %sign3A_17 : i32
    %rem3A = arith.remsi %mul3A_4, %jit3A : i32
    %ne3A_18 = arith.constant 0 : i32
    %ne3A_19 = arith.cmpi ne, %rem3A, %ne3A_18 : i32
    %and3A = arith.andi %ne3A, %ne3A_19 : i1
    %sub3A = arith.constant 1 : i32
    %sub3A_20 = arith.subi %div3A, %sub3A : i32
    %select_n3A = arith.select %and3A, %sub3A_20, %div3A : i32
    %add3A_21 = arith.constant 1 : i32
    %add3A_22 = arith.addi %add3A, %add3A_21 : i32
    %mul3A_23 = arith.constant 2500 : i32
    %mul3A_24 = arith.muli %mul3A_23, %add3A_22 : i32
    %jit3A_25 = arith.constant 32 : i32
    %div3A_26 = arith.divsi %mul3A_24, %jit3A_25 : i32
    %sign3A_27 = arith.constant 0 : i32
    %sign3A_28 = arith.cmpi sgt, %mul3A_24, %sign3A_27 : i32
    %sign3A_29 = arith.extui %sign3A_28 : i1 to i32
    %sign3A_30 = arith.constant 0 : i32
    %sign3A_31 = arith.cmpi slt, %mul3A_24, %sign3A_30 : i32
    %sign3A_32 = arith.extui %sign3A_31 : i1 to i32
    %sign3A_33 = arith.subi %sign3A_29, %sign3A_32 : i32
    %sign3A_34 = arith.constant 0 : i32
    %sign3A_35 = arith.cmpi sgt, %jit3A_25, %sign3A_34 : i32
    %sign3A_36 = arith.extui %sign3A_35 : i1 to i32
    %sign3A_37 = arith.constant 0 : i32
    %sign3A_38 = arith.cmpi slt, %jit3A_25, %sign3A_37 : i32
    %sign3A_39 = arith.extui %sign3A_38 : i1 to i32
    %sign3A_40 = arith.subi %sign3A_36, %sign3A_39 : i32
    %ne3A_41 = arith.cmpi ne, %sign3A_33, %sign3A_40 : i32
    %rem3A_42 = arith.remsi %mul3A_24, %jit3A_25 : i32
    %ne3A_43 = arith.constant 0 : i32
    %ne3A_44 = arith.cmpi ne, %rem3A_42, %ne3A_43 : i32
    %and3A_45 = arith.andi %ne3A_41, %ne3A_44 : i1
    %sub3A_46 = arith.constant 1 : i32
    %sub3A_47 = arith.subi %div3A_26, %sub3A_46 : i32
    %select_n3A_48 = arith.select %and3A_45, %sub3A_47, %div3A_26 : i32
    %rem3A_49 = arith.constant 8 : i32
    %rem3A_50 = arith.remsi %select_n3A, %rem3A_49 : i32
    %sub3A_51 = arith.subi %select_n3A, %rem3A_50 : i32
    %min3A = arith.constant 2412 : i32
    %min3A_52 = arith.minsi %sub3A_51, %min3A : i32
    %sub3A_53 = arith.subi %select_n3A, %min3A_52 : i32
    %sub3A_54 = arith.subi %select_n3A_48, %select_n3A : i32
    "tpu.region"() ({
      %run_scoped3A = tpu.sem_alloc : memref<!tpu.dma_semaphore, #tpu.memory_space<semaphore_mem>>
      %dma_start3A = arith.constant 0 : i32
      %dma_start3A_146 = tpu.memref_slice %arg3[%min3A_52, %dma_start3A] : memref<2500x128xi32, #tpu.memory_space<hbm>> -> memref<88x128xi32, #tpu.memory_space<hbm>>
      %dma_start3A_147 = arith.constant 0 : i32
      %dma_start3A_148 = tpu.memref_slice %arg3[%min3A_52, %dma_start3A_147] : memref<2500x128xi32, #tpu.memory_space<hbm>> -> memref<88x128xi32, #tpu.memory_space<hbm>>
      tpu.enqueue_dma source(%dma_start3A_148 : memref<88x128xi32, #tpu.memory_space<hbm>>) target(%arg7 : memref<88x128xi32, #tpu.memory_space<vmem>>) target_semaphore(%run_scoped3A : memref<!tpu.dma_semaphore, #tpu.memory_space<semaphore_mem>>)
      %dma_wait3A = arith.constant 0 : i32
      %dma_wait3A_149 = tpu.memref_slice %arg3[%min3A_52, %dma_wait3A] : memref<2500x128xi32, #tpu.memory_space<hbm>> -> memref<88x128xi32, #tpu.memory_space<hbm>>
      %dma_wait3A_150 = arith.constant 0 : i32
      %dma_wait3A_151 = tpu.memref_slice %arg3[%min3A_52, %dma_wait3A_150] : memref<2500x128xi32, #tpu.memory_space<hbm>> -> memref<88x128xi32, #tpu.memory_space<hbm>>
      tpu.wait_dma2 semaphore(%run_scoped3A : memref<!tpu.dma_semaphore, #tpu.memory_space<semaphore_mem>>) src(%dma_wait3A_151 : memref<88x128xi32, #tpu.memory_space<hbm>>) dst(%arg7 : memref<88x128xi32, #tpu.memory_space<vmem>>)
      tpu.yield
    }) : () -> ()
    "tpu.region"() ({
      %run_scoped3A = tpu.sem_alloc : memref<!tpu.dma_semaphore, #tpu.memory_space<semaphore_mem>>
      %dma_start3A = arith.constant 0 : i32
      %dma_start3A_146 = tpu.memref_slice %arg4[%min3A_52, %dma_start3A] : memref<2500x128xi32, #tpu.memory_space<hbm>> -> memref<88x128xi32, #tpu.memory_space<hbm>>
      %dma_start3A_147 = arith.constant 0 : i32
      %dma_start3A_148 = tpu.memref_slice %arg4[%min3A_52, %dma_start3A_147] : memref<2500x128xi32, #tpu.memory_space<hbm>> -> memref<88x128xi32, #tpu.memory_space<hbm>>
      tpu.enqueue_dma source(%dma_start3A_148 : memref<88x128xi32, #tpu.memory_space<hbm>>) target(%arg8 : memref<88x128xi32, #tpu.memory_space<vmem>>) target_semaphore(%run_scoped3A : memref<!tpu.dma_semaphore, #tpu.memory_space<semaphore_mem>>)
      %dma_wait3A = arith.constant 0 : i32
      %dma_wait3A_149 = tpu.memref_slice %arg4[%min3A_52, %dma_wait3A] : memref<2500x128xi32, #tpu.memory_space<hbm>> -> memref<88x128xi32, #tpu.memory_space<hbm>>
      %dma_wait3A_150 = arith.constant 0 : i32
      %dma_wait3A_151 = tpu.memref_slice %arg4[%min3A_52, %dma_wait3A_150] : memref<2500x128xi32, #tpu.memory_space<hbm>> -> memref<88x128xi32, #tpu.memory_space<hbm>>
      tpu.wait_dma2 semaphore(%run_scoped3A : memref<!tpu.dma_semaphore, #tpu.memory_space<semaphore_mem>>) src(%dma_wait3A_151 : memref<88x128xi32, #tpu.memory_space<hbm>>) dst(%arg8 : memref<88x128xi32, #tpu.memory_space<vmem>>)
      tpu.yield
    }) : () -> ()
    %barrier3A = arith.constant 0 : index
    tpu.barrier barrier_id(%barrier3A)
    %gt3A = arith.constant 0 : i32
    %gt3A_55 = arith.cmpi sgt, %sub3A_54, %gt3A : i32
    %convert_element_type3A = arith.extui %gt3A_55 : i1 to i32
    %cond3A = arith.constant 0 : i32
    %cond3A_56 = arith.cmpi ne, %convert_element_type3A, %cond3A : i32
    scf.if %cond3A_56 {
      %add3A_146 = arith.constant 0 : i32
      %add3A_147 = arith.addi %sub3A_53, %add3A_146 : i32
      %dma_start3A = arith.constant 0 : i32
      %dma_start3A_148 = arith.constant 0 : i32
      %dma_start3A_149 = arith.constant 0 : i32
      %dma_start3A_150 = arith.constant 0 : i32
      %dma_start3A_151 = tpu.memref_slice %arg9[%dma_start3A, %dma_start3A_149, %dma_start3A_150] : memref<8x128x64xf32, #tpu.memory_space<vmem>> -> memref<1x128x64xf32, #tpu.memory_space<vmem>>
      %dma_start3A_152 = tpu.memref_squeeze %dma_start3A_151 : memref<1x128x64xf32, #tpu.memory_space<vmem>> -> memref<128x64xf32, #tpu.memory_space<vmem>>
      %dma_start3A_153 = arith.constant 0 : i32
      %dma_start3A_154 = tpu.memref_slice %arg7[%add3A_147, %dma_start3A_153] : memref<88x128xi32, #tpu.memory_space<vmem>> -> memref<1x128xi32, #tpu.memory_space<vmem>>
      %dma_start3A_155 = tpu.memref_squeeze %dma_start3A_154 : memref<1x128xi32, #tpu.memory_space<vmem>> -> memref<128xi32, #tpu.memory_space<vmem>>
      %dma_start3A_156 = arith.constant 0 : i32
      %dma_start3A_157 = arith.constant 0 : i32
      %dma_start3A_158 = tpu.memref_slice %arg2[%dma_start3A_156, %dma_start3A_157] : memref<10000x64xf32, #tpu.memory_space<hbm>> -> memref<10000x64xf32, #tpu.memory_space<hbm>>
      %dma_start3A_159 = tpu.memref_slice %arg10[%dma_start3A_148] : memref<8x!tpu.dma_semaphore, #tpu.memory_space<semaphore_mem>> -> memref<1x!tpu.dma_semaphore, #tpu.memory_space<semaphore_mem>>
      %dma_start3A_160 = tpu.memref_squeeze %dma_start3A_159 : memref<1x!tpu.dma_semaphore, #tpu.memory_space<semaphore_mem>> -> memref<!tpu.dma_semaphore, #tpu.memory_space<semaphore_mem>>
      tpu.enqueue_indirect_dma source(%dma_start3A_158 : memref<10000x64xf32, #tpu.memory_space<hbm>>) target(%dma_start3A_152 : memref<128x64xf32, #tpu.memory_space<vmem>>) offsets(%dma_start3A_155 : memref<128xi32, #tpu.memory_space<vmem>>) semaphore(%dma_start3A_160 : memref<!tpu.dma_semaphore, #tpu.memory_space<semaphore_mem>>)
    } else {
    }
    %gt3A_57 = arith.constant 1 : i32
    %gt3A_58 = arith.cmpi sgt, %sub3A_54, %gt3A_57 : i32
    %convert_element_type3A_59 = arith.extui %gt3A_58 : i1 to i32
    %cond3A_60 = arith.constant 0 : i32
    %cond3A_61 = arith.cmpi ne, %convert_element_type3A_59, %cond3A_60 : i32
    scf.if %cond3A_61 {
      %add3A_146 = arith.constant 1 : i32
      %add3A_147 = arith.addi %sub3A_53, %add3A_146 : i32
      %dma_start3A = arith.constant 1 : i32
      %dma_start3A_148 = arith.constant 1 : i32
      %dma_start3A_149 = arith.constant 0 : i32
      %dma_start3A_150 = arith.constant 0 : i32
      %dma_start3A_151 = tpu.memref_slice %arg9[%dma_start3A, %dma_start3A_149, %dma_start3A_150] : memref<8x128x64xf32, #tpu.memory_space<vmem>> -> memref<1x128x64xf32, #tpu.memory_space<vmem>>
      %dma_start3A_152 = tpu.memref_squeeze %dma_start3A_151 : memref<1x128x64xf32, #tpu.memory_space<vmem>> -> memref<128x64xf32, #tpu.memory_space<vmem>>
      %dma_start3A_153 = arith.constant 0 : i32
      %dma_start3A_154 = tpu.memref_slice %arg7[%add3A_147, %dma_start3A_153] : memref<88x128xi32, #tpu.memory_space<vmem>> -> memref<1x128xi32, #tpu.memory_space<vmem>>
      %dma_start3A_155 = tpu.memref_squeeze %dma_start3A_154 : memref<1x128xi32, #tpu.memory_space<vmem>> -> memref<128xi32, #tpu.memory_space<vmem>>
      %dma_start3A_156 = arith.constant 0 : i32
      %dma_start3A_157 = arith.constant 0 : i32
      %dma_start3A_158 = tpu.memref_slice %arg2[%dma_start3A_156, %dma_start3A_157] : memref<10000x64xf32, #tpu.memory_space<hbm>> -> memref<10000x64xf32, #tpu.memory_space<hbm>>
      %dma_start3A_159 = tpu.memref_slice %arg10[%dma_start3A_148] : memref<8x!tpu.dma_semaphore, #tpu.memory_space<semaphore_mem>> -> memref<1x!tpu.dma_semaphore, #tpu.memory_space<semaphore_mem>>
      %dma_start3A_160 = tpu.memref_squeeze %dma_start3A_159 : memref<1x!tpu.dma_semaphore, #tpu.memory_space<semaphore_mem>> -> memref<!tpu.dma_semaphore, #tpu.memory_space<semaphore_mem>>
      tpu.enqueue_indirect_dma source(%dma_start3A_158 : memref<10000x64xf32, #tpu.memory_space<hbm>>) target(%dma_start3A_152 : memref<128x64xf32, #tpu.memory_space<vmem>>) offsets(%dma_start3A_155 : memref<128xi32, #tpu.memory_space<vmem>>) semaphore(%dma_start3A_160 : memref<!tpu.dma_semaphore, #tpu.memory_space<semaphore_mem>>)
    } else {
    }
    %gt3A_62 = arith.constant 2 : i32
    %gt3A_63 = arith.cmpi sgt, %sub3A_54, %gt3A_62 : i32
    %convert_element_type3A_64 = arith.extui %gt3A_63 : i1 to i32
    %cond3A_65 = arith.constant 0 : i32
    %cond3A_66 = arith.cmpi ne, %convert_element_type3A_64, %cond3A_65 : i32
    scf.if %cond3A_66 {
      %add3A_146 = arith.constant 2 : i32
      %add3A_147 = arith.addi %sub3A_53, %add3A_146 : i32
      %dma_start3A = arith.constant 2 : i32
      %dma_start3A_148 = arith.constant 2 : i32
      %dma_start3A_149 = arith.constant 0 : i32
      %dma_start3A_150 = arith.constant 0 : i32
      %dma_start3A_151 = tpu.memref_slice %arg9[%dma_start3A, %dma_start3A_149, %dma_start3A_150] : memref<8x128x64xf32, #tpu.memory_space<vmem>> -> memref<1x128x64xf32, #tpu.memory_space<vmem>>
      %dma_start3A_152 = tpu.memref_squeeze %dma_start3A_151 : memref<1x128x64xf32, #tpu.memory_space<vmem>> -> memref<128x64xf32, #tpu.memory_space<vmem>>
      %dma_start3A_153 = arith.constant 0 : i32
      %dma_start3A_154 = tpu.memref_slice %arg7[%add3A_147, %dma_start3A_153] : memref<88x128xi32, #tpu.memory_space<vmem>> -> memref<1x128xi32, #tpu.memory_space<vmem>>
      %dma_start3A_155 = tpu.memref_squeeze %dma_start3A_154 : memref<1x128xi32, #tpu.memory_space<vmem>> -> memref<128xi32, #tpu.memory_space<vmem>>
      %dma_start3A_156 = arith.constant 0 : i32
      %dma_start3A_157 = arith.constant 0 : i32
      %dma_start3A_158 = tpu.memref_slice %arg2[%dma_start3A_156, %dma_start3A_157] : memref<10000x64xf32, #tpu.memory_space<hbm>> -> memref<10000x64xf32, #tpu.memory_space<hbm>>
      %dma_start3A_159 = tpu.memref_slice %arg10[%dma_start3A_148] : memref<8x!tpu.dma_semaphore, #tpu.memory_space<semaphore_mem>> -> memref<1x!tpu.dma_semaphore, #tpu.memory_space<semaphore_mem>>
      %dma_start3A_160 = tpu.memref_squeeze %dma_start3A_159 : memref<1x!tpu.dma_semaphore, #tpu.memory_space<semaphore_mem>> -> memref<!tpu.dma_semaphore, #tpu.memory_space<semaphore_mem>>
      tpu.enqueue_indirect_dma source(%dma_start3A_158 : memref<10000x64xf32, #tpu.memory_space<hbm>>) target(%dma_start3A_152 : memref<128x64xf32, #tpu.memory_space<vmem>>) offsets(%dma_start3A_155 : memref<128xi32, #tpu.memory_space<vmem>>) semaphore(%dma_start3A_160 : memref<!tpu.dma_semaphore, #tpu.memory_space<semaphore_mem>>)
    } else {
    }
    %gt3A_67 = arith.constant 3 : i32
    %gt3A_68 = arith.cmpi sgt, %sub3A_54, %gt3A_67 : i32
    %convert_element_type3A_69 = arith.extui %gt3A_68 : i1 to i32
    %cond3A_70 = arith.constant 0 : i32
    %cond3A_71 = arith.cmpi ne, %convert_element_type3A_69, %cond3A_70 : i32
    scf.if %cond3A_71 {
      %add3A_146 = arith.constant 3 : i32
      %add3A_147 = arith.addi %sub3A_53, %add3A_146 : i32
      %dma_start3A = arith.constant 3 : i32
      %dma_start3A_148 = arith.constant 3 : i32
      %dma_start3A_149 = arith.constant 0 : i32
      %dma_start3A_150 = arith.constant 0 : i32
      %dma_start3A_151 = tpu.memref_slice %arg9[%dma_start3A, %dma_start3A_149, %dma_start3A_150] : memref<8x128x64xf32, #tpu.memory_space<vmem>> -> memref<1x128x64xf32, #tpu.memory_space<vmem>>
      %dma_start3A_152 = tpu.memref_squeeze %dma_start3A_151 : memref<1x128x64xf32, #tpu.memory_space<vmem>> -> memref<128x64xf32, #tpu.memory_space<vmem>>
      %dma_start3A_153 = arith.constant 0 : i32
      %dma_start3A_154 = tpu.memref_slice %arg7[%add3A_147, %dma_start3A_153] : memref<88x128xi32, #tpu.memory_space<vmem>> -> memref<1x128xi32, #tpu.memory_space<vmem>>
      %dma_start3A_155 = tpu.memref_squeeze %dma_start3A_154 : memref<1x128xi32, #tpu.memory_space<vmem>> -> memref<128xi32, #tpu.memory_space<vmem>>
      %dma_start3A_156 = arith.constant 0 : i32
      %dma_start3A_157 = arith.constant 0 : i32
      %dma_start3A_158 = tpu.memref_slice %arg2[%dma_start3A_156, %dma_start3A_157] : memref<10000x64xf32, #tpu.memory_space<hbm>> -> memref<10000x64xf32, #tpu.memory_space<hbm>>
      %dma_start3A_159 = tpu.memref_slice %arg10[%dma_start3A_148] : memref<8x!tpu.dma_semaphore, #tpu.memory_space<semaphore_mem>> -> memref<1x!tpu.dma_semaphore, #tpu.memory_space<semaphore_mem>>
      %dma_start3A_160 = tpu.memref_squeeze %dma_start3A_159 : memref<1x!tpu.dma_semaphore, #tpu.memory_space<semaphore_mem>> -> memref<!tpu.dma_semaphore, #tpu.memory_space<semaphore_mem>>
      tpu.enqueue_indirect_dma source(%dma_start3A_158 : memref<10000x64xf32, #tpu.memory_space<hbm>>) target(%dma_start3A_152 : memref<128x64xf32, #tpu.memory_space<vmem>>) offsets(%dma_start3A_155 : memref<128xi32, #tpu.memory_space<vmem>>) semaphore(%dma_start3A_160 : memref<!tpu.dma_semaphore, #tpu.memory_space<semaphore_mem>>)
    } else {
    }
    %gt3A_72 = arith.constant 4 : i32
    %gt3A_73 = arith.cmpi sgt, %sub3A_54, %gt3A_72 : i32
    %convert_element_type3A_74 = arith.extui %gt3A_73 : i1 to i32
    %cond3A_75 = arith.constant 0 : i32
    %cond3A_76 = arith.cmpi ne, %convert_element_type3A_74, %cond3A_75 : i32
    scf.if %cond3A_76 {
      %add3A_146 = arith.constant 4 : i32
      %add3A_147 = arith.addi %sub3A_53, %add3A_146 : i32
      %dma_start3A = arith.constant 4 : i32
      %dma_start3A_148 = arith.constant 4 : i32
      %dma_start3A_149 = arith.constant 0 : i32
      %dma_start3A_150 = arith.constant 0 : i32
      %dma_start3A_151 = tpu.memref_slice %arg9[%dma_start3A, %dma_start3A_149, %dma_start3A_150] : memref<8x128x64xf32, #tpu.memory_space<vmem>> -> memref<1x128x64xf32, #tpu.memory_space<vmem>>
      %dma_start3A_152 = tpu.memref_squeeze %dma_start3A_151 : memref<1x128x64xf32, #tpu.memory_space<vmem>> -> memref<128x64xf32, #tpu.memory_space<vmem>>
      %dma_start3A_153 = arith.constant 0 : i32
      %dma_start3A_154 = tpu.memref_slice %arg7[%add3A_147, %dma_start3A_153] : memref<88x128xi32, #tpu.memory_space<vmem>> -> memref<1x128xi32, #tpu.memory_space<vmem>>
      %dma_start3A_155 = tpu.memref_squeeze %dma_start3A_154 : memref<1x128xi32, #tpu.memory_space<vmem>> -> memref<128xi32, #tpu.memory_space<vmem>>
      %dma_start3A_156 = arith.constant 0 : i32
      %dma_start3A_157 = arith.constant 0 : i32
      %dma_start3A_158 = tpu.memref_slice %arg2[%dma_start3A_156, %dma_start3A_157] : memref<10000x64xf32, #tpu.memory_space<hbm>> -> memref<10000x64xf32, #tpu.memory_space<hbm>>
      %dma_start3A_159 = tpu.memref_slice %arg10[%dma_start3A_148] : memref<8x!tpu.dma_semaphore, #tpu.memory_space<semaphore_mem>> -> memref<1x!tpu.dma_semaphore, #tpu.memory_space<semaphore_mem>>
      %dma_start3A_160 = tpu.memref_squeeze %dma_start3A_159 : memref<1x!tpu.dma_semaphore, #tpu.memory_space<semaphore_mem>> -> memref<!tpu.dma_semaphore, #tpu.memory_space<semaphore_mem>>
      tpu.enqueue_indirect_dma source(%dma_start3A_158 : memref<10000x64xf32, #tpu.memory_space<hbm>>) target(%dma_start3A_152 : memref<128x64xf32, #tpu.memory_space<vmem>>) offsets(%dma_start3A_155 : memref<128xi32, #tpu.memory_space<vmem>>) semaphore(%dma_start3A_160 : memref<!tpu.dma_semaphore, #tpu.memory_space<semaphore_mem>>)
    } else {
    }
    %gt3A_77 = arith.constant 5 : i32
    %gt3A_78 = arith.cmpi sgt, %sub3A_54, %gt3A_77 : i32
    %convert_element_type3A_79 = arith.extui %gt3A_78 : i1 to i32
    %cond3A_80 = arith.constant 0 : i32
    %cond3A_81 = arith.cmpi ne, %convert_element_type3A_79, %cond3A_80 : i32
    scf.if %cond3A_81 {
      %add3A_146 = arith.constant 5 : i32
      %add3A_147 = arith.addi %sub3A_53, %add3A_146 : i32
      %dma_start3A = arith.constant 5 : i32
      %dma_start3A_148 = arith.constant 5 : i32
      %dma_start3A_149 = arith.constant 0 : i32
      %dma_start3A_150 = arith.constant 0 : i32
      %dma_start3A_151 = tpu.memref_slice %arg9[%dma_start3A, %dma_start3A_149, %dma_start3A_150] : memref<8x128x64xf32, #tpu.memory_space<vmem>> -> memref<1x128x64xf32, #tpu.memory_space<vmem>>
      %dma_start3A_152 = tpu.memref_squeeze %dma_start3A_151 : memref<1x128x64xf32, #tpu.memory_space<vmem>> -> memref<128x64xf32, #tpu.memory_space<vmem>>
      %dma_start3A_153 = arith.constant 0 : i32
      %dma_start3A_154 = tpu.memref_slice %arg7[%add3A_147, %dma_start3A_153] : memref<88x128xi32, #tpu.memory_space<vmem>> -> memref<1x128xi32, #tpu.memory_space<vmem>>
      %dma_start3A_155 = tpu.memref_squeeze %dma_start3A_154 : memref<1x128xi32, #tpu.memory_space<vmem>> -> memref<128xi32, #tpu.memory_space<vmem>>
      %dma_start3A_156 = arith.constant 0 : i32
      %dma_start3A_157 = arith.constant 0 : i32
      %dma_start3A_158 = tpu.memref_slice %arg2[%dma_start3A_156, %dma_start3A_157] : memref<10000x64xf32, #tpu.memory_space<hbm>> -> memref<10000x64xf32, #tpu.memory_space<hbm>>
      %dma_start3A_159 = tpu.memref_slice %arg10[%dma_start3A_148] : memref<8x!tpu.dma_semaphore, #tpu.memory_space<semaphore_mem>> -> memref<1x!tpu.dma_semaphore, #tpu.memory_space<semaphore_mem>>
      %dma_start3A_160 = tpu.memref_squeeze %dma_start3A_159 : memref<1x!tpu.dma_semaphore, #tpu.memory_space<semaphore_mem>> -> memref<!tpu.dma_semaphore, #tpu.memory_space<semaphore_mem>>
      tpu.enqueue_indirect_dma source(%dma_start3A_158 : memref<10000x64xf32, #tpu.memory_space<hbm>>) target(%dma_start3A_152 : memref<128x64xf32, #tpu.memory_space<vmem>>) offsets(%dma_start3A_155 : memref<128xi32, #tpu.memory_space<vmem>>) semaphore(%dma_start3A_160 : memref<!tpu.dma_semaphore, #tpu.memory_space<semaphore_mem>>)
    } else {
    }
    %gt3A_82 = arith.constant 6 : i32
    %gt3A_83 = arith.cmpi sgt, %sub3A_54, %gt3A_82 : i32
    %convert_element_type3A_84 = arith.extui %gt3A_83 : i1 to i32
    %cond3A_85 = arith.constant 0 : i32
    %cond3A_86 = arith.cmpi ne, %convert_element_type3A_84, %cond3A_85 : i32
    scf.if %cond3A_86 {
      %add3A_146 = arith.constant 6 : i32
      %add3A_147 = arith.addi %sub3A_53, %add3A_146 : i32
      %dma_start3A = arith.constant 6 : i32
      %dma_start3A_148 = arith.constant 6 : i32
      %dma_start3A_149 = arith.constant 0 : i32
      %dma_start3A_150 = arith.constant 0 : i32
      %dma_start3A_151 = tpu.memref_slice %arg9[%dma_start3A, %dma_start3A_149, %dma_start3A_150] : memref<8x128x64xf32, #tpu.memory_space<vmem>> -> memref<1x128x64xf32, #tpu.memory_space<vmem>>
      %dma_start3A_152 = tpu.memref_squeeze %dma_start3A_151 : memref<1x128x64xf32, #tpu.memory_space<vmem>> -> memref<128x64xf32, #tpu.memory_space<vmem>>
      %dma_start3A_153 = arith.constant 0 : i32
      %dma_start3A_154 = tpu.memref_slice %arg7[%add3A_147, %dma_start3A_153] : memref<88x128xi32, #tpu.memory_space<vmem>> -> memref<1x128xi32, #tpu.memory_space<vmem>>
      %dma_start3A_155 = tpu.memref_squeeze %dma_start3A_154 : memref<1x128xi32, #tpu.memory_space<vmem>> -> memref<128xi32, #tpu.memory_space<vmem>>
      %dma_start3A_156 = arith.constant 0 : i32
      %dma_start3A_157 = arith.constant 0 : i32
      %dma_start3A_158 = tpu.memref_slice %arg2[%dma_start3A_156, %dma_start3A_157] : memref<10000x64xf32, #tpu.memory_space<hbm>> -> memref<10000x64xf32, #tpu.memory_space<hbm>>
      %dma_start3A_159 = tpu.memref_slice %arg10[%dma_start3A_148] : memref<8x!tpu.dma_semaphore, #tpu.memory_space<semaphore_mem>> -> memref<1x!tpu.dma_semaphore, #tpu.memory_space<semaphore_mem>>
      %dma_start3A_160 = tpu.memref_squeeze %dma_start3A_159 : memref<1x!tpu.dma_semaphore, #tpu.memory_space<semaphore_mem>> -> memref<!tpu.dma_semaphore, #tpu.memory_space<semaphore_mem>>
      tpu.enqueue_indirect_dma source(%dma_start3A_158 : memref<10000x64xf32, #tpu.memory_space<hbm>>) target(%dma_start3A_152 : memref<128x64xf32, #tpu.memory_space<vmem>>) offsets(%dma_start3A_155 : memref<128xi32, #tpu.memory_space<vmem>>) semaphore(%dma_start3A_160 : memref<!tpu.dma_semaphore, #tpu.memory_space<semaphore_mem>>)
    } else {
    }
    %gt3A_87 = arith.constant 7 : i32
    %gt3A_88 = arith.cmpi sgt, %sub3A_54, %gt3A_87 : i32
    %convert_element_type3A_89 = arith.extui %gt3A_88 : i1 to i32
    %cond3A_90 = arith.constant 0 : i32
    %cond3A_91 = arith.cmpi ne, %convert_element_type3A_89, %cond3A_90 : i32
    scf.if %cond3A_91 {
      %add3A_146 = arith.constant 7 : i32
      %add3A_147 = arith.addi %sub3A_53, %add3A_146 : i32
      %dma_start3A = arith.constant 7 : i32
      %dma_start3A_148 = arith.constant 7 : i32
      %dma_start3A_149 = arith.constant 0 : i32
      %dma_start3A_150 = arith.constant 0 : i32
      %dma_start3A_151 = tpu.memref_slice %arg9[%dma_start3A, %dma_start3A_149, %dma_start3A_150] : memref<8x128x64xf32, #tpu.memory_space<vmem>> -> memref<1x128x64xf32, #tpu.memory_space<vmem>>
      %dma_start3A_152 = tpu.memref_squeeze %dma_start3A_151 : memref<1x128x64xf32, #tpu.memory_space<vmem>> -> memref<128x64xf32, #tpu.memory_space<vmem>>
      %dma_start3A_153 = arith.constant 0 : i32
      %dma_start3A_154 = tpu.memref_slice %arg7[%add3A_147, %dma_start3A_153] : memref<88x128xi32, #tpu.memory_space<vmem>> -> memref<1x128xi32, #tpu.memory_space<vmem>>
      %dma_start3A_155 = tpu.memref_squeeze %dma_start3A_154 : memref<1x128xi32, #tpu.memory_space<vmem>> -> memref<128xi32, #tpu.memory_space<vmem>>
      %dma_start3A_156 = arith.constant 0 : i32
      %dma_start3A_157 = arith.constant 0 : i32
      %dma_start3A_158 = tpu.memref_slice %arg2[%dma_start3A_156, %dma_start3A_157] : memref<10000x64xf32, #tpu.memory_space<hbm>> -> memref<10000x64xf32, #tpu.memory_space<hbm>>
      %dma_start3A_159 = tpu.memref_slice %arg10[%dma_start3A_148] : memref<8x!tpu.dma_semaphore, #tpu.memory_space<semaphore_mem>> -> memref<1x!tpu.dma_semaphore, #tpu.memory_space<semaphore_mem>>
      %dma_start3A_160 = tpu.memref_squeeze %dma_start3A_159 : memref<1x!tpu.dma_semaphore, #tpu.memory_space<semaphore_mem>> -> memref<!tpu.dma_semaphore, #tpu.memory_space<semaphore_mem>>
      tpu.enqueue_indirect_dma source(%dma_start3A_158 : memref<10000x64xf32, #tpu.memory_space<hbm>>) target(%dma_start3A_152 : memref<128x64xf32, #tpu.memory_space<vmem>>) offsets(%dma_start3A_155 : memref<128xi32, #tpu.memory_space<vmem>>) semaphore(%dma_start3A_160 : memref<!tpu.dma_semaphore, #tpu.memory_space<semaphore_mem>>)
    } else {
    }
    %while3A = arith.constant 0 : i32
    %while3A_92 = arith.constant 0 : i32
    %while3A_93 = arith.subi %sub3A_54, %while3A_92 : i32
    %while3A_94 = arith.addi %while3A_92, %while3A_93 : i32
    %while3A_95 = arith.constant 1 : i32
    %while3A_96 = arith.divsi %while3A_93, %while3A_95 : i32
    %while3A_97 = arith.muli %while3A_96, %while3A_95 : i32
    %while3A_98 = arith.addi %while3A_92, %while3A_97 : i32
    %while3A_99 = arith.constant 1 : i32
    scf.for %while3A_146 = %while3A_92 to %while3A_98 step %while3A_99  : i32 {
      %rem3A_147 = arith.constant 8 : i32
      %rem3A_148 = arith.remsi %while3A_146, %rem3A_147 : i32
      %add3A_149 = arith.addi %sub3A_53, %while3A_146 : i32
      %dma_wait3A = arith.constant 0 : i32
      %dma_wait3A_150 = arith.constant 0 : i32
      %dma_wait3A_151 = tpu.memref_slice %arg9[%rem3A_148, %dma_wait3A, %dma_wait3A_150] : memref<8x128x64xf32, #tpu.memory_space<vmem>> -> memref<1x128x64xf32, #tpu.memory_space<vmem>>
      %dma_wait3A_152 = tpu.memref_squeeze %dma_wait3A_151 : memref<1x128x64xf32, #tpu.memory_space<vmem>> -> memref<128x64xf32, #tpu.memory_space<vmem>>
      %dma_wait3A_153 = arith.constant 0 : i32
      %dma_wait3A_154 = tpu.memref_slice %arg7[%add3A_149, %dma_wait3A_153] : memref<88x128xi32, #tpu.memory_space<vmem>> -> memref<1x128xi32, #tpu.memory_space<vmem>>
      %dma_wait3A_155 = tpu.memref_squeeze %dma_wait3A_154 : memref<1x128xi32, #tpu.memory_space<vmem>> -> memref<128xi32, #tpu.memory_space<vmem>>
      %dma_wait3A_156 = arith.constant 0 : i32
      %dma_wait3A_157 = arith.constant 0 : i32
      %dma_wait3A_158 = tpu.memref_slice %arg2[%dma_wait3A_156, %dma_wait3A_157] : memref<10000x64xf32, #tpu.memory_space<hbm>> -> memref<10000x64xf32, #tpu.memory_space<hbm>>
      %dma_wait3A_159 = tpu.memref_slice %arg10[%rem3A_148] : memref<8x!tpu.dma_semaphore, #tpu.memory_space<semaphore_mem>> -> memref<1x!tpu.dma_semaphore, #tpu.memory_space<semaphore_mem>>
      %dma_wait3A_160 = tpu.memref_squeeze %dma_wait3A_159 : memref<1x!tpu.dma_semaphore, #tpu.memory_space<semaphore_mem>> -> memref<!tpu.dma_semaphore, #tpu.memory_space<semaphore_mem>>
      tpu.wait_indirect_dma semaphore(%dma_wait3A_160 : memref<!tpu.dma_semaphore, #tpu.memory_space<semaphore_mem>>) src(%dma_wait3A_158 : memref<10000x64xf32, #tpu.memory_space<hbm>>) dst(%dma_wait3A_152 : memref<128x64xf32, #tpu.memory_space<vmem>>)
      %add3A_161 = arith.addi %sub3A_53, %while3A_146 : i32
      %dma_start3A = arith.constant 0 : i32
      %dma_start3A_162 = arith.constant 0 : i32
      %dma_start3A_163 = tpu.memref_slice %arg9[%rem3A_148, %dma_start3A, %dma_start3A_162] : memref<8x128x64xf32, #tpu.memory_space<vmem>> -> memref<1x128x64xf32, #tpu.memory_space<vmem>>
      %dma_start3A_164 = tpu.memref_squeeze %dma_start3A_163 : memref<1x128x64xf32, #tpu.memory_space<vmem>> -> memref<128x64xf32, #tpu.memory_space<vmem>>
      %dma_start3A_165 = arith.constant 0 : i32
      %dma_start3A_166 = tpu.memref_slice %arg8[%add3A_161, %dma_start3A_165] : memref<88x128xi32, #tpu.memory_space<vmem>> -> memref<1x128xi32, #tpu.memory_space<vmem>>
      %dma_start3A_167 = tpu.memref_squeeze %dma_start3A_166 : memref<1x128xi32, #tpu.memory_space<vmem>> -> memref<128xi32, #tpu.memory_space<vmem>>
      %dma_start3A_168 = arith.constant 0 : i32
      %dma_start3A_169 = arith.constant 0 : i32
      %dma_start3A_170 = tpu.memref_slice %arg12[%dma_start3A_168, %dma_start3A_169] : memref<10240x64xf32, #tpu.memory_space<vmem_shared>> -> memref<10240x64xf32, #tpu.memory_space<vmem_shared>>
      %dma_start3A_171 = tpu.memref_slice %arg11[%rem3A_148] : memref<8x!tpu.dma_semaphore, #tpu.memory_space<semaphore_mem>> -> memref<1x!tpu.dma_semaphore, #tpu.memory_space<semaphore_mem>>
      %dma_start3A_172 = tpu.memref_squeeze %dma_start3A_171 : memref<1x!tpu.dma_semaphore, #tpu.memory_space<semaphore_mem>> -> memref<!tpu.dma_semaphore, #tpu.memory_space<semaphore_mem>>
      tpu.enqueue_indirect_dma source(%dma_start3A_164 : memref<128x64xf32, #tpu.memory_space<vmem>>) target(%dma_start3A_170 : memref<10240x64xf32, #tpu.memory_space<vmem_shared>>) offsets(%dma_start3A_167 : memref<128xi32, #tpu.memory_space<vmem>>) semaphore(%dma_start3A_172 : memref<!tpu.dma_semaphore, #tpu.memory_space<semaphore_mem>>) {add = true}
      %ge3A = arith.constant 1 : i32
      %ge3A_173 = arith.cmpi sge, %while3A_146, %ge3A : i32
      %sub3A_174 = arith.constant 1 : i32
      %sub3A_175 = arith.subi %while3A_146, %sub3A_174 : i32
      %add3A_176 = arith.constant 8 : i32
      %add3A_177 = arith.addi %sub3A_175, %add3A_176 : i32
      %lt3A = arith.cmpi slt, %add3A_177, %sub3A_54 : i32
      %and3A_178 = arith.andi %ge3A_173, %lt3A : i1
      %convert_element_type3A_179 = arith.extui %and3A_178 : i1 to i32
      %cond3A_180 = arith.constant 0 : i32
      %cond3A_181 = arith.cmpi ne, %convert_element_type3A_179, %cond3A_180 : i32
      scf.if %cond3A_181 {
        %sub3A_182 = arith.constant 1 : i32
        %sub3A_183 = arith.subi %while3A_146, %sub3A_182 : i32
        %rem3A_184 = arith.constant 8 : i32
        %rem3A_185 = arith.remsi %sub3A_183, %rem3A_184 : i32
        %add3A_186 = arith.addi %sub3A_53, %while3A_146 : i32
        %sub3A_187 = arith.constant 1 : i32
        %sub3A_188 = arith.subi %add3A_186, %sub3A_187 : i32
        %dma_wait3A_189 = arith.constant 0 : i32
        %dma_wait3A_190 = arith.constant 0 : i32
        %dma_wait3A_191 = tpu.memref_slice %arg9[%rem3A_185, %dma_wait3A_189, %dma_wait3A_190] : memref<8x128x64xf32, #tpu.memory_space<vmem>> -> memref<1x128x64xf32, #tpu.memory_space<vmem>>
        %dma_wait3A_192 = tpu.memref_squeeze %dma_wait3A_191 : memref<1x128x64xf32, #tpu.memory_space<vmem>> -> memref<128x64xf32, #tpu.memory_space<vmem>>
        %dma_wait3A_193 = arith.constant 0 : i32
        %dma_wait3A_194 = tpu.memref_slice %arg8[%sub3A_188, %dma_wait3A_193] : memref<88x128xi32, #tpu.memory_space<vmem>> -> memref<1x128xi32, #tpu.memory_space<vmem>>
        %dma_wait3A_195 = tpu.memref_squeeze %dma_wait3A_194 : memref<1x128xi32, #tpu.memory_space<vmem>> -> memref<128xi32, #tpu.memory_space<vmem>>
        %dma_wait3A_196 = arith.constant 0 : i32
        %dma_wait3A_197 = arith.constant 0 : i32
        %dma_wait3A_198 = tpu.memref_slice %arg12[%dma_wait3A_196, %dma_wait3A_197] : memref<10240x64xf32, #tpu.memory_space<vmem_shared>> -> memref<10240x64xf32, #tpu.memory_space<vmem_shared>>
        %dma_wait3A_199 = tpu.memref_slice %arg11[%rem3A_185] : memref<8x!tpu.dma_semaphore, #tpu.memory_space<semaphore_mem>> -> memref<1x!tpu.dma_semaphore, #tpu.memory_space<semaphore_mem>>
        %dma_wait3A_200 = tpu.memref_squeeze %dma_wait3A_199 : memref<1x!tpu.dma_semaphore, #tpu.memory_space<semaphore_mem>> -> memref<!tpu.dma_semaphore, #tpu.memory_space<semaphore_mem>>
        tpu.wait_indirect_dma semaphore(%dma_wait3A_200 : memref<!tpu.dma_semaphore, #tpu.memory_space<semaphore_mem>>) src(%dma_wait3A_192 : memref<128x64xf32, #tpu.memory_space<vmem>>) dst(%dma_wait3A_198 : memref<10240x64xf32, #tpu.memory_space<vmem_shared>>)
        %add3A_201 = arith.addi %sub3A_53, %while3A_146 : i32
        %sub3A_202 = arith.constant 1 : i32
        %sub3A_203 = arith.subi %add3A_201, %sub3A_202 : i32
        %add3A_204 = arith.constant 8 : i32
        %add3A_205 = arith.addi %sub3A_203, %add3A_204 : i32
        %dma_start3A_206 = arith.constant 0 : i32
        %dma_start3A_207 = arith.constant 0 : i32
        %dma_start3A_208 = tpu.memref_slice %arg9[%rem3A_185, %dma_start3A_206, %dma_start3A_207] : memref<8x128x64xf32, #tpu.memory_space<vmem>> -> memref<1x128x64xf32, #tpu.memory_space<vmem>>
        %dma_start3A_209 = tpu.memref_squeeze %dma_start3A_208 : memref<1x128x64xf32, #tpu.memory_space<vmem>> -> memref<128x64xf32, #tpu.memory_space<vmem>>
        %dma_start3A_210 = arith.constant 0 : i32
        %dma_start3A_211 = tpu.memref_slice %arg7[%add3A_205, %dma_start3A_210] : memref<88x128xi32, #tpu.memory_space<vmem>> -> memref<1x128xi32, #tpu.memory_space<vmem>>
        %dma_start3A_212 = tpu.memref_squeeze %dma_start3A_211 : memref<1x128xi32, #tpu.memory_space<vmem>> -> memref<128xi32, #tpu.memory_space<vmem>>
        %dma_start3A_213 = arith.constant 0 : i32
        %dma_start3A_214 = arith.constant 0 : i32
        %dma_start3A_215 = tpu.memref_slice %arg2[%dma_start3A_213, %dma_start3A_214] : memref<10000x64xf32, #tpu.memory_space<hbm>> -> memref<10000x64xf32, #tpu.memory_space<hbm>>
        %dma_start3A_216 = tpu.memref_slice %arg10[%rem3A_185] : memref<8x!tpu.dma_semaphore, #tpu.memory_space<semaphore_mem>> -> memref<1x!tpu.dma_semaphore, #tpu.memory_space<semaphore_mem>>
        %dma_start3A_217 = tpu.memref_squeeze %dma_start3A_216 : memref<1x!tpu.dma_semaphore, #tpu.memory_space<semaphore_mem>> -> memref<!tpu.dma_semaphore, #tpu.memory_space<semaphore_mem>>
        tpu.enqueue_indirect_dma source(%dma_start3A_215 : memref<10000x64xf32, #tpu.memory_space<hbm>>) target(%dma_start3A_209 : memref<128x64xf32, #tpu.memory_space<vmem>>) offsets(%dma_start3A_212 : memref<128xi32, #tpu.memory_space<vmem>>) semaphore(%dma_start3A_217 : memref<!tpu.dma_semaphore, #tpu.memory_space<semaphore_mem>>)
      } else {
      }
    }
    %while3A_100 = arith.constant 1 : i32
    scf.for %while3A_146 = %while3A_98 to %while3A_94 step %while3A_100  : i32 {
      %rem3A_147 = arith.constant 8 : i32
      %rem3A_148 = arith.remsi %while3A_146, %rem3A_147 : i32
      %add3A_149 = arith.addi %sub3A_53, %while3A_146 : i32
      %dma_wait3A = arith.constant 0 : i32
      %dma_wait3A_150 = arith.constant 0 : i32
      %dma_wait3A_151 = tpu.memref_slice %arg9[%rem3A_148, %dma_wait3A, %dma_wait3A_150] : memref<8x128x64xf32, #tpu.memory_space<vmem>> -> memref<1x128x64xf32, #tpu.memory_space<vmem>>
      %dma_wait3A_152 = tpu.memref_squeeze %dma_wait3A_151 : memref<1x128x64xf32, #tpu.memory_space<vmem>> -> memref<128x64xf32, #tpu.memory_space<vmem>>
      %dma_wait3A_153 = arith.constant 0 : i32
      %dma_wait3A_154 = tpu.memref_slice %arg7[%add3A_149, %dma_wait3A_153] : memref<88x128xi32, #tpu.memory_space<vmem>> -> memref<1x128xi32, #tpu.memory_space<vmem>>
      %dma_wait3A_155 = tpu.memref_squeeze %dma_wait3A_154 : memref<1x128xi32, #tpu.memory_space<vmem>> -> memref<128xi32, #tpu.memory_space<vmem>>
      %dma_wait3A_156 = arith.constant 0 : i32
      %dma_wait3A_157 = arith.constant 0 : i32
      %dma_wait3A_158 = tpu.memref_slice %arg2[%dma_wait3A_156, %dma_wait3A_157] : memref<10000x64xf32, #tpu.memory_space<hbm>> -> memref<10000x64xf32, #tpu.memory_space<hbm>>
      %dma_wait3A_159 = tpu.memref_slice %arg10[%rem3A_148] : memref<8x!tpu.dma_semaphore, #tpu.memory_space<semaphore_mem>> -> memref<1x!tpu.dma_semaphore, #tpu.memory_space<semaphore_mem>>
      %dma_wait3A_160 = tpu.memref_squeeze %dma_wait3A_159 : memref<1x!tpu.dma_semaphore, #tpu.memory_space<semaphore_mem>> -> memref<!tpu.dma_semaphore, #tpu.memory_space<semaphore_mem>>
      tpu.wait_indirect_dma semaphore(%dma_wait3A_160 : memref<!tpu.dma_semaphore, #tpu.memory_space<semaphore_mem>>) src(%dma_wait3A_158 : memref<10000x64xf32, #tpu.memory_space<hbm>>) dst(%dma_wait3A_152 : memref<128x64xf32, #tpu.memory_space<vmem>>)
      %add3A_161 = arith.addi %sub3A_53, %while3A_146 : i32
      %dma_start3A = arith.constant 0 : i32
      %dma_start3A_162 = arith.constant 0 : i32
      %dma_start3A_163 = tpu.memref_slice %arg9[%rem3A_148, %dma_start3A, %dma_start3A_162] : memref<8x128x64xf32, #tpu.memory_space<vmem>> -> memref<1x128x64xf32, #tpu.memory_space<vmem>>
      %dma_start3A_164 = tpu.memref_squeeze %dma_start3A_163 : memref<1x128x64xf32, #tpu.memory_space<vmem>> -> memref<128x64xf32, #tpu.memory_space<vmem>>
      %dma_start3A_165 = arith.constant 0 : i32
      %dma_start3A_166 = tpu.memref_slice %arg8[%add3A_161, %dma_start3A_165] : memref<88x128xi32, #tpu.memory_space<vmem>> -> memref<1x128xi32, #tpu.memory_space<vmem>>
      %dma_start3A_167 = tpu.memref_squeeze %dma_start3A_166 : memref<1x128xi32, #tpu.memory_space<vmem>> -> memref<128xi32, #tpu.memory_space<vmem>>
      %dma_start3A_168 = arith.constant 0 : i32
      %dma_start3A_169 = arith.constant 0 : i32
      %dma_start3A_170 = tpu.memref_slice %arg12[%dma_start3A_168, %dma_start3A_169] : memref<10240x64xf32, #tpu.memory_space<vmem_shared>> -> memref<10240x64xf32, #tpu.memory_space<vmem_shared>>
      %dma_start3A_171 = tpu.memref_slice %arg11[%rem3A_148] : memref<8x!tpu.dma_semaphore, #tpu.memory_space<semaphore_mem>> -> memref<1x!tpu.dma_semaphore, #tpu.memory_space<semaphore_mem>>
      %dma_start3A_172 = tpu.memref_squeeze %dma_start3A_171 : memref<1x!tpu.dma_semaphore, #tpu.memory_space<semaphore_mem>> -> memref<!tpu.dma_semaphore, #tpu.memory_space<semaphore_mem>>
      tpu.enqueue_indirect_dma source(%dma_start3A_164 : memref<128x64xf32, #tpu.memory_space<vmem>>) target(%dma_start3A_170 : memref<10240x64xf32, #tpu.memory_space<vmem_shared>>) offsets(%dma_start3A_167 : memref<128xi32, #tpu.memory_space<vmem>>) semaphore(%dma_start3A_172 : memref<!tpu.dma_semaphore, #tpu.memory_space<semaphore_mem>>) {add = true}
      %ge3A = arith.constant 1 : i32
      %ge3A_173 = arith.cmpi sge, %while3A_146, %ge3A : i32
      %sub3A_174 = arith.constant 1 : i32
      %sub3A_175 = arith.subi %while3A_146, %sub3A_174 : i32
      %add3A_176 = arith.constant 8 : i32
      %add3A_177 = arith.addi %sub3A_175, %add3A_176 : i32
      %lt3A = arith.cmpi slt, %add3A_177, %sub3A_54 : i32
      %and3A_178 = arith.andi %ge3A_173, %lt3A : i1
      %convert_element_type3A_179 = arith.extui %and3A_178 : i1 to i32
      %cond3A_180 = arith.constant 0 : i32
      %cond3A_181 = arith.cmpi ne, %convert_element_type3A_179, %cond3A_180 : i32
      scf.if %cond3A_181 {
        %sub3A_182 = arith.constant 1 : i32
        %sub3A_183 = arith.subi %while3A_146, %sub3A_182 : i32
        %rem3A_184 = arith.constant 8 : i32
        %rem3A_185 = arith.remsi %sub3A_183, %rem3A_184 : i32
        %add3A_186 = arith.addi %sub3A_53, %while3A_146 : i32
        %sub3A_187 = arith.constant 1 : i32
        %sub3A_188 = arith.subi %add3A_186, %sub3A_187 : i32
        %dma_wait3A_189 = arith.constant 0 : i32
        %dma_wait3A_190 = arith.constant 0 : i32
        %dma_wait3A_191 = tpu.memref_slice %arg9[%rem3A_185, %dma_wait3A_189, %dma_wait3A_190] : memref<8x128x64xf32, #tpu.memory_space<vmem>> -> memref<1x128x64xf32, #tpu.memory_space<vmem>>
        %dma_wait3A_192 = tpu.memref_squeeze %dma_wait3A_191 : memref<1x128x64xf32, #tpu.memory_space<vmem>> -> memref<128x64xf32, #tpu.memory_space<vmem>>
        %dma_wait3A_193 = arith.constant 0 : i32
        %dma_wait3A_194 = tpu.memref_slice %arg8[%sub3A_188, %dma_wait3A_193] : memref<88x128xi32, #tpu.memory_space<vmem>> -> memref<1x128xi32, #tpu.memory_space<vmem>>
        %dma_wait3A_195 = tpu.memref_squeeze %dma_wait3A_194 : memref<1x128xi32, #tpu.memory_space<vmem>> -> memref<128xi32, #tpu.memory_space<vmem>>
        %dma_wait3A_196 = arith.constant 0 : i32
        %dma_wait3A_197 = arith.constant 0 : i32
        %dma_wait3A_198 = tpu.memref_slice %arg12[%dma_wait3A_196, %dma_wait3A_197] : memref<10240x64xf32, #tpu.memory_space<vmem_shared>> -> memref<10240x64xf32, #tpu.memory_space<vmem_shared>>
        %dma_wait3A_199 = tpu.memref_slice %arg11[%rem3A_185] : memref<8x!tpu.dma_semaphore, #tpu.memory_space<semaphore_mem>> -> memref<1x!tpu.dma_semaphore, #tpu.memory_space<semaphore_mem>>
        %dma_wait3A_200 = tpu.memref_squeeze %dma_wait3A_199 : memref<1x!tpu.dma_semaphore, #tpu.memory_space<semaphore_mem>> -> memref<!tpu.dma_semaphore, #tpu.memory_space<semaphore_mem>>
        tpu.wait_indirect_dma semaphore(%dma_wait3A_200 : memref<!tpu.dma_semaphore, #tpu.memory_space<semaphore_mem>>) src(%dma_wait3A_192 : memref<128x64xf32, #tpu.memory_space<vmem>>) dst(%dma_wait3A_198 : memref<10240x64xf32, #tpu.memory_space<vmem_shared>>)
        %add3A_201 = arith.addi %sub3A_53, %while3A_146 : i32
        %sub3A_202 = arith.constant 1 : i32
        %sub3A_203 = arith.subi %add3A_201, %sub3A_202 : i32
        %add3A_204 = arith.constant 8 : i32
        %add3A_205 = arith.addi %sub3A_203, %add3A_204 : i32
        %dma_start3A_206 = arith.constant 0 : i32
        %dma_start3A_207 = arith.constant 0 : i32
        %dma_start3A_208 = tpu.memref_slice %arg9[%rem3A_185, %dma_start3A_206, %dma_start3A_207] : memref<8x128x64xf32, #tpu.memory_space<vmem>> -> memref<1x128x64xf32, #tpu.memory_space<vmem>>
        %dma_start3A_209 = tpu.memref_squeeze %dma_start3A_208 : memref<1x128x64xf32, #tpu.memory_space<vmem>> -> memref<128x64xf32, #tpu.memory_space<vmem>>
        %dma_start3A_210 = arith.constant 0 : i32
        %dma_start3A_211 = tpu.memref_slice %arg7[%add3A_205, %dma_start3A_210] : memref<88x128xi32, #tpu.memory_space<vmem>> -> memref<1x128xi32, #tpu.memory_space<vmem>>
        %dma_start3A_212 = tpu.memref_squeeze %dma_start3A_211 : memref<1x128xi32, #tpu.memory_space<vmem>> -> memref<128xi32, #tpu.memory_space<vmem>>
        %dma_start3A_213 = arith.constant 0 : i32
        %dma_start3A_214 = arith.constant 0 : i32
        %dma_start3A_215 = tpu.memref_slice %arg2[%dma_start3A_213, %dma_start3A_214] : memref<10000x64xf32, #tpu.memory_space<hbm>> -> memref<10000x64xf32, #tpu.memory_space<hbm>>
        %dma_start3A_216 = tpu.memref_slice %arg10[%rem3A_185] : memref<8x!tpu.dma_semaphore, #tpu.memory_space<semaphore_mem>> -> memref<1x!tpu.dma_semaphore, #tpu.memory_space<semaphore_mem>>
        %dma_start3A_217 = tpu.memref_squeeze %dma_start3A_216 : memref<1x!tpu.dma_semaphore, #tpu.memory_space<semaphore_mem>> -> memref<!tpu.dma_semaphore, #tpu.memory_space<semaphore_mem>>
        tpu.enqueue_indirect_dma source(%dma_start3A_215 : memref<10000x64xf32, #tpu.memory_space<hbm>>) target(%dma_start3A_209 : memref<128x64xf32, #tpu.memory_space<vmem>>) offsets(%dma_start3A_212 : memref<128xi32, #tpu.memory_space<vmem>>) semaphore(%dma_start3A_217 : memref<!tpu.dma_semaphore, #tpu.memory_space<semaphore_mem>>)
      } else {
      }
    }
    %gt3A_101 = arith.constant 0 : i32
    %gt3A_102 = arith.cmpi sgt, %sub3A_54, %gt3A_101 : i32
    %convert_element_type3A_103 = arith.extui %gt3A_102 : i1 to i32
    %cond3A_104 = arith.constant 0 : i32
    %cond3A_105 = arith.cmpi ne, %convert_element_type3A_103, %cond3A_104 : i32
    scf.if %cond3A_105 {
      %dma_wait3A = arith.constant 0 : i32
      %dma_wait3A_146 = arith.constant 0 : i32
      %dma_wait3A_147 = arith.constant 0 : i32
      %dma_wait3A_148 = arith.constant 0 : i32
      %dma_wait3A_149 = tpu.memref_slice %arg9[%dma_wait3A, %dma_wait3A_147, %dma_wait3A_148] : memref<8x128x64xf32, #tpu.memory_space<vmem>> -> memref<1x128x64xf32, #tpu.memory_space<vmem>>
      %dma_wait3A_150 = tpu.memref_squeeze %dma_wait3A_149 : memref<1x128x64xf32, #tpu.memory_space<vmem>> -> memref<128x64xf32, #tpu.memory_space<vmem>>
      %dma_wait3A_151 = arith.constant 0 : i32
      %dma_wait3A_152 = tpu.memref_slice %arg8[%sub3A_53, %dma_wait3A_151] : memref<88x128xi32, #tpu.memory_space<vmem>> -> memref<1x128xi32, #tpu.memory_space<vmem>>
      %dma_wait3A_153 = tpu.memref_squeeze %dma_wait3A_152 : memref<1x128xi32, #tpu.memory_space<vmem>> -> memref<128xi32, #tpu.memory_space<vmem>>
      %dma_wait3A_154 = arith.constant 0 : i32
      %dma_wait3A_155 = arith.constant 0 : i32
      %dma_wait3A_156 = tpu.memref_slice %arg12[%dma_wait3A_154, %dma_wait3A_155] : memref<10240x64xf32, #tpu.memory_space<vmem_shared>> -> memref<10240x64xf32, #tpu.memory_space<vmem_shared>>
      %dma_wait3A_157 = tpu.memref_slice %arg11[%dma_wait3A_146] : memref<8x!tpu.dma_semaphore, #tpu.memory_space<semaphore_mem>> -> memref<1x!tpu.dma_semaphore, #tpu.memory_space<semaphore_mem>>
      %dma_wait3A_158 = tpu.memref_squeeze %dma_wait3A_157 : memref<1x!tpu.dma_semaphore, #tpu.memory_space<semaphore_mem>> -> memref<!tpu.dma_semaphore, #tpu.memory_space<semaphore_mem>>
      tpu.wait_indirect_dma semaphore(%dma_wait3A_158 : memref<!tpu.dma_semaphore, #tpu.memory_space<semaphore_mem>>) src(%dma_wait3A_150 : memref<128x64xf32, #tpu.memory_space<vmem>>) dst(%dma_wait3A_156 : memref<10240x64xf32, #tpu.memory_space<vmem_shared>>)
    } else {
    }
    %gt3A_106 = arith.constant 1 : i32
    %gt3A_107 = arith.cmpi sgt, %sub3A_54, %gt3A_106 : i32
    %convert_element_type3A_108 = arith.extui %gt3A_107 : i1 to i32
    %cond3A_109 = arith.constant 0 : i32
    %cond3A_110 = arith.cmpi ne, %convert_element_type3A_108, %cond3A_109 : i32
    scf.if %cond3A_110 {
      %dma_wait3A = arith.constant 1 : i32
      %dma_wait3A_146 = arith.constant 1 : i32
      %dma_wait3A_147 = arith.constant 0 : i32
      %dma_wait3A_148 = arith.constant 0 : i32
      %dma_wait3A_149 = tpu.memref_slice %arg9[%dma_wait3A, %dma_wait3A_147, %dma_wait3A_148] : memref<8x128x64xf32, #tpu.memory_space<vmem>> -> memref<1x128x64xf32, #tpu.memory_space<vmem>>
      %dma_wait3A_150 = tpu.memref_squeeze %dma_wait3A_149 : memref<1x128x64xf32, #tpu.memory_space<vmem>> -> memref<128x64xf32, #tpu.memory_space<vmem>>
      %dma_wait3A_151 = arith.constant 0 : i32
      %dma_wait3A_152 = tpu.memref_slice %arg8[%sub3A_53, %dma_wait3A_151] : memref<88x128xi32, #tpu.memory_space<vmem>> -> memref<1x128xi32, #tpu.memory_space<vmem>>
      %dma_wait3A_153 = tpu.memref_squeeze %dma_wait3A_152 : memref<1x128xi32, #tpu.memory_space<vmem>> -> memref<128xi32, #tpu.memory_space<vmem>>
      %dma_wait3A_154 = arith.constant 0 : i32
      %dma_wait3A_155 = arith.constant 0 : i32
      %dma_wait3A_156 = tpu.memref_slice %arg12[%dma_wait3A_154, %dma_wait3A_155] : memref<10240x64xf32, #tpu.memory_space<vmem_shared>> -> memref<10240x64xf32, #tpu.memory_space<vmem_shared>>
      %dma_wait3A_157 = tpu.memref_slice %arg11[%dma_wait3A_146] : memref<8x!tpu.dma_semaphore, #tpu.memory_space<semaphore_mem>> -> memref<1x!tpu.dma_semaphore, #tpu.memory_space<semaphore_mem>>
      %dma_wait3A_158 = tpu.memref_squeeze %dma_wait3A_157 : memref<1x!tpu.dma_semaphore, #tpu.memory_space<semaphore_mem>> -> memref<!tpu.dma_semaphore, #tpu.memory_space<semaphore_mem>>
      tpu.wait_indirect_dma semaphore(%dma_wait3A_158 : memref<!tpu.dma_semaphore, #tpu.memory_space<semaphore_mem>>) src(%dma_wait3A_150 : memref<128x64xf32, #tpu.memory_space<vmem>>) dst(%dma_wait3A_156 : memref<10240x64xf32, #tpu.memory_space<vmem_shared>>)
    } else {
    }
    %gt3A_111 = arith.constant 2 : i32
    %gt3A_112 = arith.cmpi sgt, %sub3A_54, %gt3A_111 : i32
    %convert_element_type3A_113 = arith.extui %gt3A_112 : i1 to i32
    %cond3A_114 = arith.constant 0 : i32
    %cond3A_115 = arith.cmpi ne, %convert_element_type3A_113, %cond3A_114 : i32
    scf.if %cond3A_115 {
      %dma_wait3A = arith.constant 2 : i32
      %dma_wait3A_146 = arith.constant 2 : i32
      %dma_wait3A_147 = arith.constant 0 : i32
      %dma_wait3A_148 = arith.constant 0 : i32
      %dma_wait3A_149 = tpu.memref_slice %arg9[%dma_wait3A, %dma_wait3A_147, %dma_wait3A_148] : memref<8x128x64xf32, #tpu.memory_space<vmem>> -> memref<1x128x64xf32, #tpu.memory_space<vmem>>
      %dma_wait3A_150 = tpu.memref_squeeze %dma_wait3A_149 : memref<1x128x64xf32, #tpu.memory_space<vmem>> -> memref<128x64xf32, #tpu.memory_space<vmem>>
      %dma_wait3A_151 = arith.constant 0 : i32
      %dma_wait3A_152 = tpu.memref_slice %arg8[%sub3A_53, %dma_wait3A_151] : memref<88x128xi32, #tpu.memory_space<vmem>> -> memref<1x128xi32, #tpu.memory_space<vmem>>
      %dma_wait3A_153 = tpu.memref_squeeze %dma_wait3A_152 : memref<1x128xi32, #tpu.memory_space<vmem>> -> memref<128xi32, #tpu.memory_space<vmem>>
      %dma_wait3A_154 = arith.constant 0 : i32
      %dma_wait3A_155 = arith.constant 0 : i32
      %dma_wait3A_156 = tpu.memref_slice %arg12[%dma_wait3A_154, %dma_wait3A_155] : memref<10240x64xf32, #tpu.memory_space<vmem_shared>> -> memref<10240x64xf32, #tpu.memory_space<vmem_shared>>
      %dma_wait3A_157 = tpu.memref_slice %arg11[%dma_wait3A_146] : memref<8x!tpu.dma_semaphore, #tpu.memory_space<semaphore_mem>> -> memref<1x!tpu.dma_semaphore, #tpu.memory_space<semaphore_mem>>
      %dma_wait3A_158 = tpu.memref_squeeze %dma_wait3A_157 : memref<1x!tpu.dma_semaphore, #tpu.memory_space<semaphore_mem>> -> memref<!tpu.dma_semaphore, #tpu.memory_space<semaphore_mem>>
      tpu.wait_indirect_dma semaphore(%dma_wait3A_158 : memref<!tpu.dma_semaphore, #tpu.memory_space<semaphore_mem>>) src(%dma_wait3A_150 : memref<128x64xf32, #tpu.memory_space<vmem>>) dst(%dma_wait3A_156 : memref<10240x64xf32, #tpu.memory_space<vmem_shared>>)
    } else {
    }
    %gt3A_116 = arith.constant 3 : i32
    %gt3A_117 = arith.cmpi sgt, %sub3A_54, %gt3A_116 : i32
    %convert_element_type3A_118 = arith.extui %gt3A_117 : i1 to i32
    %cond3A_119 = arith.constant 0 : i32
    %cond3A_120 = arith.cmpi ne, %convert_element_type3A_118, %cond3A_119 : i32
    scf.if %cond3A_120 {
      %dma_wait3A = arith.constant 3 : i32
      %dma_wait3A_146 = arith.constant 3 : i32
      %dma_wait3A_147 = arith.constant 0 : i32
      %dma_wait3A_148 = arith.constant 0 : i32
      %dma_wait3A_149 = tpu.memref_slice %arg9[%dma_wait3A, %dma_wait3A_147, %dma_wait3A_148] : memref<8x128x64xf32, #tpu.memory_space<vmem>> -> memref<1x128x64xf32, #tpu.memory_space<vmem>>
      %dma_wait3A_150 = tpu.memref_squeeze %dma_wait3A_149 : memref<1x128x64xf32, #tpu.memory_space<vmem>> -> memref<128x64xf32, #tpu.memory_space<vmem>>
      %dma_wait3A_151 = arith.constant 0 : i32
      %dma_wait3A_152 = tpu.memref_slice %arg8[%sub3A_53, %dma_wait3A_151] : memref<88x128xi32, #tpu.memory_space<vmem>> -> memref<1x128xi32, #tpu.memory_space<vmem>>
      %dma_wait3A_153 = tpu.memref_squeeze %dma_wait3A_152 : memref<1x128xi32, #tpu.memory_space<vmem>> -> memref<128xi32, #tpu.memory_space<vmem>>
      %dma_wait3A_154 = arith.constant 0 : i32
      %dma_wait3A_155 = arith.constant 0 : i32
      %dma_wait3A_156 = tpu.memref_slice %arg12[%dma_wait3A_154, %dma_wait3A_155] : memref<10240x64xf32, #tpu.memory_space<vmem_shared>> -> memref<10240x64xf32, #tpu.memory_space<vmem_shared>>
      %dma_wait3A_157 = tpu.memref_slice %arg11[%dma_wait3A_146] : memref<8x!tpu.dma_semaphore, #tpu.memory_space<semaphore_mem>> -> memref<1x!tpu.dma_semaphore, #tpu.memory_space<semaphore_mem>>
      %dma_wait3A_158 = tpu.memref_squeeze %dma_wait3A_157 : memref<1x!tpu.dma_semaphore, #tpu.memory_space<semaphore_mem>> -> memref<!tpu.dma_semaphore, #tpu.memory_space<semaphore_mem>>
      tpu.wait_indirect_dma semaphore(%dma_wait3A_158 : memref<!tpu.dma_semaphore, #tpu.memory_space<semaphore_mem>>) src(%dma_wait3A_150 : memref<128x64xf32, #tpu.memory_space<vmem>>) dst(%dma_wait3A_156 : memref<10240x64xf32, #tpu.memory_space<vmem_shared>>)
    } else {
    }
    %gt3A_121 = arith.constant 4 : i32
    %gt3A_122 = arith.cmpi sgt, %sub3A_54, %gt3A_121 : i32
    %convert_element_type3A_123 = arith.extui %gt3A_122 : i1 to i32
    %cond3A_124 = arith.constant 0 : i32
    %cond3A_125 = arith.cmpi ne, %convert_element_type3A_123, %cond3A_124 : i32
    scf.if %cond3A_125 {
      %dma_wait3A = arith.constant 4 : i32
      %dma_wait3A_146 = arith.constant 4 : i32
      %dma_wait3A_147 = arith.constant 0 : i32
      %dma_wait3A_148 = arith.constant 0 : i32
      %dma_wait3A_149 = tpu.memref_slice %arg9[%dma_wait3A, %dma_wait3A_147, %dma_wait3A_148] : memref<8x128x64xf32, #tpu.memory_space<vmem>> -> memref<1x128x64xf32, #tpu.memory_space<vmem>>
      %dma_wait3A_150 = tpu.memref_squeeze %dma_wait3A_149 : memref<1x128x64xf32, #tpu.memory_space<vmem>> -> memref<128x64xf32, #tpu.memory_space<vmem>>
      %dma_wait3A_151 = arith.constant 0 : i32
      %dma_wait3A_152 = tpu.memref_slice %arg8[%sub3A_53, %dma_wait3A_151] : memref<88x128xi32, #tpu.memory_space<vmem>> -> memref<1x128xi32, #tpu.memory_space<vmem>>
      %dma_wait3A_153 = tpu.memref_squeeze %dma_wait3A_152 : memref<1x128xi32, #tpu.memory_space<vmem>> -> memref<128xi32, #tpu.memory_space<vmem>>
      %dma_wait3A_154 = arith.constant 0 : i32
      %dma_wait3A_155 = arith.constant 0 : i32
      %dma_wait3A_156 = tpu.memref_slice %arg12[%dma_wait3A_154, %dma_wait3A_155] : memref<10240x64xf32, #tpu.memory_space<vmem_shared>> -> memref<10240x64xf32, #tpu.memory_space<vmem_shared>>
      %dma_wait3A_157 = tpu.memref_slice %arg11[%dma_wait3A_146] : memref<8x!tpu.dma_semaphore, #tpu.memory_space<semaphore_mem>> -> memref<1x!tpu.dma_semaphore, #tpu.memory_space<semaphore_mem>>
      %dma_wait3A_158 = tpu.memref_squeeze %dma_wait3A_157 : memref<1x!tpu.dma_semaphore, #tpu.memory_space<semaphore_mem>> -> memref<!tpu.dma_semaphore, #tpu.memory_space<semaphore_mem>>
      tpu.wait_indirect_dma semaphore(%dma_wait3A_158 : memref<!tpu.dma_semaphore, #tpu.memory_space<semaphore_mem>>) src(%dma_wait3A_150 : memref<128x64xf32, #tpu.memory_space<vmem>>) dst(%dma_wait3A_156 : memref<10240x64xf32, #tpu.memory_space<vmem_shared>>)
    } else {
    }
    %gt3A_126 = arith.constant 5 : i32
    %gt3A_127 = arith.cmpi sgt, %sub3A_54, %gt3A_126 : i32
    %convert_element_type3A_128 = arith.extui %gt3A_127 : i1 to i32
    %cond3A_129 = arith.constant 0 : i32
    %cond3A_130 = arith.cmpi ne, %convert_element_type3A_128, %cond3A_129 : i32
    scf.if %cond3A_130 {
      %dma_wait3A = arith.constant 5 : i32
      %dma_wait3A_146 = arith.constant 5 : i32
      %dma_wait3A_147 = arith.constant 0 : i32
      %dma_wait3A_148 = arith.constant 0 : i32
      %dma_wait3A_149 = tpu.memref_slice %arg9[%dma_wait3A, %dma_wait3A_147, %dma_wait3A_148] : memref<8x128x64xf32, #tpu.memory_space<vmem>> -> memref<1x128x64xf32, #tpu.memory_space<vmem>>
      %dma_wait3A_150 = tpu.memref_squeeze %dma_wait3A_149 : memref<1x128x64xf32, #tpu.memory_space<vmem>> -> memref<128x64xf32, #tpu.memory_space<vmem>>
      %dma_wait3A_151 = arith.constant 0 : i32
      %dma_wait3A_152 = tpu.memref_slice %arg8[%sub3A_53, %dma_wait3A_151] : memref<88x128xi32, #tpu.memory_space<vmem>> -> memref<1x128xi32, #tpu.memory_space<vmem>>
      %dma_wait3A_153 = tpu.memref_squeeze %dma_wait3A_152 : memref<1x128xi32, #tpu.memory_space<vmem>> -> memref<128xi32, #tpu.memory_space<vmem>>
      %dma_wait3A_154 = arith.constant 0 : i32
      %dma_wait3A_155 = arith.constant 0 : i32
      %dma_wait3A_156 = tpu.memref_slice %arg12[%dma_wait3A_154, %dma_wait3A_155] : memref<10240x64xf32, #tpu.memory_space<vmem_shared>> -> memref<10240x64xf32, #tpu.memory_space<vmem_shared>>
      %dma_wait3A_157 = tpu.memref_slice %arg11[%dma_wait3A_146] : memref<8x!tpu.dma_semaphore, #tpu.memory_space<semaphore_mem>> -> memref<1x!tpu.dma_semaphore, #tpu.memory_space<semaphore_mem>>
      %dma_wait3A_158 = tpu.memref_squeeze %dma_wait3A_157 : memref<1x!tpu.dma_semaphore, #tpu.memory_space<semaphore_mem>> -> memref<!tpu.dma_semaphore, #tpu.memory_space<semaphore_mem>>
      tpu.wait_indirect_dma semaphore(%dma_wait3A_158 : memref<!tpu.dma_semaphore, #tpu.memory_space<semaphore_mem>>) src(%dma_wait3A_150 : memref<128x64xf32, #tpu.memory_space<vmem>>) dst(%dma_wait3A_156 : memref<10240x64xf32, #tpu.memory_space<vmem_shared>>)
    } else {
    }
    %gt3A_131 = arith.constant 6 : i32
    %gt3A_132 = arith.cmpi sgt, %sub3A_54, %gt3A_131 : i32
    %convert_element_type3A_133 = arith.extui %gt3A_132 : i1 to i32
    %cond3A_134 = arith.constant 0 : i32
    %cond3A_135 = arith.cmpi ne, %convert_element_type3A_133, %cond3A_134 : i32
    scf.if %cond3A_135 {
      %dma_wait3A = arith.constant 6 : i32
      %dma_wait3A_146 = arith.constant 6 : i32
      %dma_wait3A_147 = arith.constant 0 : i32
      %dma_wait3A_148 = arith.constant 0 : i32
      %dma_wait3A_149 = tpu.memref_slice %arg9[%dma_wait3A, %dma_wait3A_147, %dma_wait3A_148] : memref<8x128x64xf32, #tpu.memory_space<vmem>> -> memref<1x128x64xf32, #tpu.memory_space<vmem>>
      %dma_wait3A_150 = tpu.memref_squeeze %dma_wait3A_149 : memref<1x128x64xf32, #tpu.memory_space<vmem>> -> memref<128x64xf32, #tpu.memory_space<vmem>>
      %dma_wait3A_151 = arith.constant 0 : i32
      %dma_wait3A_152 = tpu.memref_slice %arg8[%sub3A_53, %dma_wait3A_151] : memref<88x128xi32, #tpu.memory_space<vmem>> -> memref<1x128xi32, #tpu.memory_space<vmem>>
      %dma_wait3A_153 = tpu.memref_squeeze %dma_wait3A_152 : memref<1x128xi32, #tpu.memory_space<vmem>> -> memref<128xi32, #tpu.memory_space<vmem>>
      %dma_wait3A_154 = arith.constant 0 : i32
      %dma_wait3A_155 = arith.constant 0 : i32
      %dma_wait3A_156 = tpu.memref_slice %arg12[%dma_wait3A_154, %dma_wait3A_155] : memref<10240x64xf32, #tpu.memory_space<vmem_shared>> -> memref<10240x64xf32, #tpu.memory_space<vmem_shared>>
      %dma_wait3A_157 = tpu.memref_slice %arg11[%dma_wait3A_146] : memref<8x!tpu.dma_semaphore, #tpu.memory_space<semaphore_mem>> -> memref<1x!tpu.dma_semaphore, #tpu.memory_space<semaphore_mem>>
      %dma_wait3A_158 = tpu.memref_squeeze %dma_wait3A_157 : memref<1x!tpu.dma_semaphore, #tpu.memory_space<semaphore_mem>> -> memref<!tpu.dma_semaphore, #tpu.memory_space<semaphore_mem>>
      tpu.wait_indirect_dma semaphore(%dma_wait3A_158 : memref<!tpu.dma_semaphore, #tpu.memory_space<semaphore_mem>>) src(%dma_wait3A_150 : memref<128x64xf32, #tpu.memory_space<vmem>>) dst(%dma_wait3A_156 : memref<10240x64xf32, #tpu.memory_space<vmem_shared>>)
    } else {
    }
    %gt3A_136 = arith.constant 7 : i32
    %gt3A_137 = arith.cmpi sgt, %sub3A_54, %gt3A_136 : i32
    %convert_element_type3A_138 = arith.extui %gt3A_137 : i1 to i32
    %cond3A_139 = arith.constant 0 : i32
    %cond3A_140 = arith.cmpi ne, %convert_element_type3A_138, %cond3A_139 : i32
    scf.if %cond3A_140 {
      %dma_wait3A = arith.constant 7 : i32
      %dma_wait3A_146 = arith.constant 7 : i32
      %dma_wait3A_147 = arith.constant 0 : i32
      %dma_wait3A_148 = arith.constant 0 : i32
      %dma_wait3A_149 = tpu.memref_slice %arg9[%dma_wait3A, %dma_wait3A_147, %dma_wait3A_148] : memref<8x128x64xf32, #tpu.memory_space<vmem>> -> memref<1x128x64xf32, #tpu.memory_space<vmem>>
      %dma_wait3A_150 = tpu.memref_squeeze %dma_wait3A_149 : memref<1x128x64xf32, #tpu.memory_space<vmem>> -> memref<128x64xf32, #tpu.memory_space<vmem>>
      %dma_wait3A_151 = arith.constant 0 : i32
      %dma_wait3A_152 = tpu.memref_slice %arg8[%sub3A_53, %dma_wait3A_151] : memref<88x128xi32, #tpu.memory_space<vmem>> -> memref<1x128xi32, #tpu.memory_space<vmem>>
      %dma_wait3A_153 = tpu.memref_squeeze %dma_wait3A_152 : memref<1x128xi32, #tpu.memory_space<vmem>> -> memref<128xi32, #tpu.memory_space<vmem>>
      %dma_wait3A_154 = arith.constant 0 : i32
      %dma_wait3A_155 = arith.constant 0 : i32
      %dma_wait3A_156 = tpu.memref_slice %arg12[%dma_wait3A_154, %dma_wait3A_155] : memref<10240x64xf32, #tpu.memory_space<vmem_shared>> -> memref<10240x64xf32, #tpu.memory_space<vmem_shared>>
      %dma_wait3A_157 = tpu.memref_slice %arg11[%dma_wait3A_146] : memref<8x!tpu.dma_semaphore, #tpu.memory_space<semaphore_mem>> -> memref<1x!tpu.dma_semaphore, #tpu.memory_space<semaphore_mem>>
      %dma_wait3A_158 = tpu.memref_squeeze %dma_wait3A_157 : memref<1x!tpu.dma_semaphore, #tpu.memory_space<semaphore_mem>> -> memref<!tpu.dma_semaphore, #tpu.memory_space<semaphore_mem>>
      tpu.wait_indirect_dma semaphore(%dma_wait3A_158 : memref<!tpu.dma_semaphore, #tpu.memory_space<semaphore_mem>>) src(%dma_wait3A_150 : memref<128x64xf32, #tpu.memory_space<vmem>>) dst(%dma_wait3A_156 : memref<10240x64xf32, #tpu.memory_space<vmem_shared>>)
    } else {
    }
    %barrier3A_141 = arith.constant 0 : index
    tpu.barrier barrier_id(%barrier3A_141)
    %mul3A_142 = arith.constant 640 : i32
    %mul3A_143 = arith.muli %arg1, %mul3A_142 : i32
    %mul3A_144 = arith.constant 640 : i32
    %mul3A_145 = arith.muli %arg1, %mul3A_144 : i32
    "tpu.region"() ({
      %run_scoped3A = tpu.sem_alloc : memref<!tpu.dma_semaphore, #tpu.memory_space<semaphore_mem>>
      %dma_start3A = arith.constant 0 : i32
      %dma_start3A_146 = tpu.memref_slice %arg6[%arg0, %mul3A_145, %dma_start3A] : memref<2x10240x64xf32, #tpu.memory_space<hbm>> -> memref<1x640x64xf32, #tpu.memory_space<hbm>>
      %dma_start3A_147 = tpu.memref_squeeze %dma_start3A_146 : memref<1x640x64xf32, #tpu.memory_space<hbm>> -> memref<640x64xf32, #tpu.memory_space<hbm>>
      %dma_start3A_148 = arith.constant 0 : i32
      %dma_start3A_149 = tpu.memref_slice %arg12[%mul3A_143, %dma_start3A_148] : memref<10240x64xf32, #tpu.memory_space<vmem_shared>> -> memref<640x64xf32, #tpu.memory_space<vmem_shared>>
      tpu.enqueue_dma source(%dma_start3A_149 : memref<640x64xf32, #tpu.memory_space<vmem_shared>>) target(%dma_start3A_147 : memref<640x64xf32, #tpu.memory_space<hbm>>) target_semaphore(%run_scoped3A : memref<!tpu.dma_semaphore, #tpu.memory_space<semaphore_mem>>)
      %dma_wait3A = arith.constant 0 : i32
      %dma_wait3A_150 = tpu.memref_slice %arg6[%arg0, %mul3A_145, %dma_wait3A] : memref<2x10240x64xf32, #tpu.memory_space<hbm>> -> memref<1x640x64xf32, #tpu.memory_space<hbm>>
      %dma_wait3A_151 = tpu.memref_squeeze %dma_wait3A_150 : memref<1x640x64xf32, #tpu.memory_space<hbm>> -> memref<640x64xf32, #tpu.memory_space<hbm>>
      %dma_wait3A_152 = arith.constant 0 : i32
      %dma_wait3A_153 = tpu.memref_slice %arg12[%mul3A_143, %dma_wait3A_152] : memref<10240x64xf32, #tpu.memory_space<vmem_shared>> -> memref<640x64xf32, #tpu.memory_space<vmem_shared>>
      tpu.wait_dma2 semaphore(%run_scoped3A : memref<!tpu.dma_semaphore, #tpu.memory_space<semaphore_mem>>) src(%dma_wait3A_153 : memref<640x64xf32, #tpu.memory_space<vmem_shared>>) dst(%dma_wait3A_151 : memref<640x64xf32, #tpu.memory_space<hbm>>)
      tpu.yield
    }) : () -> ()
    return
  }
}

#map = affine_map<(d0, d1) -> (0, 0)>
#map1 = affine_map<(d0, d1) -> (0, 0, 0)>
module attributes {stable_mosaic.version = 14 : i64} {
  func.func @_deg_body(%arg0: i32, %arg1: i32, %arg2: memref<2500x128xi32, #tpu.memory_space<hbm>>, %arg3: memref<128x16xf32, #tpu.memory_space<hbm>>, %arg4: memref<640x16xf32, #tpu.memory_space<hbm>>, %arg5: memref<2x5000x128xf32, #tpu.memory_space<hbm>>, %arg6: memref<88x128xi32, #tpu.memory_space<vmem>>, %arg7: memref<128x16xf32, #tpu.memory_space<vmem>>, %arg8: memref<!tpu.dma_semaphore, #tpu.memory_space<semaphore_mem>>, %arg9: memref<640x16xf32, #tpu.memory_space<vmem>>, %arg10: memref<320x128xf32, #tpu.memory_space<vmem>>, %arg11: memref<10240x16xf32, #tpu.memory_space<vmem_shared>>) attributes {dimension_semantics = [#tpu.dimension_semantics<core_parallel>, #tpu.dimension_semantics<subcore_parallel>], iteration_bounds = array<i64: 2, 16>, scalar_prefetch = 0 : i64, scratch_operands = 6 : i64, tpu.core_type = #tpu.core_type<sc_vector_subcore>, window_params = [{transform_indices = #map}, {transform_indices = #map}, {transform_indices = #map}, {transform_indices = #map1}]} {
    %mul3A = arith.constant 2 : i32
    %mul3A_0 = arith.muli %arg1, %mul3A : i32
    %add3A = arith.addi %mul3A_0, %arg0 : i32
    %mul3A_1 = arith.constant 640 : i32
    %mul3A_2 = arith.muli %arg1, %mul3A_1 : i32
    "tpu.region"() ({
      %run_scoped3A = tpu.sem_alloc : memref<!tpu.dma_semaphore, #tpu.memory_space<semaphore_mem>>
      %dma_start3A = arith.constant 0 : i32
      %dma_start3A_73 = tpu.memref_slice %arg11[%mul3A_2, %dma_start3A] : memref<10240x16xf32, #tpu.memory_space<vmem_shared>> -> memref<640x16xf32, #tpu.memory_space<vmem_shared>>
      tpu.enqueue_dma source(%arg4 : memref<640x16xf32, #tpu.memory_space<hbm>>) target(%dma_start3A_73 : memref<640x16xf32, #tpu.memory_space<vmem_shared>>) target_semaphore(%run_scoped3A : memref<!tpu.dma_semaphore, #tpu.memory_space<semaphore_mem>>)
      %dma_wait3A = arith.constant 0 : i32
      %dma_wait3A_74 = tpu.memref_slice %arg11[%mul3A_2, %dma_wait3A] : memref<10240x16xf32, #tpu.memory_space<vmem_shared>> -> memref<640x16xf32, #tpu.memory_space<vmem_shared>>
      tpu.wait_dma2 semaphore(%run_scoped3A : memref<!tpu.dma_semaphore, #tpu.memory_space<semaphore_mem>>) src(%arg4 : memref<640x16xf32, #tpu.memory_space<hbm>>) dst(%dma_wait3A_74 : memref<640x16xf32, #tpu.memory_space<vmem_shared>>)
      tpu.yield
    }) : () -> ()
    "tpu.region"() ({
      %run_scoped3A = tpu.sem_alloc : memref<!tpu.dma_semaphore, #tpu.memory_space<semaphore_mem>>
      tpu.enqueue_dma source(%arg3 : memref<128x16xf32, #tpu.memory_space<hbm>>) target(%arg7 : memref<128x16xf32, #tpu.memory_space<vmem>>) target_semaphore(%run_scoped3A : memref<!tpu.dma_semaphore, #tpu.memory_space<semaphore_mem>>)
      tpu.wait_dma2 semaphore(%run_scoped3A : memref<!tpu.dma_semaphore, #tpu.memory_space<semaphore_mem>>) src(%arg3 : memref<128x16xf32, #tpu.memory_space<hbm>>) dst(%arg7 : memref<128x16xf32, #tpu.memory_space<vmem>>)
      tpu.yield
    }) : () -> ()
    %mul3A_3 = arith.constant 2500 : i32
    %mul3A_4 = arith.muli %mul3A_3, %add3A : i32
    %jit3A = arith.constant 32 : i32
    %div3A = arith.divsi %mul3A_4, %jit3A : i32
    %sign3A = arith.constant 0 : i32
    %sign3A_5 = arith.cmpi sgt, %mul3A_4, %sign3A : i32
    %sign3A_6 = arith.extui %sign3A_5 : i1 to i32
    %sign3A_7 = arith.constant 0 : i32
    %sign3A_8 = arith.cmpi slt, %mul3A_4, %sign3A_7 : i32
    %sign3A_9 = arith.extui %sign3A_8 : i1 to i32
    %sign3A_10 = arith.subi %sign3A_6, %sign3A_9 : i32
    %sign3A_11 = arith.constant 0 : i32
    %sign3A_12 = arith.cmpi sgt, %jit3A, %sign3A_11 : i32
    %sign3A_13 = arith.extui %sign3A_12 : i1 to i32
    %sign3A_14 = arith.constant 0 : i32
    %sign3A_15 = arith.cmpi slt, %jit3A, %sign3A_14 : i32
    %sign3A_16 = arith.extui %sign3A_15 : i1 to i32
    %sign3A_17 = arith.subi %sign3A_13, %sign3A_16 : i32
    %ne3A = arith.cmpi ne, %sign3A_10, %sign3A_17 : i32
    %rem3A = arith.remsi %mul3A_4, %jit3A : i32
    %ne3A_18 = arith.constant 0 : i32
    %ne3A_19 = arith.cmpi ne, %rem3A, %ne3A_18 : i32
    %and3A = arith.andi %ne3A, %ne3A_19 : i1
    %sub3A = arith.constant 1 : i32
    %sub3A_20 = arith.subi %div3A, %sub3A : i32
    %select_n3A = arith.select %and3A, %sub3A_20, %div3A : i32
    %add3A_21 = arith.constant 1 : i32
    %add3A_22 = arith.addi %add3A, %add3A_21 : i32
    %mul3A_23 = arith.constant 2500 : i32
    %mul3A_24 = arith.muli %mul3A_23, %add3A_22 : i32
    %jit3A_25 = arith.constant 32 : i32
    %div3A_26 = arith.divsi %mul3A_24, %jit3A_25 : i32
    %sign3A_27 = arith.constant 0 : i32
    %sign3A_28 = arith.cmpi sgt, %mul3A_24, %sign3A_27 : i32
    %sign3A_29 = arith.extui %sign3A_28 : i1 to i32
    %sign3A_30 = arith.constant 0 : i32
    %sign3A_31 = arith.cmpi slt, %mul3A_24, %sign3A_30 : i32
    %sign3A_32 = arith.extui %sign3A_31 : i1 to i32
    %sign3A_33 = arith.subi %sign3A_29, %sign3A_32 : i32
    %sign3A_34 = arith.constant 0 : i32
    %sign3A_35 = arith.cmpi sgt, %jit3A_25, %sign3A_34 : i32
    %sign3A_36 = arith.extui %sign3A_35 : i1 to i32
    %sign3A_37 = arith.constant 0 : i32
    %sign3A_38 = arith.cmpi slt, %jit3A_25, %sign3A_37 : i32
    %sign3A_39 = arith.extui %sign3A_38 : i1 to i32
    %sign3A_40 = arith.subi %sign3A_36, %sign3A_39 : i32
    %ne3A_41 = arith.cmpi ne, %sign3A_33, %sign3A_40 : i32
    %rem3A_42 = arith.remsi %mul3A_24, %jit3A_25 : i32
    %ne3A_43 = arith.constant 0 : i32
    %ne3A_44 = arith.cmpi ne, %rem3A_42, %ne3A_43 : i32
    %and3A_45 = arith.andi %ne3A_41, %ne3A_44 : i1
    %sub3A_46 = arith.constant 1 : i32
    %sub3A_47 = arith.subi %div3A_26, %sub3A_46 : i32
    %select_n3A_48 = arith.select %and3A_45, %sub3A_47, %div3A_26 : i32
    %rem3A_49 = arith.constant 8 : i32
    %rem3A_50 = arith.remsi %select_n3A, %rem3A_49 : i32
    %sub3A_51 = arith.subi %select_n3A, %rem3A_50 : i32
    %min3A = arith.constant 2412 : i32
    %min3A_52 = arith.minsi %sub3A_51, %min3A : i32
    %sub3A_53 = arith.subi %select_n3A, %min3A_52 : i32
    %sub3A_54 = arith.subi %select_n3A_48, %select_n3A : i32
    "tpu.region"() ({
      %run_scoped3A = tpu.sem_alloc : memref<!tpu.dma_semaphore, #tpu.memory_space<semaphore_mem>>
      %dma_start3A = arith.constant 0 : i32
      %dma_start3A_73 = tpu.memref_slice %arg2[%min3A_52, %dma_start3A] : memref<2500x128xi32, #tpu.memory_space<hbm>> -> memref<88x128xi32, #tpu.memory_space<hbm>>
      %dma_start3A_74 = arith.constant 0 : i32
      %dma_start3A_75 = tpu.memref_slice %arg2[%min3A_52, %dma_start3A_74] : memref<2500x128xi32, #tpu.memory_space<hbm>> -> memref<88x128xi32, #tpu.memory_space<hbm>>
      tpu.enqueue_dma source(%dma_start3A_75 : memref<88x128xi32, #tpu.memory_space<hbm>>) target(%arg6 : memref<88x128xi32, #tpu.memory_space<vmem>>) target_semaphore(%run_scoped3A : memref<!tpu.dma_semaphore, #tpu.memory_space<semaphore_mem>>)
      %dma_wait3A = arith.constant 0 : i32
      %dma_wait3A_76 = tpu.memref_slice %arg2[%min3A_52, %dma_wait3A] : memref<2500x128xi32, #tpu.memory_space<hbm>> -> memref<88x128xi32, #tpu.memory_space<hbm>>
      %dma_wait3A_77 = arith.constant 0 : i32
      %dma_wait3A_78 = tpu.memref_slice %arg2[%min3A_52, %dma_wait3A_77] : memref<2500x128xi32, #tpu.memory_space<hbm>> -> memref<88x128xi32, #tpu.memory_space<hbm>>
      tpu.wait_dma2 semaphore(%run_scoped3A : memref<!tpu.dma_semaphore, #tpu.memory_space<semaphore_mem>>) src(%dma_wait3A_78 : memref<88x128xi32, #tpu.memory_space<hbm>>) dst(%arg6 : memref<88x128xi32, #tpu.memory_space<vmem>>)
      tpu.yield
    }) : () -> ()
    %barrier3A = arith.constant 0 : index
    tpu.barrier barrier_id(%barrier3A)
    %scan3A = arith.constant 0 : i32
    %scan3A_55 = arith.constant 0 : i32
    %scan3A_56 = arith.constant 4 : i32
    %scan3A_57 = arith.addi %scan3A_55, %scan3A_56 : i32
    %scan3A_58 = arith.constant 1 : i32
    scf.for %scan3A_73 = %scan3A_55 to %scan3A_57 step %scan3A_58  : i32 {
      %scan3A_74 = arith.constant 0 : i32
      %scan3A_75 = arith.constant 0 : i32
      %scan3A_76 = arith.constant 20 : i32
      %scan3A_77 = arith.addi %scan3A_75, %scan3A_76 : i32
      %scan3A_78 = arith.constant 1 : i32
      scf.for %scan3A_86 = %scan3A_75 to %scan3A_77 step %scan3A_78  : i32 {
        %mul3A_87 = arith.constant 20 : i32
        %mul3A_88 = arith.muli %scan3A_73, %mul3A_87 : i32
        %add3A_89 = arith.addi %mul3A_88, %scan3A_86 : i32
        %lt3A = arith.cmpi slt, %add3A_89, %sub3A_54 : i32
        %convert_element_type3A = arith.extui %lt3A : i1 to i32
        %cond3A = arith.constant 0 : i32
        %cond3A_90 = arith.cmpi ne, %convert_element_type3A, %cond3A : i32
        scf.if %cond3A_90 {
          %mul3A_91 = arith.constant 20 : i32
          %mul3A_92 = arith.muli %scan3A_73, %mul3A_91 : i32
          %add3A_93 = arith.addi %sub3A_53, %mul3A_92 : i32
          %add3A_94 = arith.addi %add3A_93, %scan3A_86 : i32
          %dma_start3A = arith.constant 0 : i32
          %dma_start3A_95 = tpu.memref_slice %arg6[%add3A_94, %dma_start3A] : memref<88x128xi32, #tpu.memory_space<vmem>> -> memref<1x128xi32, #tpu.memory_space<vmem>>
          %dma_start3A_96 = tpu.memref_squeeze %dma_start3A_95 : memref<1x128xi32, #tpu.memory_space<vmem>> -> memref<128xi32, #tpu.memory_space<vmem>>
          %dma_start3A_97 = arith.constant 0 : i32
          %dma_start3A_98 = arith.constant 0 : i32
          %dma_start3A_99 = tpu.memref_slice %arg11[%dma_start3A_97, %dma_start3A_98] : memref<10240x16xf32, #tpu.memory_space<vmem_shared>> -> memref<10240x16xf32, #tpu.memory_space<vmem_shared>>
          tpu.enqueue_indirect_dma source(%arg7 : memref<128x16xf32, #tpu.memory_space<vmem>>) target(%dma_start3A_99 : memref<10240x16xf32, #tpu.memory_space<vmem_shared>>) offsets(%dma_start3A_96 : memref<128xi32, #tpu.memory_space<vmem>>) semaphore(%arg8 : memref<!tpu.dma_semaphore, #tpu.memory_space<semaphore_mem>>) {add = true}
        } else {
        }
      }
      %scan3A_79 = arith.constant 20 : i32
      %scan3A_80 = arith.constant 0 : i32
      %scan3A_81 = arith.constant 0 : i32
      %scan3A_82 = arith.constant 20 : i32
      %scan3A_83 = arith.addi %scan3A_81, %scan3A_82 : i32
      %scan3A_84 = arith.constant 1 : i32
      scf.for %scan3A_86 = %scan3A_81 to %scan3A_83 step %scan3A_84  : i32 {
        %mul3A_87 = arith.constant 20 : i32
        %mul3A_88 = arith.muli %scan3A_73, %mul3A_87 : i32
        %add3A_89 = arith.addi %mul3A_88, %scan3A_86 : i32
        %lt3A = arith.cmpi slt, %add3A_89, %sub3A_54 : i32
        %convert_element_type3A = arith.extui %lt3A : i1 to i32
        %cond3A = arith.constant 0 : i32
        %cond3A_90 = arith.cmpi ne, %convert_element_type3A, %cond3A : i32
        scf.if %cond3A_90 {
          %mul3A_91 = arith.constant 20 : i32
          %mul3A_92 = arith.muli %scan3A_73, %mul3A_91 : i32
          %add3A_93 = arith.addi %sub3A_53, %mul3A_92 : i32
          %add3A_94 = arith.addi %add3A_93, %scan3A_86 : i32
          %dma_wait3A = arith.constant 0 : i32
          %dma_wait3A_95 = tpu.memref_slice %arg6[%add3A_94, %dma_wait3A] : memref<88x128xi32, #tpu.memory_space<vmem>> -> memref<1x128xi32, #tpu.memory_space<vmem>>
          %dma_wait3A_96 = tpu.memref_squeeze %dma_wait3A_95 : memref<1x128xi32, #tpu.memory_space<vmem>> -> memref<128xi32, #tpu.memory_space<vmem>>
          %dma_wait3A_97 = arith.constant 0 : i32
          %dma_wait3A_98 = arith.constant 0 : i32
          %dma_wait3A_99 = tpu.memref_slice %arg11[%dma_wait3A_97, %dma_wait3A_98] : memref<10240x16xf32, #tpu.memory_space<vmem_shared>> -> memref<10240x16xf32, #tpu.memory_space<vmem_shared>>
          tpu.wait_indirect_dma semaphore(%arg8 : memref<!tpu.dma_semaphore, #tpu.memory_space<semaphore_mem>>) src(%arg7 : memref<128x16xf32, #tpu.memory_space<vmem>>) dst(%dma_wait3A_99 : memref<10240x16xf32, #tpu.memory_space<vmem_shared>>)
        } else {
        }
      }
      %scan3A_85 = arith.constant 20 : i32
    }
    %scan3A_59 = arith.constant 4 : i32
    %barrier3A_60 = arith.constant 0 : index
    tpu.barrier barrier_id(%barrier3A_60)
    %mul3A_61 = arith.constant 320 : i32
    %mul3A_62 = arith.muli %mul3A_61, %arg1 : i32
    %min3A_63 = arith.constant 4680 : i32
    %min3A_64 = arith.minsi %mul3A_62, %min3A_63 : i32
    %mul3A_65 = arith.constant 2 : i32
    %mul3A_66 = arith.muli %mul3A_65, %min3A_64 : i32
    "tpu.region"() ({
      %run_scoped3A = tpu.sem_alloc : memref<!tpu.dma_semaphore, #tpu.memory_space<semaphore_mem>>
      %dma_start3A = arith.constant 0 : i32
      %dma_start3A_73 = tpu.memref_slice %arg11[%mul3A_66, %dma_start3A] : memref<10240x16xf32, #tpu.memory_space<vmem_shared>> -> memref<640x16xf32, #tpu.memory_space<vmem_shared>>
      %dma_start3A_74 = arith.constant 0 : i32
      %dma_start3A_75 = tpu.memref_slice %arg11[%mul3A_66, %dma_start3A_74] : memref<10240x16xf32, #tpu.memory_space<vmem_shared>> -> memref<640x16xf32, #tpu.memory_space<vmem_shared>>
      tpu.enqueue_dma source(%dma_start3A_75 : memref<640x16xf32, #tpu.memory_space<vmem_shared>>) target(%arg9 : memref<640x16xf32, #tpu.memory_space<vmem>>) target_semaphore(%run_scoped3A : memref<!tpu.dma_semaphore, #tpu.memory_space<semaphore_mem>>)
      %dma_wait3A = arith.constant 0 : i32
      %dma_wait3A_76 = tpu.memref_slice %arg11[%mul3A_66, %dma_wait3A] : memref<10240x16xf32, #tpu.memory_space<vmem_shared>> -> memref<640x16xf32, #tpu.memory_space<vmem_shared>>
      %dma_wait3A_77 = arith.constant 0 : i32
      %dma_wait3A_78 = tpu.memref_slice %arg11[%mul3A_66, %dma_wait3A_77] : memref<10240x16xf32, #tpu.memory_space<vmem_shared>> -> memref<640x16xf32, #tpu.memory_space<vmem_shared>>
      tpu.wait_dma2 semaphore(%run_scoped3A : memref<!tpu.dma_semaphore, #tpu.memory_space<semaphore_mem>>) src(%dma_wait3A_78 : memref<640x16xf32, #tpu.memory_space<vmem_shared>>) dst(%arg9 : memref<640x16xf32, #tpu.memory_space<vmem>>)
      tpu.yield
    }) : () -> ()
    %scan3A_67 = arith.constant 0 : i32
    %scan3A_68 = arith.constant 0 : i32
    %scan3A_69 = arith.constant 320 : i32
    %scan3A_70 = arith.addi %scan3A_68, %scan3A_69 : i32
    %scan3A_71 = arith.constant 1 : i32
    scf.for %scan3A_73 = %scan3A_68 to %scan3A_70 step %scan3A_71  : i32 {
      %mul3A_74 = arith.constant 2 : i32
      %mul3A_75 = arith.muli %mul3A_74, %scan3A_73 : i32
      %get3A = arith.index_cast %mul3A_75 : i32 to index
      %get3A_76 = arith.constant 0 : index
      %get3A_77 = tpu.vector_load %arg9[%get3A, %get3A_76] {strides = array<i32>} : memref<640x16xf32, #tpu.memory_space<vmem>>, vector<1x16xf32>,
      %get3A_78 = vector.shape_cast %get3A_77 : vector<1x16xf32> to vector<16xf32>
      %mul3A_79 = arith.constant 2 : i32
      %mul3A_80 = arith.muli %mul3A_79, %scan3A_73 : i32
      %add3A_81 = arith.constant 1 : i32
      %add3A_82 = arith.addi %mul3A_80, %add3A_81 : i32
      %get3A_83 = arith.index_cast %add3A_82 : i32 to index
      %get3A_84 = arith.constant 0 : index
      %get3A_85 = tpu.vector_load %arg9[%get3A_83, %get3A_84] {strides = array<i32>} : memref<640x16xf32, #tpu.memory_space<vmem>>, vector<1x16xf32>,
      %get3A_86 = vector.shape_cast %get3A_85 : vector<1x16xf32> to vector<16xf32>
      %swap3A = arith.index_cast %scan3A_73 : i32 to index
      %swap3A_87 = arith.constant 0 : index
      %swap3A_88 = tpu.vector_load %arg10[%swap3A, %swap3A_87] {strides = array<i32>} : memref<320x128xf32, #tpu.memory_space<vmem>>, vector<1x16xf32>,
      %swap3A_89 = vector.shape_cast %swap3A_88 : vector<1x16xf32> to vector<16xf32>
      %swap3A_90 = vector.shape_cast %get3A_78 : vector<16xf32> to vector<1x16xf32>
      tpu.vector_store %arg10[%swap3A, %swap3A_87], %swap3A_90 {strides = array<i32>} : memref<320x128xf32, #tpu.memory_space<vmem>>, vector<1x16xf32>,
      %swap3A_91 = arith.index_cast %scan3A_73 : i32 to index
      %swap3A_92 = arith.constant 64 : index
      %swap3A_93 = tpu.vector_load %arg10[%swap3A_91, %swap3A_92] {strides = array<i32>} : memref<320x128xf32, #tpu.memory_space<vmem>>, vector<1x16xf32>,
      %swap3A_94 = vector.shape_cast %swap3A_93 : vector<1x16xf32> to vector<16xf32>
      %swap3A_95 = vector.shape_cast %get3A_86 : vector<16xf32> to vector<1x16xf32>
      tpu.vector_store %arg10[%swap3A_91, %swap3A_92], %swap3A_95 {strides = array<i32>} : memref<320x128xf32, #tpu.memory_space<vmem>>, vector<1x16xf32>,
      %swap3A_96 = arith.index_cast %scan3A_73 : i32 to index
      %swap3A_97 = arith.constant 16 : index
      %swap3A_98 = tpu.vector_load %arg10[%swap3A_96, %swap3A_97] {strides = array<i32>} : memref<320x128xf32, #tpu.memory_space<vmem>>, vector<1x16xf32>,
      %swap3A_99 = vector.shape_cast %swap3A_98 : vector<1x16xf32> to vector<16xf32>
      %swap3A_100 = vector.shape_cast %get3A_78 : vector<16xf32> to vector<1x16xf32>
      tpu.vector_store %arg10[%swap3A_96, %swap3A_97], %swap3A_100 {strides = array<i32>} : memref<320x128xf32, #tpu.memory_space<vmem>>, vector<1x16xf32>,
      %swap3A_101 = arith.index_cast %scan3A_73 : i32 to index
      %swap3A_102 = arith.constant 80 : index
      %swap3A_103 = tpu.vector_load %arg10[%swap3A_101, %swap3A_102] {strides = array<i32>} : memref<320x128xf32, #tpu.memory_space<vmem>>, vector<1x16xf32>,
      %swap3A_104 = vector.shape_cast %swap3A_103 : vector<1x16xf32> to vector<16xf32>
      %swap3A_105 = vector.shape_cast %get3A_86 : vector<16xf32> to vector<1x16xf32>
      tpu.vector_store %arg10[%swap3A_101, %swap3A_102], %swap3A_105 {strides = array<i32>} : memref<320x128xf32, #tpu.memory_space<vmem>>, vector<1x16xf32>,
      %swap3A_106 = arith.index_cast %scan3A_73 : i32 to index
      %swap3A_107 = arith.constant 32 : index
      %swap3A_108 = tpu.vector_load %arg10[%swap3A_106, %swap3A_107] {strides = array<i32>} : memref<320x128xf32, #tpu.memory_space<vmem>>, vector<1x16xf32>,
      %swap3A_109 = vector.shape_cast %swap3A_108 : vector<1x16xf32> to vector<16xf32>
      %swap3A_110 = vector.shape_cast %get3A_78 : vector<16xf32> to vector<1x16xf32>
      tpu.vector_store %arg10[%swap3A_106, %swap3A_107], %swap3A_110 {strides = array<i32>} : memref<320x128xf32, #tpu.memory_space<vmem>>, vector<1x16xf32>,
      %swap3A_111 = arith.index_cast %scan3A_73 : i32 to index
      %swap3A_112 = arith.constant 96 : index
      %swap3A_113 = tpu.vector_load %arg10[%swap3A_111, %swap3A_112] {strides = array<i32>} : memref<320x128xf32, #tpu.memory_space<vmem>>, vector<1x16xf32>,
      %swap3A_114 = vector.shape_cast %swap3A_113 : vector<1x16xf32> to vector<16xf32>
      %swap3A_115 = vector.shape_cast %get3A_86 : vector<16xf32> to vector<1x16xf32>
      tpu.vector_store %arg10[%swap3A_111, %swap3A_112], %swap3A_115 {strides = array<i32>} : memref<320x128xf32, #tpu.memory_space<vmem>>, vector<1x16xf32>,
      %swap3A_116 = arith.index_cast %scan3A_73 : i32 to index
      %swap3A_117 = arith.constant 48 : index
      %swap3A_118 = tpu.vector_load %arg10[%swap3A_116, %swap3A_117] {strides = array<i32>} : memref<320x128xf32, #tpu.memory_space<vmem>>, vector<1x16xf32>,
      %swap3A_119 = vector.shape_cast %swap3A_118 : vector<1x16xf32> to vector<16xf32>
      %swap3A_120 = vector.shape_cast %get3A_78 : vector<16xf32> to vector<1x16xf32>
      tpu.vector_store %arg10[%swap3A_116, %swap3A_117], %swap3A_120 {strides = array<i32>} : memref<320x128xf32, #tpu.memory_space<vmem>>, vector<1x16xf32>,
      %swap3A_121 = arith.index_cast %scan3A_73 : i32 to index
      %swap3A_122 = arith.constant 112 : index
      %swap3A_123 = tpu.vector_load %arg10[%swap3A_121, %swap3A_122] {strides = array<i32>} : memref<320x128xf32, #tpu.memory_space<vmem>>, vector<1x16xf32>,
      %swap3A_124 = vector.shape_cast %swap3A_123 : vector<1x16xf32> to vector<16xf32>
      %swap3A_125 = vector.shape_cast %get3A_86 : vector<16xf32> to vector<1x16xf32>
      tpu.vector_store %arg10[%swap3A_121, %swap3A_122], %swap3A_125 {strides = array<i32>} : memref<320x128xf32, #tpu.memory_space<vmem>>, vector<1x16xf32>,
    }
    %scan3A_72 = arith.constant 320 : i32
    "tpu.region"() ({
      %run_scoped3A = tpu.sem_alloc : memref<!tpu.dma_semaphore, #tpu.memory_space<semaphore_mem>>
      %dma_start3A = arith.constant 0 : i32
      %dma_start3A_73 = tpu.memref_slice %arg5[%arg0, %min3A_64, %dma_start3A] : memref<2x5000x128xf32, #tpu.memory_space<hbm>> -> memref<1x320x128xf32, #tpu.memory_space<hbm>>
      %dma_start3A_74 = tpu.memref_squeeze %dma_start3A_73 : memref<1x320x128xf32, #tpu.memory_space<hbm>> -> memref<320x128xf32, #tpu.memory_space<hbm>>
      %dma_start3A_75 = arith.constant 0 : i32
      %dma_start3A_76 = tpu.memref_slice %arg5[%arg0, %min3A_64, %dma_start3A_75] : memref<2x5000x128xf32, #tpu.memory_space<hbm>> -> memref<1x320x128xf32, #tpu.memory_space<hbm>>
      %dma_start3A_77 = tpu.memref_squeeze %dma_start3A_76 : memref<1x320x128xf32, #tpu.memory_space<hbm>> -> memref<320x128xf32, #tpu.memory_space<hbm>>
      tpu.enqueue_dma source(%arg10 : memref<320x128xf32, #tpu.memory_space<vmem>>) target(%dma_start3A_77 : memref<320x128xf32, #tpu.memory_space<hbm>>) target_semaphore(%run_scoped3A : memref<!tpu.dma_semaphore, #tpu.memory_space<semaphore_mem>>)
      %dma_wait3A = arith.constant 0 : i32
      %dma_wait3A_78 = tpu.memref_slice %arg5[%arg0, %min3A_64, %dma_wait3A] : memref<2x5000x128xf32, #tpu.memory_space<hbm>> -> memref<1x320x128xf32, #tpu.memory_space<hbm>>
      %dma_wait3A_79 = tpu.memref_squeeze %dma_wait3A_78 : memref<1x320x128xf32, #tpu.memory_space<hbm>> -> memref<320x128xf32, #tpu.memory_space<hbm>>
      %dma_wait3A_80 = arith.constant 0 : i32
      %dma_wait3A_81 = tpu.memref_slice %arg5[%arg0, %min3A_64, %dma_wait3A_80] : memref<2x5000x128xf32, #tpu.memory_space<hbm>> -> memref<1x320x128xf32, #tpu.memory_space<hbm>>
      %dma_wait3A_82 = tpu.memref_squeeze %dma_wait3A_81 : memref<1x320x128xf32, #tpu.memory_space<hbm>> -> memref<320x128xf32, #tpu.memory_space<hbm>>
      tpu.wait_dma2 semaphore(%run_scoped3A : memref<!tpu.dma_semaphore, #tpu.memory_space<semaphore_mem>>) src(%arg10 : memref<320x128xf32, #tpu.memory_space<vmem>>) dst(%dma_wait3A_82 : memref<320x128xf32, #tpu.memory_space<hbm>>)
      tpu.yield
    }) : () -> ()
    return
  }
}

#map = affine_map<(d0, d1) -> (0, 0)>
#map1 = affine_map<(d0, d1) -> (0, 0, 0)>
module attributes {stable_mosaic.version = 14 : i64} {
  func.func @_spmv_body(%arg0: i32, %arg1: i32, %arg2: memref<10000x64xf32, #tpu.memory_space<hbm>>, %arg3: memref<2500x128xi32, #tpu.memory_space<hbm>>, %arg4: memref<2500x128xi32, #tpu.memory_space<hbm>>, %arg5: memref<640x64xf32, #tpu.memory_space<hbm>>, %arg6: memref<2x10240x64xf32, #tpu.memory_space<hbm>>, %arg7: memref<88x128xi32, #tpu.memory_space<vmem>>, %arg8: memref<88x128xi32, #tpu.memory_space<vmem>>, %arg9: memref<8x128x64xf32, #tpu.memory_space<vmem>>, %arg10: memref<8x!tpu.dma_semaphore, #tpu.memory_space<semaphore_mem>>, %arg11: memref<8x!tpu.dma_semaphore, #tpu.memory_space<semaphore_mem>>, %arg12: memref<10240x64xf32, #tpu.memory_space<vmem_shared>>) attributes {dimension_semantics = [#tpu.dimension_semantics<core_parallel>, #tpu.dimension_semantics<subcore_parallel>], iteration_bounds = array<i64: 2, 16>, scalar_prefetch = 0 : i64, scratch_operands = 6 : i64, tpu.core_type = #tpu.core_type<sc_vector_subcore>, window_params = [{transform_indices = #map}, {transform_indices = #map}, {transform_indices = #map}, {transform_indices = #map}, {transform_indices = #map1}]} {
    %mul3A = arith.constant 2 : i32
    %mul3A_0 = arith.muli %arg1, %mul3A : i32
    %add3A = arith.addi %mul3A_0, %arg0 : i32
    %mul3A_1 = arith.constant 640 : i32
    %mul3A_2 = arith.muli %arg1, %mul3A_1 : i32
    "tpu.region"() ({
      %run_scoped3A = tpu.sem_alloc : memref<!tpu.dma_semaphore, #tpu.memory_space<semaphore_mem>>
      %dma_start3A = arith.constant 0 : i32
      %dma_start3A_146 = tpu.memref_slice %arg12[%mul3A_2, %dma_start3A] : memref<10240x64xf32, #tpu.memory_space<vmem_shared>> -> memref<640x64xf32, #tpu.memory_space<vmem_shared>>
      tpu.enqueue_dma source(%arg5 : memref<640x64xf32, #tpu.memory_space<hbm>>) target(%dma_start3A_146 : memref<640x64xf32, #tpu.memory_space<vmem_shared>>) target_semaphore(%run_scoped3A : memref<!tpu.dma_semaphore, #tpu.memory_space<semaphore_mem>>)
      %dma_wait3A = arith.constant 0 : i32
      %dma_wait3A_147 = tpu.memref_slice %arg12[%mul3A_2, %dma_wait3A] : memref<10240x64xf32, #tpu.memory_space<vmem_shared>> -> memref<640x64xf32, #tpu.memory_space<vmem_shared>>
      tpu.wait_dma2 semaphore(%run_scoped3A : memref<!tpu.dma_semaphore, #tpu.memory_space<semaphore_mem>>) src(%arg5 : memref<640x64xf32, #tpu.memory_space<hbm>>) dst(%dma_wait3A_147 : memref<640x64xf32, #tpu.memory_space<vmem_shared>>)
      tpu.yield
    }) : () -> ()
    %mul3A_3 = arith.constant 2500 : i32
    %mul3A_4 = arith.muli %mul3A_3, %add3A : i32
    %jit3A = arith.constant 32 : i32
    %div3A = arith.divsi %mul3A_4, %jit3A : i32
    %sign3A = arith.constant 0 : i32
    %sign3A_5 = arith.cmpi sgt, %mul3A_4, %sign3A : i32
    %sign3A_6 = arith.extui %sign3A_5 : i1 to i32
    %sign3A_7 = arith.constant 0 : i32
    %sign3A_8 = arith.cmpi slt, %mul3A_4, %sign3A_7 : i32
    %sign3A_9 = arith.extui %sign3A_8 : i1 to i32
    %sign3A_10 = arith.subi %sign3A_6, %sign3A_9 : i32
    %sign3A_11 = arith.constant 0 : i32
    %sign3A_12 = arith.cmpi sgt, %jit3A, %sign3A_11 : i32
    %sign3A_13 = arith.extui %sign3A_12 : i1 to i32
    %sign3A_14 = arith.constant 0 : i32
    %sign3A_15 = arith.cmpi slt, %jit3A, %sign3A_14 : i32
    %sign3A_16 = arith.extui %sign3A_15 : i1 to i32
    %sign3A_17 = arith.subi %sign3A_13, %sign3A_16 : i32
    %ne3A = arith.cmpi ne, %sign3A_10, %sign3A_17 : i32
    %rem3A = arith.remsi %mul3A_4, %jit3A : i32
    %ne3A_18 = arith.constant 0 : i32
    %ne3A_19 = arith.cmpi ne, %rem3A, %ne3A_18 : i32
    %and3A = arith.andi %ne3A, %ne3A_19 : i1
    %sub3A = arith.constant 1 : i32
    %sub3A_20 = arith.subi %div3A, %sub3A : i32
    %select_n3A = arith.select %and3A, %sub3A_20, %div3A : i32
    %add3A_21 = arith.constant 1 : i32
    %add3A_22 = arith.addi %add3A, %add3A_21 : i32
    %mul3A_23 = arith.constant 2500 : i32
    %mul3A_24 = arith.muli %mul3A_23, %add3A_22 : i32
    %jit3A_25 = arith.constant 32 : i32
    %div3A_26 = arith.divsi %mul3A_24, %jit3A_25 : i32
    %sign3A_27 = arith.constant 0 : i32
    %sign3A_28 = arith.cmpi sgt, %mul3A_24, %sign3A_27 : i32
    %sign3A_29 = arith.extui %sign3A_28 : i1 to i32
    %sign3A_30 = arith.constant 0 : i32
    %sign3A_31 = arith.cmpi slt, %mul3A_24, %sign3A_30 : i32
    %sign3A_32 = arith.extui %sign3A_31 : i1 to i32
    %sign3A_33 = arith.subi %sign3A_29, %sign3A_32 : i32
    %sign3A_34 = arith.constant 0 : i32
    %sign3A_35 = arith.cmpi sgt, %jit3A_25, %sign3A_34 : i32
    %sign3A_36 = arith.extui %sign3A_35 : i1 to i32
    %sign3A_37 = arith.constant 0 : i32
    %sign3A_38 = arith.cmpi slt, %jit3A_25, %sign3A_37 : i32
    %sign3A_39 = arith.extui %sign3A_38 : i1 to i32
    %sign3A_40 = arith.subi %sign3A_36, %sign3A_39 : i32
    %ne3A_41 = arith.cmpi ne, %sign3A_33, %sign3A_40 : i32
    %rem3A_42 = arith.remsi %mul3A_24, %jit3A_25 : i32
    %ne3A_43 = arith.constant 0 : i32
    %ne3A_44 = arith.cmpi ne, %rem3A_42, %ne3A_43 : i32
    %and3A_45 = arith.andi %ne3A_41, %ne3A_44 : i1
    %sub3A_46 = arith.constant 1 : i32
    %sub3A_47 = arith.subi %div3A_26, %sub3A_46 : i32
    %select_n3A_48 = arith.select %and3A_45, %sub3A_47, %div3A_26 : i32
    %rem3A_49 = arith.constant 8 : i32
    %rem3A_50 = arith.remsi %select_n3A, %rem3A_49 : i32
    %sub3A_51 = arith.subi %select_n3A, %rem3A_50 : i32
    %min3A = arith.constant 2412 : i32
    %min3A_52 = arith.minsi %sub3A_51, %min3A : i32
    %sub3A_53 = arith.subi %select_n3A, %min3A_52 : i32
    %sub3A_54 = arith.subi %select_n3A_48, %select_n3A : i32
    "tpu.region"() ({
      %run_scoped3A = tpu.sem_alloc : memref<!tpu.dma_semaphore, #tpu.memory_space<semaphore_mem>>
      %dma_start3A = arith.constant 0 : i32
      %dma_start3A_146 = tpu.memref_slice %arg3[%min3A_52, %dma_start3A] : memref<2500x128xi32, #tpu.memory_space<hbm>> -> memref<88x128xi32, #tpu.memory_space<hbm>>
      %dma_start3A_147 = arith.constant 0 : i32
      %dma_start3A_148 = tpu.memref_slice %arg3[%min3A_52, %dma_start3A_147] : memref<2500x128xi32, #tpu.memory_space<hbm>> -> memref<88x128xi32, #tpu.memory_space<hbm>>
      tpu.enqueue_dma source(%dma_start3A_148 : memref<88x128xi32, #tpu.memory_space<hbm>>) target(%arg7 : memref<88x128xi32, #tpu.memory_space<vmem>>) target_semaphore(%run_scoped3A : memref<!tpu.dma_semaphore, #tpu.memory_space<semaphore_mem>>)
      %dma_wait3A = arith.constant 0 : i32
      %dma_wait3A_149 = tpu.memref_slice %arg3[%min3A_52, %dma_wait3A] : memref<2500x128xi32, #tpu.memory_space<hbm>> -> memref<88x128xi32, #tpu.memory_space<hbm>>
      %dma_wait3A_150 = arith.constant 0 : i32
      %dma_wait3A_151 = tpu.memref_slice %arg3[%min3A_52, %dma_wait3A_150] : memref<2500x128xi32, #tpu.memory_space<hbm>> -> memref<88x128xi32, #tpu.memory_space<hbm>>
      tpu.wait_dma2 semaphore(%run_scoped3A : memref<!tpu.dma_semaphore, #tpu.memory_space<semaphore_mem>>) src(%dma_wait3A_151 : memref<88x128xi32, #tpu.memory_space<hbm>>) dst(%arg7 : memref<88x128xi32, #tpu.memory_space<vmem>>)
      tpu.yield
    }) : () -> ()
    "tpu.region"() ({
      %run_scoped3A = tpu.sem_alloc : memref<!tpu.dma_semaphore, #tpu.memory_space<semaphore_mem>>
      %dma_start3A = arith.constant 0 : i32
      %dma_start3A_146 = tpu.memref_slice %arg4[%min3A_52, %dma_start3A] : memref<2500x128xi32, #tpu.memory_space<hbm>> -> memref<88x128xi32, #tpu.memory_space<hbm>>
      %dma_start3A_147 = arith.constant 0 : i32
      %dma_start3A_148 = tpu.memref_slice %arg4[%min3A_52, %dma_start3A_147] : memref<2500x128xi32, #tpu.memory_space<hbm>> -> memref<88x128xi32, #tpu.memory_space<hbm>>
      tpu.enqueue_dma source(%dma_start3A_148 : memref<88x128xi32, #tpu.memory_space<hbm>>) target(%arg8 : memref<88x128xi32, #tpu.memory_space<vmem>>) target_semaphore(%run_scoped3A : memref<!tpu.dma_semaphore, #tpu.memory_space<semaphore_mem>>)
      %dma_wait3A = arith.constant 0 : i32
      %dma_wait3A_149 = tpu.memref_slice %arg4[%min3A_52, %dma_wait3A] : memref<2500x128xi32, #tpu.memory_space<hbm>> -> memref<88x128xi32, #tpu.memory_space<hbm>>
      %dma_wait3A_150 = arith.constant 0 : i32
      %dma_wait3A_151 = tpu.memref_slice %arg4[%min3A_52, %dma_wait3A_150] : memref<2500x128xi32, #tpu.memory_space<hbm>> -> memref<88x128xi32, #tpu.memory_space<hbm>>
      tpu.wait_dma2 semaphore(%run_scoped3A : memref<!tpu.dma_semaphore, #tpu.memory_space<semaphore_mem>>) src(%dma_wait3A_151 : memref<88x128xi32, #tpu.memory_space<hbm>>) dst(%arg8 : memref<88x128xi32, #tpu.memory_space<vmem>>)
      tpu.yield
    }) : () -> ()
    %barrier3A = arith.constant 0 : index
    tpu.barrier barrier_id(%barrier3A)
    %gt3A = arith.constant 0 : i32
    %gt3A_55 = arith.cmpi sgt, %sub3A_54, %gt3A : i32
    %convert_element_type3A = arith.extui %gt3A_55 : i1 to i32
    %cond3A = arith.constant 0 : i32
    %cond3A_56 = arith.cmpi ne, %convert_element_type3A, %cond3A : i32
    scf.if %cond3A_56 {
      %add3A_146 = arith.constant 0 : i32
      %add3A_147 = arith.addi %sub3A_53, %add3A_146 : i32
      %dma_start3A = arith.constant 0 : i32
      %dma_start3A_148 = arith.constant 0 : i32
      %dma_start3A_149 = arith.constant 0 : i32
      %dma_start3A_150 = arith.constant 0 : i32
      %dma_start3A_151 = tpu.memref_slice %arg9[%dma_start3A, %dma_start3A_149, %dma_start3A_150] : memref<8x128x64xf32, #tpu.memory_space<vmem>> -> memref<1x128x64xf32, #tpu.memory_space<vmem>>
      %dma_start3A_152 = tpu.memref_squeeze %dma_start3A_151 : memref<1x128x64xf32, #tpu.memory_space<vmem>> -> memref<128x64xf32, #tpu.memory_space<vmem>>
      %dma_start3A_153 = arith.constant 0 : i32
      %dma_start3A_154 = tpu.memref_slice %arg7[%add3A_147, %dma_start3A_153] : memref<88x128xi32, #tpu.memory_space<vmem>> -> memref<1x128xi32, #tpu.memory_space<vmem>>
      %dma_start3A_155 = tpu.memref_squeeze %dma_start3A_154 : memref<1x128xi32, #tpu.memory_space<vmem>> -> memref<128xi32, #tpu.memory_space<vmem>>
      %dma_start3A_156 = arith.constant 0 : i32
      %dma_start3A_157 = arith.constant 0 : i32
      %dma_start3A_158 = tpu.memref_slice %arg2[%dma_start3A_156, %dma_start3A_157] : memref<10000x64xf32, #tpu.memory_space<hbm>> -> memref<10000x64xf32, #tpu.memory_space<hbm>>
      %dma_start3A_159 = tpu.memref_slice %arg10[%dma_start3A_148] : memref<8x!tpu.dma_semaphore, #tpu.memory_space<semaphore_mem>> -> memref<1x!tpu.dma_semaphore, #tpu.memory_space<semaphore_mem>>
      %dma_start3A_160 = tpu.memref_squeeze %dma_start3A_159 : memref<1x!tpu.dma_semaphore, #tpu.memory_space<semaphore_mem>> -> memref<!tpu.dma_semaphore, #tpu.memory_space<semaphore_mem>>
      tpu.enqueue_indirect_dma source(%dma_start3A_158 : memref<10000x64xf32, #tpu.memory_space<hbm>>) target(%dma_start3A_152 : memref<128x64xf32, #tpu.memory_space<vmem>>) offsets(%dma_start3A_155 : memref<128xi32, #tpu.memory_space<vmem>>) semaphore(%dma_start3A_160 : memref<!tpu.dma_semaphore, #tpu.memory_space<semaphore_mem>>)
    } else {
    }
    %gt3A_57 = arith.constant 1 : i32
    %gt3A_58 = arith.cmpi sgt, %sub3A_54, %gt3A_57 : i32
    %convert_element_type3A_59 = arith.extui %gt3A_58 : i1 to i32
    %cond3A_60 = arith.constant 0 : i32
    %cond3A_61 = arith.cmpi ne, %convert_element_type3A_59, %cond3A_60 : i32
    scf.if %cond3A_61 {
      %add3A_146 = arith.constant 1 : i32
      %add3A_147 = arith.addi %sub3A_53, %add3A_146 : i32
      %dma_start3A = arith.constant 1 : i32
      %dma_start3A_148 = arith.constant 1 : i32
      %dma_start3A_149 = arith.constant 0 : i32
      %dma_start3A_150 = arith.constant 0 : i32
      %dma_start3A_151 = tpu.memref_slice %arg9[%dma_start3A, %dma_start3A_149, %dma_start3A_150] : memref<8x128x64xf32, #tpu.memory_space<vmem>> -> memref<1x128x64xf32, #tpu.memory_space<vmem>>
      %dma_start3A_152 = tpu.memref_squeeze %dma_start3A_151 : memref<1x128x64xf32, #tpu.memory_space<vmem>> -> memref<128x64xf32, #tpu.memory_space<vmem>>
      %dma_start3A_153 = arith.constant 0 : i32
      %dma_start3A_154 = tpu.memref_slice %arg7[%add3A_147, %dma_start3A_153] : memref<88x128xi32, #tpu.memory_space<vmem>> -> memref<1x128xi32, #tpu.memory_space<vmem>>
      %dma_start3A_155 = tpu.memref_squeeze %dma_start3A_154 : memref<1x128xi32, #tpu.memory_space<vmem>> -> memref<128xi32, #tpu.memory_space<vmem>>
      %dma_start3A_156 = arith.constant 0 : i32
      %dma_start3A_157 = arith.constant 0 : i32
      %dma_start3A_158 = tpu.memref_slice %arg2[%dma_start3A_156, %dma_start3A_157] : memref<10000x64xf32, #tpu.memory_space<hbm>> -> memref<10000x64xf32, #tpu.memory_space<hbm>>
      %dma_start3A_159 = tpu.memref_slice %arg10[%dma_start3A_148] : memref<8x!tpu.dma_semaphore, #tpu.memory_space<semaphore_mem>> -> memref<1x!tpu.dma_semaphore, #tpu.memory_space<semaphore_mem>>
      %dma_start3A_160 = tpu.memref_squeeze %dma_start3A_159 : memref<1x!tpu.dma_semaphore, #tpu.memory_space<semaphore_mem>> -> memref<!tpu.dma_semaphore, #tpu.memory_space<semaphore_mem>>
      tpu.enqueue_indirect_dma source(%dma_start3A_158 : memref<10000x64xf32, #tpu.memory_space<hbm>>) target(%dma_start3A_152 : memref<128x64xf32, #tpu.memory_space<vmem>>) offsets(%dma_start3A_155 : memref<128xi32, #tpu.memory_space<vmem>>) semaphore(%dma_start3A_160 : memref<!tpu.dma_semaphore, #tpu.memory_space<semaphore_mem>>)
    } else {
    }
    %gt3A_62 = arith.constant 2 : i32
    %gt3A_63 = arith.cmpi sgt, %sub3A_54, %gt3A_62 : i32
    %convert_element_type3A_64 = arith.extui %gt3A_63 : i1 to i32
    %cond3A_65 = arith.constant 0 : i32
    %cond3A_66 = arith.cmpi ne, %convert_element_type3A_64, %cond3A_65 : i32
    scf.if %cond3A_66 {
      %add3A_146 = arith.constant 2 : i32
      %add3A_147 = arith.addi %sub3A_53, %add3A_146 : i32
      %dma_start3A = arith.constant 2 : i32
      %dma_start3A_148 = arith.constant 2 : i32
      %dma_start3A_149 = arith.constant 0 : i32
      %dma_start3A_150 = arith.constant 0 : i32
      %dma_start3A_151 = tpu.memref_slice %arg9[%dma_start3A, %dma_start3A_149, %dma_start3A_150] : memref<8x128x64xf32, #tpu.memory_space<vmem>> -> memref<1x128x64xf32, #tpu.memory_space<vmem>>
      %dma_start3A_152 = tpu.memref_squeeze %dma_start3A_151 : memref<1x128x64xf32, #tpu.memory_space<vmem>> -> memref<128x64xf32, #tpu.memory_space<vmem>>
      %dma_start3A_153 = arith.constant 0 : i32
      %dma_start3A_154 = tpu.memref_slice %arg7[%add3A_147, %dma_start3A_153] : memref<88x128xi32, #tpu.memory_space<vmem>> -> memref<1x128xi32, #tpu.memory_space<vmem>>
      %dma_start3A_155 = tpu.memref_squeeze %dma_start3A_154 : memref<1x128xi32, #tpu.memory_space<vmem>> -> memref<128xi32, #tpu.memory_space<vmem>>
      %dma_start3A_156 = arith.constant 0 : i32
      %dma_start3A_157 = arith.constant 0 : i32
      %dma_start3A_158 = tpu.memref_slice %arg2[%dma_start3A_156, %dma_start3A_157] : memref<10000x64xf32, #tpu.memory_space<hbm>> -> memref<10000x64xf32, #tpu.memory_space<hbm>>
      %dma_start3A_159 = tpu.memref_slice %arg10[%dma_start3A_148] : memref<8x!tpu.dma_semaphore, #tpu.memory_space<semaphore_mem>> -> memref<1x!tpu.dma_semaphore, #tpu.memory_space<semaphore_mem>>
      %dma_start3A_160 = tpu.memref_squeeze %dma_start3A_159 : memref<1x!tpu.dma_semaphore, #tpu.memory_space<semaphore_mem>> -> memref<!tpu.dma_semaphore, #tpu.memory_space<semaphore_mem>>
      tpu.enqueue_indirect_dma source(%dma_start3A_158 : memref<10000x64xf32, #tpu.memory_space<hbm>>) target(%dma_start3A_152 : memref<128x64xf32, #tpu.memory_space<vmem>>) offsets(%dma_start3A_155 : memref<128xi32, #tpu.memory_space<vmem>>) semaphore(%dma_start3A_160 : memref<!tpu.dma_semaphore, #tpu.memory_space<semaphore_mem>>)
    } else {
    }
    %gt3A_67 = arith.constant 3 : i32
    %gt3A_68 = arith.cmpi sgt, %sub3A_54, %gt3A_67 : i32
    %convert_element_type3A_69 = arith.extui %gt3A_68 : i1 to i32
    %cond3A_70 = arith.constant 0 : i32
    %cond3A_71 = arith.cmpi ne, %convert_element_type3A_69, %cond3A_70 : i32
    scf.if %cond3A_71 {
      %add3A_146 = arith.constant 3 : i32
      %add3A_147 = arith.addi %sub3A_53, %add3A_146 : i32
      %dma_start3A = arith.constant 3 : i32
      %dma_start3A_148 = arith.constant 3 : i32
      %dma_start3A_149 = arith.constant 0 : i32
      %dma_start3A_150 = arith.constant 0 : i32
      %dma_start3A_151 = tpu.memref_slice %arg9[%dma_start3A, %dma_start3A_149, %dma_start3A_150] : memref<8x128x64xf32, #tpu.memory_space<vmem>> -> memref<1x128x64xf32, #tpu.memory_space<vmem>>
      %dma_start3A_152 = tpu.memref_squeeze %dma_start3A_151 : memref<1x128x64xf32, #tpu.memory_space<vmem>> -> memref<128x64xf32, #tpu.memory_space<vmem>>
      %dma_start3A_153 = arith.constant 0 : i32
      %dma_start3A_154 = tpu.memref_slice %arg7[%add3A_147, %dma_start3A_153] : memref<88x128xi32, #tpu.memory_space<vmem>> -> memref<1x128xi32, #tpu.memory_space<vmem>>
      %dma_start3A_155 = tpu.memref_squeeze %dma_start3A_154 : memref<1x128xi32, #tpu.memory_space<vmem>> -> memref<128xi32, #tpu.memory_space<vmem>>
      %dma_start3A_156 = arith.constant 0 : i32
      %dma_start3A_157 = arith.constant 0 : i32
      %dma_start3A_158 = tpu.memref_slice %arg2[%dma_start3A_156, %dma_start3A_157] : memref<10000x64xf32, #tpu.memory_space<hbm>> -> memref<10000x64xf32, #tpu.memory_space<hbm>>
      %dma_start3A_159 = tpu.memref_slice %arg10[%dma_start3A_148] : memref<8x!tpu.dma_semaphore, #tpu.memory_space<semaphore_mem>> -> memref<1x!tpu.dma_semaphore, #tpu.memory_space<semaphore_mem>>
      %dma_start3A_160 = tpu.memref_squeeze %dma_start3A_159 : memref<1x!tpu.dma_semaphore, #tpu.memory_space<semaphore_mem>> -> memref<!tpu.dma_semaphore, #tpu.memory_space<semaphore_mem>>
      tpu.enqueue_indirect_dma source(%dma_start3A_158 : memref<10000x64xf32, #tpu.memory_space<hbm>>) target(%dma_start3A_152 : memref<128x64xf32, #tpu.memory_space<vmem>>) offsets(%dma_start3A_155 : memref<128xi32, #tpu.memory_space<vmem>>) semaphore(%dma_start3A_160 : memref<!tpu.dma_semaphore, #tpu.memory_space<semaphore_mem>>)
    } else {
    }
    %gt3A_72 = arith.constant 4 : i32
    %gt3A_73 = arith.cmpi sgt, %sub3A_54, %gt3A_72 : i32
    %convert_element_type3A_74 = arith.extui %gt3A_73 : i1 to i32
    %cond3A_75 = arith.constant 0 : i32
    %cond3A_76 = arith.cmpi ne, %convert_element_type3A_74, %cond3A_75 : i32
    scf.if %cond3A_76 {
      %add3A_146 = arith.constant 4 : i32
      %add3A_147 = arith.addi %sub3A_53, %add3A_146 : i32
      %dma_start3A = arith.constant 4 : i32
      %dma_start3A_148 = arith.constant 4 : i32
      %dma_start3A_149 = arith.constant 0 : i32
      %dma_start3A_150 = arith.constant 0 : i32
      %dma_start3A_151 = tpu.memref_slice %arg9[%dma_start3A, %dma_start3A_149, %dma_start3A_150] : memref<8x128x64xf32, #tpu.memory_space<vmem>> -> memref<1x128x64xf32, #tpu.memory_space<vmem>>
      %dma_start3A_152 = tpu.memref_squeeze %dma_start3A_151 : memref<1x128x64xf32, #tpu.memory_space<vmem>> -> memref<128x64xf32, #tpu.memory_space<vmem>>
      %dma_start3A_153 = arith.constant 0 : i32
      %dma_start3A_154 = tpu.memref_slice %arg7[%add3A_147, %dma_start3A_153] : memref<88x128xi32, #tpu.memory_space<vmem>> -> memref<1x128xi32, #tpu.memory_space<vmem>>
      %dma_start3A_155 = tpu.memref_squeeze %dma_start3A_154 : memref<1x128xi32, #tpu.memory_space<vmem>> -> memref<128xi32, #tpu.memory_space<vmem>>
      %dma_start3A_156 = arith.constant 0 : i32
      %dma_start3A_157 = arith.constant 0 : i32
      %dma_start3A_158 = tpu.memref_slice %arg2[%dma_start3A_156, %dma_start3A_157] : memref<10000x64xf32, #tpu.memory_space<hbm>> -> memref<10000x64xf32, #tpu.memory_space<hbm>>
      %dma_start3A_159 = tpu.memref_slice %arg10[%dma_start3A_148] : memref<8x!tpu.dma_semaphore, #tpu.memory_space<semaphore_mem>> -> memref<1x!tpu.dma_semaphore, #tpu.memory_space<semaphore_mem>>
      %dma_start3A_160 = tpu.memref_squeeze %dma_start3A_159 : memref<1x!tpu.dma_semaphore, #tpu.memory_space<semaphore_mem>> -> memref<!tpu.dma_semaphore, #tpu.memory_space<semaphore_mem>>
      tpu.enqueue_indirect_dma source(%dma_start3A_158 : memref<10000x64xf32, #tpu.memory_space<hbm>>) target(%dma_start3A_152 : memref<128x64xf32, #tpu.memory_space<vmem>>) offsets(%dma_start3A_155 : memref<128xi32, #tpu.memory_space<vmem>>) semaphore(%dma_start3A_160 : memref<!tpu.dma_semaphore, #tpu.memory_space<semaphore_mem>>)
    } else {
    }
    %gt3A_77 = arith.constant 5 : i32
    %gt3A_78 = arith.cmpi sgt, %sub3A_54, %gt3A_77 : i32
    %convert_element_type3A_79 = arith.extui %gt3A_78 : i1 to i32
    %cond3A_80 = arith.constant 0 : i32
    %cond3A_81 = arith.cmpi ne, %convert_element_type3A_79, %cond3A_80 : i32
    scf.if %cond3A_81 {
      %add3A_146 = arith.constant 5 : i32
      %add3A_147 = arith.addi %sub3A_53, %add3A_146 : i32
      %dma_start3A = arith.constant 5 : i32
      %dma_start3A_148 = arith.constant 5 : i32
      %dma_start3A_149 = arith.constant 0 : i32
      %dma_start3A_150 = arith.constant 0 : i32
      %dma_start3A_151 = tpu.memref_slice %arg9[%dma_start3A, %dma_start3A_149, %dma_start3A_150] : memref<8x128x64xf32, #tpu.memory_space<vmem>> -> memref<1x128x64xf32, #tpu.memory_space<vmem>>
      %dma_start3A_152 = tpu.memref_squeeze %dma_start3A_151 : memref<1x128x64xf32, #tpu.memory_space<vmem>> -> memref<128x64xf32, #tpu.memory_space<vmem>>
      %dma_start3A_153 = arith.constant 0 : i32
      %dma_start3A_154 = tpu.memref_slice %arg7[%add3A_147, %dma_start3A_153] : memref<88x128xi32, #tpu.memory_space<vmem>> -> memref<1x128xi32, #tpu.memory_space<vmem>>
      %dma_start3A_155 = tpu.memref_squeeze %dma_start3A_154 : memref<1x128xi32, #tpu.memory_space<vmem>> -> memref<128xi32, #tpu.memory_space<vmem>>
      %dma_start3A_156 = arith.constant 0 : i32
      %dma_start3A_157 = arith.constant 0 : i32
      %dma_start3A_158 = tpu.memref_slice %arg2[%dma_start3A_156, %dma_start3A_157] : memref<10000x64xf32, #tpu.memory_space<hbm>> -> memref<10000x64xf32, #tpu.memory_space<hbm>>
      %dma_start3A_159 = tpu.memref_slice %arg10[%dma_start3A_148] : memref<8x!tpu.dma_semaphore, #tpu.memory_space<semaphore_mem>> -> memref<1x!tpu.dma_semaphore, #tpu.memory_space<semaphore_mem>>
      %dma_start3A_160 = tpu.memref_squeeze %dma_start3A_159 : memref<1x!tpu.dma_semaphore, #tpu.memory_space<semaphore_mem>> -> memref<!tpu.dma_semaphore, #tpu.memory_space<semaphore_mem>>
      tpu.enqueue_indirect_dma source(%dma_start3A_158 : memref<10000x64xf32, #tpu.memory_space<hbm>>) target(%dma_start3A_152 : memref<128x64xf32, #tpu.memory_space<vmem>>) offsets(%dma_start3A_155 : memref<128xi32, #tpu.memory_space<vmem>>) semaphore(%dma_start3A_160 : memref<!tpu.dma_semaphore, #tpu.memory_space<semaphore_mem>>)
    } else {
    }
    %gt3A_82 = arith.constant 6 : i32
    %gt3A_83 = arith.cmpi sgt, %sub3A_54, %gt3A_82 : i32
    %convert_element_type3A_84 = arith.extui %gt3A_83 : i1 to i32
    %cond3A_85 = arith.constant 0 : i32
    %cond3A_86 = arith.cmpi ne, %convert_element_type3A_84, %cond3A_85 : i32
    scf.if %cond3A_86 {
      %add3A_146 = arith.constant 6 : i32
      %add3A_147 = arith.addi %sub3A_53, %add3A_146 : i32
      %dma_start3A = arith.constant 6 : i32
      %dma_start3A_148 = arith.constant 6 : i32
      %dma_start3A_149 = arith.constant 0 : i32
      %dma_start3A_150 = arith.constant 0 : i32
      %dma_start3A_151 = tpu.memref_slice %arg9[%dma_start3A, %dma_start3A_149, %dma_start3A_150] : memref<8x128x64xf32, #tpu.memory_space<vmem>> -> memref<1x128x64xf32, #tpu.memory_space<vmem>>
      %dma_start3A_152 = tpu.memref_squeeze %dma_start3A_151 : memref<1x128x64xf32, #tpu.memory_space<vmem>> -> memref<128x64xf32, #tpu.memory_space<vmem>>
      %dma_start3A_153 = arith.constant 0 : i32
      %dma_start3A_154 = tpu.memref_slice %arg7[%add3A_147, %dma_start3A_153] : memref<88x128xi32, #tpu.memory_space<vmem>> -> memref<1x128xi32, #tpu.memory_space<vmem>>
      %dma_start3A_155 = tpu.memref_squeeze %dma_start3A_154 : memref<1x128xi32, #tpu.memory_space<vmem>> -> memref<128xi32, #tpu.memory_space<vmem>>
      %dma_start3A_156 = arith.constant 0 : i32
      %dma_start3A_157 = arith.constant 0 : i32
      %dma_start3A_158 = tpu.memref_slice %arg2[%dma_start3A_156, %dma_start3A_157] : memref<10000x64xf32, #tpu.memory_space<hbm>> -> memref<10000x64xf32, #tpu.memory_space<hbm>>
      %dma_start3A_159 = tpu.memref_slice %arg10[%dma_start3A_148] : memref<8x!tpu.dma_semaphore, #tpu.memory_space<semaphore_mem>> -> memref<1x!tpu.dma_semaphore, #tpu.memory_space<semaphore_mem>>
      %dma_start3A_160 = tpu.memref_squeeze %dma_start3A_159 : memref<1x!tpu.dma_semaphore, #tpu.memory_space<semaphore_mem>> -> memref<!tpu.dma_semaphore, #tpu.memory_space<semaphore_mem>>
      tpu.enqueue_indirect_dma source(%dma_start3A_158 : memref<10000x64xf32, #tpu.memory_space<hbm>>) target(%dma_start3A_152 : memref<128x64xf32, #tpu.memory_space<vmem>>) offsets(%dma_start3A_155 : memref<128xi32, #tpu.memory_space<vmem>>) semaphore(%dma_start3A_160 : memref<!tpu.dma_semaphore, #tpu.memory_space<semaphore_mem>>)
    } else {
    }
    %gt3A_87 = arith.constant 7 : i32
    %gt3A_88 = arith.cmpi sgt, %sub3A_54, %gt3A_87 : i32
    %convert_element_type3A_89 = arith.extui %gt3A_88 : i1 to i32
    %cond3A_90 = arith.constant 0 : i32
    %cond3A_91 = arith.cmpi ne, %convert_element_type3A_89, %cond3A_90 : i32
    scf.if %cond3A_91 {
      %add3A_146 = arith.constant 7 : i32
      %add3A_147 = arith.addi %sub3A_53, %add3A_146 : i32
      %dma_start3A = arith.constant 7 : i32
      %dma_start3A_148 = arith.constant 7 : i32
      %dma_start3A_149 = arith.constant 0 : i32
      %dma_start3A_150 = arith.constant 0 : i32
      %dma_start3A_151 = tpu.memref_slice %arg9[%dma_start3A, %dma_start3A_149, %dma_start3A_150] : memref<8x128x64xf32, #tpu.memory_space<vmem>> -> memref<1x128x64xf32, #tpu.memory_space<vmem>>
      %dma_start3A_152 = tpu.memref_squeeze %dma_start3A_151 : memref<1x128x64xf32, #tpu.memory_space<vmem>> -> memref<128x64xf32, #tpu.memory_space<vmem>>
      %dma_start3A_153 = arith.constant 0 : i32
      %dma_start3A_154 = tpu.memref_slice %arg7[%add3A_147, %dma_start3A_153] : memref<88x128xi32, #tpu.memory_space<vmem>> -> memref<1x128xi32, #tpu.memory_space<vmem>>
      %dma_start3A_155 = tpu.memref_squeeze %dma_start3A_154 : memref<1x128xi32, #tpu.memory_space<vmem>> -> memref<128xi32, #tpu.memory_space<vmem>>
      %dma_start3A_156 = arith.constant 0 : i32
      %dma_start3A_157 = arith.constant 0 : i32
      %dma_start3A_158 = tpu.memref_slice %arg2[%dma_start3A_156, %dma_start3A_157] : memref<10000x64xf32, #tpu.memory_space<hbm>> -> memref<10000x64xf32, #tpu.memory_space<hbm>>
      %dma_start3A_159 = tpu.memref_slice %arg10[%dma_start3A_148] : memref<8x!tpu.dma_semaphore, #tpu.memory_space<semaphore_mem>> -> memref<1x!tpu.dma_semaphore, #tpu.memory_space<semaphore_mem>>
      %dma_start3A_160 = tpu.memref_squeeze %dma_start3A_159 : memref<1x!tpu.dma_semaphore, #tpu.memory_space<semaphore_mem>> -> memref<!tpu.dma_semaphore, #tpu.memory_space<semaphore_mem>>
      tpu.enqueue_indirect_dma source(%dma_start3A_158 : memref<10000x64xf32, #tpu.memory_space<hbm>>) target(%dma_start3A_152 : memref<128x64xf32, #tpu.memory_space<vmem>>) offsets(%dma_start3A_155 : memref<128xi32, #tpu.memory_space<vmem>>) semaphore(%dma_start3A_160 : memref<!tpu.dma_semaphore, #tpu.memory_space<semaphore_mem>>)
    } else {
    }
    %while3A = arith.constant 0 : i32
    %while3A_92 = arith.constant 0 : i32
    %while3A_93 = arith.subi %sub3A_54, %while3A_92 : i32
    %while3A_94 = arith.addi %while3A_92, %while3A_93 : i32
    %while3A_95 = arith.constant 1 : i32
    %while3A_96 = arith.divsi %while3A_93, %while3A_95 : i32
    %while3A_97 = arith.muli %while3A_96, %while3A_95 : i32
    %while3A_98 = arith.addi %while3A_92, %while3A_97 : i32
    %while3A_99 = arith.constant 1 : i32
    scf.for %while3A_146 = %while3A_92 to %while3A_98 step %while3A_99  : i32 {
      %rem3A_147 = arith.constant 8 : i32
      %rem3A_148 = arith.remsi %while3A_146, %rem3A_147 : i32
      %add3A_149 = arith.addi %sub3A_53, %while3A_146 : i32
      %dma_wait3A = arith.constant 0 : i32
      %dma_wait3A_150 = arith.constant 0 : i32
      %dma_wait3A_151 = tpu.memref_slice %arg9[%rem3A_148, %dma_wait3A, %dma_wait3A_150] : memref<8x128x64xf32, #tpu.memory_space<vmem>> -> memref<1x128x64xf32, #tpu.memory_space<vmem>>
      %dma_wait3A_152 = tpu.memref_squeeze %dma_wait3A_151 : memref<1x128x64xf32, #tpu.memory_space<vmem>> -> memref<128x64xf32, #tpu.memory_space<vmem>>
      %dma_wait3A_153 = arith.constant 0 : i32
      %dma_wait3A_154 = tpu.memref_slice %arg7[%add3A_149, %dma_wait3A_153] : memref<88x128xi32, #tpu.memory_space<vmem>> -> memref<1x128xi32, #tpu.memory_space<vmem>>
      %dma_wait3A_155 = tpu.memref_squeeze %dma_wait3A_154 : memref<1x128xi32, #tpu.memory_space<vmem>> -> memref<128xi32, #tpu.memory_space<vmem>>
      %dma_wait3A_156 = arith.constant 0 : i32
      %dma_wait3A_157 = arith.constant 0 : i32
      %dma_wait3A_158 = tpu.memref_slice %arg2[%dma_wait3A_156, %dma_wait3A_157] : memref<10000x64xf32, #tpu.memory_space<hbm>> -> memref<10000x64xf32, #tpu.memory_space<hbm>>
      %dma_wait3A_159 = tpu.memref_slice %arg10[%rem3A_148] : memref<8x!tpu.dma_semaphore, #tpu.memory_space<semaphore_mem>> -> memref<1x!tpu.dma_semaphore, #tpu.memory_space<semaphore_mem>>
      %dma_wait3A_160 = tpu.memref_squeeze %dma_wait3A_159 : memref<1x!tpu.dma_semaphore, #tpu.memory_space<semaphore_mem>> -> memref<!tpu.dma_semaphore, #tpu.memory_space<semaphore_mem>>
      tpu.wait_indirect_dma semaphore(%dma_wait3A_160 : memref<!tpu.dma_semaphore, #tpu.memory_space<semaphore_mem>>) src(%dma_wait3A_158 : memref<10000x64xf32, #tpu.memory_space<hbm>>) dst(%dma_wait3A_152 : memref<128x64xf32, #tpu.memory_space<vmem>>)
      %add3A_161 = arith.addi %sub3A_53, %while3A_146 : i32
      %dma_start3A = arith.constant 0 : i32
      %dma_start3A_162 = arith.constant 0 : i32
      %dma_start3A_163 = tpu.memref_slice %arg9[%rem3A_148, %dma_start3A, %dma_start3A_162] : memref<8x128x64xf32, #tpu.memory_space<vmem>> -> memref<1x128x64xf32, #tpu.memory_space<vmem>>
      %dma_start3A_164 = tpu.memref_squeeze %dma_start3A_163 : memref<1x128x64xf32, #tpu.memory_space<vmem>> -> memref<128x64xf32, #tpu.memory_space<vmem>>
      %dma_start3A_165 = arith.constant 0 : i32
      %dma_start3A_166 = tpu.memref_slice %arg8[%add3A_161, %dma_start3A_165] : memref<88x128xi32, #tpu.memory_space<vmem>> -> memref<1x128xi32, #tpu.memory_space<vmem>>
      %dma_start3A_167 = tpu.memref_squeeze %dma_start3A_166 : memref<1x128xi32, #tpu.memory_space<vmem>> -> memref<128xi32, #tpu.memory_space<vmem>>
      %dma_start3A_168 = arith.constant 0 : i32
      %dma_start3A_169 = arith.constant 0 : i32
      %dma_start3A_170 = tpu.memref_slice %arg12[%dma_start3A_168, %dma_start3A_169] : memref<10240x64xf32, #tpu.memory_space<vmem_shared>> -> memref<10240x64xf32, #tpu.memory_space<vmem_shared>>
      %dma_start3A_171 = tpu.memref_slice %arg11[%rem3A_148] : memref<8x!tpu.dma_semaphore, #tpu.memory_space<semaphore_mem>> -> memref<1x!tpu.dma_semaphore, #tpu.memory_space<semaphore_mem>>
      %dma_start3A_172 = tpu.memref_squeeze %dma_start3A_171 : memref<1x!tpu.dma_semaphore, #tpu.memory_space<semaphore_mem>> -> memref<!tpu.dma_semaphore, #tpu.memory_space<semaphore_mem>>
      tpu.enqueue_indirect_dma source(%dma_start3A_164 : memref<128x64xf32, #tpu.memory_space<vmem>>) target(%dma_start3A_170 : memref<10240x64xf32, #tpu.memory_space<vmem_shared>>) offsets(%dma_start3A_167 : memref<128xi32, #tpu.memory_space<vmem>>) semaphore(%dma_start3A_172 : memref<!tpu.dma_semaphore, #tpu.memory_space<semaphore_mem>>) {add = true}
      %ge3A = arith.constant 1 : i32
      %ge3A_173 = arith.cmpi sge, %while3A_146, %ge3A : i32
      %sub3A_174 = arith.constant 1 : i32
      %sub3A_175 = arith.subi %while3A_146, %sub3A_174 : i32
      %add3A_176 = arith.constant 8 : i32
      %add3A_177 = arith.addi %sub3A_175, %add3A_176 : i32
      %lt3A = arith.cmpi slt, %add3A_177, %sub3A_54 : i32
      %and3A_178 = arith.andi %ge3A_173, %lt3A : i1
      %convert_element_type3A_179 = arith.extui %and3A_178 : i1 to i32
      %cond3A_180 = arith.constant 0 : i32
      %cond3A_181 = arith.cmpi ne, %convert_element_type3A_179, %cond3A_180 : i32
      scf.if %cond3A_181 {
        %sub3A_182 = arith.constant 1 : i32
        %sub3A_183 = arith.subi %while3A_146, %sub3A_182 : i32
        %rem3A_184 = arith.constant 8 : i32
        %rem3A_185 = arith.remsi %sub3A_183, %rem3A_184 : i32
        %add3A_186 = arith.addi %sub3A_53, %while3A_146 : i32
        %sub3A_187 = arith.constant 1 : i32
        %sub3A_188 = arith.subi %add3A_186, %sub3A_187 : i32
        %dma_wait3A_189 = arith.constant 0 : i32
        %dma_wait3A_190 = arith.constant 0 : i32
        %dma_wait3A_191 = tpu.memref_slice %arg9[%rem3A_185, %dma_wait3A_189, %dma_wait3A_190] : memref<8x128x64xf32, #tpu.memory_space<vmem>> -> memref<1x128x64xf32, #tpu.memory_space<vmem>>
        %dma_wait3A_192 = tpu.memref_squeeze %dma_wait3A_191 : memref<1x128x64xf32, #tpu.memory_space<vmem>> -> memref<128x64xf32, #tpu.memory_space<vmem>>
        %dma_wait3A_193 = arith.constant 0 : i32
        %dma_wait3A_194 = tpu.memref_slice %arg8[%sub3A_188, %dma_wait3A_193] : memref<88x128xi32, #tpu.memory_space<vmem>> -> memref<1x128xi32, #tpu.memory_space<vmem>>
        %dma_wait3A_195 = tpu.memref_squeeze %dma_wait3A_194 : memref<1x128xi32, #tpu.memory_space<vmem>> -> memref<128xi32, #tpu.memory_space<vmem>>
        %dma_wait3A_196 = arith.constant 0 : i32
        %dma_wait3A_197 = arith.constant 0 : i32
        %dma_wait3A_198 = tpu.memref_slice %arg12[%dma_wait3A_196, %dma_wait3A_197] : memref<10240x64xf32, #tpu.memory_space<vmem_shared>> -> memref<10240x64xf32, #tpu.memory_space<vmem_shared>>
        %dma_wait3A_199 = tpu.memref_slice %arg11[%rem3A_185] : memref<8x!tpu.dma_semaphore, #tpu.memory_space<semaphore_mem>> -> memref<1x!tpu.dma_semaphore, #tpu.memory_space<semaphore_mem>>
        %dma_wait3A_200 = tpu.memref_squeeze %dma_wait3A_199 : memref<1x!tpu.dma_semaphore, #tpu.memory_space<semaphore_mem>> -> memref<!tpu.dma_semaphore, #tpu.memory_space<semaphore_mem>>
        tpu.wait_indirect_dma semaphore(%dma_wait3A_200 : memref<!tpu.dma_semaphore, #tpu.memory_space<semaphore_mem>>) src(%dma_wait3A_192 : memref<128x64xf32, #tpu.memory_space<vmem>>) dst(%dma_wait3A_198 : memref<10240x64xf32, #tpu.memory_space<vmem_shared>>)
        %add3A_201 = arith.addi %sub3A_53, %while3A_146 : i32
        %sub3A_202 = arith.constant 1 : i32
        %sub3A_203 = arith.subi %add3A_201, %sub3A_202 : i32
        %add3A_204 = arith.constant 8 : i32
        %add3A_205 = arith.addi %sub3A_203, %add3A_204 : i32
        %dma_start3A_206 = arith.constant 0 : i32
        %dma_start3A_207 = arith.constant 0 : i32
        %dma_start3A_208 = tpu.memref_slice %arg9[%rem3A_185, %dma_start3A_206, %dma_start3A_207] : memref<8x128x64xf32, #tpu.memory_space<vmem>> -> memref<1x128x64xf32, #tpu.memory_space<vmem>>
        %dma_start3A_209 = tpu.memref_squeeze %dma_start3A_208 : memref<1x128x64xf32, #tpu.memory_space<vmem>> -> memref<128x64xf32, #tpu.memory_space<vmem>>
        %dma_start3A_210 = arith.constant 0 : i32
        %dma_start3A_211 = tpu.memref_slice %arg7[%add3A_205, %dma_start3A_210] : memref<88x128xi32, #tpu.memory_space<vmem>> -> memref<1x128xi32, #tpu.memory_space<vmem>>
        %dma_start3A_212 = tpu.memref_squeeze %dma_start3A_211 : memref<1x128xi32, #tpu.memory_space<vmem>> -> memref<128xi32, #tpu.memory_space<vmem>>
        %dma_start3A_213 = arith.constant 0 : i32
        %dma_start3A_214 = arith.constant 0 : i32
        %dma_start3A_215 = tpu.memref_slice %arg2[%dma_start3A_213, %dma_start3A_214] : memref<10000x64xf32, #tpu.memory_space<hbm>> -> memref<10000x64xf32, #tpu.memory_space<hbm>>
        %dma_start3A_216 = tpu.memref_slice %arg10[%rem3A_185] : memref<8x!tpu.dma_semaphore, #tpu.memory_space<semaphore_mem>> -> memref<1x!tpu.dma_semaphore, #tpu.memory_space<semaphore_mem>>
        %dma_start3A_217 = tpu.memref_squeeze %dma_start3A_216 : memref<1x!tpu.dma_semaphore, #tpu.memory_space<semaphore_mem>> -> memref<!tpu.dma_semaphore, #tpu.memory_space<semaphore_mem>>
        tpu.enqueue_indirect_dma source(%dma_start3A_215 : memref<10000x64xf32, #tpu.memory_space<hbm>>) target(%dma_start3A_209 : memref<128x64xf32, #tpu.memory_space<vmem>>) offsets(%dma_start3A_212 : memref<128xi32, #tpu.memory_space<vmem>>) semaphore(%dma_start3A_217 : memref<!tpu.dma_semaphore, #tpu.memory_space<semaphore_mem>>)
      } else {
      }
    }
    %while3A_100 = arith.constant 1 : i32
    scf.for %while3A_146 = %while3A_98 to %while3A_94 step %while3A_100  : i32 {
      %rem3A_147 = arith.constant 8 : i32
      %rem3A_148 = arith.remsi %while3A_146, %rem3A_147 : i32
      %add3A_149 = arith.addi %sub3A_53, %while3A_146 : i32
      %dma_wait3A = arith.constant 0 : i32
      %dma_wait3A_150 = arith.constant 0 : i32
      %dma_wait3A_151 = tpu.memref_slice %arg9[%rem3A_148, %dma_wait3A, %dma_wait3A_150] : memref<8x128x64xf32, #tpu.memory_space<vmem>> -> memref<1x128x64xf32, #tpu.memory_space<vmem>>
      %dma_wait3A_152 = tpu.memref_squeeze %dma_wait3A_151 : memref<1x128x64xf32, #tpu.memory_space<vmem>> -> memref<128x64xf32, #tpu.memory_space<vmem>>
      %dma_wait3A_153 = arith.constant 0 : i32
      %dma_wait3A_154 = tpu.memref_slice %arg7[%add3A_149, %dma_wait3A_153] : memref<88x128xi32, #tpu.memory_space<vmem>> -> memref<1x128xi32, #tpu.memory_space<vmem>>
      %dma_wait3A_155 = tpu.memref_squeeze %dma_wait3A_154 : memref<1x128xi32, #tpu.memory_space<vmem>> -> memref<128xi32, #tpu.memory_space<vmem>>
      %dma_wait3A_156 = arith.constant 0 : i32
      %dma_wait3A_157 = arith.constant 0 : i32
      %dma_wait3A_158 = tpu.memref_slice %arg2[%dma_wait3A_156, %dma_wait3A_157] : memref<10000x64xf32, #tpu.memory_space<hbm>> -> memref<10000x64xf32, #tpu.memory_space<hbm>>
      %dma_wait3A_159 = tpu.memref_slice %arg10[%rem3A_148] : memref<8x!tpu.dma_semaphore, #tpu.memory_space<semaphore_mem>> -> memref<1x!tpu.dma_semaphore, #tpu.memory_space<semaphore_mem>>
      %dma_wait3A_160 = tpu.memref_squeeze %dma_wait3A_159 : memref<1x!tpu.dma_semaphore, #tpu.memory_space<semaphore_mem>> -> memref<!tpu.dma_semaphore, #tpu.memory_space<semaphore_mem>>
      tpu.wait_indirect_dma semaphore(%dma_wait3A_160 : memref<!tpu.dma_semaphore, #tpu.memory_space<semaphore_mem>>) src(%dma_wait3A_158 : memref<10000x64xf32, #tpu.memory_space<hbm>>) dst(%dma_wait3A_152 : memref<128x64xf32, #tpu.memory_space<vmem>>)
      %add3A_161 = arith.addi %sub3A_53, %while3A_146 : i32
      %dma_start3A = arith.constant 0 : i32
      %dma_start3A_162 = arith.constant 0 : i32
      %dma_start3A_163 = tpu.memref_slice %arg9[%rem3A_148, %dma_start3A, %dma_start3A_162] : memref<8x128x64xf32, #tpu.memory_space<vmem>> -> memref<1x128x64xf32, #tpu.memory_space<vmem>>
      %dma_start3A_164 = tpu.memref_squeeze %dma_start3A_163 : memref<1x128x64xf32, #tpu.memory_space<vmem>> -> memref<128x64xf32, #tpu.memory_space<vmem>>
      %dma_start3A_165 = arith.constant 0 : i32
      %dma_start3A_166 = tpu.memref_slice %arg8[%add3A_161, %dma_start3A_165] : memref<88x128xi32, #tpu.memory_space<vmem>> -> memref<1x128xi32, #tpu.memory_space<vmem>>
      %dma_start3A_167 = tpu.memref_squeeze %dma_start3A_166 : memref<1x128xi32, #tpu.memory_space<vmem>> -> memref<128xi32, #tpu.memory_space<vmem>>
      %dma_start3A_168 = arith.constant 0 : i32
      %dma_start3A_169 = arith.constant 0 : i32
      %dma_start3A_170 = tpu.memref_slice %arg12[%dma_start3A_168, %dma_start3A_169] : memref<10240x64xf32, #tpu.memory_space<vmem_shared>> -> memref<10240x64xf32, #tpu.memory_space<vmem_shared>>
      %dma_start3A_171 = tpu.memref_slice %arg11[%rem3A_148] : memref<8x!tpu.dma_semaphore, #tpu.memory_space<semaphore_mem>> -> memref<1x!tpu.dma_semaphore, #tpu.memory_space<semaphore_mem>>
      %dma_start3A_172 = tpu.memref_squeeze %dma_start3A_171 : memref<1x!tpu.dma_semaphore, #tpu.memory_space<semaphore_mem>> -> memref<!tpu.dma_semaphore, #tpu.memory_space<semaphore_mem>>
      tpu.enqueue_indirect_dma source(%dma_start3A_164 : memref<128x64xf32, #tpu.memory_space<vmem>>) target(%dma_start3A_170 : memref<10240x64xf32, #tpu.memory_space<vmem_shared>>) offsets(%dma_start3A_167 : memref<128xi32, #tpu.memory_space<vmem>>) semaphore(%dma_start3A_172 : memref<!tpu.dma_semaphore, #tpu.memory_space<semaphore_mem>>) {add = true}
      %ge3A = arith.constant 1 : i32
      %ge3A_173 = arith.cmpi sge, %while3A_146, %ge3A : i32
      %sub3A_174 = arith.constant 1 : i32
      %sub3A_175 = arith.subi %while3A_146, %sub3A_174 : i32
      %add3A_176 = arith.constant 8 : i32
      %add3A_177 = arith.addi %sub3A_175, %add3A_176 : i32
      %lt3A = arith.cmpi slt, %add3A_177, %sub3A_54 : i32
      %and3A_178 = arith.andi %ge3A_173, %lt3A : i1
      %convert_element_type3A_179 = arith.extui %and3A_178 : i1 to i32
      %cond3A_180 = arith.constant 0 : i32
      %cond3A_181 = arith.cmpi ne, %convert_element_type3A_179, %cond3A_180 : i32
      scf.if %cond3A_181 {
        %sub3A_182 = arith.constant 1 : i32
        %sub3A_183 = arith.subi %while3A_146, %sub3A_182 : i32
        %rem3A_184 = arith.constant 8 : i32
        %rem3A_185 = arith.remsi %sub3A_183, %rem3A_184 : i32
        %add3A_186 = arith.addi %sub3A_53, %while3A_146 : i32
        %sub3A_187 = arith.constant 1 : i32
        %sub3A_188 = arith.subi %add3A_186, %sub3A_187 : i32
        %dma_wait3A_189 = arith.constant 0 : i32
        %dma_wait3A_190 = arith.constant 0 : i32
        %dma_wait3A_191 = tpu.memref_slice %arg9[%rem3A_185, %dma_wait3A_189, %dma_wait3A_190] : memref<8x128x64xf32, #tpu.memory_space<vmem>> -> memref<1x128x64xf32, #tpu.memory_space<vmem>>
        %dma_wait3A_192 = tpu.memref_squeeze %dma_wait3A_191 : memref<1x128x64xf32, #tpu.memory_space<vmem>> -> memref<128x64xf32, #tpu.memory_space<vmem>>
        %dma_wait3A_193 = arith.constant 0 : i32
        %dma_wait3A_194 = tpu.memref_slice %arg8[%sub3A_188, %dma_wait3A_193] : memref<88x128xi32, #tpu.memory_space<vmem>> -> memref<1x128xi32, #tpu.memory_space<vmem>>
        %dma_wait3A_195 = tpu.memref_squeeze %dma_wait3A_194 : memref<1x128xi32, #tpu.memory_space<vmem>> -> memref<128xi32, #tpu.memory_space<vmem>>
        %dma_wait3A_196 = arith.constant 0 : i32
        %dma_wait3A_197 = arith.constant 0 : i32
        %dma_wait3A_198 = tpu.memref_slice %arg12[%dma_wait3A_196, %dma_wait3A_197] : memref<10240x64xf32, #tpu.memory_space<vmem_shared>> -> memref<10240x64xf32, #tpu.memory_space<vmem_shared>>
        %dma_wait3A_199 = tpu.memref_slice %arg11[%rem3A_185] : memref<8x!tpu.dma_semaphore, #tpu.memory_space<semaphore_mem>> -> memref<1x!tpu.dma_semaphore, #tpu.memory_space<semaphore_mem>>
        %dma_wait3A_200 = tpu.memref_squeeze %dma_wait3A_199 : memref<1x!tpu.dma_semaphore, #tpu.memory_space<semaphore_mem>> -> memref<!tpu.dma_semaphore, #tpu.memory_space<semaphore_mem>>
        tpu.wait_indirect_dma semaphore(%dma_wait3A_200 : memref<!tpu.dma_semaphore, #tpu.memory_space<semaphore_mem>>) src(%dma_wait3A_192 : memref<128x64xf32, #tpu.memory_space<vmem>>) dst(%dma_wait3A_198 : memref<10240x64xf32, #tpu.memory_space<vmem_shared>>)
        %add3A_201 = arith.addi %sub3A_53, %while3A_146 : i32
        %sub3A_202 = arith.constant 1 : i32
        %sub3A_203 = arith.subi %add3A_201, %sub3A_202 : i32
        %add3A_204 = arith.constant 8 : i32
        %add3A_205 = arith.addi %sub3A_203, %add3A_204 : i32
        %dma_start3A_206 = arith.constant 0 : i32
        %dma_start3A_207 = arith.constant 0 : i32
        %dma_start3A_208 = tpu.memref_slice %arg9[%rem3A_185, %dma_start3A_206, %dma_start3A_207] : memref<8x128x64xf32, #tpu.memory_space<vmem>> -> memref<1x128x64xf32, #tpu.memory_space<vmem>>
        %dma_start3A_209 = tpu.memref_squeeze %dma_start3A_208 : memref<1x128x64xf32, #tpu.memory_space<vmem>> -> memref<128x64xf32, #tpu.memory_space<vmem>>
        %dma_start3A_210 = arith.constant 0 : i32
        %dma_start3A_211 = tpu.memref_slice %arg7[%add3A_205, %dma_start3A_210] : memref<88x128xi32, #tpu.memory_space<vmem>> -> memref<1x128xi32, #tpu.memory_space<vmem>>
        %dma_start3A_212 = tpu.memref_squeeze %dma_start3A_211 : memref<1x128xi32, #tpu.memory_space<vmem>> -> memref<128xi32, #tpu.memory_space<vmem>>
        %dma_start3A_213 = arith.constant 0 : i32
        %dma_start3A_214 = arith.constant 0 : i32
        %dma_start3A_215 = tpu.memref_slice %arg2[%dma_start3A_213, %dma_start3A_214] : memref<10000x64xf32, #tpu.memory_space<hbm>> -> memref<10000x64xf32, #tpu.memory_space<hbm>>
        %dma_start3A_216 = tpu.memref_slice %arg10[%rem3A_185] : memref<8x!tpu.dma_semaphore, #tpu.memory_space<semaphore_mem>> -> memref<1x!tpu.dma_semaphore, #tpu.memory_space<semaphore_mem>>
        %dma_start3A_217 = tpu.memref_squeeze %dma_start3A_216 : memref<1x!tpu.dma_semaphore, #tpu.memory_space<semaphore_mem>> -> memref<!tpu.dma_semaphore, #tpu.memory_space<semaphore_mem>>
        tpu.enqueue_indirect_dma source(%dma_start3A_215 : memref<10000x64xf32, #tpu.memory_space<hbm>>) target(%dma_start3A_209 : memref<128x64xf32, #tpu.memory_space<vmem>>) offsets(%dma_start3A_212 : memref<128xi32, #tpu.memory_space<vmem>>) semaphore(%dma_start3A_217 : memref<!tpu.dma_semaphore, #tpu.memory_space<semaphore_mem>>)
      } else {
      }
    }
    %gt3A_101 = arith.constant 0 : i32
    %gt3A_102 = arith.cmpi sgt, %sub3A_54, %gt3A_101 : i32
    %convert_element_type3A_103 = arith.extui %gt3A_102 : i1 to i32
    %cond3A_104 = arith.constant 0 : i32
    %cond3A_105 = arith.cmpi ne, %convert_element_type3A_103, %cond3A_104 : i32
    scf.if %cond3A_105 {
      %dma_wait3A = arith.constant 0 : i32
      %dma_wait3A_146 = arith.constant 0 : i32
      %dma_wait3A_147 = arith.constant 0 : i32
      %dma_wait3A_148 = arith.constant 0 : i32
      %dma_wait3A_149 = tpu.memref_slice %arg9[%dma_wait3A, %dma_wait3A_147, %dma_wait3A_148] : memref<8x128x64xf32, #tpu.memory_space<vmem>> -> memref<1x128x64xf32, #tpu.memory_space<vmem>>
      %dma_wait3A_150 = tpu.memref_squeeze %dma_wait3A_149 : memref<1x128x64xf32, #tpu.memory_space<vmem>> -> memref<128x64xf32, #tpu.memory_space<vmem>>
      %dma_wait3A_151 = arith.constant 0 : i32
      %dma_wait3A_152 = tpu.memref_slice %arg8[%sub3A_53, %dma_wait3A_151] : memref<88x128xi32, #tpu.memory_space<vmem>> -> memref<1x128xi32, #tpu.memory_space<vmem>>
      %dma_wait3A_153 = tpu.memref_squeeze %dma_wait3A_152 : memref<1x128xi32, #tpu.memory_space<vmem>> -> memref<128xi32, #tpu.memory_space<vmem>>
      %dma_wait3A_154 = arith.constant 0 : i32
      %dma_wait3A_155 = arith.constant 0 : i32
      %dma_wait3A_156 = tpu.memref_slice %arg12[%dma_wait3A_154, %dma_wait3A_155] : memref<10240x64xf32, #tpu.memory_space<vmem_shared>> -> memref<10240x64xf32, #tpu.memory_space<vmem_shared>>
      %dma_wait3A_157 = tpu.memref_slice %arg11[%dma_wait3A_146] : memref<8x!tpu.dma_semaphore, #tpu.memory_space<semaphore_mem>> -> memref<1x!tpu.dma_semaphore, #tpu.memory_space<semaphore_mem>>
      %dma_wait3A_158 = tpu.memref_squeeze %dma_wait3A_157 : memref<1x!tpu.dma_semaphore, #tpu.memory_space<semaphore_mem>> -> memref<!tpu.dma_semaphore, #tpu.memory_space<semaphore_mem>>
      tpu.wait_indirect_dma semaphore(%dma_wait3A_158 : memref<!tpu.dma_semaphore, #tpu.memory_space<semaphore_mem>>) src(%dma_wait3A_150 : memref<128x64xf32, #tpu.memory_space<vmem>>) dst(%dma_wait3A_156 : memref<10240x64xf32, #tpu.memory_space<vmem_shared>>)
    } else {
    }
    %gt3A_106 = arith.constant 1 : i32
    %gt3A_107 = arith.cmpi sgt, %sub3A_54, %gt3A_106 : i32
    %convert_element_type3A_108 = arith.extui %gt3A_107 : i1 to i32
    %cond3A_109 = arith.constant 0 : i32
    %cond3A_110 = arith.cmpi ne, %convert_element_type3A_108, %cond3A_109 : i32
    scf.if %cond3A_110 {
      %dma_wait3A = arith.constant 1 : i32
      %dma_wait3A_146 = arith.constant 1 : i32
      %dma_wait3A_147 = arith.constant 0 : i32
      %dma_wait3A_148 = arith.constant 0 : i32
      %dma_wait3A_149 = tpu.memref_slice %arg9[%dma_wait3A, %dma_wait3A_147, %dma_wait3A_148] : memref<8x128x64xf32, #tpu.memory_space<vmem>> -> memref<1x128x64xf32, #tpu.memory_space<vmem>>
      %dma_wait3A_150 = tpu.memref_squeeze %dma_wait3A_149 : memref<1x128x64xf32, #tpu.memory_space<vmem>> -> memref<128x64xf32, #tpu.memory_space<vmem>>
      %dma_wait3A_151 = arith.constant 0 : i32
      %dma_wait3A_152 = tpu.memref_slice %arg8[%sub3A_53, %dma_wait3A_151] : memref<88x128xi32, #tpu.memory_space<vmem>> -> memref<1x128xi32, #tpu.memory_space<vmem>>
      %dma_wait3A_153 = tpu.memref_squeeze %dma_wait3A_152 : memref<1x128xi32, #tpu.memory_space<vmem>> -> memref<128xi32, #tpu.memory_space<vmem>>
      %dma_wait3A_154 = arith.constant 0 : i32
      %dma_wait3A_155 = arith.constant 0 : i32
      %dma_wait3A_156 = tpu.memref_slice %arg12[%dma_wait3A_154, %dma_wait3A_155] : memref<10240x64xf32, #tpu.memory_space<vmem_shared>> -> memref<10240x64xf32, #tpu.memory_space<vmem_shared>>
      %dma_wait3A_157 = tpu.memref_slice %arg11[%dma_wait3A_146] : memref<8x!tpu.dma_semaphore, #tpu.memory_space<semaphore_mem>> -> memref<1x!tpu.dma_semaphore, #tpu.memory_space<semaphore_mem>>
      %dma_wait3A_158 = tpu.memref_squeeze %dma_wait3A_157 : memref<1x!tpu.dma_semaphore, #tpu.memory_space<semaphore_mem>> -> memref<!tpu.dma_semaphore, #tpu.memory_space<semaphore_mem>>
      tpu.wait_indirect_dma semaphore(%dma_wait3A_158 : memref<!tpu.dma_semaphore, #tpu.memory_space<semaphore_mem>>) src(%dma_wait3A_150 : memref<128x64xf32, #tpu.memory_space<vmem>>) dst(%dma_wait3A_156 : memref<10240x64xf32, #tpu.memory_space<vmem_shared>>)
    } else {
    }
    %gt3A_111 = arith.constant 2 : i32
    %gt3A_112 = arith.cmpi sgt, %sub3A_54, %gt3A_111 : i32
    %convert_element_type3A_113 = arith.extui %gt3A_112 : i1 to i32
    %cond3A_114 = arith.constant 0 : i32
    %cond3A_115 = arith.cmpi ne, %convert_element_type3A_113, %cond3A_114 : i32
    scf.if %cond3A_115 {
      %dma_wait3A = arith.constant 2 : i32
      %dma_wait3A_146 = arith.constant 2 : i32
      %dma_wait3A_147 = arith.constant 0 : i32
      %dma_wait3A_148 = arith.constant 0 : i32
      %dma_wait3A_149 = tpu.memref_slice %arg9[%dma_wait3A, %dma_wait3A_147, %dma_wait3A_148] : memref<8x128x64xf32, #tpu.memory_space<vmem>> -> memref<1x128x64xf32, #tpu.memory_space<vmem>>
      %dma_wait3A_150 = tpu.memref_squeeze %dma_wait3A_149 : memref<1x128x64xf32, #tpu.memory_space<vmem>> -> memref<128x64xf32, #tpu.memory_space<vmem>>
      %dma_wait3A_151 = arith.constant 0 : i32
      %dma_wait3A_152 = tpu.memref_slice %arg8[%sub3A_53, %dma_wait3A_151] : memref<88x128xi32, #tpu.memory_space<vmem>> -> memref<1x128xi32, #tpu.memory_space<vmem>>
      %dma_wait3A_153 = tpu.memref_squeeze %dma_wait3A_152 : memref<1x128xi32, #tpu.memory_space<vmem>> -> memref<128xi32, #tpu.memory_space<vmem>>
      %dma_wait3A_154 = arith.constant 0 : i32
      %dma_wait3A_155 = arith.constant 0 : i32
      %dma_wait3A_156 = tpu.memref_slice %arg12[%dma_wait3A_154, %dma_wait3A_155] : memref<10240x64xf32, #tpu.memory_space<vmem_shared>> -> memref<10240x64xf32, #tpu.memory_space<vmem_shared>>
      %dma_wait3A_157 = tpu.memref_slice %arg11[%dma_wait3A_146] : memref<8x!tpu.dma_semaphore, #tpu.memory_space<semaphore_mem>> -> memref<1x!tpu.dma_semaphore, #tpu.memory_space<semaphore_mem>>
      %dma_wait3A_158 = tpu.memref_squeeze %dma_wait3A_157 : memref<1x!tpu.dma_semaphore, #tpu.memory_space<semaphore_mem>> -> memref<!tpu.dma_semaphore, #tpu.memory_space<semaphore_mem>>
      tpu.wait_indirect_dma semaphore(%dma_wait3A_158 : memref<!tpu.dma_semaphore, #tpu.memory_space<semaphore_mem>>) src(%dma_wait3A_150 : memref<128x64xf32, #tpu.memory_space<vmem>>) dst(%dma_wait3A_156 : memref<10240x64xf32, #tpu.memory_space<vmem_shared>>)
    } else {
    }
    %gt3A_116 = arith.constant 3 : i32
    %gt3A_117 = arith.cmpi sgt, %sub3A_54, %gt3A_116 : i32
    %convert_element_type3A_118 = arith.extui %gt3A_117 : i1 to i32
    %cond3A_119 = arith.constant 0 : i32
    %cond3A_120 = arith.cmpi ne, %convert_element_type3A_118, %cond3A_119 : i32
    scf.if %cond3A_120 {
      %dma_wait3A = arith.constant 3 : i32
      %dma_wait3A_146 = arith.constant 3 : i32
      %dma_wait3A_147 = arith.constant 0 : i32
      %dma_wait3A_148 = arith.constant 0 : i32
      %dma_wait3A_149 = tpu.memref_slice %arg9[%dma_wait3A, %dma_wait3A_147, %dma_wait3A_148] : memref<8x128x64xf32, #tpu.memory_space<vmem>> -> memref<1x128x64xf32, #tpu.memory_space<vmem>>
      %dma_wait3A_150 = tpu.memref_squeeze %dma_wait3A_149 : memref<1x128x64xf32, #tpu.memory_space<vmem>> -> memref<128x64xf32, #tpu.memory_space<vmem>>
      %dma_wait3A_151 = arith.constant 0 : i32
      %dma_wait3A_152 = tpu.memref_slice %arg8[%sub3A_53, %dma_wait3A_151] : memref<88x128xi32, #tpu.memory_space<vmem>> -> memref<1x128xi32, #tpu.memory_space<vmem>>
      %dma_wait3A_153 = tpu.memref_squeeze %dma_wait3A_152 : memref<1x128xi32, #tpu.memory_space<vmem>> -> memref<128xi32, #tpu.memory_space<vmem>>
      %dma_wait3A_154 = arith.constant 0 : i32
      %dma_wait3A_155 = arith.constant 0 : i32
      %dma_wait3A_156 = tpu.memref_slice %arg12[%dma_wait3A_154, %dma_wait3A_155] : memref<10240x64xf32, #tpu.memory_space<vmem_shared>> -> memref<10240x64xf32, #tpu.memory_space<vmem_shared>>
      %dma_wait3A_157 = tpu.memref_slice %arg11[%dma_wait3A_146] : memref<8x!tpu.dma_semaphore, #tpu.memory_space<semaphore_mem>> -> memref<1x!tpu.dma_semaphore, #tpu.memory_space<semaphore_mem>>
      %dma_wait3A_158 = tpu.memref_squeeze %dma_wait3A_157 : memref<1x!tpu.dma_semaphore, #tpu.memory_space<semaphore_mem>> -> memref<!tpu.dma_semaphore, #tpu.memory_space<semaphore_mem>>
      tpu.wait_indirect_dma semaphore(%dma_wait3A_158 : memref<!tpu.dma_semaphore, #tpu.memory_space<semaphore_mem>>) src(%dma_wait3A_150 : memref<128x64xf32, #tpu.memory_space<vmem>>) dst(%dma_wait3A_156 : memref<10240x64xf32, #tpu.memory_space<vmem_shared>>)
    } else {
    }
    %gt3A_121 = arith.constant 4 : i32
    %gt3A_122 = arith.cmpi sgt, %sub3A_54, %gt3A_121 : i32
    %convert_element_type3A_123 = arith.extui %gt3A_122 : i1 to i32
    %cond3A_124 = arith.constant 0 : i32
    %cond3A_125 = arith.cmpi ne, %convert_element_type3A_123, %cond3A_124 : i32
    scf.if %cond3A_125 {
      %dma_wait3A = arith.constant 4 : i32
      %dma_wait3A_146 = arith.constant 4 : i32
      %dma_wait3A_147 = arith.constant 0 : i32
      %dma_wait3A_148 = arith.constant 0 : i32
      %dma_wait3A_149 = tpu.memref_slice %arg9[%dma_wait3A, %dma_wait3A_147, %dma_wait3A_148] : memref<8x128x64xf32, #tpu.memory_space<vmem>> -> memref<1x128x64xf32, #tpu.memory_space<vmem>>
      %dma_wait3A_150 = tpu.memref_squeeze %dma_wait3A_149 : memref<1x128x64xf32, #tpu.memory_space<vmem>> -> memref<128x64xf32, #tpu.memory_space<vmem>>
      %dma_wait3A_151 = arith.constant 0 : i32
      %dma_wait3A_152 = tpu.memref_slice %arg8[%sub3A_53, %dma_wait3A_151] : memref<88x128xi32, #tpu.memory_space<vmem>> -> memref<1x128xi32, #tpu.memory_space<vmem>>
      %dma_wait3A_153 = tpu.memref_squeeze %dma_wait3A_152 : memref<1x128xi32, #tpu.memory_space<vmem>> -> memref<128xi32, #tpu.memory_space<vmem>>
      %dma_wait3A_154 = arith.constant 0 : i32
      %dma_wait3A_155 = arith.constant 0 : i32
      %dma_wait3A_156 = tpu.memref_slice %arg12[%dma_wait3A_154, %dma_wait3A_155] : memref<10240x64xf32, #tpu.memory_space<vmem_shared>> -> memref<10240x64xf32, #tpu.memory_space<vmem_shared>>
      %dma_wait3A_157 = tpu.memref_slice %arg11[%dma_wait3A_146] : memref<8x!tpu.dma_semaphore, #tpu.memory_space<semaphore_mem>> -> memref<1x!tpu.dma_semaphore, #tpu.memory_space<semaphore_mem>>
      %dma_wait3A_158 = tpu.memref_squeeze %dma_wait3A_157 : memref<1x!tpu.dma_semaphore, #tpu.memory_space<semaphore_mem>> -> memref<!tpu.dma_semaphore, #tpu.memory_space<semaphore_mem>>
      tpu.wait_indirect_dma semaphore(%dma_wait3A_158 : memref<!tpu.dma_semaphore, #tpu.memory_space<semaphore_mem>>) src(%dma_wait3A_150 : memref<128x64xf32, #tpu.memory_space<vmem>>) dst(%dma_wait3A_156 : memref<10240x64xf32, #tpu.memory_space<vmem_shared>>)
    } else {
    }
    %gt3A_126 = arith.constant 5 : i32
    %gt3A_127 = arith.cmpi sgt, %sub3A_54, %gt3A_126 : i32
    %convert_element_type3A_128 = arith.extui %gt3A_127 : i1 to i32
    %cond3A_129 = arith.constant 0 : i32
    %cond3A_130 = arith.cmpi ne, %convert_element_type3A_128, %cond3A_129 : i32
    scf.if %cond3A_130 {
      %dma_wait3A = arith.constant 5 : i32
      %dma_wait3A_146 = arith.constant 5 : i32
      %dma_wait3A_147 = arith.constant 0 : i32
      %dma_wait3A_148 = arith.constant 0 : i32
      %dma_wait3A_149 = tpu.memref_slice %arg9[%dma_wait3A, %dma_wait3A_147, %dma_wait3A_148] : memref<8x128x64xf32, #tpu.memory_space<vmem>> -> memref<1x128x64xf32, #tpu.memory_space<vmem>>
      %dma_wait3A_150 = tpu.memref_squeeze %dma_wait3A_149 : memref<1x128x64xf32, #tpu.memory_space<vmem>> -> memref<128x64xf32, #tpu.memory_space<vmem>>
      %dma_wait3A_151 = arith.constant 0 : i32
      %dma_wait3A_152 = tpu.memref_slice %arg8[%sub3A_53, %dma_wait3A_151] : memref<88x128xi32, #tpu.memory_space<vmem>> -> memref<1x128xi32, #tpu.memory_space<vmem>>
      %dma_wait3A_153 = tpu.memref_squeeze %dma_wait3A_152 : memref<1x128xi32, #tpu.memory_space<vmem>> -> memref<128xi32, #tpu.memory_space<vmem>>
      %dma_wait3A_154 = arith.constant 0 : i32
      %dma_wait3A_155 = arith.constant 0 : i32
      %dma_wait3A_156 = tpu.memref_slice %arg12[%dma_wait3A_154, %dma_wait3A_155] : memref<10240x64xf32, #tpu.memory_space<vmem_shared>> -> memref<10240x64xf32, #tpu.memory_space<vmem_shared>>
      %dma_wait3A_157 = tpu.memref_slice %arg11[%dma_wait3A_146] : memref<8x!tpu.dma_semaphore, #tpu.memory_space<semaphore_mem>> -> memref<1x!tpu.dma_semaphore, #tpu.memory_space<semaphore_mem>>
      %dma_wait3A_158 = tpu.memref_squeeze %dma_wait3A_157 : memref<1x!tpu.dma_semaphore, #tpu.memory_space<semaphore_mem>> -> memref<!tpu.dma_semaphore, #tpu.memory_space<semaphore_mem>>
      tpu.wait_indirect_dma semaphore(%dma_wait3A_158 : memref<!tpu.dma_semaphore, #tpu.memory_space<semaphore_mem>>) src(%dma_wait3A_150 : memref<128x64xf32, #tpu.memory_space<vmem>>) dst(%dma_wait3A_156 : memref<10240x64xf32, #tpu.memory_space<vmem_shared>>)
    } else {
    }
    %gt3A_131 = arith.constant 6 : i32
    %gt3A_132 = arith.cmpi sgt, %sub3A_54, %gt3A_131 : i32
    %convert_element_type3A_133 = arith.extui %gt3A_132 : i1 to i32
    %cond3A_134 = arith.constant 0 : i32
    %cond3A_135 = arith.cmpi ne, %convert_element_type3A_133, %cond3A_134 : i32
    scf.if %cond3A_135 {
      %dma_wait3A = arith.constant 6 : i32
      %dma_wait3A_146 = arith.constant 6 : i32
      %dma_wait3A_147 = arith.constant 0 : i32
      %dma_wait3A_148 = arith.constant 0 : i32
      %dma_wait3A_149 = tpu.memref_slice %arg9[%dma_wait3A, %dma_wait3A_147, %dma_wait3A_148] : memref<8x128x64xf32, #tpu.memory_space<vmem>> -> memref<1x128x64xf32, #tpu.memory_space<vmem>>
      %dma_wait3A_150 = tpu.memref_squeeze %dma_wait3A_149 : memref<1x128x64xf32, #tpu.memory_space<vmem>> -> memref<128x64xf32, #tpu.memory_space<vmem>>
      %dma_wait3A_151 = arith.constant 0 : i32
      %dma_wait3A_152 = tpu.memref_slice %arg8[%sub3A_53, %dma_wait3A_151] : memref<88x128xi32, #tpu.memory_space<vmem>> -> memref<1x128xi32, #tpu.memory_space<vmem>>
      %dma_wait3A_153 = tpu.memref_squeeze %dma_wait3A_152 : memref<1x128xi32, #tpu.memory_space<vmem>> -> memref<128xi32, #tpu.memory_space<vmem>>
      %dma_wait3A_154 = arith.constant 0 : i32
      %dma_wait3A_155 = arith.constant 0 : i32
      %dma_wait3A_156 = tpu.memref_slice %arg12[%dma_wait3A_154, %dma_wait3A_155] : memref<10240x64xf32, #tpu.memory_space<vmem_shared>> -> memref<10240x64xf32, #tpu.memory_space<vmem_shared>>
      %dma_wait3A_157 = tpu.memref_slice %arg11[%dma_wait3A_146] : memref<8x!tpu.dma_semaphore, #tpu.memory_space<semaphore_mem>> -> memref<1x!tpu.dma_semaphore, #tpu.memory_space<semaphore_mem>>
      %dma_wait3A_158 = tpu.memref_squeeze %dma_wait3A_157 : memref<1x!tpu.dma_semaphore, #tpu.memory_space<semaphore_mem>> -> memref<!tpu.dma_semaphore, #tpu.memory_space<semaphore_mem>>
      tpu.wait_indirect_dma semaphore(%dma_wait3A_158 : memref<!tpu.dma_semaphore, #tpu.memory_space<semaphore_mem>>) src(%dma_wait3A_150 : memref<128x64xf32, #tpu.memory_space<vmem>>) dst(%dma_wait3A_156 : memref<10240x64xf32, #tpu.memory_space<vmem_shared>>)
    } else {
    }
    %gt3A_136 = arith.constant 7 : i32
    %gt3A_137 = arith.cmpi sgt, %sub3A_54, %gt3A_136 : i32
    %convert_element_type3A_138 = arith.extui %gt3A_137 : i1 to i32
    %cond3A_139 = arith.constant 0 : i32
    %cond3A_140 = arith.cmpi ne, %convert_element_type3A_138, %cond3A_139 : i32
    scf.if %cond3A_140 {
      %dma_wait3A = arith.constant 7 : i32
      %dma_wait3A_146 = arith.constant 7 : i32
      %dma_wait3A_147 = arith.constant 0 : i32
      %dma_wait3A_148 = arith.constant 0 : i32
      %dma_wait3A_149 = tpu.memref_slice %arg9[%dma_wait3A, %dma_wait3A_147, %dma_wait3A_148] : memref<8x128x64xf32, #tpu.memory_space<vmem>> -> memref<1x128x64xf32, #tpu.memory_space<vmem>>
      %dma_wait3A_150 = tpu.memref_squeeze %dma_wait3A_149 : memref<1x128x64xf32, #tpu.memory_space<vmem>> -> memref<128x64xf32, #tpu.memory_space<vmem>>
      %dma_wait3A_151 = arith.constant 0 : i32
      %dma_wait3A_152 = tpu.memref_slice %arg8[%sub3A_53, %dma_wait3A_151] : memref<88x128xi32, #tpu.memory_space<vmem>> -> memref<1x128xi32, #tpu.memory_space<vmem>>
      %dma_wait3A_153 = tpu.memref_squeeze %dma_wait3A_152 : memref<1x128xi32, #tpu.memory_space<vmem>> -> memref<128xi32, #tpu.memory_space<vmem>>
      %dma_wait3A_154 = arith.constant 0 : i32
      %dma_wait3A_155 = arith.constant 0 : i32
      %dma_wait3A_156 = tpu.memref_slice %arg12[%dma_wait3A_154, %dma_wait3A_155] : memref<10240x64xf32, #tpu.memory_space<vmem_shared>> -> memref<10240x64xf32, #tpu.memory_space<vmem_shared>>
      %dma_wait3A_157 = tpu.memref_slice %arg11[%dma_wait3A_146] : memref<8x!tpu.dma_semaphore, #tpu.memory_space<semaphore_mem>> -> memref<1x!tpu.dma_semaphore, #tpu.memory_space<semaphore_mem>>
      %dma_wait3A_158 = tpu.memref_squeeze %dma_wait3A_157 : memref<1x!tpu.dma_semaphore, #tpu.memory_space<semaphore_mem>> -> memref<!tpu.dma_semaphore, #tpu.memory_space<semaphore_mem>>
      tpu.wait_indirect_dma semaphore(%dma_wait3A_158 : memref<!tpu.dma_semaphore, #tpu.memory_space<semaphore_mem>>) src(%dma_wait3A_150 : memref<128x64xf32, #tpu.memory_space<vmem>>) dst(%dma_wait3A_156 : memref<10240x64xf32, #tpu.memory_space<vmem_shared>>)
    } else {
    }
    %barrier3A_141 = arith.constant 0 : index
    tpu.barrier barrier_id(%barrier3A_141)
    %mul3A_142 = arith.constant 640 : i32
    %mul3A_143 = arith.muli %arg1, %mul3A_142 : i32
    %mul3A_144 = arith.constant 640 : i32
    %mul3A_145 = arith.muli %arg1, %mul3A_144 : i32
    "tpu.region"() ({
      %run_scoped3A = tpu.sem_alloc : memref<!tpu.dma_semaphore, #tpu.memory_space<semaphore_mem>>
      %dma_start3A = arith.constant 0 : i32
      %dma_start3A_146 = tpu.memref_slice %arg6[%arg0, %mul3A_145, %dma_start3A] : memref<2x10240x64xf32, #tpu.memory_space<hbm>> -> memref<1x640x64xf32, #tpu.memory_space<hbm>>
      %dma_start3A_147 = tpu.memref_squeeze %dma_start3A_146 : memref<1x640x64xf32, #tpu.memory_space<hbm>> -> memref<640x64xf32, #tpu.memory_space<hbm>>
      %dma_start3A_148 = arith.constant 0 : i32
      %dma_start3A_149 = tpu.memref_slice %arg12[%mul3A_143, %dma_start3A_148] : memref<10240x64xf32, #tpu.memory_space<vmem_shared>> -> memref<640x64xf32, #tpu.memory_space<vmem_shared>>
      tpu.enqueue_dma source(%dma_start3A_149 : memref<640x64xf32, #tpu.memory_space<vmem_shared>>) target(%dma_start3A_147 : memref<640x64xf32, #tpu.memory_space<hbm>>) target_semaphore(%run_scoped3A : memref<!tpu.dma_semaphore, #tpu.memory_space<semaphore_mem>>)
      %dma_wait3A = arith.constant 0 : i32
      %dma_wait3A_150 = tpu.memref_slice %arg6[%arg0, %mul3A_145, %dma_wait3A] : memref<2x10240x64xf32, #tpu.memory_space<hbm>> -> memref<1x640x64xf32, #tpu.memory_space<hbm>>
      %dma_wait3A_151 = tpu.memref_squeeze %dma_wait3A_150 : memref<1x640x64xf32, #tpu.memory_space<hbm>> -> memref<640x64xf32, #tpu.memory_space<hbm>>
      %dma_wait3A_152 = arith.constant 0 : i32
      %dma_wait3A_153 = tpu.memref_slice %arg12[%mul3A_143, %dma_wait3A_152] : memref<10240x64xf32, #tpu.memory_space<vmem_shared>> -> memref<640x64xf32, #tpu.memory_space<vmem_shared>>
      tpu.wait_dma2 semaphore(%run_scoped3A : memref<!tpu.dma_semaphore, #tpu.memory_space<semaphore_mem>>) src(%dma_wait3A_153 : memref<640x64xf32, #tpu.memory_space<vmem_shared>>) dst(%dma_wait3A_151 : memref<640x64xf32, #tpu.memory_space<hbm>>)
      tpu.yield
    }) : () -> ()
    return
  }
}

module attributes {stable_mosaic.version = 14 : i64} {
  func.func @_eprep_body(%arg0: i32, %arg1: memref<2x320000xi32, #tpu.memory_space<vmem>>, %arg2: memref<2500x128xi32, #tpu.memory_space<vmem>>, %arg3: memref<2500x128xi32, #tpu.memory_space<vmem>>) attributes {dimension_semantics = [#tpu.dimension_semantics<arbitrary>], iteration_bounds = array<i64: 1>, scalar_prefetch = 0 : i64, scratch_operands = 0 : i64, tpu.core_type = #tpu.core_type<tc>, window_params = [{pipeline_mode = #tpu.pipeline_mode<synchronous>, transform_indices = @transform_0, window_bounds = array<i64: 2, 320000>}, {pipeline_mode = #tpu.pipeline_mode<synchronous>, transform_indices = @transform_1, window_bounds = array<i64: 2500, 128>}, {pipeline_mode = #tpu.pipeline_mode<synchronous>, transform_indices = @transform_2, window_bounds = array<i64: 2500, 128>}]} {
    %get3A = arith.constant 0 : index
    %get3A_0 = arith.constant 0 : index
    %get3A_1 = vector.load %arg1[%get3A, %get3A_0] : memref<2x320000xi32, #tpu.memory_space<vmem>>, vector<2x320000xi32>
    %add3A = arith.addi %get3A_1, %get3A_1 : vector<2x320000xi32>
    %lt3A = arith.constant 5000 : i32
    %lt3A_2 = vector.broadcast %lt3A : i32 to vector<2x320000xi32>
    %lt3A_3 = arith.cmpi slt, %get3A_1, %lt3A_2 : vector<2x320000xi32>
    %jit3A = arith.constant 0 : i32
    %jit3A_4 = arith.constant 9999 : i32
    %broadcast_in_dim3A = vector.broadcast %jit3A : i32 to vector<2x320000xi32>
    %broadcast_in_dim3A_5 = vector.broadcast %jit3A_4 : i32 to vector<2x320000xi32>
    %select_n3A = arith.select %lt3A_3, %broadcast_in_dim3A, %broadcast_in_dim3A_5 : vector<2x320000xi1>, vector<2x320000xi32>
    %sub3A = arith.subi %add3A, %select_n3A : vector<2x320000xi32>
    %slice3A = vector.extract_strided_slice %sub3A {offsets = [0, 0], sizes = [1, 320000], strides = [1, 1]} : vector<2x320000xi32> to vector<1x320000xi32>
    %squeeze3A = vector.shape_cast %slice3A : vector<1x320000xi32> to vector<320000xi32>
    %reshape3A = vector.shape_cast %squeeze3A : vector<320000xi32> to vector<2500x128xi32>
    %swap3A = arith.constant 0 : index
    %swap3A_6 = arith.constant 0 : index
    %swap3A_7 = vector.load %arg2[%swap3A, %swap3A_6] : memref<2500x128xi32, #tpu.memory_space<vmem>>, vector<2500x128xi32>
    tpu.vector_store %arg2[%swap3A, %swap3A_6], %reshape3A {strides = array<i32>} : memref<2500x128xi32, #tpu.memory_space<vmem>>, vector<2500x128xi32>,
    %slice3A_8 = vector.extract_strided_slice %sub3A {offsets = [1, 0], sizes = [1, 320000], strides = [1, 1]} : vector<2x320000xi32> to vector<1x320000xi32>
    %squeeze3A_9 = vector.shape_cast %slice3A_8 : vector<1x320000xi32> to vector<320000xi32>
    %reshape3A_10 = vector.shape_cast %squeeze3A_9 : vector<320000xi32> to vector<2500x128xi32>
    %swap3A_11 = arith.constant 0 : index
    %swap3A_12 = arith.constant 0 : index
    %swap3A_13 = vector.load %arg3[%swap3A_11, %swap3A_12] : memref<2500x128xi32, #tpu.memory_space<vmem>>, vector<2500x128xi32>
    tpu.vector_store %arg3[%swap3A_11, %swap3A_12], %reshape3A_10 {strides = array<i32>} : memref<2500x128xi32, #tpu.memory_space<vmem>>, vector<2500x128xi32>,
    return
  }
  func.func @transform_0(%arg0: i32) -> (i32, i32) {
    %c0_i32 = arith.constant 0 : i32
    %c0_i32_0 = arith.constant 0 : i32
    %c0_i32_1 = arith.constant 0 : i32
    return %c0_i32, %c0_i32_0 : i32, i32
  }
  func.func @transform_1(%arg0: i32) -> (i32, i32) {
    %c0_i32 = arith.constant 0 : i32
    %c0_i32_0 = arith.constant 0 : i32
    %c0_i32_1 = arith.constant 0 : i32
    return %c0_i32, %c0_i32_0 : i32, i32
  }
  func.func @transform_2(%arg0: i32) -> (i32, i32) {
    %c0_i32 = arith.constant 0 : i32
    %c0_i32_0 = arith.constant 0 : i32
    %c0_i32_1 = arith.constant 0 : i32
    return %c0_i32, %c0_i32_0 : i32, i32
  }
}

module attributes {stable_mosaic.version = 14 : i64} {
  func.func @_mm1_body(%arg0: i32, %arg1: memref<1000x128xf32, #tpu.memory_space<vmem>>, %arg2: memref<1000x128xf32, #tpu.memory_space<vmem>>, %arg3: memref<2x1000x128xf32, #tpu.memory_space<vmem>>, %arg4: memref<256x128xf32, #tpu.memory_space<vmem>>, %arg5: memref<1000x128xf32, #tpu.memory_space<vmem>>, %arg6: memref<1000x128xf32, #tpu.memory_space<vmem>>) attributes {dimension_semantics = [#tpu.dimension_semantics<arbitrary>], iteration_bounds = array<i64: 5>, scalar_prefetch = 0 : i64, scratch_operands = 0 : i64, tpu.core_type = #tpu.core_type<tc>, window_params = [{transform_indices = @transform_0, window_bounds = array<i64: 1000, 128>}, {transform_indices = @transform_1, window_bounds = array<i64: 1000, 128>}, {transform_indices = @transform_2, window_bounds = array<i64: 2, 1000, 128>}, {pipeline_mode = #tpu.pipeline_mode<synchronous>, transform_indices = @transform_3, window_bounds = array<i64: 256, 128>}, {transform_indices = @transform_4, window_bounds = array<i64: 1000, 128>}, {transform_indices = @transform_5, window_bounds = array<i64: 1000, 128>}]} {
    %get3A = arith.constant 0 : index
    %get3A_0 = arith.constant 0 : index
    %get3A_1 = arith.constant 0 : index
    %get3A_2 = vector.load %arg3[%get3A, %get3A_0, %get3A_1] : memref<2x1000x128xf32, #tpu.memory_space<vmem>>, vector<2x1000x128xf32>
    %slice3A = vector.extract_strided_slice %get3A_2 {offsets = [0, 0, 0], sizes = [1, 1000, 128], strides = [1, 1, 1]} : vector<2x1000x128xf32> to vector<1x1000x128xf32>
    %squeeze3A = vector.shape_cast %slice3A : vector<1x1000x128xf32> to vector<1000x128xf32>
    %slice3A_3 = vector.extract_strided_slice %get3A_2 {offsets = [1, 0, 0], sizes = [1, 1000, 128], strides = [1, 1, 1]} : vector<2x1000x128xf32> to vector<1x1000x128xf32>
    %squeeze3A_4 = vector.shape_cast %slice3A_3 : vector<1x1000x128xf32> to vector<1000x128xf32>
    %add3A = arith.addf %squeeze3A, %squeeze3A_4 : vector<1000x128xf32>
    %add3A_5 = arith.constant 1.000000e+00 : f32
    %add3A_6 = vector.broadcast %add3A_5 : f32 to vector<1000x128xf32>
    %add3A_7 = arith.addf %add3A, %add3A_6 : vector<1000x128xf32>
    %rsqrt3A = math.rsqrt %add3A_7 : vector<1000x128xf32>
    %get3A_8 = arith.constant 0 : index
    %get3A_9 = arith.constant 0 : index
    %get3A_10 = vector.load %arg1[%get3A_8, %get3A_9] : memref<1000x128xf32, #tpu.memory_space<vmem>>, vector<1000x128xf32>
    %get3A_11 = arith.constant 0 : index
    %get3A_12 = arith.constant 0 : index
    %get3A_13 = vector.load %arg2[%get3A_11, %get3A_12] : memref<1000x128xf32, #tpu.memory_space<vmem>>, vector<1000x128xf32>
    %concatenate3A = tpu.concatenate %get3A_10, %get3A_13 in 1 : vector<1000x128xf32>, vector<1000x128xf32> -> vector<1000x256xf32>
    %get3A_14 = arith.constant 0 : index
    %get3A_15 = arith.constant 0 : index
    %get3A_16 = vector.load %arg4[%get3A_14, %get3A_15] : memref<256x128xf32, #tpu.memory_space<vmem>>, vector<256x128xf32>
    %dot_general3A = arith.constant dense<0.000000e+00> : vector<1000x128xf32>
    %dot_general3A_17 = tpu.matmul %concatenate3A, %get3A_16, %dot_general3A {dimension_numbers = #tpu.dot_dimension_numbers<[1], [0], [0], [1], [0, 0, 1, 1], [], []>, transpose_lhs_hint = false} : vector<1000x256xf32>, vector<256x128xf32>, vector<1000x128xf32> -> vector<1000x128xf32>
    %mul3A = arith.mulf %dot_general3A_17, %rsqrt3A : vector<1000x128xf32>
    %swap3A = arith.constant 0 : index
    %swap3A_18 = arith.constant 0 : index
    %swap3A_19 = vector.load %arg5[%swap3A, %swap3A_18] : memref<1000x128xf32, #tpu.memory_space<vmem>>, vector<1000x128xf32>
    tpu.vector_store %arg5[%swap3A, %swap3A_18], %mul3A {strides = array<i32>} : memref<1000x128xf32, #tpu.memory_space<vmem>>, vector<1000x128xf32>,
    %swap3A_20 = arith.constant 0 : index
    %swap3A_21 = arith.constant 0 : index
    %swap3A_22 = vector.load %arg6[%swap3A_20, %swap3A_21] : memref<1000x128xf32, #tpu.memory_space<vmem>>, vector<1000x128xf32>
    tpu.vector_store %arg6[%swap3A_20, %swap3A_21], %rsqrt3A {strides = array<i32>} : memref<1000x128xf32, #tpu.memory_space<vmem>>, vector<1000x128xf32>,
    return
  }
  func.func @transform_0(%arg0: i32) -> (i32, i32) {
    %c0_i32 = arith.constant 0 : i32
    %c0_i32_0 = arith.constant 0 : i32
    return %arg0, %c0_i32 : i32, i32
  }
  func.func @transform_1(%arg0: i32) -> (i32, i32) {
    %add3A = arith.constant 5 : i32
    %add3A_0 = arith.addi %arg0, %add3A : i32
    %c0_i32 = arith.constant 0 : i32
    %c0_i32_1 = arith.constant 0 : i32
    return %add3A_0, %c0_i32 : i32, i32
  }
  func.func @transform_2(%arg0: i32) -> (i32, i32, i32) {
    %c0_i32 = arith.constant 0 : i32
    %c0_i32_0 = arith.constant 0 : i32
    %c0_i32_1 = arith.constant 0 : i32
    return %c0_i32, %arg0, %c0_i32_0 : i32, i32, i32
  }
  func.func @transform_3(%arg0: i32) -> (i32, i32) {
    %c0_i32 = arith.constant 0 : i32
    %c0_i32_0 = arith.constant 0 : i32
    %c0_i32_1 = arith.constant 0 : i32
    return %c0_i32, %c0_i32_0 : i32, i32
  }
  func.func @transform_4(%arg0: i32) -> (i32, i32) {
    %c0_i32 = arith.constant 0 : i32
    %c0_i32_0 = arith.constant 0 : i32
    return %arg0, %c0_i32 : i32, i32
  }
  func.func @transform_5(%arg0: i32) -> (i32, i32) {
    %c0_i32 = arith.constant 0 : i32
    %c0_i32_0 = arith.constant 0 : i32
    return %arg0, %c0_i32 : i32, i32
  }
}

module attributes {stable_mosaic.version = 14 : i64} {
  func.func @_mm2_body(%arg0: i32, %arg1: memref<2x1000x128xf32, #tpu.memory_space<vmem>>, %arg2: memref<1000x128xf32, #tpu.memory_space<vmem>>, %arg3: memref<1000x128xf32, #tpu.memory_space<vmem>>, %arg4: memref<128x128xf32, #tpu.memory_space<vmem>>, %arg5: memref<1x128xf32, #tpu.memory_space<vmem>>, %arg6: memref<1000x128xf32, #tpu.memory_space<vmem>>) attributes {dimension_semantics = [#tpu.dimension_semantics<arbitrary>], iteration_bounds = array<i64: 5>, scalar_prefetch = 0 : i64, scratch_operands = 0 : i64, tpu.core_type = #tpu.core_type<tc>, window_params = [{transform_indices = @transform_0, window_bounds = array<i64: 2, 1000, 128>}, {transform_indices = @transform_1, window_bounds = array<i64: 1000, 128>}, {transform_indices = @transform_2, window_bounds = array<i64: 1000, 128>}, {pipeline_mode = #tpu.pipeline_mode<synchronous>, transform_indices = @transform_3, window_bounds = array<i64: 128, 128>}, {pipeline_mode = #tpu.pipeline_mode<synchronous>, transform_indices = @transform_4, window_bounds = array<i64: 1, 128>}, {transform_indices = @transform_5, window_bounds = array<i64: 1000, 128>}]} {
    %get3A = arith.constant 0 : index
    %get3A_0 = arith.constant 0 : index
    %get3A_1 = arith.constant 0 : index
    %get3A_2 = vector.load %arg1[%get3A, %get3A_0, %get3A_1] : memref<2x1000x128xf32, #tpu.memory_space<vmem>>, vector<2x1000x128xf32>
    %get3A_3 = arith.constant 0 : index
    %get3A_4 = arith.constant 0 : index
    %get3A_5 = vector.load %arg3[%get3A_3, %get3A_4] : memref<1000x128xf32, #tpu.memory_space<vmem>>, vector<1000x128xf32>
    %slice3A = vector.extract_strided_slice %get3A_2 {offsets = [0, 0, 0], sizes = [1, 1000, 128], strides = [1, 1, 1]} : vector<2x1000x128xf32> to vector<1x1000x128xf32>
    %squeeze3A = vector.shape_cast %slice3A : vector<1x1000x128xf32> to vector<1000x128xf32>
    %slice3A_6 = vector.extract_strided_slice %get3A_2 {offsets = [1, 0, 0], sizes = [1, 1000, 128], strides = [1, 1, 1]} : vector<2x1000x128xf32> to vector<1x1000x128xf32>
    %squeeze3A_7 = vector.shape_cast %slice3A_6 : vector<1x1000x128xf32> to vector<1000x128xf32>
    %add3A = arith.addf %squeeze3A, %squeeze3A_7 : vector<1000x128xf32>
    %get3A_8 = arith.constant 0 : index
    %get3A_9 = arith.constant 0 : index
    %get3A_10 = vector.load %arg2[%get3A_8, %get3A_9] : memref<1000x128xf32, #tpu.memory_space<vmem>>, vector<1000x128xf32>
    %add3A_11 = arith.addf %add3A, %get3A_10 : vector<1000x128xf32>
    %mul3A = arith.mulf %add3A_11, %get3A_5 : vector<1000x128xf32>
    %get3A_12 = arith.constant 0 : index
    %get3A_13 = arith.constant 0 : index
    %get3A_14 = vector.load %arg5[%get3A_12, %get3A_13] : memref<1x128xf32, #tpu.memory_space<vmem>>, vector<1x128xf32>
    %add3A_15 = vector.broadcast %get3A_14 : vector<1x128xf32> to vector<1000x128xf32>
    %add3A_16 = arith.addf %mul3A, %add3A_15 : vector<1000x128xf32>
    %max3A = arith.constant 0.000000e+00 : f32
    %max3A_17 = vector.broadcast %max3A : f32 to vector<1000x128xf32>
    %max3A_18 = arith.maximumf %add3A_16, %max3A_17 : vector<1000x128xf32>
    %get3A_19 = arith.constant 0 : index
    %get3A_20 = arith.constant 0 : index
    %get3A_21 = vector.load %arg4[%get3A_19, %get3A_20] : memref<128x128xf32, #tpu.memory_space<vmem>>, vector<128x128xf32>
    %dot_general3A = arith.constant dense<0.000000e+00> : vector<1000x128xf32>
    %dot_general3A_22 = tpu.matmul %max3A_18, %get3A_21, %dot_general3A {dimension_numbers = #tpu.dot_dimension_numbers<[1], [0], [0], [1], [0, 0, 1, 1], [], []>, transpose_lhs_hint = false} : vector<1000x128xf32>, vector<128x128xf32>, vector<1000x128xf32> -> vector<1000x128xf32>
    %mul3A_23 = arith.mulf %dot_general3A_22, %get3A_5 : vector<1000x128xf32>
    %swap3A = arith.constant 0 : index
    %swap3A_24 = arith.constant 0 : index
    %swap3A_25 = vector.load %arg6[%swap3A, %swap3A_24] : memref<1000x128xf32, #tpu.memory_space<vmem>>, vector<1000x128xf32>
    tpu.vector_store %arg6[%swap3A, %swap3A_24], %mul3A_23 {strides = array<i32>} : memref<1000x128xf32, #tpu.memory_space<vmem>>, vector<1000x128xf32>,
    return
  }
  func.func @transform_0(%arg0: i32) -> (i32, i32, i32) {
    %c0_i32 = arith.constant 0 : i32
    %c0_i32_0 = arith.constant 0 : i32
    %c0_i32_1 = arith.constant 0 : i32
    return %c0_i32, %arg0, %c0_i32_0 : i32, i32, i32
  }
  func.func @transform_1(%arg0: i32) -> (i32, i32) {
    %c0_i32 = arith.constant 0 : i32
    %c0_i32_0 = arith.constant 0 : i32
    return %arg0, %c0_i32 : i32, i32
  }
  func.func @transform_2(%arg0: i32) -> (i32, i32) {
    %c0_i32 = arith.constant 0 : i32
    %c0_i32_0 = arith.constant 0 : i32
    return %arg0, %c0_i32 : i32, i32
  }
  func.func @transform_3(%arg0: i32) -> (i32, i32) {
    %c0_i32 = arith.constant 0 : i32
    %c0_i32_0 = arith.constant 0 : i32
    %c0_i32_1 = arith.constant 0 : i32
    return %c0_i32, %c0_i32_0 : i32, i32
  }
  func.func @transform_4(%arg0: i32) -> (i32, i32) {
    %c0_i32 = arith.constant 0 : i32
    %c0_i32_0 = arith.constant 0 : i32
    %c0_i32_1 = arith.constant 0 : i32
    return %c0_i32, %c0_i32_0 : i32, i32
  }
  func.func @transform_5(%arg0: i32) -> (i32, i32) {
    %c0_i32 = arith.constant 0 : i32
    %c0_i32_0 = arith.constant 0 : i32
    return %arg0, %c0_i32 : i32, i32
  }
}

module attributes {stable_mosaic.version = 14 : i64} {
  func.func @_pool_body(%arg0: i32, %arg1: memref<2x1000x128xf32, #tpu.memory_space<vmem>>, %arg2: memref<1000x128xf32, #tpu.memory_space<vmem>>, %arg3: memref<1000x128xf32, #tpu.memory_space<vmem>>, %arg4: memref<1x128xf32, #tpu.memory_space<vmem>>, %arg5: memref<2x1x1000x1xi32, #tpu.memory_space<vmem>>, %arg6: memref<64x10xf32, #tpu.memory_space<vmem>>, %arg7: memref<1x10xf32, #tpu.memory_space<vmem>>, %arg8: memref<128x10xf32, #tpu.memory_space<vmem>>, %arg9: memref<128x64xf32, #tpu.memory_space<vmem>>, %arg10: memref<128x8xf32, #tpu.memory_space<vmem>>) attributes {dimension_semantics = [#tpu.dimension_semantics<arbitrary>], iteration_bounds = array<i64: 5>, scalar_prefetch = 0 : i64, scratch_operands = 2 : i64, tpu.core_type = #tpu.core_type<tc>, window_params = [{transform_indices = @transform_0, window_bounds = array<i64: 2, 1000, 128>}, {transform_indices = @transform_1, window_bounds = array<i64: 1000, 128>}, {transform_indices = @transform_2, window_bounds = array<i64: 1000, 128>}, {pipeline_mode = #tpu.pipeline_mode<synchronous>, transform_indices = @transform_3, window_bounds = array<i64: 1, 128>}, {transform_indices = @transform_4, window_bounds = array<i64: 2, 1, 1000, 1>}, {pipeline_mode = #tpu.pipeline_mode<synchronous>, transform_indices = @transform_5, window_bounds = array<i64: 64, 10>}, {pipeline_mode = #tpu.pipeline_mode<synchronous>, transform_indices = @transform_6, window_bounds = array<i64: 1, 10>}, {pipeline_mode = #tpu.pipeline_mode<synchronous>, transform_indices = @transform_7, window_bounds = array<i64: 128, 10>}]} {
    %eq3A = arith.constant 0 : i32
    %eq3A_0 = arith.cmpi eq, %arg0, %eq3A : i32
    %convert_element_type3A = arith.extui %eq3A_0 : i1 to i32
    %cond3A = arith.constant 0 : i32
    %cond3A_1 = arith.cmpi ne, %convert_element_type3A, %cond3A : i32
    scf.if %cond3A_1 {
      %broadcast_in_dim3A_83 = arith.constant 0.000000e+00 : f32
      %broadcast_in_dim3A_84 = vector.broadcast %broadcast_in_dim3A_83 : f32 to vector<128x64xf32>
      %swap3A_85 = arith.constant 0 : index
      %swap3A_86 = arith.constant 0 : index
      %swap3A_87 = vector.load %arg9[%swap3A_85, %swap3A_86] : memref<128x64xf32, #tpu.memory_space<vmem>>, vector<128x64xf32>
      tpu.vector_store %arg9[%swap3A_85, %swap3A_86], %broadcast_in_dim3A_84 {strides = array<i32>} : memref<128x64xf32, #tpu.memory_space<vmem>>, vector<128x64xf32>,
      %broadcast_in_dim3A_88 = arith.constant 0.000000e+00 : f32
      %broadcast_in_dim3A_89 = vector.broadcast %broadcast_in_dim3A_88 : f32 to vector<128x8xf32>
      %swap3A_90 = arith.constant 0 : index
      %swap3A_91 = arith.constant 0 : index
      %swap3A_92 = vector.load %arg10[%swap3A_90, %swap3A_91] : memref<128x8xf32, #tpu.memory_space<vmem>>, vector<128x8xf32>
      tpu.vector_store %arg10[%swap3A_90, %swap3A_91], %broadcast_in_dim3A_89 {strides = array<i32>} : memref<128x8xf32, #tpu.memory_space<vmem>>, vector<128x8xf32>,
    } else {
    }
    %get3A = arith.constant 0 : index
    %get3A_2 = arith.constant 0 : index
    %get3A_3 = arith.constant 0 : index
    %get3A_4 = vector.load %arg1[%get3A, %get3A_2, %get3A_3] : memref<2x1000x128xf32, #tpu.memory_space<vmem>>, vector<2x1000x128xf32>
    %slice3A = vector.extract_strided_slice %get3A_4 {offsets = [0, 0, 0], sizes = [1, 1000, 128], strides = [1, 1, 1]} : vector<2x1000x128xf32> to vector<1x1000x128xf32>
    %squeeze3A = vector.shape_cast %slice3A : vector<1x1000x128xf32> to vector<1000x128xf32>
    %slice3A_5 = vector.extract_strided_slice %get3A_4 {offsets = [1, 0, 0], sizes = [1, 1000, 128], strides = [1, 1, 1]} : vector<2x1000x128xf32> to vector<1x1000x128xf32>
    %squeeze3A_6 = vector.shape_cast %slice3A_5 : vector<1x1000x128xf32> to vector<1000x128xf32>
    %add3A = arith.addf %squeeze3A, %squeeze3A_6 : vector<1000x128xf32>
    %get3A_7 = arith.constant 0 : index
    %get3A_8 = arith.constant 0 : index
    %get3A_9 = vector.load %arg2[%get3A_7, %get3A_8] : memref<1000x128xf32, #tpu.memory_space<vmem>>, vector<1000x128xf32>
    %add3A_10 = arith.addf %add3A, %get3A_9 : vector<1000x128xf32>
    %get3A_11 = arith.constant 0 : index
    %get3A_12 = arith.constant 0 : index
    %get3A_13 = vector.load %arg3[%get3A_11, %get3A_12] : memref<1000x128xf32, #tpu.memory_space<vmem>>, vector<1000x128xf32>
    %mul3A = arith.mulf %add3A_10, %get3A_13 : vector<1000x128xf32>
    %get3A_14 = arith.constant 0 : index
    %get3A_15 = arith.constant 0 : index
    %get3A_16 = vector.load %arg4[%get3A_14, %get3A_15] : memref<1x128xf32, #tpu.memory_space<vmem>>, vector<1x128xf32>
    %add3A_17 = vector.broadcast %get3A_16 : vector<1x128xf32> to vector<1000x128xf32>
    %add3A_18 = arith.addf %mul3A, %add3A_17 : vector<1000x128xf32>
    %max3A = arith.constant 0.000000e+00 : f32
    %max3A_19 = vector.broadcast %max3A : f32 to vector<1000x128xf32>
    %max3A_20 = arith.maximumf %add3A_18, %max3A_19 : vector<1000x128xf32>
    %broadcast_in_dim3A = arith.constant 1.000000e+00 : f32
    %broadcast_in_dim3A_21 = vector.broadcast %broadcast_in_dim3A : f32 to vector<1000x8xf32>
    %iota3A = tpu.iota {dimensions = array<i32: 1>} : vector<1000x128xi32>
    %get3A_22 = arith.constant 0 : index
    %get3A_23 = arith.constant 0 : index
    %get3A_24 = arith.constant 0 : index
    %get3A_25 = arith.constant 0 : index
    %get3A_26 = vector.load %arg5[%get3A_22, %get3A_23, %get3A_24, %get3A_25] : memref<2x1x1000x1xi32, #tpu.memory_space<vmem>>, vector<1x1x1000x1xi32>
    %get3A_27 = vector.shape_cast %get3A_26 : vector<1x1x1000x1xi32> to vector<1000x1xi32>
    %eq3A_28 = vector.broadcast %get3A_27 : vector<1000x1xi32> to vector<1000x128xi32>
    %eq3A_29 = arith.cmpi eq, %eq3A_28, %iota3A : vector<1000x128xi32>
    %convert_element_type3A_30 = arith.extui %eq3A_29 : vector<1000x128xi1> to vector<1000x128xi32>
    %convert_element_type3A_31 = arith.sitofp %convert_element_type3A_30 : vector<1000x128xi32> to vector<1000x128xf32>
    %slice3A_32 = vector.extract_strided_slice %max3A_20 {offsets = [0, 0], sizes = [1000, 64], strides = [1, 1]} : vector<1000x128xf32> to vector<1000x64xf32>
    %get3A_33 = arith.constant 0 : index
    %get3A_34 = arith.constant 0 : index
    %get3A_35 = vector.load %arg9[%get3A_33, %get3A_34] : memref<128x64xf32, #tpu.memory_space<vmem>>, vector<128x64xf32>
    %dot_general3A = arith.constant dense<0.000000e+00> : vector<128x64xf32>
    %dot_general3A_36 = tpu.matmul %convert_element_type3A_31, %slice3A_32, %dot_general3A {dimension_numbers = #tpu.dot_dimension_numbers<[0], [0], [1], [1], [0, 1, 1, 1], [], []>, transpose_lhs_hint = false} : vector<1000x128xf32>, vector<1000x64xf32>, vector<128x64xf32> -> vector<128x64xf32>
    %add3A_37 = arith.addf %get3A_35, %dot_general3A_36 : vector<128x64xf32>
    %swap3A = arith.constant 0 : index
    %swap3A_38 = arith.constant 0 : index
    %swap3A_39 = vector.load %arg9[%swap3A, %swap3A_38] : memref<128x64xf32, #tpu.memory_space<vmem>>, vector<128x64xf32>
    tpu.vector_store %arg9[%swap3A, %swap3A_38], %add3A_37 {strides = array<i32>} : memref<128x64xf32, #tpu.memory_space<vmem>>, vector<128x64xf32>,
    %get3A_40 = arith.constant 0 : index
    %get3A_41 = arith.constant 0 : index
    %get3A_42 = vector.load %arg10[%get3A_40, %get3A_41] : memref<128x8xf32, #tpu.memory_space<vmem>>, vector<128x8xf32>
    %dot_general3A_43 = arith.constant dense<0.000000e+00> : vector<128x8xf32>
    %dot_general3A_44 = tpu.matmul %convert_element_type3A_31, %broadcast_in_dim3A_21, %dot_general3A_43 {dimension_numbers = #tpu.dot_dimension_numbers<[0], [0], [1], [1], [0, 1, 1, 1], [], []>, transpose_lhs_hint = false} : vector<1000x128xf32>, vector<1000x8xf32>, vector<128x8xf32> -> vector<128x8xf32>
    %add3A_45 = arith.addf %get3A_42, %dot_general3A_44 : vector<128x8xf32>
    %swap3A_46 = arith.constant 0 : index
    %swap3A_47 = arith.constant 0 : index
    %swap3A_48 = vector.load %arg10[%swap3A_46, %swap3A_47] : memref<128x8xf32, #tpu.memory_space<vmem>>, vector<128x8xf32>
    tpu.vector_store %arg10[%swap3A_46, %swap3A_47], %add3A_45 {strides = array<i32>} : memref<128x8xf32, #tpu.memory_space<vmem>>, vector<128x8xf32>,
    %get3A_49 = arith.constant 1 : index
    %get3A_50 = arith.constant 0 : index
    %get3A_51 = arith.constant 0 : index
    %get3A_52 = arith.constant 0 : index
    %get3A_53 = vector.load %arg5[%get3A_49, %get3A_50, %get3A_51, %get3A_52] : memref<2x1x1000x1xi32, #tpu.memory_space<vmem>>, vector<1x1x1000x1xi32>
    %get3A_54 = vector.shape_cast %get3A_53 : vector<1x1x1000x1xi32> to vector<1000x1xi32>
    %eq3A_55 = vector.broadcast %get3A_54 : vector<1000x1xi32> to vector<1000x128xi32>
    %eq3A_56 = arith.cmpi eq, %eq3A_55, %iota3A : vector<1000x128xi32>
    %convert_element_type3A_57 = arith.extui %eq3A_56 : vector<1000x128xi1> to vector<1000x128xi32>
    %convert_element_type3A_58 = arith.sitofp %convert_element_type3A_57 : vector<1000x128xi32> to vector<1000x128xf32>
    %slice3A_59 = vector.extract_strided_slice %max3A_20 {offsets = [0, 64], sizes = [1000, 64], strides = [1, 1]} : vector<1000x128xf32> to vector<1000x64xf32>
    %get3A_60 = arith.constant 0 : index
    %get3A_61 = arith.constant 0 : index
    %get3A_62 = vector.load %arg9[%get3A_60, %get3A_61] : memref<128x64xf32, #tpu.memory_space<vmem>>, vector<128x64xf32>
    %dot_general3A_63 = arith.constant dense<0.000000e+00> : vector<128x64xf32>
    %dot_general3A_64 = tpu.matmul %convert_element_type3A_58, %slice3A_59, %dot_general3A_63 {dimension_numbers = #tpu.dot_dimension_numbers<[0], [0], [1], [1], [0, 1, 1, 1], [], []>, transpose_lhs_hint = false} : vector<1000x128xf32>, vector<1000x64xf32>, vector<128x64xf32> -> vector<128x64xf32>
    %add3A_65 = arith.addf %get3A_62, %dot_general3A_64 : vector<128x64xf32>
    %swap3A_66 = arith.constant 0 : index
    %swap3A_67 = arith.constant 0 : index
    %swap3A_68 = vector.load %arg9[%swap3A_66, %swap3A_67] : memref<128x64xf32, #tpu.memory_space<vmem>>, vector<128x64xf32>
    tpu.vector_store %arg9[%swap3A_66, %swap3A_67], %add3A_65 {strides = array<i32>} : memref<128x64xf32, #tpu.memory_space<vmem>>, vector<128x64xf32>,
    %get3A_69 = arith.constant 0 : index
    %get3A_70 = arith.constant 0 : index
    %get3A_71 = vector.load %arg10[%get3A_69, %get3A_70] : memref<128x8xf32, #tpu.memory_space<vmem>>, vector<128x8xf32>
    %dot_general3A_72 = arith.constant dense<0.000000e+00> : vector<128x8xf32>
    %dot_general3A_73 = tpu.matmul %convert_element_type3A_58, %broadcast_in_dim3A_21, %dot_general3A_72 {dimension_numbers = #tpu.dot_dimension_numbers<[0], [0], [1], [1], [0, 1, 1, 1], [], []>, transpose_lhs_hint = false} : vector<1000x128xf32>, vector<1000x8xf32>, vector<128x8xf32> -> vector<128x8xf32>
    %add3A_74 = arith.addf %get3A_71, %dot_general3A_73 : vector<128x8xf32>
    %swap3A_75 = arith.constant 0 : index
    %swap3A_76 = arith.constant 0 : index
    %swap3A_77 = vector.load %arg10[%swap3A_75, %swap3A_76] : memref<128x8xf32, #tpu.memory_space<vmem>>, vector<128x8xf32>
    tpu.vector_store %arg10[%swap3A_75, %swap3A_76], %add3A_74 {strides = array<i32>} : memref<128x8xf32, #tpu.memory_space<vmem>>, vector<128x8xf32>,
    %eq3A_78 = arith.constant 4 : i32
    %eq3A_79 = arith.cmpi eq, %arg0, %eq3A_78 : i32
    %convert_element_type3A_80 = arith.extui %eq3A_79 : i1 to i32
    %cond3A_81 = arith.constant 0 : i32
    %cond3A_82 = arith.cmpi ne, %convert_element_type3A_80, %cond3A_81 : i32
    scf.if %cond3A_82 {
      %get3A_83 = arith.constant 0 : index
      %get3A_84 = arith.constant 0 : index
      %get3A_85 = vector.load %arg10[%get3A_83, %get3A_84] : memref<128x8xf32, #tpu.memory_space<vmem>>, vector<128x1xf32>
      %max3A_86 = arith.constant 1.000000e+00 : f32
      %max3A_87 = vector.broadcast %max3A_86 : f32 to vector<128x1xf32>
      %max3A_88 = arith.maximumf %get3A_85, %max3A_87 : vector<128x1xf32>
      %get3A_89 = arith.constant 0 : index
      %get3A_90 = arith.constant 0 : index
      %get3A_91 = vector.load %arg9[%get3A_89, %get3A_90] : memref<128x64xf32, #tpu.memory_space<vmem>>, vector<128x64xf32>
      %div3A = vector.broadcast %max3A_88 : vector<128x1xf32> to vector<128x64xf32>
      %div3A_92 = arith.divf %get3A_91, %div3A : vector<128x64xf32>
      %get3A_93 = arith.constant 0 : index
      %get3A_94 = arith.constant 0 : index
      %get3A_95 = vector.load %arg6[%get3A_93, %get3A_94] : memref<64x10xf32, #tpu.memory_space<vmem>>, vector<64x10xf32>
      %dot_general3A_96 = arith.constant dense<0.000000e+00> : vector<128x10xf32>
      %dot_general3A_97 = tpu.matmul %div3A_92, %get3A_95, %dot_general3A_96 {dimension_numbers = #tpu.dot_dimension_numbers<[1], [0], [0], [1], [0, 0, 1, 1], [], []>, transpose_lhs_hint = false} : vector<128x64xf32>, vector<64x10xf32>, vector<128x10xf32> -> vector<128x10xf32>
      %get3A_98 = arith.constant 0 : index
      %get3A_99 = arith.constant 0 : index
      %get3A_100 = vector.load %arg7[%get3A_98, %get3A_99] : memref<1x10xf32, #tpu.memory_space<vmem>>, vector<1x10xf32>
      %add3A_101 = vector.broadcast %get3A_100 : vector<1x10xf32> to vector<128x10xf32>
      %add3A_102 = arith.addf %dot_general3A_97, %add3A_101 : vector<128x10xf32>
      %reduce_max3A = arith.constant dense<0xFF800000> : vector<128xf32>
      %reduce_max3A_103 = vector.multi_reduction <maximumf>, %add3A_102, %reduce_max3A [1] : vector<128x10xf32> to vector<128xf32>
      %broadcast_in_dim3A_104 = vector.shape_cast %reduce_max3A_103 : vector<128xf32> to vector<128x1xf32>
      %sub3A = vector.broadcast %broadcast_in_dim3A_104 : vector<128x1xf32> to vector<128x10xf32>
      %sub3A_105 = arith.subf %add3A_102, %sub3A : vector<128x10xf32>
      %exp3A = math.exp %sub3A_105 : vector<128x10xf32>
      %sub3A_106 = vector.broadcast %broadcast_in_dim3A_104 : vector<128x1xf32> to vector<128x10xf32>
      %sub3A_107 = arith.subf %add3A_102, %sub3A_106 : vector<128x10xf32>
      %reduce_sum3A = arith.constant dense<0.000000e+00> : vector<128xf32>
      %reduce_sum3A_108 = vector.multi_reduction <add>, %exp3A, %reduce_sum3A [1] : vector<128x10xf32> to vector<128xf32>
      %broadcast_in_dim3A_109 = vector.shape_cast %reduce_sum3A_108 : vector<128xf32> to vector<128x1xf32>
      %log3A = math.log %broadcast_in_dim3A_109 : vector<128x1xf32>
      %sub3A_110 = vector.broadcast %log3A : vector<128x1xf32> to vector<128x10xf32>
      %sub3A_111 = arith.subf %sub3A_107, %sub3A_110 : vector<128x10xf32>
      %swap3A_112 = arith.constant 0 : index
      %swap3A_113 = arith.constant 0 : index
      %swap3A_114 = vector.load %arg8[%swap3A_112, %swap3A_113] : memref<128x10xf32, #tpu.memory_space<vmem>>, vector<128x10xf32>
      tpu.vector_store %arg8[%swap3A_112, %swap3A_113], %sub3A_111 {strides = array<i32>} : memref<128x10xf32, #tpu.memory_space<vmem>>, vector<128x10xf32>,
    } else {
    }
    return
  }
  func.func @transform_0(%arg0: i32) -> (i32, i32, i32) {
    %c0_i32 = arith.constant 0 : i32
    %c0_i32_0 = arith.constant 0 : i32
    %c0_i32_1 = arith.constant 0 : i32
    return %c0_i32, %arg0, %c0_i32_0 : i32, i32, i32
  }
  func.func @transform_1(%arg0: i32) -> (i32, i32) {
    %c0_i32 = arith.constant 0 : i32
    %c0_i32_0 = arith.constant 0 : i32
    return %arg0, %c0_i32 : i32, i32
  }
  func.func @transform_2(%arg0: i32) -> (i32, i32) {
    %c0_i32 = arith.constant 0 : i32
    %c0_i32_0 = arith.constant 0 : i32
    return %arg0, %c0_i32 : i32, i32
  }
  func.func @transform_3(%arg0: i32) -> (i32, i32) {
    %c0_i32 = arith.constant 0 : i32
    %c0_i32_0 = arith.constant 0 : i32
    %c0_i32_1 = arith.constant 0 : i32
    return %c0_i32, %c0_i32_0 : i32, i32
  }
  func.func @transform_4(%arg0: i32) -> (i32, i32, i32, i32) {
    %c0_i32 = arith.constant 0 : i32
    %c0_i32_0 = arith.constant 0 : i32
    %c0_i32_1 = arith.constant 0 : i32
    %c0_i32_2 = arith.constant 0 : i32
    return %c0_i32, %arg0, %c0_i32_0, %c0_i32_1 : i32, i32, i32, i32
  }
  func.func @transform_5(%arg0: i32) -> (i32, i32) {
    %c0_i32 = arith.constant 0 : i32
    %c0_i32_0 = arith.constant 0 : i32
    %c0_i32_1 = arith.constant 0 : i32
    return %c0_i32, %c0_i32_0 : i32, i32
  }
  func.func @transform_6(%arg0: i32) -> (i32, i32) {
    %c0_i32 = arith.constant 0 : i32
    %c0_i32_0 = arith.constant 0 : i32
    %c0_i32_1 = arith.constant 0 : i32
    return %c0_i32, %c0_i32_0 : i32, i32
  }
  func.func @transform_7(%arg0: i32) -> (i32, i32) {
    %c0_i32 = arith.constant 0 : i32
    %c0_i32_0 = arith.constant 0 : i32
    %c0_i32_1 = arith.constant 0 : i32
    return %c0_i32, %c0_i32_0 : i32, i32
  }
}

</mosaic_0001>

<sc_bundles>
// kernel: kernel.12.cloned.1.call-start
scs
__scs_entry_jumppad:
0x0: {  	(pc) =	sbr.rel $0x88, $3  }
0x1: {  	(tag) =	ssettag $0x0;
	lr =	simm.s32 $0x1  }
0x2: {  	[smem:$0x3F98] =	sst lr;
	_ =	strace $0xD0000000  }
0x3: {  	_ = 	snop  }
0x4: {  	_ = 	snop  }
0x5: {  	_ = 	snop  }
0x6: {  	_ = 	snop  }
0x7: {  	_ = 	snop  }
__scs_overlays_trampoline_lowered:
0x8: {  	[smem:$0x3FA7] =	sst s0  }
0x9: {  	[smem:$0x3FA8] =	sst s1  }
0xa: {  	[smem:$0x3FA9] =	sst s2  }
0xb: {  	[smem:$0x3FAA] =	sst s3  }
0xc: {  	[smem:$0x3FAB] =	sst s4  }
0xd: {  	[smem:$0x3FAC] =	sst s5  }
0xe: {  	[smem:$0x3FAD] =	sst s6  }
0xf: {  	[smem:$0x3FAE] =	sst s7  }
0x10: {  	[smem:$0x3FAF] =	sst s8  }
0x11: {  	[smem:$0x3FB0] =	sst s9;
	s0 =	simm.s32 @!p0 $0x0  }
0x12: {  	s1 =	sld [smem:$0x3F96];
	s0 =	simm.s32 @p0 $0x1  }
0x13: {  	[smem:$0x3FB1] =	sst s0;
	s0 =	simm.s32 @!p1 $0x0  }
0x14: {  	s2 =	sld [smem:$0x3F95];
	s0 =	simm.s32 @p1 $0x1  }
0x15: {  	[smem:$0x3FB2] =	sst s0;
	s0 =	simm.s32 @!p2 $0x0  }
0x16: {  	s3 =	sld [smem:$0x3FDB];
	s0 =	simm.s32 @p2 $0x1  }
0x17: {  	s4 =	simm.s32 $0x1BF5;
	[smem:$0x3FB4] =	sst s0  }
0x18: {  	s0 =	sld [smem:$0x3F97];
	_ =	swait.ge [sflag:s4], $0x0  }
0x19: {  	s7 =	sld [smem:$0x3F98]  }
0x1a: {  	s8 =	sadd.s32 $0xFFFFE003, lr  }
0x1b: {  	s9 =	sadd.s32 $0xFFFFFEF7, lr;
	s5 =	simm.s32 $0xFFFFFFFF;
	p2 =	slt.u32 s8, $0xFFFFF086  }
0x1c: {  	p1 =	slt.u32 s9, $0xF7A;
	s5 =	simm.s32 @!p2 $0x0  }
0x1d: {  	s5 =	simm.s32 @p1 $0x1;
	p0 =	seq.s32 s7, s2  }
0x1e: {  	s7 =	smul.u32 @!p0 $0xF7A, s2;
	p2 =	seq.s32 @!p0 s5, $0x0  }
0x1f: {  	s9 =	smul.u32 $0xF7A, s1;
	s8 =	simm.s32 @!p0 $0x1BF5;
	p2 =	por !p2, p0  }
0x20: {  	[sflag:s8] =	ssyncset.s32 @!p0 $0xFFFFF086;
	s6 =	sadd.s32 @!p0 s3, s7;
	s7 =	simm.s32 @!p0 $0x108  }
0x21: {  	s3 =	sadd.s32 s3, s9;
	s6 =	sadd.s32 @!p0 $0x88, s6;
	s7 =	simm.s32 @p2 $0x1082  }
0x22: {  	[simem:s7], [sflag:s8] =	dma.local @!p0 [hbm:s6], $0xF7A  }
0x23: {  	s9 =	sor.u32 $0xD0000000, s2;
	s6 =	simm.s32 $0x108;
	_ =	swait.ge @!p0 [sflag:s8], $0x0  }
0x24: {  	s3 =	sadd.s32 $0x88, s3;
	s6 =	simm.s32 @!p1 $0x1082;
	[sflag:s4] =	ssyncset.s32 $0xFFFFF086  }
0x25: {  	[simem:s6], [sflag:s4] =	dma.local [hbm:s3], $0xF7A  }
0x26: {  	[smem:$0x3F98] =	sst s1;
	(tag) =	ssettag s2;
	_ =	strace s9  }
0x27: {  	s1 =	sld [smem:$0x3FA8]  }
0x28: {  	s2 =	sld [smem:$0x3FA9]  }
0x29: {  	s4 =	sld [smem:$0x3FAB]  }
0x2a: {  	p0 =	seq.s32 s5, $0x0;
	s5 =	sld [smem:$0x3FAC]  }
0x2b: {  	s6 =	sld [smem:$0x3FAD]  }
0x2c: {  	s7 =	sld [smem:$0x3FAE]  }
0x2d: {  	s3 =	simm.s32 $0x108;
	s8 =	sld [smem:$0x3FAF]  }
0x2e: {  	s3 =	simm.s32 @!p0 $0x1082;
	s9 =	sld [smem:$0x3FB0]  }
0x2f: {  	lr =	sadd.s32 s0, s3;
	s0 =	sld [smem:$0x3FA7]  }
0x30: {  	s3 =	sld [smem:$0x3FAA]  }
0x31: {  	[smem:$0x3FB3] =	sst s10  }
0x32: {  	s10 =	sld [smem:$0x3FB1];
	_ =	sdelay $0x3  }
0x33: {  	p0 =	seq.s32 s10, $0x1;
	s10 =	sld [smem:$0x3FB3];
	_ =	sdelay $0x3  }
0x34: {  	[smem:$0x3FB3] =	sst s10  }
0x35: {  	s10 =	sld [smem:$0x3FB2];
	_ =	sdelay $0x3  }
0x36: {  	p1 =	seq.s32 s10, $0x1;
	s10 =	sld [smem:$0x3FB3];
	_ =	sdelay $0x3  }
0x37: {  	[smem:$0x3FB3] =	sst s10  }
0x38: {  	s10 =	sld [smem:$0x3FB4]  }
0x39: {  	_ = 	snop;
	(pc) =	sbr.ind lr, $3  }
0x3a: {  	_ = 	snop  }
0x3b: {  	_ = 	snop  }
0x3c: {  	p2 =	seq.s32 s10, $0x1;
	s10 =	sld [smem:$0x3FB3]  }
0x3d: {  	_ =	shalt  }
0x3e: {  	_ =	shalt  }
0x3f: {  	_ =	shalt  }
0x40: {  	_ =	shalt  }
0x41: {  	_ =	shalt  }
0x42: {  	_ =	shalt  }
0x43: {  	_ =	shalt  }
0x44: {  	_ =	shalt  }
0x45: {  	_ =	shalt  }
0x46: {  	_ =	shalt  }
0x47: {  	_ =	shalt  }
0x48: {  	_ =	shalt  }
0x49: {  	_ =	shalt  }
0x4a: {  	_ =	shalt  }
0x4b: {  	_ =	shalt  }
0x4c: {  	_ =	shalt  }
0x4d: {  	_ =	shalt  }
0x4e: {  	_ =	shalt  }
0x4f: {  	_ =	shalt  }
0x50: {  	_ =	shalt  }
0x51: {  	_ =	shalt  }
0x52: {  	_ =	shalt  }
0x53: {  	_ =	shalt  }
0x54: {  	_ =	shalt  }
0x55: {  	_ =	shalt  }
0x56: {  	_ =	shalt  }
0x57: {  	_ =	shalt  }
0x58: {  	_ =	shalt  }
0x59: {  	_ =	shalt  }
0x5a: {  	_ =	shalt  }
0x5b: {  	_ =	shalt  }
0x5c: {  	_ =	shalt  }
0x5d: {  	_ =	shalt  }
0x5e: {  	_ =	shalt  }
0x5f: {  	_ =	shalt  }
0x60: {  	_ =	shalt  }
0x61: {  	_ =	shalt  }
0x62: {  	_ =	shalt  }
0x63: {  	_ =	shalt  }
0x64: {  	_ =	shalt  }
0x65: {  	_ =	shalt  }
0x66: {  	_ =	shalt  }
0x67: {  	_ =	shalt  }
0x68: {  	_ =	shalt  }
0x69: {  	_ =	shalt  }
0x6a: {  	_ =	shalt  }
0x6b: {  	_ =	shalt  }
0x6c: {  	_ =	shalt  }
0x6d: {  	_ =	shalt  }
0x6e: {  	_ =	shalt  }
0x6f: {  	_ =	shalt  }
0x70: {  	_ =	shalt  }
0x71: {  	_ =	shalt  }
0x72: {  	_ =	shalt  }
0x73: {  	_ =	shalt  }
0x74: {  	_ =	shalt  }
0x75: {  	_ =	shalt  }
0x76: {  	_ =	shalt  }
0x77: {  	_ =	shalt  }
0x78: {  	_ =	shalt  }
0x79: {  	_ =	shalt  }
0x7a: {  	_ =	shalt  }
0x7b: {  	_ =	shalt  }
0x7c: {  	_ =	shalt  }
0x7d: {  	_ =	shalt  }
0x7e: {  	_ =	shalt  }
0x7f: {  	_ =	shalt  }
0x80: {  	_ =	shalt  }
0x81: {  	_ =	shalt  }
0x82: {  	_ =	shalt  }
0x83: {  	_ =	shalt  }
0x84: {  	_ =	shalt  }
0x85: {  	_ =	shalt  }
0x86: {  	_ =	shalt  }
0x87: {  	_ =	shalt  }
.Lfunc_end0:
.L_simem_size_0:
called_computation.1_lowered:
.L_overlay_start_0:
0x88: {  	s2 =	sld [smem:$0x3FD9]  }
0x89: {  	s3 =	sld [smem:$0x3FFE];
	_ =	sdelay $0x1  }
0x8a: {  	s1 =	srdreg.scid  }
0x8b: {  	s0 =	sand.u32 $0x1, s1  }
0x8c: {  	s16 =	sshll.u32 s0, $0xA;
	s2 =	sadd.s32 s3, s2  }
0x8d: {  	s2 =	sadd.s32 s2, s16  }
0x8e: {  	[smem:$0x3FBF] =	sst s2  }
0x8f: {  	_ = 	snop  }
0x90: {  	(tm) =	ssettm $0x1  }
0x91: {  	s17 =	sld [smem:$0x3FFB];
	_ =	sdelay $0x3  }
0x92: {  	_ =	strace s17  }
0x93: {  	s2 =	sld [smem:$0x3FFC];
	_ =	sdelay $0x3  }
0x94: {  	_ =	strace s2  }
0x95: {  	s2 =	sld [smem:$0x3FFD];
	_ =	sdelay $0x3  }
0x96: {  	_ =	strace s2  }
0x97: {  	_ =	strace $0x8FFFFFFF  }
0x98: {  	s18 =	sld [smem:$0x3FDB];
	_ =	sdelay $0x1  }
0x99: {  	s19 =	simm.s32 $_scs_section_size  }
0x9a: {  	s4 =	simm.s32 $_size__tile_overlayer_lowered;
	s5 =	simm.s32 $_tile_overlayer_lowered  }
0x9b: {  	s22 =	simm.s32 $0x1BFF;
	s21 =	sshll.u32 s5, $0x1;
	s2 =	sadd.s32 s19, s18  }
0x9c: {  	s6 =	simm.s32 $0x0;
	s20 =	sshll.u32 s4, $0x1;
	s4 =	sadd.s32 s21, s2  }
0x9d: {  	[timem:s6], [sflag:s22] =	dma.local [hbm:s4], s20  }
0x9e: {  	_ =	swait.ge [sflag:s22], s20  }
0x9f: {  	s3 =	ssub.s32 $0x0, s20;
	[sflag:s22] =	ssyncset.done $0x0  }
0xa0: {  	[sflag:s22] =	ssyncadd.s32 s3;
	_ =	sdelay $0x1  }
0xa1: {  	s23 =	simm.s32 $0x1B8B  }
0xa2: {  	_ =	swait.ge [sflag:s23], $0x1  }
0xa3: {  	[sflag:s23] =	ssyncset.done $0x0  }
0xa4: {  	s25 =	simm.s32 $0x1B8E;
	s24 =	sld [smem:$0x3FFE];
	[sflag:s23] =	ssyncadd.s32 $0xFFFFFFFF  }
0xa5: {  	s26 =	simm.s32 $execute0_lowered;
	[smem:$0x3FD2] =	sst s25  }
0xa6: {  	s4 =	sshll.u32 s26, $0x1;
	_ =	strace $0x80000049;
	[dreg:$0x1] =	wrdreg $0xFFFFFFFF  }
0xa7: {  	s28 =	simm.s32 $_size_execute0_lowered;
	s2 =	sadd.s32 s2, s4;
	[dreg:$0x0] =	wrdreg $0x0  }
0xa8: {  	s4 =	sshll.u32 s28, $0x1;
	[dreg:$0x2] =	wrdreg s2  }
0xa9: {  	[dreg:$0x3] =	wrdreg s4  }
0xaa: {  	[dreg:$0x4] =	wrdreg $0xC0  }
0xab: {  	_ =	task [dreg:s6], $0x5FFFF  }
0xac: {  	[dreg:$0x1] =	wrdreg $0xFFFFFFFF  }
0xad: {  	[dreg:$0x0] =	wrdreg $0x60  }
0xae: {  	[dreg:$0x2] =	wrdreg s24  }
0xaf: {  	[dreg:$0x3] =	wrdreg $0x158000  }
0xb0: {  	[dreg:$0x4] =	wrdreg $0x9  }
0xb1: {  	_ =	task.clear_ibuf [dreg:s6], $0x5FFFF;
	_ =	strace $0x90000049  }
0xb2: {  	s29 =	simm.s32 $0x9;
	_ =	strace $0x8000004B  }
0xb3: {  	_ =	swait.ge [sflag:s29], $0x1  }
0xb4: {  	[sflag:s29] =	ssyncadd.s32 $0xFFFFFFFF  }
0xb5: {  	_ =	strace $0x9000004B  }
0xb6: {  	_ =	sfence  }
0xb7: {  	s30 =	sld [smem:$0x0];
	_ =	sdelay $0x2  }
0xb8: {  	s31 =	sshll.u32 s1, $0xD;
	s1 =	sshrl.u32 s1, $0x2  }
0xb9: {  	s3 =	sand.u32 $0x4000, s31;
	s1 =	sadd.s32 s1, s30  }
0xba: {  	s0 =	sor.u32 s3, s0;
	s1 =	sshll.u32 s1, $0x11  }
0xbb: {  	s0 =	sor.u32 s1, s0  }
0xbc: {  	s0 =	sadd.s32 $0x8F2B, s0  }
0xbd: {  	[sflag:s0] =	ssyncadd.remote.s32 $0x1  }
0xbe: {  	_ =	sfence.sel $0xFFFF  }
0xbf: {  	[dreg:$0x0] =	wrdreg $0xFFFFFFFF;
	(pc) =	sbr.abs _section_cstart, $3  }
0xc0: {  	[dreg:$0x1] =	wrdreg $0xFFFFFFFF  }
0xc1: {  	_ =	task.clear_ibuf [dreg:s6], $0x2FFFF;
	_ =	strace $0x9FFFFFFF  }
0xc2: {  	(tm) =	ssettm $0x7FFFFFFF  }
0xc3: {  	_ =	shalt  }
tec
execute0_lowered:
.L_overlay_start_1:
0x0: {  	(tag) =	ssettag $0x1  }
0x1: {  	s0 =	srdreg.scid;
	s6 =	rddreg [dreg:$0x0]  }
0x2: {  	s14 =	stileid.u32;
	s2 =	rddreg [dreg:$0x1];
	s3 =	simm.s32 $0x0  }
0x3: {  	s30 =	simm.s32 $0x1;
	s31 =	simm.s32 $0x9;
	s7 =	smul.u32 $0xA000, s14  }
0x4: {  	s0 =	sand.u32 $0x1, s0;
	s1 =	sshll.u32 s14, $0x1;
	s20 =	smul.u32 $0x1388, s14  }
0x5: {  	[smem:$0x7FF] =	sst s3;
	s19 =	sshll.u32 s14, $0x6;
	s5 =	smul.u32 $0xA0000, s0  }
0x6: {  	s1 =	sor.u32 s0, s1;
	s12 =	ssub.s32 $0x2, s0;
	s0 =	smul.u32 $0x9C4, s0  }
0x7: {  	_ =	strace $0x8000004A;
	s1 =	smul.u32 $0x9C4, s1;
	s13 =	sshrl.u32 s12, $0x1  }
0x8: {  	s18 =	sadd.s32 s7, s5;
	s5 =	sadd.s32 $0x2B000, s6;
	s12 =	ssub.s32 s12, s13  }
0x9: {  	s0 =	sadd.s32 s0, s20;
	s8 =	sshrl.u32 s1, $0x5;
	s1 =	sadd.s32 $0x9C4, s1  }
0xa: {  	s0 =	sshrl.u32 s0, $0x5;
	s20 =	smax.u32 s12, $0x1;
	s4 =	sand.u32 $0xFF8, s8  }
0xb: {  	s1 =	sshrl.u32 s1, $0x5;
	s22 =	sand.u32 $0x1FF8, s0;
	s9 =	smin.u32 s4, $0x96C  }
0xc: {  	s0 =	sshll.u32 s0, $0x9;
	s4 =	sadd.s32 $0x17600, s6;
	s10 =	sshll.u32 s9, $0x4  }
0xd: {  	s9 =	ssub.s32 s8, s9;
	s8 =	ssub.s32 s1, s8;
	s1 =	smin.u32 s22, $0x96C  }
0xe: {  	s22 =	simm.s32 $0x5800;
	s11 =	sadd.s32 s10, s6;
	s10 =	sshrl.u32 s18, $0x3  }
0xf: {  	s21 =	sshll.u32 s9, $0x9;
	s1 =	sshll.u32 s1, $0x9;
	p1 =	seq.s32 s8, $0x1  }
0x10: {  	p4 =	seq.s32 s8, $0x5;
	s15 =	sadd.s32 s10, s6;
	s0 =	ssub.s32 s0, s1  }
0x11: {  	s6 =	sadd.s32 s7, s2;
	s1 =	sadd.s32 $0x1000, s0;
	s0 =	sadd.s32 $0x200, s0  }
0x12: {  	s7 =	sor.u32 $0x1C11, s19;
	s9 =	sadd.s32 $0xD800, s11;
	s0 =	sshra.s32 s0, $0x2  }
0x13: {  	s10 =	sshra.s32 s21, $0x2;
	s11 =	sadd.s32 $0x3A00, s11;
	s0 =	sadd.s32 $0x2C00, s0  }
0x14: {  	p0 =	slt.u32 @!p1 s8, $0x3;
	[dreg:$0x8] =	wrdreg s0;
	s0 =	simm.s32 @!p1 $0x0  }
0x15: {  	s21 =	simm.s32 $0x2C00;
	p2 =	por p1, p0;
	s0 =	simm.s32 @p1 $0x1  }
0x16: {  	p0 =	slt.u32 @!p4 s8, $0x7;
	[smem:$0x7F4] =	sst s0;
	s0 =	simm.s32 @!p2 $0x0  }
0x17: {  	p3 =	por p0, p4;
	p1 =	seq.s32 @!p2 s8, $0x3;
	s0 =	simm.s32 @p2 $0x1  }
0x18: {  	p5 =	por p2, p1;
	[smem:$0x7F5] =	sst s0;
	s0 =	simm.s32 @!p3 $0x0  }
0x19: {  	p1 =	seq.s32 @!p3 s8, $0x7;
	s0 =	simm.s32 @p3 $0x1;
	p3 =	slt.u32 @!p5 s8, $0x5  }
0x1a: {  	s14 =	sadd.s32 $0x80, s10;
	s17 =	sadd.s32 $0x100, s10;
	p3 =	por p5, p3  }
0x1b: {  	p2 =	por @!p4 p1, p0;
	[smem:$0x7F6] =	sst s0;
	s0 =	simm.s32 @!p3 $0x0  }
0x1c: {  	s23 =	sadd.s32 $0x180, s10;
	p2 =	por p2, p4;
	s0 =	simm.s32 @p3 $0x1  }
0x1d: {  	p1 =	por @!p4 !p1, p0;
	[smem:$0x7F7] =	sst s0;
	s0 =	simm.s32 @!p2 $0x0  }
0x1e: {  	s24 =	sadd.s32 $0x200, s10;
	p1 =	por !p1, p4;
	s0 =	simm.s32 @p2 $0x1  }
0x1f: {  	s25 =	sadd.s32 $0x280, s10;
	[smem:$0x7F8] =	sst s0;
	s0 =	simm.s32 @!p1 $0x0  }
0x20: {  	s26 =	sadd.s32 $0x300, s10;
	[dreg:$0x3] =	wrdreg s24;
	s0 =	simm.s32 @p1 $0x1  }
0x21: {  	s29 =	sadd.s32 $0x380, s10;
	[smem:$0x7F9] =	sst s0;
	s0 =	simm.s32 @!p4 $0x0  }
0x22: {  	[dreg:$0x4] =	wrdreg s25;
	p0 =	por !p0, p4;
	s0 =	simm.s32 @p4 $0x1  }
0x23: {  	s19 =	sadd.s32 $0x2C400, s15;
	[smem:$0x7FA] =	sst s0;
	s0 =	simm.s32 @!p0 $0x0  }
0x24: {  	[dreg:$0x5] =	wrdreg s26;
	s0 =	simm.s32 @p0 $0x1;
	p0 =	slt.s32 s8, $0x1  }
.Ltmp0:
0x25: {  	[smem:$0x7FB] =	sst s0;
	s0 =	simm.s32 @!p0 $0x0;
	(pc) =	sbr.rel .LBB2_1-.Ltmp0, $4  }
0x26: {  	s28 =	sadd.s32 $0x2C00, s10;
	[dreg:$0x6] =	wrdreg s29;
	s0 =	simm.s32 @p0 $0x1  }
0x27: {  	s1 =	sshra.s32 s1, $0x2;
	[smem:$0x7FC] =	sst s0;
	s0 =	simm.s32 @!p5 $0x0  }
0x28: {  	s24 =	simm.s32 $0x11;
	[dreg:$0x7] =	wrdreg s1;
	s0 =	simm.s32 @p5 $0x1  }
0x29: {  	s26 =	simm.s32 $0x80;
	s1 =	simm.s32 $0x0;
	[smem:$0x7FD] =	sst s0  }
.LBB2_22:
0x2a: {  	s12 =	simm.s32 $0x10  }
0x2b: {  	_ =	swait.ge [sflag:s12], $0x2000  }
0x2c: {  	[sflag:s12] =	ssyncset.done $0x0  }
0x2d: {  	[sflag:s12] =	ssyncadd.s32 $0xFFFFE000  }
.LBB2_23:
0x2e: {  	s1 =	sadd.s32 $0x1, s1  }
0x2f: {  	p0 =	sne.s32 s1, s20  }
.Ltmp1:
0x30: {  	[bflag:$0x0] =	sbarrier.arrive $0xFFFF;
	(pc) =	sbr.rel @!p0 .LBB2_24-.Ltmp1, $4  }
0x31: {  	[hbm:s19], [sflag:s7] =	dma.local [spmem:s0], $0x1400  }
0x32: {  	_ =	swait.ge [sflag:s24], $0x1400  }
0x33: {  	[sflag:s24] =	ssyncset.done $0x0  }
0x34: {  	[sflag:s24] =	ssyncadd.s32 $0xFFFFEC00  }
.LBB2_1:
0x35: {  	s0 =	sshrl.u32 s6, $0x3  }
0x36: {  	[spmem:s0], [sflag:s7] =	dma.local [hbm:s5], $0x1400  }
0x37: {  	_ =	swait.ge [sflag:s24], $0x1400  }
0x38: {  	[sflag:s24] =	ssyncset.done $0x0  }
0x39: {  	[sflag:s24] =	ssyncadd.s32 $0xFFFFEC00  }
0x3a: {  	[tilespmem:s3], [sflag:$0x11] =	stream.linear.gather [hbm4b:s9+s3], $0x2C00, $0x38;
	[tilespmem:$0x1F800] =	vst v63  }
0x3b: {  	_ =	swait.ge [sflag:s24], $0x2C00  }
0x3c: {  	[sflag:s24] =	ssyncset.done $0x0  }
0x3d: {  	[sflag:s24] =	ssyncadd.s32 $0xFFFFD400  }
0x3e: {  	[tilespmem:s21], [sflag:$0x11] =	stream.linear.gather [hbm4b:s11+s3], $0x2C00, $0x38;
	[tilespmem:$0x1F800] =	vst v63  }
0x3f: {  	_ =	swait.ge [sflag:s24], $0x2C00  }
0x40: {  	[sflag:s24] =	ssyncset.done $0x0  }
0x41: {  	[sflag:s24] =	ssyncadd.s32 $0xFFFFD400  }
0x42: {  	[bflag:$0x0] =	sbarrier.arrive $0xFFFF  }
0x43: {  	s12 =	sld [smem:$0x7FC];
	_ =	sdelay $0x2  }
0x44: {  	p0 =	seq.s32 s12, $0x1  }
.Ltmp2:
0x45: {  	_ = 	snop;
	(pc) =	sbr.rel @p0 .LBB2_23-.Ltmp2, $1  }
0x46: {  	_ =	sdelay $0x3  }
0x47: {  	s12 =	sld [smem:$0x7F4]  }
0x48: {  	s29 =	sld [smem:$0x7F7]  }
0x49: {  	[tilespmem:s22], [sflag:$0x1] =	stream.indirect.gather [hbm4b:s4+s26], $0x40, s10, s26, $0xb8;
	[tilespmem:$0x1F800] =	vst v63  }
0x4a: {  	s25 =	sld [smem:$0x7F5];
	p3 =	seq.s32 s12, $0x1  }
0x4b: {  	p0 =	seq.s32 s29, $0x1;
	s12 =	simm.s32 @!p3 $0x80;
	s13 =	simm.s32 @!p3 $0x7800  }
0x4c: {  	[tilespmem:s13], [sflag:$0x2] =	stream.indirect.gather @!p3 [hbm4b:s4+s12], $0x40, s14, s12, $0xb8;
	[tilespmem:$0x1F800] =	vst v63  }
.Ltmp3:
0x4d: {  	p2 =	seq.s32 s25, $0x1;
	(pc) =	sbr.rel @p0 .LBB2_3-.Ltmp3, $4  }
0x4e: {  	s12 =	simm.s32 @!p2 $0x80;
	s13 =	simm.s32 @!p2 $0x9800  }
0x4f: {  	[tilespmem:s13], [sflag:$0x3] =	stream.indirect.gather @!p2 [hbm4b:s4+s12], $0x40, s17, s12, $0xb8;
	[tilespmem:$0x1F800] =	vst v63  }
0x50: {  	s12 =	simm.s32 @!p5 $0x80;
	s13 =	simm.s32 @!p5 $0xB800  }
0x51: {  	[tilespmem:s13], [sflag:$0x4] =	stream.indirect.gather @!p5 [hbm4b:s4+s12], $0x40, s23, s12, $0xb8;
	[tilespmem:$0x1F800] =	vst v63  }
0x52: {  	s12 =	rddreg [dreg:$0x3];
	s13 =	simm.s32 $0xD800  }
0x53: {  	[tilespmem:s13], [sflag:$0x5] =	stream.indirect.gather [hbm4b:s4+s26], $0x40, s12, s26, $0xb8;
	[tilespmem:$0x1F800] =	vst v63  }
0x54: {  	s13 =	sld [smem:$0x7FA];
	_ =	sdelay $0x1  }
0x55: {  	s15 =	rddreg [dreg:$0x4]  }
0x56: {  	s16 =	sld [smem:$0x7F8];
	p4 =	seq.s32 s13, $0x1  }
0x57: {  	s18 =	sld [smem:$0x7F9];
	s12 =	simm.s32 @!p4 $0x80;
	s13 =	simm.s32 @!p4 $0xF800  }
0x58: {  	[tilespmem:s13], [sflag:$0x6] =	stream.indirect.gather @!p4 [hbm4b:s4+s12], $0x40, s15, s12, $0xb8;
	[tilespmem:$0x1F800] =	vst v63  }
0x59: {  	s15 =	sld [smem:$0x7F6];
	_ =	sdelay $0x1  }
0x5a: {  	s25 =	sld [smem:$0x7FB]  }
0x5b: {  	p1 =	seq.s32 s16, $0x1;
	p2 =	seq.s32 s18, $0x1;
	p0 =	seq.s32 s15, $0x1  }
0x5c: {  	s15 =	rddreg [dreg:$0x5];
	s12 =	simm.s32 @!p0 $0x80;
	s13 =	simm.s32 @!p0 $0x11800  }
0x5d: {  	[tilespmem:s13], [sflag:$0x7] =	stream.indirect.gather @!p0 [hbm4b:s4+s12], $0x40, s15, s12, $0xb8;
	[tilespmem:$0x1F800] =	vst v63  }
0x5e: {  	s12 =	simm.s32 @!p1 $0x80;
	s13 =	simm.s32 @!p1 $0x13800;
	s15 =	rddreg [dreg:$0x6]  }
0x5f: {  	[tilespmem:s13], [sflag:$0x8] =	stream.indirect.gather @!p1 [hbm4b:s4+s12], $0x40, s15, s12, $0xb8;
	[tilespmem:$0x1F800] =	vst v63  }
0x60: {  	p6 =	seq.s32 s25, $0x1;
	p3 =	por @!p0 $0x1, $0x1;
	p1 =	por @!p1 $0x1, $0x1  }
0x61: {  	p5 =	por @!p4 $0x0, $0x0;
	p0 =	por @!p0 $0x0, $0x0;
	p3 =	por @!p2 p1, p1  }
0x62: {  	p0 =	por @!p2 p1, p1;
	p1 =	por @!p4 $0x1, $0x1;
	p2 =	por p3, p3  }
0x63: {  	p0 =	por @!p6 p5, p5;
	p2 =	por @!p6 p1, p1;
	p1 =	por $0x0, $0x0  }
0x64: {  	s29 =	sld [smem:$0x7F4];
	p3 =	por @!p6 p5, p5;
	p1 =	por @!p4 p0, p0  }
0x65: {  	p5 =	por $0x1, $0x1;
	p6 =	por $0x1, $0x1;
	s12 =	simm.s32 @!p1 $0x0  }
.Ltmp4:
0x66: {  	s12 =	simm.s32 @p1 $0x1;
	p1 =	por $0x0, $0x0;
	(pc) =	sbr.rel .LBB2_5-.Ltmp4, $4  }
0x67: {  	p0 =	por $0x1, $0x1;
	p5 =	por @!p4 p2, p2;
	p1 =	por @!p4 p2, p2  }
0x68: {  	p6 =	por @!p4 p2, p2;
	[smem:$0x7F2] =	sst s12;
	s12 =	simm.s32 @!p1 $0x0  }
0x69: {  	p0 =	por @!p4 p2, p2;
	s12 =	simm.s32 @p1 $0x1;
	p1 =	por $0x0, $0x0  }
0x6a: {  	[smem:$0x7F3] =	sst s12;
	p1 =	por @!p4 p3, p3;
	p3 =	seq.s32 s29, $0x1  }
.LBB2_3:
0x6b: {  	p4 =	por p5, p5;
	p0 =	por @!p3 $0x0, $0x0;
	p5 =	por $0x0, $0x0  }
0x6c: {  	p5 =	por @!p3 p0, p0  }
0x6d: {  	p0 =	por @!p2 $0x0, $0x0;
	p1 =	por p5, p5  }
0x6e: {  	p6 =	por @!p2 $0x1, $0x1;
	p1 =	por @!p2 p0, p0  }
0x6f: {  	p5 =	por @!p2 p6, p6;
	p2 =	por @!p4 $0x0, $0x0;
	p0 =	por p1, p1  }
0x70: {  	p0 =	por @!p4 p2, p2  }
0x71: {  	p6 =	por p1, p1;
	s12 =	simm.s32 @!p0 $0x0  }
0x72: {  	p6 =	por @!p4 p2, p2;
	s12 =	simm.s32 @p0 $0x1  }
0x73: {  	[smem:$0x7F2] =	sst s12;
	s12 =	simm.s32 @!p6 $0x0  }
0x74: {  	p0 =	por p1, p1;
	s12 =	simm.s32 @p6 $0x1;
	p6 =	por @!p4 $0x1, $0x1  }
0x75: {  	p0 =	por @!p4 p6, p6;
	p5 =	por @!p4 p6, p6;
	p6 =	por p1, p1  }
0x76: {  	[smem:$0x7F3] =	sst s12;
	p1 =	por @!p4 p2, p2;
	p6 =	por @!p4 p2, p2  }
.LBB2_5:
.Ltmp5:
0x77: {  	(pc) =	sbr.rel @p3 .LBB2_9-.Ltmp5, $4  }
0x78: {  	_ =	swait.ge [sflag:s30], $0x2000  }
0x79: {  	[sflag:s30] =	ssyncset.done $0x0  }
0x7a: {  	s12 =	simm.s32 $0x8;
	[sflag:s30] =	ssyncadd.s32 $0xFFFFE000  }
0x7b: {  	[spmem:s2] =	stream.indirect.scatter.add.f32 [tilespmem:s22], [sflag:$0x9], $0x40, s28, s26, $0xb8;
	[tilespmem:$0x1F800] =	vst v63  }
0x7c: {  	s16 =	smov.u32 s17;
	s21 =	smov.u32 s14;
	s13 =	simm.s32 $0x1  }
0x7d: {  	p3 =	sgt.s32 s8, $0x2;
	p2 =	sle.s32 s8, $0x8;
	s13 =	sand.u32 $0x7, s13  }
0x7e: {  	s29 =	simm.s32 $0x9;
	s12 =	sand.u32 @!p2 $0x7, s12;
	s15 =	sadd.s32 $0x1, s13  }
0x7f: {  	s22 =	sshll.u32 s13, $0xD;
	s13 =	sadd.s32 $0x9, s13;
	_ =	swait.ge [sflag:s15], $0x2000  }
0x80: {  	s18 =	sadd.s32 @!p2 $0x9, s12;
	s17 =	sadd.s32 $0x5800, s22;
	[sflag:s15] =	ssyncset.done $0x0  }
.Ltmp6:
0x81: {  	s25 =	rddreg [dreg:$0x8];
	[sflag:s15] =	ssyncadd.s32 $0xFFFFE000;
	(pc) =	sbr.rel @!p3 .LBB2_8-.Ltmp6, $4  }
0x82: {  	[spmem:s2] =	stream.indirect.scatter.add.f32 [tilespmem:s17], [sflag:s13], $0x40, s25, s26, $0xb8;
	[tilespmem:$0x1F800] =	vst v63  }
0x83: {  	s13 =	sshll.u32 @!p2 s12, $0xD;
	s17 =	sadd.s32 @!p2 $0x1, s12;
	_ =	swait.ge @!p2 [sflag:s18], $0x2000  }
0x84: {  	s25 =	sadd.s32 $0x80, s25;
	s12 =	sadd.s32 @!p2 $0x5800, s13;
	s15 =	rddreg [dreg:$0x7]  }
0x85: {  	s13 =	simm.s32 @!p2 $0x80;
	[sflag:s18] =	ssyncset.done @!p2 $0x0;
	s22 =	smov.u32 s15  }
.LBB2_7:
0x86: {  	s14 =	sadd.s32 $0xFFFFFFFA, s29;
	[sflag:s18] =	ssyncadd.s32 @!p2 $0xFFFFE000;
	s22 =	sadd.s32 $0x80, s22  }
0x87: {  	[tilespmem:s12], [sflag:s17] =	stream.indirect.gather @!p2 [hbm4b:s4+s13], $0x40, s15, s13, $0xb8;
	[tilespmem:$0x1F800] =	vst v63  }
0x88: {  	s12 =	sadd.s32 $0xFFFFFFF9, s29;
	p3 =	slt.s32 s14, s8;
	s15 =	smov.u32 s22  }
0x89: {  	s12 =	sand.u32 $0x7, s12  }
0x8a: {  	s13 =	sshll.u32 s12, $0xD;
	s14 =	sadd.s32 $0x1, s12  }
0x8b: {  	p2 =	sge.s32 s29, s8;
	_ =	swait.ge [sflag:s14], $0x2000  }
0x8c: {  	s12 =	sadd.s32 $0x9, s12;
	s13 =	sadd.s32 $0x5800, s13;
	[sflag:s14] =	ssyncset.done $0x0  }
.Ltmp7:
0x8d: {  	[sflag:s14] =	ssyncadd.s32 $0xFFFFE000;
	s14 =	sand.u32 @!p2 $0x7, s29;
	(pc) =	sbr.rel @p3 .LBB2_7-.Ltmp7, $4  }
0x8e: {  	[spmem:s2] =	stream.indirect.scatter.add.f32 [tilespmem:s13], [sflag:s12], $0x40, s25, s26, $0xb8;
	[tilespmem:$0x1F800] =	vst v63  }
0x8f: {  	s12 =	sshll.u32 @!p2 s14, $0xD;
	s18 =	sadd.s32 @!p2 $0x9, s14;
	s17 =	sadd.s32 @!p2 $0x1, s14  }
0x90: {  	s25 =	sadd.s32 $0x80, s25;
	s12 =	sadd.s32 @!p2 $0x5800, s12;
	_ =	swait.ge @!p2 [sflag:s18], $0x2000  }
0x91: {  	s29 =	sadd.s32 $0x1, s29;
	s13 =	simm.s32 @!p2 $0x80;
	[sflag:s18] =	ssyncset.done @!p2 $0x0  }
.LBB2_8:
0x92: {  	s29 =	sld [smem:$0x7F4]  }
0x93: {  	[sflag:s18] =	ssyncadd.s32 @!p2 $0xFFFFE000;
	s14 =	smov.u32 s21;
	s21 =	simm.s32 $0x2C00  }
0x94: {  	[tilespmem:s12], [sflag:s17] =	stream.indirect.gather @!p2 [hbm4b:s4+s13], $0x40, s15, s13, $0xb8;
	[tilespmem:$0x1F800] =	vst v63  }
0x95: {  	s22 =	simm.s32 $0x5800;
	s17 =	smov.u32 s16;
	p3 =	seq.s32 s29, $0x1  }
.LBB2_9:
.Ltmp8:
0x96: {  	(pc) =	sbr.rel @!p3 .LBB2_10-.Ltmp8, $4  }
0x97: {  	_ = 	snop  }
0x98: {  	_ =	swait.ge [sflag:s31], $0x2000  }
0x99: {  	[sflag:s31] =	ssyncset.done $0x0  }
0x9a: {  	[sflag:s31] =	ssyncadd.s32 $0xFFFFE000  }
.Ltmp9:
0x9b: {  	(pc) =	sbr.rel @p5 .LBB2_17-.Ltmp9, $1  }
0x9c: {  	_ =	sdelay $0x3  }
.LBB2_11:
.Ltmp10:
0x9d: {  	(pc) =	sbr.rel @!p0 .LBB2_12-.Ltmp10, $1  }
0x9e: {  	_ =	sdelay $0x3  }
.LBB2_18:
0x9f: {  	s12 =	simm.s32 $0xC  }
.Ltmp11:
0xa0: {  	_ =	swait.ge [sflag:s12], $0x2000;
	(pc) =	sbr.rel @p6 .LBB2_19-.Ltmp11, $3  }
0xa1: {  	s29 =	sld [smem:$0x7FD];
	_ =	sdelay $0x1  }
0xa2: {  	[sflag:s12] =	ssyncset.done $0x0  }
0xa3: {  	[sflag:s12] =	ssyncadd.s32 $0xFFFFE000;
	p5 =	seq.s32 s29, $0x1  }
.LBB2_13:
0xa4: {  	s12 =	sld [smem:$0x7F3];
	_ =	sdelay $0x2  }
0xa5: {  	p0 =	seq.s32 s12, $0x1  }
.Ltmp12:
0xa6: {  	_ = 	snop;
	(pc) =	sbr.rel @!p0 .LBB2_14-.Ltmp12, $1  }
0xa7: {  	_ =	sdelay $0x3  }
.LBB2_20:
.Ltmp13:
0xa8: {  	(pc) =	sbr.rel @p1 .LBB2_21-.Ltmp13, $4  }
0xa9: {  	s12 =	simm.s32 $0xE  }
0xaa: {  	_ =	swait.ge [sflag:s12], $0x2000  }
0xab: {  	[sflag:s12] =	ssyncset.done $0x0  }
0xac: {  	[sflag:s12] =	ssyncadd.s32 $0xFFFFE000  }
.LBB2_15:
0xad: {  	s12 =	sld [smem:$0x7F2];
	_ =	sdelay $0x2  }
0xae: {  	p0 =	seq.s32 s12, $0x1  }
.Ltmp14:
0xaf: {  	_ = 	snop;
	(pc) =	sbr.rel @!p0 .LBB2_23-.Ltmp14, $4  }
.Ltmp15:
0xb0: {  	_ = 	snop;
	(pc) =	sbr.rel @p0 .LBB2_22-.Ltmp15, $4  }
0xb1: {  	_ = 	snop  }
0xb2: {  	_ = 	snop  }
0xb3: {  	_ = 	snop  }
0xb4: {  	_ = 	snop  }
.LBB2_10:
.Ltmp16:
0xb5: {  	(pc) =	sbr.rel @!p5 .LBB2_11-.Ltmp16, $4  }
0xb6: {  	s12 =	simm.s32 $0xA  }
0xb7: {  	_ =	swait.ge [sflag:s12], $0x2000  }
0xb8: {  	[sflag:s12] =	ssyncset.done $0x0  }
0xb9: {  	[sflag:s12] =	ssyncadd.s32 $0xFFFFE000  }
.LBB2_17:
.Ltmp17:
0xba: {  	(pc) =	sbr.rel @p0 .LBB2_18-.Ltmp17, $4  }
0xbb: {  	s12 =	simm.s32 $0xB  }
0xbc: {  	_ =	swait.ge [sflag:s12], $0x2000  }
0xbd: {  	[sflag:s12] =	ssyncset.done $0x0  }
0xbe: {  	[sflag:s12] =	ssyncadd.s32 $0xFFFFE000  }
.LBB2_12:
.Ltmp18:
0xbf: {  	(pc) =	sbr.rel @!p6 .LBB2_13-.Ltmp18, $2  }
0xc0: {  	s12 =	sld [smem:$0x7FD];
	_ =	sdelay $0x2  }
0xc1: {  	p5 =	seq.s32 s12, $0x1  }
.LBB2_19:
0xc2: {  	s12 =	simm.s32 $0xD  }
0xc3: {  	_ =	swait.ge [sflag:s12], $0x2000  }
0xc4: {  	s29 =	sld [smem:$0x7F3];
	_ =	sdelay $0x2  }
0xc5: {  	p0 =	seq.s32 s29, $0x1  }
.Ltmp19:
0xc6: {  	_ = 	snop;
	(pc) =	sbr.rel @p0 .LBB2_20-.Ltmp19, $3  }
0xc7: {  	_ =	sdelay $0x1  }
0xc8: {  	[sflag:s12] =	ssyncset.done $0x0  }
0xc9: {  	[sflag:s12] =	ssyncadd.s32 $0xFFFFE000  }
.LBB2_14:
.Ltmp20:
0xca: {  	(pc) =	sbr.rel @!p1 .LBB2_15-.Ltmp20, $1  }
0xcb: {  	_ =	sdelay $0x3  }
.LBB2_21:
0xcc: {  	s12 =	simm.s32 $0xF  }
0xcd: {  	_ =	swait.ge [sflag:s12], $0x2000  }
0xce: {  	s29 =	sld [smem:$0x7F2];
	_ =	sdelay $0x2  }
0xcf: {  	p0 =	seq.s32 s29, $0x1  }
.Ltmp21:
0xd0: {  	_ = 	snop;
	(pc) =	sbr.rel @!p0 .LBB2_23-.Ltmp21, $4  }
.Ltmp22:
0xd1: {  	_ = 	snop;
	(pc) =	sbr.rel @p0 .LBB2_22-.Ltmp22, $4  }
0xd2: {  	_ = 	snop  }
0xd3: {  	[sflag:s12] =	ssyncset.done $0x0  }
0xd4: {  	[sflag:s12] =	ssyncadd.s32 $0xFFFFE000  }
0xd5: {  	_ = 	snop  }
.LBB2_24:
0xd6: {  	_ =	sfence.sel $0x180000  }
0xd7: {  	[bflag:$0x0] =	sbarrier.arrive $0xFFFF  }
0xd8: {  	_ =	strace $0x9000004A  }
0xd9: {  	s0 =	stileid.u32;
	[bflag:$0x2] =	sbarrier.arrive $0xFFFF  }
0xda: {  	p0 =	sne.s32 s0, $0x0;
	s0 =	rddreg [dreg:$0x2]  }
0xdb: {  	s0 =	sadd.s32 @!p0 $0x100000, s0  }
0xdc: {  	[sflag:s0] =	ssyncadd.tile.s32 @!p0 $0x1;
	_ =	shalt  }
.Lfunc_end2:
_tile_overlayer_lowered:
.L_overlay_start_2:
0xdd: {  	(tag) =	ssettag $0x2  }
0xde: {  	s0 =	rddreg [dreg:$0x0];
	s2 =	stileid.u32  }
0xdf: {  	s1 =	rddreg [dreg:$0x1];
	p0 =	sne.s32 s2, $0x0  }
0xe0: {  	s3 =	rddreg [dreg:$0x2];
	[bflag:$0x3] =	sbarrier.arrive $0xFFFF;
	s2 =	simm.s32 @!p0 $0x1C11  }
0xe1: {  	[timem:s3], [sflag:s2] =	dma.local @!p0 [hbm:s0], s1  }
0xe2: {  	s0 =	simm.s32 @!p0 $0x11  }
0xe3: {  	_ =	swait.ge @!p0 [sflag:s0], s1  }
0xe4: {  	s1 =	ssub.s32 @!p0 $0x0, s1;
	[sflag:s0] =	ssyncset.done @!p0 $0x0  }
0xe5: {  	[sflag:s0] =	ssyncadd.s32 @!p0 s1  }
0xe6: {  	[bflag:$0x3] =	sbarrier.arrive $0xFFFF  }
0xe7: {  	_ =	shalt  }

// kernel: kernel.15.cloned.1.call-start
scs
__scs_entry_jumppad:
0x0: {  	(pc) =	sbr.rel $0x88, $3  }
0x1: {  	(tag) =	ssettag $0x0;
	lr =	simm.s32 $0x1  }
0x2: {  	[smem:$0x3F98] =	sst lr;
	_ =	strace $0xD0000000  }
0x3: {  	_ = 	snop  }
0x4: {  	_ = 	snop  }
0x5: {  	_ = 	snop  }
0x6: {  	_ = 	snop  }
0x7: {  	_ = 	snop  }
__scs_overlays_trampoline_lowered:
0x8: {  	[smem:$0x3FA7] =	sst s0  }
0x9: {  	[smem:$0x3FA8] =	sst s1  }
0xa: {  	[smem:$0x3FA9] =	sst s2  }
0xb: {  	[smem:$0x3FAA] =	sst s3  }
0xc: {  	[smem:$0x3FAB] =	sst s4  }
0xd: {  	[smem:$0x3FAC] =	sst s5  }
0xe: {  	[smem:$0x3FAD] =	sst s6  }
0xf: {  	[smem:$0x3FAE] =	sst s7  }
0x10: {  	[smem:$0x3FAF] =	sst s8  }
0x11: {  	[smem:$0x3FB0] =	sst s9;
	s0 =	simm.s32 @!p0 $0x0  }
0x12: {  	s1 =	sld [smem:$0x3F96];
	s0 =	simm.s32 @p0 $0x1  }
0x13: {  	[smem:$0x3FB1] =	sst s0;
	s0 =	simm.s32 @!p1 $0x0  }
0x14: {  	s2 =	sld [smem:$0x3F95];
	s0 =	simm.s32 @p1 $0x1  }
0x15: {  	[smem:$0x3FB2] =	sst s0;
	s0 =	simm.s32 @!p2 $0x0  }
0x16: {  	s3 =	sld [smem:$0x3FDB];
	s0 =	simm.s32 @p2 $0x1  }
0x17: {  	s4 =	simm.s32 $0x1BF5;
	[smem:$0x3FB4] =	sst s0  }
0x18: {  	s0 =	sld [smem:$0x3F97];
	_ =	swait.ge [sflag:s4], $0x0  }
0x19: {  	s7 =	sld [smem:$0x3F98]  }
0x1a: {  	s8 =	sadd.s32 $0xFFFFE003, lr  }
0x1b: {  	s9 =	sadd.s32 $0xFFFFFEF7, lr;
	s5 =	simm.s32 $0xFFFFFFFF;
	p2 =	slt.u32 s8, $0xFFFFF086  }
0x1c: {  	p1 =	slt.u32 s9, $0xF7A;
	s5 =	simm.s32 @!p2 $0x0  }
0x1d: {  	s5 =	simm.s32 @p1 $0x1;
	p0 =	seq.s32 s7, s2  }
0x1e: {  	s7 =	smul.u32 @!p0 $0xF7A, s2;
	p2 =	seq.s32 @!p0 s5, $0x0  }
0x1f: {  	s9 =	smul.u32 $0xF7A, s1;
	s8 =	simm.s32 @!p0 $0x1BF5;
	p2 =	por !p2, p0  }
0x20: {  	[sflag:s8] =	ssyncset.s32 @!p0 $0xFFFFF086;
	s6 =	sadd.s32 @!p0 s3, s7;
	s7 =	simm.s32 @!p0 $0x108  }
0x21: {  	s3 =	sadd.s32 s3, s9;
	s6 =	sadd.s32 @!p0 $0x88, s6;
	s7 =	simm.s32 @p2 $0x1082  }
0x22: {  	[simem:s7], [sflag:s8] =	dma.local @!p0 [hbm:s6], $0xF7A  }
0x23: {  	s9 =	sor.u32 $0xD0000000, s2;
	s6 =	simm.s32 $0x108;
	_ =	swait.ge @!p0 [sflag:s8], $0x0  }
0x24: {  	s3 =	sadd.s32 $0x88, s3;
	s6 =	simm.s32 @!p1 $0x1082;
	[sflag:s4] =	ssyncset.s32 $0xFFFFF086  }
0x25: {  	[simem:s6], [sflag:s4] =	dma.local [hbm:s3], $0xF7A  }
0x26: {  	[smem:$0x3F98] =	sst s1;
	(tag) =	ssettag s2;
	_ =	strace s9  }
0x27: {  	s1 =	sld [smem:$0x3FA8]  }
0x28: {  	s2 =	sld [smem:$0x3FA9]  }
0x29: {  	s4 =	sld [smem:$0x3FAB]  }
0x2a: {  	p0 =	seq.s32 s5, $0x0;
	s5 =	sld [smem:$0x3FAC]  }
0x2b: {  	s6 =	sld [smem:$0x3FAD]  }
0x2c: {  	s7 =	sld [smem:$0x3FAE]  }
0x2d: {  	s3 =	simm.s32 $0x108;
	s8 =	sld [smem:$0x3FAF]  }
0x2e: {  	s3 =	simm.s32 @!p0 $0x1082;
	s9 =	sld [smem:$0x3FB0]  }
0x2f: {  	lr =	sadd.s32 s0, s3;
	s0 =	sld [smem:$0x3FA7]  }
0x30: {  	s3 =	sld [smem:$0x3FAA]  }
0x31: {  	[smem:$0x3FB3] =	sst s10  }
0x32: {  	s10 =	sld [smem:$0x3FB1];
	_ =	sdelay $0x3  }
0x33: {  	p0 =	seq.s32 s10, $0x1;
	s10 =	sld [smem:$0x3FB3];
	_ =	sdelay $0x3  }
0x34: {  	[smem:$0x3FB3] =	sst s10  }
0x35: {  	s10 =	sld [smem:$0x3FB2];
	_ =	sdelay $0x3  }
0x36: {  	p1 =	seq.s32 s10, $0x1;
	s10 =	sld [smem:$0x3FB3];
	_ =	sdelay $0x3  }
0x37: {  	[smem:$0x3FB3] =	sst s10  }
0x38: {  	s10 =	sld [smem:$0x3FB4]  }
0x39: {  	_ = 	snop;
	(pc) =	sbr.ind lr, $3  }
0x3a: {  	_ = 	snop  }
0x3b: {  	_ = 	snop  }
0x3c: {  	p2 =	seq.s32 s10, $0x1;
	s10 =	sld [smem:$0x3FB3]  }
0x3d: {  	_ =	shalt  }
0x3e: {  	_ =	shalt  }
0x3f: {  	_ =	shalt  }
0x40: {  	_ =	shalt  }
0x41: {  	_ =	shalt  }
0x42: {  	_ =	shalt  }
0x43: {  	_ =	shalt  }
0x44: {  	_ =	shalt  }
0x45: {  	_ =	shalt  }
0x46: {  	_ =	shalt  }
0x47: {  	_ =	shalt  }
0x48: {  	_ =	shalt  }
0x49: {  	_ =	shalt  }
0x4a: {  	_ =	shalt  }
0x4b: {  	_ =	shalt  }
0x4c: {  	_ =	shalt  }
0x4d: {  	_ =	shalt  }
0x4e: {  	_ =	shalt  }
0x4f: {  	_ =	shalt  }
0x50: {  	_ =	shalt  }
0x51: {  	_ =	shalt  }
0x52: {  	_ =	shalt  }
0x53: {  	_ =	shalt  }
0x54: {  	_ =	shalt  }
0x55: {  	_ =	shalt  }
0x56: {  	_ =	shalt  }
0x57: {  	_ =	shalt  }
0x58: {  	_ =	shalt  }
0x59: {  	_ =	shalt  }
0x5a: {  	_ =	shalt  }
0x5b: {  	_ =	shalt  }
0x5c: {  	_ =	shalt  }
0x5d: {  	_ =	shalt  }
0x5e: {  	_ =	shalt  }
0x5f: {  	_ =	shalt  }
0x60: {  	_ =	shalt  }
0x61: {  	_ =	shalt  }
0x62: {  	_ =	shalt  }
0x63: {  	_ =	shalt  }
0x64: {  	_ =	shalt  }
0x65: {  	_ =	shalt  }
0x66: {  	_ =	shalt  }
0x67: {  	_ =	shalt  }
0x68: {  	_ =	shalt  }
0x69: {  	_ =	shalt  }
0x6a: {  	_ =	shalt  }
0x6b: {  	_ =	shalt  }
0x6c: {  	_ =	shalt  }
0x6d: {  	_ =	shalt  }
0x6e: {  	_ =	shalt  }
0x6f: {  	_ =	shalt  }
0x70: {  	_ =	shalt  }
0x71: {  	_ =	shalt  }
0x72: {  	_ =	shalt  }
0x73: {  	_ =	shalt  }
0x74: {  	_ =	shalt  }
0x75: {  	_ =	shalt  }
0x76: {  	_ =	shalt  }
0x77: {  	_ =	shalt  }
0x78: {  	_ =	shalt  }
0x79: {  	_ =	shalt  }
0x7a: {  	_ =	shalt  }
0x7b: {  	_ =	shalt  }
0x7c: {  	_ =	shalt  }
0x7d: {  	_ =	shalt  }
0x7e: {  	_ =	shalt  }
0x7f: {  	_ =	shalt  }
0x80: {  	_ =	shalt  }
0x81: {  	_ =	shalt  }
0x82: {  	_ =	shalt  }
0x83: {  	_ =	shalt  }
0x84: {  	_ =	shalt  }
0x85: {  	_ =	shalt  }
0x86: {  	_ =	shalt  }
0x87: {  	_ =	shalt  }
.Lfunc_end0:
.L_simem_size_0:
called_computation.2_lowered:
.L_overlay_start_0:
0x88: {  	s2 =	sld [smem:$0x3FD9]  }
0x89: {  	s3 =	sld [smem:$0x3FFE];
	_ =	sdelay $0x1  }
0x8a: {  	s1 =	srdreg.scid  }
0x8b: {  	s0 =	sand.u32 $0x1, s1  }
0x8c: {  	s16 =	sshll.u32 s0, $0xA;
	s2 =	sadd.s32 s3, s2  }
0x8d: {  	s2 =	sadd.s32 s2, s16  }
0x8e: {  	[smem:$0x3FBF] =	sst s2  }
0x8f: {  	_ = 	snop  }
0x90: {  	(tm) =	ssettm $0x1  }
0x91: {  	s17 =	sld [smem:$0x3FFB];
	_ =	sdelay $0x3  }
0x92: {  	_ =	strace s17  }
0x93: {  	s2 =	sld [smem:$0x3FFC];
	_ =	sdelay $0x3  }
0x94: {  	_ =	strace s2  }
0x95: {  	s2 =	sld [smem:$0x3FFD];
	_ =	sdelay $0x3  }
0x96: {  	_ =	strace s2  }
0x97: {  	_ =	strace $0x8FFFFFFF  }
0x98: {  	s18 =	sld [smem:$0x3FDB];
	_ =	sdelay $0x1  }
0x99: {  	s19 =	simm.s32 $_scs_section_size  }
0x9a: {  	s4 =	simm.s32 $_size__tile_overlayer_lowered;
	s5 =	simm.s32 $_tile_overlayer_lowered  }
0x9b: {  	s22 =	simm.s32 $0x1BFF;
	s21 =	sshll.u32 s5, $0x1;
	s2 =	sadd.s32 s19, s18  }
0x9c: {  	s6 =	simm.s32 $0x0;
	s20 =	sshll.u32 s4, $0x1;
	s4 =	sadd.s32 s21, s2  }
0x9d: {  	[timem:s6], [sflag:s22] =	dma.local [hbm:s4], s20  }
0x9e: {  	_ =	swait.ge [sflag:s22], s20  }
0x9f: {  	s3 =	ssub.s32 $0x0, s20;
	[sflag:s22] =	ssyncset.done $0x0  }
0xa0: {  	[sflag:s22] =	ssyncadd.s32 s3;
	_ =	sdelay $0x1  }
0xa1: {  	s23 =	simm.s32 $0x1B8B  }
0xa2: {  	_ =	swait.ge [sflag:s23], $0x1  }
0xa3: {  	[sflag:s23] =	ssyncset.done $0x0  }
0xa4: {  	s25 =	simm.s32 $0x1B8E;
	s24 =	sld [smem:$0x3FFE];
	[sflag:s23] =	ssyncadd.s32 $0xFFFFFFFF  }
0xa5: {  	s26 =	simm.s32 $execute0_lowered;
	[smem:$0x3FD2] =	sst s25  }
0xa6: {  	s4 =	sshll.u32 s26, $0x1;
	_ =	strace $0x8000004C;
	[dreg:$0x1] =	wrdreg $0xFFFFFFFF  }
0xa7: {  	s28 =	simm.s32 $_size_execute0_lowered;
	s2 =	sadd.s32 s2, s4;
	[dreg:$0x0] =	wrdreg $0x0  }
0xa8: {  	s4 =	sshll.u32 s28, $0x1;
	[dreg:$0x2] =	wrdreg s2  }
0xa9: {  	[dreg:$0x3] =	wrdreg s4  }
0xaa: {  	[dreg:$0x4] =	wrdreg $0xC0  }
0xab: {  	_ =	task [dreg:s6], $0x5FFFF  }
0xac: {  	[dreg:$0x1] =	wrdreg $0xFFFFFFFF  }
0xad: {  	[dreg:$0x0] =	wrdreg $0x60  }
0xae: {  	[dreg:$0x2] =	wrdreg s24  }
0xaf: {  	[dreg:$0x3] =	wrdreg $0x158000  }
0xb0: {  	[dreg:$0x4] =	wrdreg $0x9  }
0xb1: {  	_ =	task.clear_ibuf [dreg:s6], $0x5FFFF;
	_ =	strace $0x9000004C  }
0xb2: {  	s29 =	simm.s32 $0x9;
	_ =	strace $0x8000004E  }
0xb3: {  	_ =	swait.ge [sflag:s29], $0x1  }
0xb4: {  	[sflag:s29] =	ssyncadd.s32 $0xFFFFFFFF  }
0xb5: {  	_ =	strace $0x9000004E  }
0xb6: {  	_ =	sfence  }
0xb7: {  	s30 =	sld [smem:$0x0];
	_ =	sdelay $0x2  }
0xb8: {  	s31 =	sshll.u32 s1, $0xD;
	s1 =	sshrl.u32 s1, $0x2  }
0xb9: {  	s3 =	sand.u32 $0x4000, s31;
	s1 =	sadd.s32 s1, s30  }
0xba: {  	s0 =	sor.u32 s3, s0;
	s1 =	sshll.u32 s1, $0x11  }
0xbb: {  	s0 =	sor.u32 s1, s0  }
0xbc: {  	s0 =	sadd.s32 $0x8F2B, s0  }
0xbd: {  	[sflag:s0] =	ssyncadd.remote.s32 $0x1  }
0xbe: {  	_ =	sfence.sel $0xFFFF  }
0xbf: {  	[dreg:$0x0] =	wrdreg $0xFFFFFFFF;
	(pc) =	sbr.abs _section_cstart, $3  }
0xc0: {  	[dreg:$0x1] =	wrdreg $0xFFFFFFFF  }
0xc1: {  	_ =	task.clear_ibuf [dreg:s6], $0x2FFFF;
	_ =	strace $0x9FFFFFFF  }
0xc2: {  	(tm) =	ssettm $0x7FFFFFFF  }
0xc3: {  	_ =	shalt  }
tec
execute0_lowered:
.L_overlay_start_1:
0x0: {  	(tag) =	ssettag $0x1  }
0x1: {  	s0 =	srdreg.scid;
	s6 =	rddreg [dreg:$0x0]  }
0x2: {  	s14 =	stileid.u32;
	s2 =	rddreg [dreg:$0x1];
	s3 =	simm.s32 $0x0  }
0x3: {  	s30 =	simm.s32 $0x1;
	s31 =	simm.s32 $0x9;
	s7 =	smul.u32 $0xA000, s14  }
0x4: {  	s0 =	sand.u32 $0x1, s0;
	s1 =	sshll.u32 s14, $0x1;
	s20 =	smul.u32 $0x1388, s14  }
0x5: {  	[smem:$0x7FF] =	sst s3;
	s19 =	sshll.u32 s14, $0x6;
	s5 =	smul.u32 $0xA0000, s0  }
0x6: {  	s1 =	sor.u32 s0, s1;
	s12 =	ssub.s32 $0x2, s0;
	s0 =	smul.u32 $0x9C4, s0  }
0x7: {  	_ =	strace $0x8000004D;
	s1 =	smul.u32 $0x9C4, s1;
	s13 =	sshrl.u32 s12, $0x1  }
0x8: {  	s18 =	sadd.s32 s7, s5;
	s5 =	sadd.s32 $0x2B000, s6;
	s12 =	ssub.s32 s12, s13  }
0x9: {  	s0 =	sadd.s32 s0, s20;
	s8 =	sshrl.u32 s1, $0x5;
	s1 =	sadd.s32 $0x9C4, s1  }
0xa: {  	s0 =	sshrl.u32 s0, $0x5;
	s20 =	smax.u32 s12, $0x1;
	s4 =	sand.u32 $0xFF8, s8  }
0xb: {  	s1 =	sshrl.u32 s1, $0x5;
	s22 =	sand.u32 $0x1FF8, s0;
	s9 =	smin.u32 s4, $0x96C  }
0xc: {  	s0 =	sshll.u32 s0, $0x9;
	s4 =	sadd.s32 $0x17600, s6;
	s10 =	sshll.u32 s9, $0x4  }
0xd: {  	s9 =	ssub.s32 s8, s9;
	s8 =	ssub.s32 s1, s8;
	s1 =	smin.u32 s22, $0x96C  }
0xe: {  	s22 =	simm.s32 $0x5800;
	s11 =	sadd.s32 s10, s6;
	s10 =	sshrl.u32 s18, $0x3  }
0xf: {  	s21 =	sshll.u32 s9, $0x9;
	s1 =	sshll.u32 s1, $0x9;
	p1 =	seq.s32 s8, $0x1  }
0x10: {  	p4 =	seq.s32 s8, $0x5;
	s15 =	sadd.s32 s10, s6;
	s0 =	ssub.s32 s0, s1  }
0x11: {  	s6 =	sadd.s32 s7, s2;
	s1 =	sadd.s32 $0x1000, s0;
	s0 =	sadd.s32 $0x200, s0  }
0x12: {  	s7 =	sor.u32 $0x1C11, s19;
	s9 =	sadd.s32 $0xD800, s11;
	s0 =	sshra.s32 s0, $0x2  }
0x13: {  	s10 =	sshra.s32 s21, $0x2;
	s11 =	sadd.s32 $0x3A00, s11;
	s0 =	sadd.s32 $0x2C00, s0  }
0x14: {  	p0 =	slt.u32 @!p1 s8, $0x3;
	[dreg:$0x8] =	wrdreg s0;
	s0 =	simm.s32 @!p1 $0x0  }
0x15: {  	s21 =	simm.s32 $0x2C00;
	p2 =	por p1, p0;
	s0 =	simm.s32 @p1 $0x1  }
0x16: {  	p0 =	slt.u32 @!p4 s8, $0x7;
	[smem:$0x7F4] =	sst s0;
	s0 =	simm.s32 @!p2 $0x0  }
0x17: {  	p3 =	por p0, p4;
	p1 =	seq.s32 @!p2 s8, $0x3;
	s0 =	simm.s32 @p2 $0x1  }
0x18: {  	p5 =	por p2, p1;
	[smem:$0x7F5] =	sst s0;
	s0 =	simm.s32 @!p3 $0x0  }
0x19: {  	p1 =	seq.s32 @!p3 s8, $0x7;
	s0 =	simm.s32 @p3 $0x1;
	p3 =	slt.u32 @!p5 s8, $0x5  }
0x1a: {  	s14 =	sadd.s32 $0x80, s10;
	s17 =	sadd.s32 $0x100, s10;
	p3 =	por p5, p3  }
0x1b: {  	p2 =	por @!p4 p1, p0;
	[smem:$0x7F6] =	sst s0;
	s0 =	simm.s32 @!p3 $0x0  }
0x1c: {  	s23 =	sadd.s32 $0x180, s10;
	p2 =	por p2, p4;
	s0 =	simm.s32 @p3 $0x1  }
0x1d: {  	p1 =	por @!p4 !p1, p0;
	[smem:$0x7F7] =	sst s0;
	s0 =	simm.s32 @!p2 $0x0  }
0x1e: {  	s24 =	sadd.s32 $0x200, s10;
	p1 =	por !p1, p4;
	s0 =	simm.s32 @p2 $0x1  }
0x1f: {  	s25 =	sadd.s32 $0x280, s10;
	[smem:$0x7F8] =	sst s0;
	s0 =	simm.s32 @!p1 $0x0  }
0x20: {  	s26 =	sadd.s32 $0x300, s10;
	[dreg:$0x3] =	wrdreg s24;
	s0 =	simm.s32 @p1 $0x1  }
0x21: {  	s29 =	sadd.s32 $0x380, s10;
	[smem:$0x7F9] =	sst s0;
	s0 =	simm.s32 @!p4 $0x0  }
0x22: {  	[dreg:$0x4] =	wrdreg s25;
	p0 =	por !p0, p4;
	s0 =	simm.s32 @p4 $0x1  }
0x23: {  	s19 =	sadd.s32 $0x2C400, s15;
	[smem:$0x7FA] =	sst s0;
	s0 =	simm.s32 @!p0 $0x0  }
0x24: {  	[dreg:$0x5] =	wrdreg s26;
	s0 =	simm.s32 @p0 $0x1;
	p0 =	slt.s32 s8, $0x1  }
.Ltmp0:
0x25: {  	[smem:$0x7FB] =	sst s0;
	s0 =	simm.s32 @!p0 $0x0;
	(pc) =	sbr.rel .LBB2_1-.Ltmp0, $4  }
0x26: {  	s28 =	sadd.s32 $0x2C00, s10;
	[dreg:$0x6] =	wrdreg s29;
	s0 =	simm.s32 @p0 $0x1  }
0x27: {  	s1 =	sshra.s32 s1, $0x2;
	[smem:$0x7FC] =	sst s0;
	s0 =	simm.s32 @!p5 $0x0  }
0x28: {  	s24 =	simm.s32 $0x11;
	[dreg:$0x7] =	wrdreg s1;
	s0 =	simm.s32 @p5 $0x1  }
0x29: {  	s26 =	simm.s32 $0x80;
	s1 =	simm.s32 $0x0;
	[smem:$0x7FD] =	sst s0  }
.LBB2_22:
0x2a: {  	s12 =	simm.s32 $0x10  }
0x2b: {  	_ =	swait.ge [sflag:s12], $0x2000  }
0x2c: {  	[sflag:s12] =	ssyncset.done $0x0  }
0x2d: {  	[sflag:s12] =	ssyncadd.s32 $0xFFFFE000  }
.LBB2_23:
0x2e: {  	s1 =	sadd.s32 $0x1, s1  }
0x2f: {  	p0 =	sne.s32 s1, s20  }
.Ltmp1:
0x30: {  	[bflag:$0x0] =	sbarrier.arrive $0xFFFF;
	(pc) =	sbr.rel @!p0 .LBB2_24-.Ltmp1, $4  }
0x31: {  	[hbm:s19], [sflag:s7] =	dma.local [spmem:s0], $0x1400  }
0x32: {  	_ =	swait.ge [sflag:s24], $0x1400  }
0x33: {  	[sflag:s24] =	ssyncset.done $0x0  }
0x34: {  	[sflag:s24] =	ssyncadd.s32 $0xFFFFEC00  }
.LBB2_1:
0x35: {  	s0 =	sshrl.u32 s6, $0x3  }
0x36: {  	[spmem:s0], [sflag:s7] =	dma.local [hbm:s5], $0x1400  }
0x37: {  	_ =	swait.ge [sflag:s24], $0x1400  }
0x38: {  	[sflag:s24] =	ssyncset.done $0x0  }
0x39: {  	[sflag:s24] =	ssyncadd.s32 $0xFFFFEC00  }
0x3a: {  	[tilespmem:s3], [sflag:$0x11] =	stream.linear.gather [hbm4b:s9+s3], $0x2C00, $0x38;
	[tilespmem:$0x1F800] =	vst v63  }
0x3b: {  	_ =	swait.ge [sflag:s24], $0x2C00  }
0x3c: {  	[sflag:s24] =	ssyncset.done $0x0  }
0x3d: {  	[sflag:s24] =	ssyncadd.s32 $0xFFFFD400  }
0x3e: {  	[tilespmem:s21], [sflag:$0x11] =	stream.linear.gather [hbm4b:s11+s3], $0x2C00, $0x38;
	[tilespmem:$0x1F800] =	vst v63  }
0x3f: {  	_ =	swait.ge [sflag:s24], $0x2C00  }
0x40: {  	[sflag:s24] =	ssyncset.done $0x0  }
0x41: {  	[sflag:s24] =	ssyncadd.s32 $0xFFFFD400  }
0x42: {  	[bflag:$0x0] =	sbarrier.arrive $0xFFFF  }
0x43: {  	s12 =	sld [smem:$0x7FC];
	_ =	sdelay $0x2  }
0x44: {  	p0 =	seq.s32 s12, $0x1  }
.Ltmp2:
0x45: {  	_ = 	snop;
	(pc) =	sbr.rel @p0 .LBB2_23-.Ltmp2, $1  }
0x46: {  	_ =	sdelay $0x3  }
0x47: {  	s12 =	sld [smem:$0x7F4]  }
0x48: {  	s29 =	sld [smem:$0x7F7]  }
0x49: {  	[tilespmem:s22], [sflag:$0x1] =	stream.indirect.gather [hbm4b:s4+s26], $0x40, s10, s26, $0xb8;
	[tilespmem:$0x1F800] =	vst v63  }
0x4a: {  	s25 =	sld [smem:$0x7F5];
	p3 =	seq.s32 s12, $0x1  }
0x4b: {  	p0 =	seq.s32 s29, $0x1;
	s12 =	simm.s32 @!p3 $0x80;
	s13 =	simm.s32 @!p3 $0x7800  }
0x4c: {  	[tilespmem:s13], [sflag:$0x2] =	stream.indirect.gather @!p3 [hbm4b:s4+s12], $0x40, s14, s12, $0xb8;
	[tilespmem:$0x1F800] =	vst v63  }
.Ltmp3:
0x4d: {  	p2 =	seq.s32 s25, $0x1;
	(pc) =	sbr.rel @p0 .LBB2_3-.Ltmp3, $4  }
0x4e: {  	s12 =	simm.s32 @!p2 $0x80;
	s13 =	simm.s32 @!p2 $0x9800  }
0x4f: {  	[tilespmem:s13], [sflag:$0x3] =	stream.indirect.gather @!p2 [hbm4b:s4+s12], $0x40, s17, s12, $0xb8;
	[tilespmem:$0x1F800] =	vst v63  }
0x50: {  	s12 =	simm.s32 @!p5 $0x80;
	s13 =	simm.s32 @!p5 $0xB800  }
0x51: {  	[tilespmem:s13], [sflag:$0x4] =	stream.indirect.gather @!p5 [hbm4b:s4+s12], $0x40, s23, s12, $0xb8;
	[tilespmem:$0x1F800] =	vst v63  }
0x52: {  	s12 =	rddreg [dreg:$0x3];
	s13 =	simm.s32 $0xD800  }
0x53: {  	[tilespmem:s13], [sflag:$0x5] =	stream.indirect.gather [hbm4b:s4+s26], $0x40, s12, s26, $0xb8;
	[tilespmem:$0x1F800] =	vst v63  }
0x54: {  	s13 =	sld [smem:$0x7FA];
	_ =	sdelay $0x1  }
0x55: {  	s15 =	rddreg [dreg:$0x4]  }
0x56: {  	s16 =	sld [smem:$0x7F8];
	p4 =	seq.s32 s13, $0x1  }
0x57: {  	s18 =	sld [smem:$0x7F9];
	s12 =	simm.s32 @!p4 $0x80;
	s13 =	simm.s32 @!p4 $0xF800  }
0x58: {  	[tilespmem:s13], [sflag:$0x6] =	stream.indirect.gather @!p4 [hbm4b:s4+s12], $0x40, s15, s12, $0xb8;
	[tilespmem:$0x1F800] =	vst v63  }
0x59: {  	s15 =	sld [smem:$0x7F6];
	_ =	sdelay $0x1  }
0x5a: {  	s25 =	sld [smem:$0x7FB]  }
0x5b: {  	p1 =	seq.s32 s16, $0x1;
	p2 =	seq.s32 s18, $0x1;
	p0 =	seq.s32 s15, $0x1  }
0x5c: {  	s15 =	rddreg [dreg:$0x5];
	s12 =	simm.s32 @!p0 $0x80;
	s13 =	simm.s32 @!p0 $0x11800  }
0x5d: {  	[tilespmem:s13], [sflag:$0x7] =	stream.indirect.gather @!p0 [hbm4b:s4+s12], $0x40, s15, s12, $0xb8;
	[tilespmem:$0x1F800] =	vst v63  }
0x5e: {  	s12 =	simm.s32 @!p1 $0x80;
	s13 =	simm.s32 @!p1 $0x13800;
	s15 =	rddreg [dreg:$0x6]  }
0x5f: {  	[tilespmem:s13], [sflag:$0x8] =	stream.indirect.gather @!p1 [hbm4b:s4+s12], $0x40, s15, s12, $0xb8;
	[tilespmem:$0x1F800] =	vst v63  }
0x60: {  	p6 =	seq.s32 s25, $0x1;
	p3 =	por @!p0 $0x1, $0x1;
	p1 =	por @!p1 $0x1, $0x1  }
0x61: {  	p5 =	por @!p4 $0x0, $0x0;
	p0 =	por @!p0 $0x0, $0x0;
	p3 =	por @!p2 p1, p1  }
0x62: {  	p0 =	por @!p2 p1, p1;
	p1 =	por @!p4 $0x1, $0x1;
	p2 =	por p3, p3  }
0x63: {  	p0 =	por @!p6 p5, p5;
	p2 =	por @!p6 p1, p1;
	p1 =	por $0x0, $0x0  }
0x64: {  	s29 =	sld [smem:$0x7F4];
	p3 =	por @!p6 p5, p5;
	p1 =	por @!p4 p0, p0  }
0x65: {  	p5 =	por $0x1, $0x1;
	p6 =	por $0x1, $0x1;
	s12 =	simm.s32 @!p1 $0x0  }
.Ltmp4:
0x66: {  	s12 =	simm.s32 @p1 $0x1;
	p1 =	por $0x0, $0x0;
	(pc) =	sbr.rel .LBB2_5-.Ltmp4, $4  }
0x67: {  	p0 =	por $0x1, $0x1;
	p5 =	por @!p4 p2, p2;
	p1 =	por @!p4 p2, p2  }
0x68: {  	p6 =	por @!p4 p2, p2;
	[smem:$0x7F2] =	sst s12;
	s12 =	simm.s32 @!p1 $0x0  }
0x69: {  	p0 =	por @!p4 p2, p2;
	s12 =	simm.s32 @p1 $0x1;
	p1 =	por $0x0, $0x0  }
0x6a: {  	[smem:$0x7F3] =	sst s12;
	p1 =	por @!p4 p3, p3;
	p3 =	seq.s32 s29, $0x1  }
.LBB2_3:
0x6b: {  	p4 =	por p5, p5;
	p0 =	por @!p3 $0x0, $0x0;
	p5 =	por $0x0, $0x0  }
0x6c: {  	p5 =	por @!p3 p0, p0  }
0x6d: {  	p0 =	por @!p2 $0x0, $0x0;
	p1 =	por p5, p5  }
0x6e: {  	p6 =	por @!p2 $0x1, $0x1;
	p1 =	por @!p2 p0, p0  }
0x6f: {  	p5 =	por @!p2 p6, p6;
	p2 =	por @!p4 $0x0, $0x0;
	p0 =	por p1, p1  }
0x70: {  	p0 =	por @!p4 p2, p2  }
0x71: {  	p6 =	por p1, p1;
	s12 =	simm.s32 @!p0 $0x0  }
0x72: {  	p6 =	por @!p4 p2, p2;
	s12 =	simm.s32 @p0 $0x1  }
0x73: {  	[smem:$0x7F2] =	sst s12;
	s12 =	simm.s32 @!p6 $0x0  }
0x74: {  	p0 =	por p1, p1;
	s12 =	simm.s32 @p6 $0x1;
	p6 =	por @!p4 $0x1, $0x1  }
0x75: {  	p0 =	por @!p4 p6, p6;
	p5 =	por @!p4 p6, p6;
	p6 =	por p1, p1  }
0x76: {  	[smem:$0x7F3] =	sst s12;
	p1 =	por @!p4 p2, p2;
	p6 =	por @!p4 p2, p2  }
.LBB2_5:
.Ltmp5:
0x77: {  	(pc) =	sbr.rel @p3 .LBB2_9-.Ltmp5, $4  }
0x78: {  	_ =	swait.ge [sflag:s30], $0x2000  }
0x79: {  	[sflag:s30] =	ssyncset.done $0x0  }
0x7a: {  	s12 =	simm.s32 $0x8;
	[sflag:s30] =	ssyncadd.s32 $0xFFFFE000  }
0x7b: {  	[spmem:s2] =	stream.indirect.scatter.add.f32 [tilespmem:s22], [sflag:$0x9], $0x40, s28, s26, $0xb8;
	[tilespmem:$0x1F800] =	vst v63  }
0x7c: {  	s16 =	smov.u32 s17;
	s21 =	smov.u32 s14;
	s13 =	simm.s32 $0x1  }
0x7d: {  	p3 =	sgt.s32 s8, $0x2;
	p2 =	sle.s32 s8, $0x8;
	s13 =	sand.u32 $0x7, s13  }
0x7e: {  	s29 =	simm.s32 $0x9;
	s12 =	sand.u32 @!p2 $0x7, s12;
	s15 =	sadd.s32 $0x1, s13  }
0x7f: {  	s22 =	sshll.u32 s13, $0xD;
	s13 =	sadd.s32 $0x9, s13;
	_ =	swait.ge [sflag:s15], $0x2000  }
0x80: {  	s18 =	sadd.s32 @!p2 $0x9, s12;
	s17 =	sadd.s32 $0x5800, s22;
	[sflag:s15] =	ssyncset.done $0x0  }
.Ltmp6:
0x81: {  	s25 =	rddreg [dreg:$0x8];
	[sflag:s15] =	ssyncadd.s32 $0xFFFFE000;
	(pc) =	sbr.rel @!p3 .LBB2_8-.Ltmp6, $4  }
0x82: {  	[spmem:s2] =	stream.indirect.scatter.add.f32 [tilespmem:s17], [sflag:s13], $0x40, s25, s26, $0xb8;
	[tilespmem:$0x1F800] =	vst v63  }
0x83: {  	s13 =	sshll.u32 @!p2 s12, $0xD;
	s17 =	sadd.s32 @!p2 $0x1, s12;
	_ =	swait.ge @!p2 [sflag:s18], $0x2000  }
0x84: {  	s25 =	sadd.s32 $0x80, s25;
	s12 =	sadd.s32 @!p2 $0x5800, s13;
	s15 =	rddreg [dreg:$0x7]  }
0x85: {  	s13 =	simm.s32 @!p2 $0x80;
	[sflag:s18] =	ssyncset.done @!p2 $0x0;
	s22 =	smov.u32 s15  }
.LBB2_7:
0x86: {  	s14 =	sadd.s32 $0xFFFFFFFA, s29;
	[sflag:s18] =	ssyncadd.s32 @!p2 $0xFFFFE000;
	s22 =	sadd.s32 $0x80, s22  }
0x87: {  	[tilespmem:s12], [sflag:s17] =	stream.indirect.gather @!p2 [hbm4b:s4+s13], $0x40, s15, s13, $0xb8;
	[tilespmem:$0x1F800] =	vst v63  }
0x88: {  	s12 =	sadd.s32 $0xFFFFFFF9, s29;
	p3 =	slt.s32 s14, s8;
	s15 =	smov.u32 s22  }
0x89: {  	s12 =	sand.u32 $0x7, s12  }
0x8a: {  	s13 =	sshll.u32 s12, $0xD;
	s14 =	sadd.s32 $0x1, s12  }
0x8b: {  	p2 =	sge.s32 s29, s8;
	_ =	swait.ge [sflag:s14], $0x2000  }
0x8c: {  	s12 =	sadd.s32 $0x9, s12;
	s13 =	sadd.s32 $0x5800, s13;
	[sflag:s14] =	ssyncset.done $0x0  }
.Ltmp7:
0x8d: {  	[sflag:s14] =	ssyncadd.s32 $0xFFFFE000;
	s14 =	sand.u32 @!p2 $0x7, s29;
	(pc) =	sbr.rel @p3 .LBB2_7-.Ltmp7, $4  }
0x8e: {  	[spmem:s2] =	stream.indirect.scatter.add.f32 [tilespmem:s13], [sflag:s12], $0x40, s25, s26, $0xb8;
	[tilespmem:$0x1F800] =	vst v63  }
0x8f: {  	s12 =	sshll.u32 @!p2 s14, $0xD;
	s18 =	sadd.s32 @!p2 $0x9, s14;
	s17 =	sadd.s32 @!p2 $0x1, s14  }
0x90: {  	s25 =	sadd.s32 $0x80, s25;
	s12 =	sadd.s32 @!p2 $0x5800, s12;
	_ =	swait.ge @!p2 [sflag:s18], $0x2000  }
0x91: {  	s29 =	sadd.s32 $0x1, s29;
	s13 =	simm.s32 @!p2 $0x80;
	[sflag:s18] =	ssyncset.done @!p2 $0x0  }
.LBB2_8:
0x92: {  	s29 =	sld [smem:$0x7F4]  }
0x93: {  	[sflag:s18] =	ssyncadd.s32 @!p2 $0xFFFFE000;
	s14 =	smov.u32 s21;
	s21 =	simm.s32 $0x2C00  }
0x94: {  	[tilespmem:s12], [sflag:s17] =	stream.indirect.gather @!p2 [hbm4b:s4+s13], $0x40, s15, s13, $0xb8;
	[tilespmem:$0x1F800] =	vst v63  }
0x95: {  	s22 =	simm.s32 $0x5800;
	s17 =	smov.u32 s16;
	p3 =	seq.s32 s29, $0x1  }
.LBB2_9:
.Ltmp8:
0x96: {  	(pc) =	sbr.rel @!p3 .LBB2_10-.Ltmp8, $4  }
0x97: {  	_ = 	snop  }
0x98: {  	_ =	swait.ge [sflag:s31], $0x2000  }
0x99: {  	[sflag:s31] =	ssyncset.done $0x0  }
0x9a: {  	[sflag:s31] =	ssyncadd.s32 $0xFFFFE000  }
.Ltmp9:
0x9b: {  	(pc) =	sbr.rel @p5 .LBB2_17-.Ltmp9, $1  }
0x9c: {  	_ =	sdelay $0x3  }
.LBB2_11:
.Ltmp10:
0x9d: {  	(pc) =	sbr.rel @!p0 .LBB2_12-.Ltmp10, $1  }
0x9e: {  	_ =	sdelay $0x3  }
.LBB2_18:
0x9f: {  	s12 =	simm.s32 $0xC  }
.Ltmp11:
0xa0: {  	_ =	swait.ge [sflag:s12], $0x2000;
	(pc) =	sbr.rel @p6 .LBB2_19-.Ltmp11, $3  }
0xa1: {  	s29 =	sld [smem:$0x7FD];
	_ =	sdelay $0x1  }
0xa2: {  	[sflag:s12] =	ssyncset.done $0x0  }
0xa3: {  	[sflag:s12] =	ssyncadd.s32 $0xFFFFE000;
	p5 =	seq.s32 s29, $0x1  }
.LBB2_13:
0xa4: {  	s12 =	sld [smem:$0x7F3];
	_ =	sdelay $0x2  }
0xa5: {  	p0 =	seq.s32 s12, $0x1  }
.Ltmp12:
0xa6: {  	_ = 	snop;
	(pc) =	sbr.rel @!p0 .LBB2_14-.Ltmp12, $1  }
0xa7: {  	_ =	sdelay $0x3  }
.LBB2_20:
.Ltmp13:
0xa8: {  	(pc) =	sbr.rel @p1 .LBB2_21-.Ltmp13, $4  }
0xa9: {  	s12 =	simm.s32 $0xE  }
0xaa: {  	_ =	swait.ge [sflag:s12], $0x2000  }
0xab: {  	[sflag:s12] =	ssyncset.done $0x0  }
0xac: {  	[sflag:s12] =	ssyncadd.s32 $0xFFFFE000  }
.LBB2_15:
0xad: {  	s12 =	sld [smem:$0x7F2];
	_ =	sdelay $0x2  }
0xae: {  	p0 =	seq.s32 s12, $0x1  }
.Ltmp14:
0xaf: {  	_ = 	snop;
	(pc) =	sbr.rel @!p0 .LBB2_23-.Ltmp14, $4  }
.Ltmp15:
0xb0: {  	_ = 	snop;
	(pc) =	sbr.rel @p0 .LBB2_22-.Ltmp15, $4  }
0xb1: {  	_ = 	snop  }
0xb2: {  	_ = 	snop  }
0xb3: {  	_ = 	snop  }
0xb4: {  	_ = 	snop  }
.LBB2_10:
.Ltmp16:
0xb5: {  	(pc) =	sbr.rel @!p5 .LBB2_11-.Ltmp16, $4  }
0xb6: {  	s12 =	simm.s32 $0xA  }
0xb7: {  	_ =	swait.ge [sflag:s12], $0x2000  }
0xb8: {  	[sflag:s12] =	ssyncset.done $0x0  }
0xb9: {  	[sflag:s12] =	ssyncadd.s32 $0xFFFFE000  }
.LBB2_17:
.Ltmp17:
0xba: {  	(pc) =	sbr.rel @p0 .LBB2_18-.Ltmp17, $4  }
0xbb: {  	s12 =	simm.s32 $0xB  }
0xbc: {  	_ =	swait.ge [sflag:s12], $0x2000  }
0xbd: {  	[sflag:s12] =	ssyncset.done $0x0  }
0xbe: {  	[sflag:s12] =	ssyncadd.s32 $0xFFFFE000  }
.LBB2_12:
.Ltmp18:
0xbf: {  	(pc) =	sbr.rel @!p6 .LBB2_13-.Ltmp18, $2  }
0xc0: {  	s12 =	sld [smem:$0x7FD];
	_ =	sdelay $0x2  }
0xc1: {  	p5 =	seq.s32 s12, $0x1  }
.LBB2_19:
0xc2: {  	s12 =	simm.s32 $0xD  }
0xc3: {  	_ =	swait.ge [sflag:s12], $0x2000  }
0xc4: {  	s29 =	sld [smem:$0x7F3];
	_ =	sdelay $0x2  }
0xc5: {  	p0 =	seq.s32 s29, $0x1  }
.Ltmp19:
0xc6: {  	_ = 	snop;
	(pc) =	sbr.rel @p0 .LBB2_20-.Ltmp19, $3  }
0xc7: {  	_ =	sdelay $0x1  }
0xc8: {  	[sflag:s12] =	ssyncset.done $0x0  }
0xc9: {  	[sflag:s12] =	ssyncadd.s32 $0xFFFFE000  }
.LBB2_14:
.Ltmp20:
0xca: {  	(pc) =	sbr.rel @!p1 .LBB2_15-.Ltmp20, $1  }
0xcb: {  	_ =	sdelay $0x3  }
.LBB2_21:
0xcc: {  	s12 =	simm.s32 $0xF  }
0xcd: {  	_ =	swait.ge [sflag:s12], $0x2000  }
0xce: {  	s29 =	sld [smem:$0x7F2];
	_ =	sdelay $0x2  }
0xcf: {  	p0 =	seq.s32 s29, $0x1  }
.Ltmp21:
0xd0: {  	_ = 	snop;
	(pc) =	sbr.rel @!p0 .LBB2_23-.Ltmp21, $4  }
.Ltmp22:
0xd1: {  	_ = 	snop;
	(pc) =	sbr.rel @p0 .LBB2_22-.Ltmp22, $4  }
0xd2: {  	_ = 	snop  }
0xd3: {  	[sflag:s12] =	ssyncset.done $0x0  }
0xd4: {  	[sflag:s12] =	ssyncadd.s32 $0xFFFFE000  }
0xd5: {  	_ = 	snop  }
.LBB2_24:
0xd6: {  	_ =	sfence.sel $0x180000  }
0xd7: {  	[bflag:$0x0] =	sbarrier.arrive $0xFFFF  }
0xd8: {  	_ =	strace $0x9000004D  }
0xd9: {  	s0 =	stileid.u32;
	[bflag:$0x2] =	sbarrier.arrive $0xFFFF  }
0xda: {  	p0 =	sne.s32 s0, $0x0;
	s0 =	rddreg [dreg:$0x2]  }
0xdb: {  	s0 =	sadd.s32 @!p0 $0x100000, s0  }
0xdc: {  	[sflag:s0] =	ssyncadd.tile.s32 @!p0 $0x1;
	_ =	shalt  }
.Lfunc_end2:
_tile_overlayer_lowered:
.L_overlay_start_2:
0xdd: {  	(tag) =	ssettag $0x2  }
0xde: {  	s0 =	rddreg [dreg:$0x0];
	s2 =	stileid.u32  }
0xdf: {  	s1 =	rddreg [dreg:$0x1];
	p0 =	sne.s32 s2, $0x0  }
0xe0: {  	s3 =	rddreg [dreg:$0x2];
	[bflag:$0x3] =	sbarrier.arrive $0xFFFF;
	s2 =	simm.s32 @!p0 $0x1C11  }
0xe1: {  	[timem:s3], [sflag:s2] =	dma.local @!p0 [hbm:s0], s1  }
0xe2: {  	s0 =	simm.s32 @!p0 $0x11  }
0xe3: {  	_ =	swait.ge @!p0 [sflag:s0], s1  }
0xe4: {  	s1 =	ssub.s32 @!p0 $0x0, s1;
	[sflag:s0] =	ssyncset.done @!p0 $0x0  }
0xe5: {  	[sflag:s0] =	ssyncadd.s32 @!p0 s1  }
0xe6: {  	[bflag:$0x3] =	sbarrier.arrive $0xFFFF  }
0xe7: {  	_ =	shalt  }

// kernel: kernel.9.cloned.1.call-start
scs
__scs_entry_jumppad:
0x0: {  	(pc) =	sbr.rel $0x88, $3  }
0x1: {  	(tag) =	ssettag $0x0;
	lr =	simm.s32 $0x1  }
0x2: {  	[smem:$0x3F98] =	sst lr;
	_ =	strace $0xD0000000  }
0x3: {  	_ = 	snop  }
0x4: {  	_ = 	snop  }
0x5: {  	_ = 	snop  }
0x6: {  	_ = 	snop  }
0x7: {  	_ = 	snop  }
__scs_overlays_trampoline_lowered:
0x8: {  	[smem:$0x3FA7] =	sst s0  }
0x9: {  	[smem:$0x3FA8] =	sst s1  }
0xa: {  	[smem:$0x3FA9] =	sst s2  }
0xb: {  	[smem:$0x3FAA] =	sst s3  }
0xc: {  	[smem:$0x3FAB] =	sst s4  }
0xd: {  	[smem:$0x3FAC] =	sst s5  }
0xe: {  	[smem:$0x3FAD] =	sst s6  }
0xf: {  	[smem:$0x3FAE] =	sst s7  }
0x10: {  	[smem:$0x3FAF] =	sst s8  }
0x11: {  	[smem:$0x3FB0] =	sst s9;
	s0 =	simm.s32 @!p0 $0x0  }
0x12: {  	s1 =	sld [smem:$0x3F96];
	s0 =	simm.s32 @p0 $0x1  }
0x13: {  	[smem:$0x3FB1] =	sst s0;
	s0 =	simm.s32 @!p1 $0x0  }
0x14: {  	s2 =	sld [smem:$0x3F95];
	s0 =	simm.s32 @p1 $0x1  }
0x15: {  	[smem:$0x3FB2] =	sst s0;
	s0 =	simm.s32 @!p2 $0x0  }
0x16: {  	s3 =	sld [smem:$0x3FDB];
	s0 =	simm.s32 @p2 $0x1  }
0x17: {  	s4 =	simm.s32 $0x1BF5;
	[smem:$0x3FB4] =	sst s0  }
0x18: {  	s0 =	sld [smem:$0x3F97];
	_ =	swait.ge [sflag:s4], $0x0  }
0x19: {  	s7 =	sld [smem:$0x3F98]  }
0x1a: {  	s8 =	sadd.s32 $0xFFFFE003, lr  }
0x1b: {  	s9 =	sadd.s32 $0xFFFFFEF7, lr;
	s5 =	simm.s32 $0xFFFFFFFF;
	p2 =	slt.u32 s8, $0xFFFFF086  }
0x1c: {  	p1 =	slt.u32 s9, $0xF7A;
	s5 =	simm.s32 @!p2 $0x0  }
0x1d: {  	s5 =	simm.s32 @p1 $0x1;
	p0 =	seq.s32 s7, s2  }
0x1e: {  	s7 =	smul.u32 @!p0 $0xF7A, s2;
	p2 =	seq.s32 @!p0 s5, $0x0  }
0x1f: {  	s9 =	smul.u32 $0xF7A, s1;
	s8 =	simm.s32 @!p0 $0x1BF5;
	p2 =	por !p2, p0  }
0x20: {  	[sflag:s8] =	ssyncset.s32 @!p0 $0xFFFFF086;
	s6 =	sadd.s32 @!p0 s3, s7;
	s7 =	simm.s32 @!p0 $0x108  }
0x21: {  	s3 =	sadd.s32 s3, s9;
	s6 =	sadd.s32 @!p0 $0x88, s6;
	s7 =	simm.s32 @p2 $0x1082  }
0x22: {  	[simem:s7], [sflag:s8] =	dma.local @!p0 [hbm:s6], $0xF7A  }
0x23: {  	s9 =	sor.u32 $0xD0000000, s2;
	s6 =	simm.s32 $0x108;
	_ =	swait.ge @!p0 [sflag:s8], $0x0  }
0x24: {  	s3 =	sadd.s32 $0x88, s3;
	s6 =	simm.s32 @!p1 $0x1082;
	[sflag:s4] =	ssyncset.s32 $0xFFFFF086  }
0x25: {  	[simem:s6], [sflag:s4] =	dma.local [hbm:s3], $0xF7A  }
0x26: {  	[smem:$0x3F98] =	sst s1;
	(tag) =	ssettag s2;
	_ =	strace s9  }
0x27: {  	s1 =	sld [smem:$0x3FA8]  }
0x28: {  	s2 =	sld [smem:$0x3FA9]  }
0x29: {  	s4 =	sld [smem:$0x3FAB]  }
0x2a: {  	p0 =	seq.s32 s5, $0x0;
	s5 =	sld [smem:$0x3FAC]  }
0x2b: {  	s6 =	sld [smem:$0x3FAD]  }
0x2c: {  	s7 =	sld [smem:$0x3FAE]  }
0x2d: {  	s3 =	simm.s32 $0x108;
	s8 =	sld [smem:$0x3FAF]  }
0x2e: {  	s3 =	simm.s32 @!p0 $0x1082;
	s9 =	sld [smem:$0x3FB0]  }
0x2f: {  	lr =	sadd.s32 s0, s3;
	s0 =	sld [smem:$0x3FA7]  }
0x30: {  	s3 =	sld [smem:$0x3FAA]  }
0x31: {  	[smem:$0x3FB3] =	sst s10  }
0x32: {  	s10 =	sld [smem:$0x3FB1];
	_ =	sdelay $0x3  }
0x33: {  	p0 =	seq.s32 s10, $0x1;
	s10 =	sld [smem:$0x3FB3];
	_ =	sdelay $0x3  }
0x34: {  	[smem:$0x3FB3] =	sst s10  }
0x35: {  	s10 =	sld [smem:$0x3FB2];
	_ =	sdelay $0x3  }
0x36: {  	p1 =	seq.s32 s10, $0x1;
	s10 =	sld [smem:$0x3FB3];
	_ =	sdelay $0x3  }
0x37: {  	[smem:$0x3FB3] =	sst s10  }
0x38: {  	s10 =	sld [smem:$0x3FB4]  }
0x39: {  	_ = 	snop;
	(pc) =	sbr.ind lr, $3  }
0x3a: {  	_ = 	snop  }
0x3b: {  	_ = 	snop  }
0x3c: {  	p2 =	seq.s32 s10, $0x1;
	s10 =	sld [smem:$0x3FB3]  }
0x3d: {  	_ =	shalt  }
0x3e: {  	_ =	shalt  }
0x3f: {  	_ =	shalt  }
0x40: {  	_ =	shalt  }
0x41: {  	_ =	shalt  }
0x42: {  	_ =	shalt  }
0x43: {  	_ =	shalt  }
0x44: {  	_ =	shalt  }
0x45: {  	_ =	shalt  }
0x46: {  	_ =	shalt  }
0x47: {  	_ =	shalt  }
0x48: {  	_ =	shalt  }
0x49: {  	_ =	shalt  }
0x4a: {  	_ =	shalt  }
0x4b: {  	_ =	shalt  }
0x4c: {  	_ =	shalt  }
0x4d: {  	_ =	shalt  }
0x4e: {  	_ =	shalt  }
0x4f: {  	_ =	shalt  }
0x50: {  	_ =	shalt  }
0x51: {  	_ =	shalt  }
0x52: {  	_ =	shalt  }
0x53: {  	_ =	shalt  }
0x54: {  	_ =	shalt  }
0x55: {  	_ =	shalt  }
0x56: {  	_ =	shalt  }
0x57: {  	_ =	shalt  }
0x58: {  	_ =	shalt  }
0x59: {  	_ =	shalt  }
0x5a: {  	_ =	shalt  }
0x5b: {  	_ =	shalt  }
0x5c: {  	_ =	shalt  }
0x5d: {  	_ =	shalt  }
0x5e: {  	_ =	shalt  }
0x5f: {  	_ =	shalt  }
0x60: {  	_ =	shalt  }
0x61: {  	_ =	shalt  }
0x62: {  	_ =	shalt  }
0x63: {  	_ =	shalt  }
0x64: {  	_ =	shalt  }
0x65: {  	_ =	shalt  }
0x66: {  	_ =	shalt  }
0x67: {  	_ =	shalt  }
0x68: {  	_ =	shalt  }
0x69: {  	_ =	shalt  }
0x6a: {  	_ =	shalt  }
0x6b: {  	_ =	shalt  }
0x6c: {  	_ =	shalt  }
0x6d: {  	_ =	shalt  }
0x6e: {  	_ =	shalt  }
0x6f: {  	_ =	shalt  }
0x70: {  	_ =	shalt  }
0x71: {  	_ =	shalt  }
0x72: {  	_ =	shalt  }
0x73: {  	_ =	shalt  }
0x74: {  	_ =	shalt  }
0x75: {  	_ =	shalt  }
0x76: {  	_ =	shalt  }
0x77: {  	_ =	shalt  }
0x78: {  	_ =	shalt  }
0x79: {  	_ =	shalt  }
0x7a: {  	_ =	shalt  }
0x7b: {  	_ =	shalt  }
0x7c: {  	_ =	shalt  }
0x7d: {  	_ =	shalt  }
0x7e: {  	_ =	shalt  }
0x7f: {  	_ =	shalt  }
0x80: {  	_ =	shalt  }
0x81: {  	_ =	shalt  }
0x82: {  	_ =	shalt  }
0x83: {  	_ =	shalt  }
0x84: {  	_ =	shalt  }
0x85: {  	_ =	shalt  }
0x86: {  	_ =	shalt  }
0x87: {  	_ =	shalt  }
.Lfunc_end0:
.L_simem_size_0:
called_computation_lowered:
.L_overlay_start_0:
0x88: {  	s2 =	sld [smem:$0x3FD9]  }
0x89: {  	s3 =	sld [smem:$0x3FFE];
	_ =	sdelay $0x1  }
0x8a: {  	s1 =	srdreg.scid  }
0x8b: {  	s0 =	sand.u32 $0x1, s1  }
0x8c: {  	s14 =	sshll.u32 s0, $0xA;
	s2 =	sadd.s32 s3, s2  }
0x8d: {  	s2 =	sadd.s32 s2, s14  }
0x8e: {  	[smem:$0x3FBF] =	sst s2  }
0x8f: {  	_ = 	snop  }
0x90: {  	s2 =	sld [smem:$0x3FD0];
	_ =	sdelay $0x2  }
0x91: {  	s15 =	simm.s32 $0xA;
	s4 =	simm.s32 $0x10  }
0x92: {  	[smem:s4], [sflag:s15] =	dma.local [hbm:s2], $0x1  }
0x93: {  	_ =	swait.eq [sflag:s15], $0x1  }
0x94: {  	[sflag:s15] =	ssyncset.done $0x0  }
0x95: {  	[sflag:s15] =	ssyncadd.s32 $0xFFFFFFFF  }
0x96: {  	s16 =	sld [smem:$0x10];
	(tm) =	ssettm $0x1  }
0x97: {  	s17 =	sld [smem:$0x3FFB];
	_ =	sdelay $0x3  }
0x98: {  	_ =	strace s17  }
0x99: {  	s3 =	sld [smem:$0x3FFC];
	_ =	sdelay $0x3  }
0x9a: {  	_ =	strace s3  }
0x9b: {  	s3 =	sld [smem:$0x3FFD];
	_ =	sdelay $0x3  }
0x9c: {  	_ =	strace s3  }
0x9d: {  	_ =	strace $0x8FFFFFFF  }
0x9e: {  	s18 =	sld [smem:$0x3FDB];
	_ =	sdelay $0x1  }
0x9f: {  	s19 =	simm.s32 $_scs_section_size  }
0xa0: {  	s5 =	simm.s32 $_size__tile_overlayer_lowered;
	s6 =	simm.s32 $_tile_overlayer_lowered  }
0xa1: {  	s22 =	simm.s32 $0x1BFF;
	s21 =	sshll.u32 s6, $0x1;
	s3 =	sadd.s32 s19, s18  }
0xa2: {  	s7 =	simm.s32 $0x0;
	s20 =	sshll.u32 s5, $0x1;
	s5 =	sadd.s32 s21, s3  }
0xa3: {  	[timem:s7], [sflag:s22] =	dma.local [hbm:s5], s20  }
0xa4: {  	_ =	swait.ge [sflag:s22], s20  }
0xa5: {  	s4 =	ssub.s32 $0x0, s20;
	[sflag:s22] =	ssyncset.done $0x0  }
0xa6: {  	[sflag:s22] =	ssyncadd.s32 s4;
	_ =	sdelay $0x1  }
0xa7: {  	s23 =	simm.s32 $0x1B8B  }
0xa8: {  	_ =	swait.ge [sflag:s23], $0x1  }
0xa9: {  	[sflag:s23] =	ssyncset.done $0x0  }
0xaa: {  	s25 =	simm.s32 $0x1B8E;
	s24 =	sld [smem:$0x3FFE];
	[sflag:s23] =	ssyncadd.s32 $0xFFFFFFFF  }
0xab: {  	s26 =	simm.s32 $execute0_lowered;
	[smem:$0x3FD2] =	sst s25  }
0xac: {  	s5 =	sshll.u32 s26, $0x1;
	_ =	strace $0x80000046;
	[dreg:$0x1] =	wrdreg $0xFFFFFFFF  }
0xad: {  	s28 =	simm.s32 $_size_execute0_lowered;
	s3 =	sadd.s32 s3, s5;
	[dreg:$0x0] =	wrdreg $0x0  }
0xae: {  	s5 =	sshll.u32 s28, $0x1;
	[dreg:$0x2] =	wrdreg s3  }
0xaf: {  	[dreg:$0x3] =	wrdreg s5  }
0xb0: {  	[dreg:$0x4] =	wrdreg $0xC0  }
0xb1: {  	_ =	task [dreg:s7], $0x5FFFF  }
0xb2: {  	[dreg:$0x1] =	wrdreg $0xFFFFFFFF  }
0xb3: {  	[dreg:$0x0] =	wrdreg $0x60  }
0xb4: {  	[dreg:$0x2] =	wrdreg s24  }
0xb5: {  	[dreg:$0x3] =	wrdreg s16  }
0xb6: {  	[dreg:$0x4] =	wrdreg $0xFC000  }
0xb7: {  	[dreg:$0x5] =	wrdreg $0x9  }
0xb8: {  	_ =	task.clear_ibuf [dreg:s7], $0x6FFFF;
	_ =	strace $0x90000046  }
0xb9: {  	s29 =	simm.s32 $0x9;
	_ =	strace $0x80000048  }
0xba: {  	_ =	swait.ge [sflag:s29], $0x1  }
0xbb: {  	[sflag:s29] =	ssyncadd.s32 $0xFFFFFFFF  }
0xbc: {  	_ =	strace $0x90000048  }
0xbd: {  	_ =	sfence  }
0xbe: {  	s30 =	sld [smem:$0x0];
	_ =	sdelay $0x2  }
0xbf: {  	s31 =	sshll.u32 s1, $0xD;
	s1 =	sshrl.u32 s1, $0x2  }
0xc0: {  	s3 =	sand.u32 $0x4000, s31;
	s1 =	sadd.s32 s1, s30  }
0xc1: {  	s0 =	sor.u32 s3, s0;
	s1 =	sshll.u32 s1, $0x11  }
0xc2: {  	s0 =	sor.u32 s1, s0  }
0xc3: {  	s0 =	sadd.s32 $0x8F2B, s0  }
0xc4: {  	[sflag:s0] =	ssyncadd.remote.s32 $0x1  }
0xc5: {  	_ =	sfence.sel $0xFFFF  }
0xc6: {  	[dreg:$0x0] =	wrdreg $0xFFFFFFFF;
	(pc) =	sbr.abs _section_cstart, $3  }
0xc7: {  	[dreg:$0x1] =	wrdreg $0xFFFFFFFF  }
0xc8: {  	_ =	task.clear_ibuf [dreg:s7], $0x2FFFF;
	_ =	strace $0x9FFFFFFF  }
0xc9: {  	(tm) =	ssettm $0x7FFFFFFF  }
tec
execute0_lowered:
.L_overlay_start_1:
0x0: {  	(tag) =	ssettag $0x1  }
0x1: {  	s0 =	srdreg.scid;
	s6 =	rddreg [dreg:$0x0]  }
0x2: {  	s11 =	stileid.u32;
	s4 =	rddreg [dreg:$0x2];
	s5 =	simm.s32 $0x0  }
0x3: {  	s0 =	sand.u32 $0x1, s0;
	s1 =	sshll.u32 s11, $0x1;
	s7 =	smul.u32 $0x140, s11  }
0x4: {  	[smem:$0x7FF] =	sst s5;
	s10 =	sadd.s32 $0x17600, s6;
	s23 =	smul.u32 $0xA000, s11  }
0x5: {  	s26 =	sshll.u32 s11, $0x6;
	s1 =	sor.u32 s0, s1;
	s8 =	smul.u32 $0x9C400, s0  }
0x6: {  	_ =	strace $0x80000047;
	s0 =	ssub.s32 $0x2, s0;
	s1 =	smul.u32 $0x9C4, s1  }
0x7: {  	[dreg:$0x4] =	wrdreg s10;
	s7 =	smin.u32 s7, $0x1248;
	s24 =	sshrl.u32 s0, $0x1  }
0x8: {  	s7 =	sshll.u32 s7, $0x7;
	s2 =	sadd.s32 $0x9C4, s1;
	s1 =	sshrl.u32 s1, $0x5  }
0x9: {  	s0 =	ssub.s32 s0, s24;
	s2 =	sshrl.u32 s2, $0x5;
	s22 =	sand.u32 $0xFF8, s1  }
0xa: {  	s8 =	sadd.s32 s8, s7;
	s3 =	ssub.s32 s2, s1;
	s2 =	smin.u32 s22, $0x96C  }
0xb: {  	s0 =	smax.u32 s0, $0x1;
	s8 =	sshrl.u32 s8, $0x3;
	s9 =	sshll.u32 s2, $0x4  }
0xc: {  	[dreg:$0x9] =	wrdreg s0;
	s1 =	ssub.s32 s1, s2;
	s9 =	sadd.s32 s9, s6  }
0xd: {  	s6 =	sadd.s32 s8, s6;
	s1 =	sshll.u32 s1, $0x9;
	s11 =	sadd.s32 $0x3A00, s9  }
0xe: {  	s13 =	sadd.s32 $0x17C00, s6;
	[dreg:$0x6] =	wrdreg s11;
	s11 =	sshra.s32 s1, $0x2  }
0xf: {  	[dreg:$0x8] =	wrdreg s13;
	s14 =	sadd.s32 $0x80, s11  }
0x10: {  	s15 =	sadd.s32 $0x100, s11;
	[dreg:$0xa] =	wrdreg s14  }
0x11: {  	s16 =	sadd.s32 $0x180, s11;
	[dreg:$0xb] =	wrdreg s15  }
0x12: {  	s17 =	sadd.s32 $0x200, s11;
	[dreg:$0xc] =	wrdreg s16  }
0x13: {  	s18 =	sadd.s32 $0x280, s11;
	[dreg:$0xd] =	wrdreg s17  }
0x14: {  	s19 =	sadd.s32 $0x300, s11;
	[dreg:$0xe] =	wrdreg s18  }
0x15: {  	s20 =	sadd.s32 $0x380, s11;
	[dreg:$0xf] =	wrdreg s19  }
0x16: {  	s21 =	sadd.s32 $0x400, s11;
	[dreg:$0x10] =	wrdreg s20  }
0x17: {  	s22 =	sadd.s32 $0x480, s11;
	[dreg:$0x11] =	wrdreg s21  }
0x18: {  	s25 =	sshrl.u32 s23, $0x2;
	s23 =	sadd.s32 $0x500, s11;
	[dreg:$0x12] =	wrdreg s22  }
0x19: {  	s24 =	sadd.s32 $0x580, s11;
	[dreg:$0x13] =	wrdreg s23  }
0x1a: {  	s8 =	sadd.s32 s25, s4;
	s25 =	sadd.s32 $0x600, s11;
	[dreg:$0x14] =	wrdreg s24  }
0x1b: {  	s6 =	sadd.s32 $0x780, s11;
	[dreg:$0x15] =	wrdreg s25  }
0x1c: {  	s12 =	sshrl.u32 s7, $0x2;
	s7 =	sadd.s32 $0x800, s11;
	[dreg:$0x19] =	wrdreg s6  }
0x1d: {  	s9 =	sadd.s32 $0x900, s11;
	[dreg:$0x1a] =	wrdreg s7  }
0x1e: {  	s13 =	sadd.s32 $0xA80, s11;
	[dreg:$0x1c] =	wrdreg s9  }
0x1f: {  	[dreg:$0x1f] =	wrdreg s13;
	s14 =	sadd.s32 $0xB00, s11  }
0x20: {  	s15 =	sadd.s32 $0xB80, s11;
	[smem:$0x7D2] =	sst s14  }
0x21: {  	s16 =	sadd.s32 $0xC00, s11;
	[smem:$0x7D3] =	sst s15  }
0x22: {  	s17 =	sadd.s32 $0xC80, s11;
	[smem:$0x7D4] =	sst s16  }
0x23: {  	s18 =	sadd.s32 $0xD00, s11;
	[smem:$0x7D5] =	sst s17  }
0x24: {  	s19 =	sadd.s32 $0xD80, s11;
	[smem:$0x7D6] =	sst s18  }
0x25: {  	s20 =	sadd.s32 $0xE00, s11;
	[smem:$0x7D7] =	sst s19  }
0x26: {  	s21 =	sadd.s32 $0xE80, s11;
	[smem:$0x7D8] =	sst s20  }
0x27: {  	s22 =	sadd.s32 $0xF00, s11;
	[smem:$0x7D9] =	sst s21  }
0x28: {  	s23 =	sadd.s32 $0xF80, s11;
	[smem:$0x7DA] =	sst s22  }
0x29: {  	s24 =	sadd.s32 $0x1000, s11;
	[smem:$0x7DB] =	sst s23  }
0x2a: {  	s25 =	sadd.s32 $0x1080, s11;
	[smem:$0x7DC] =	sst s24  }
0x2b: {  	s6 =	sadd.s32 $0x1280, s11;
	[smem:$0x7DD] =	sst s25  }
0x2c: {  	s7 =	sadd.s32 $0x1300, s11;
	[smem:$0x7E1] =	sst s6  }
0x2d: {  	s9 =	sadd.s32 $0x1400, s11;
	[smem:$0x7E2] =	sst s7  }
0x2e: {  	s28 =	simm.s32 $0x1;
	s13 =	sadd.s32 $0x1580, s11;
	[smem:$0x7E4] =	sst s9  }
0x2f: {  	s29 =	simm.s32 $0x0;
	[smem:$0x7E7] =	sst s13;
	s14 =	sadd.s32 $0x1600, s11  }
0x30: {  	p3 =	slt.s32 s3, $0x1;
	s15 =	sadd.s32 $0x1680, s11;
	[smem:$0x7E8] =	sst s14  }
0x31: {  	p0 =	slt.u32 @!p3 s3, $0x2;
	s16 =	sadd.s32 $0x1700, s11;
	[smem:$0x7E9] =	sst s15  }
0x32: {  	p2 =	por p3, p3;
	s17 =	sadd.s32 $0x1780, s11;
	[smem:$0x7EA] =	sst s16  }
0x33: {  	p5 =	por p3, p0;
	s18 =	sadd.s32 $0x1800, s11;
	[smem:$0x7EB] =	sst s17  }
0x34: {  	p0 =	slt.u32 @!p5 s3, $0x3;
	s19 =	sadd.s32 $0x1880, s11;
	[smem:$0x7EC] =	sst s18  }
0x35: {  	p4 =	por p5, p0;
	s20 =	sadd.s32 $0x1900, s11;
	[smem:$0x7ED] =	sst s19  }
0x36: {  	s30 =	sadd.s32 $0x2500, s11;
	s21 =	sadd.s32 $0x1980, s11;
	[smem:$0x7EE] =	sst s20  }
0x37: {  	s31 =	sadd.s32 $0x2580, s11;
	s22 =	sadd.s32 $0x1A00, s11;
	[smem:$0x7EF] =	sst s21  }
0x38: {  	p0 =	slt.u32 @!p4 s3, $0x4;
	s23 =	sadd.s32 $0x1A80, s11;
	[smem:$0x7F0] =	sst s22  }
0x39: {  	p6 =	por p4, p0;
	s24 =	sadd.s32 $0x1B00, s11;
	[smem:$0x7F1] =	sst s23  }
0x3a: {  	s25 =	sadd.s32 $0x1B80, s11;
	s6 =	sadd.s32 $0x1D80, s11;
	[smem:$0x7F2] =	sst s24  }
0x3b: {  	s13 =	sadd.s32 $0x1F00, s11;
	s9 =	simm.s32 $0x2C00;
	[smem:$0x7F3] =	sst s25  }
0x3c: {  	p0 =	slt.u32 @!p6 s3, $0x5;
	[smem:$0x7F7] =	sst s6;
	s14 =	sadd.s32 $0x1F80, s11  }
0x3d: {  	s15 =	sadd.s32 $0x2000, s11;
	s16 =	sadd.s32 $0x2080, s11;
	s17 =	sadd.s32 $0x2100, s11  }
0x3e: {  	s18 =	sadd.s32 $0x2180, s11;
	s19 =	sadd.s32 $0x2200, s11;
	s20 =	sadd.s32 $0x2280, s11  }
0x3f: {  	s21 =	sadd.s32 $0x2300, s11;
	s6 =	simm.s32 @!p3 $0x0;
	p1 =	por p6, p0  }
0x40: {  	s6 =	simm.s32 @p3 $0x1;
	s10 =	simm.s32 @!p1 $0x0;
	p0 =	slt.u32 @!p1 s3, $0x6  }
0x41: {  	[smem:$0x7F8] =	sst s6;
	s6 =	simm.s32 @!p5 $0x0;
	s10 =	simm.s32 @p1 $0x1  }
0x42: {  	p1 =	por p1, p0;
	s6 =	simm.s32 @p5 $0x1;
	[smem:$0x7FC] =	sst s10  }
0x43: {  	s22 =	sadd.s32 $0x2380, s11;
	s10 =	simm.s32 @!p1 $0x0;
	[smem:$0x7F9] =	sst s6  }
0x44: {  	s6 =	simm.s32 @!p4 $0x0;
	s10 =	simm.s32 @p1 $0x1;
	s7 =	sld [smem:$0x7FC]  }
0x45: {  	s23 =	sadd.s32 $0x2400, s11;
	s6 =	simm.s32 @p4 $0x1;
	[smem:$0x7FD] =	sst s10  }
0x46: {  	p0 =	slt.u32 @!p1 s3, $0x7;
	s10 =	sor.u32 $0x1C02, s26;
	[smem:$0x7FA] =	sst s6  }
0x47: {  	p1 =	por p1, p0;
	s26 =	sshrl.u32 s8, $0x3;
	[dreg:$0x5] =	wrdreg s10  }
0x48: {  	s2 =	simm.s32 @!p1 $0x0;
	s8 =	sadd.s32 $0x880, s11;
	[dreg:$0x16] =	wrdreg s26  }
0x49: {  	s25 =	sadd.s32 $0x2480, s11;
	s2 =	simm.s32 @p1 $0x1;
	[dreg:$0x1b] =	wrdreg s8  }
0x4a: {  	s24 =	sadd.s32 $0x2780, s11;
	s10 =	sadd.s32 $0x980, s11;
	[smem:$0x7CB] =	sst s2  }
0x4b: {  	p3 =	por p5, p5;
	s26 =	sadd.s32 $0x1100, s11;
	[dreg:$0x1d] =	wrdreg s10  }
0x4c: {  	s6 =	simm.s32 @!p6 $0x0;
	s8 =	sadd.s32 $0x1380, s11;
	[smem:$0x7DE] =	sst s26  }
0x4d: {  	p0 =	slt.u32 @!p1 s3, $0x8;
	s6 =	simm.s32 @p6 $0x1;
	[smem:$0x7E3] =	sst s8  }
0x4e: {  	p0 =	por p1, p0;
	s2 =	sadd.s32 s12, s4;
	[smem:$0x7FB] =	sst s6  }
0x4f: {  	p1 =	slt.u32 @!p0 s3, $0x9;
	s1 =	simm.s32 @!p0 $0x0;
	s8 =	sld [smem:$0x7FD]  }
0x50: {  	s12 =	sadd.s32 $0xA00, s11;
	s10 =	sadd.s32 $0x1480, s11;
	[dreg:$0x7] =	wrdreg s2  }
0x51: {  	s26 =	sadd.s32 $0x1C00, s11;
	s1 =	simm.s32 @p0 $0x1;
	[dreg:$0x1e] =	wrdreg s12  }
0x52: {  	p1 =	por p0, p1;
	s2 =	sadd.s32 $0x700, s11;
	[smem:$0x7E5] =	sst s10  }
0x53: {  	s12 =	sadd.s32 $0x1500, s11;
	[smem:$0x7F4] =	sst s26;
	s10 =	sadd.s32 $0x1E00, s11  }
0x54: {  	s26 =	simm.s32 $0x2;
	[smem:$0x7CC] =	sst s1;
	p0 =	slt.u32 @!p1 s3, $0xA  }
0x55: {  	s0 =	simm.s32 @!p1 $0x0;
	s1 =	sadd.s32 $0x680, s11;
	[dreg:$0x18] =	wrdreg s2  }
0x56: {  	s2 =	sadd.s32 $0x1200, s11;
	[smem:$0x7E6] =	sst s12;
	s12 =	sadd.s32 $0x1E80, s11  }
0x57: {  	s0 =	simm.s32 @p1 $0x1;
	p1 =	por p1, p0;
	[dreg:$0x17] =	wrdreg s1  }
0x58: {  	s1 =	sadd.s32 $0x1180, s11;
	[smem:$0x7E0] =	sst s2;
	s2 =	sadd.s32 $0x1D00, s11  }
0x59: {  	p5 =	seq.s32 s8, $0x1;
	[smem:$0x7CD] =	sst s0;
	p0 =	slt.u32 @!p1 s3, $0xB  }
0x5a: {  	s0 =	simm.s32 @!p1 $0x0;
	[smem:$0x7DF] =	sst s1;
	s1 =	sadd.s32 $0x1C80, s11  }
0x5b: {  	[smem:$0x7F6] =	sst s2;
	s0 =	simm.s32 @p1 $0x1;
	p1 =	por p1, p0  }
0x5c: {  	[smem:$0x7CE] =	sst s0;
	p0 =	slt.u32 @!p1 s3, $0xC;
	s0 =	simm.s32 @!p1 $0x0  }
0x5d: {  	s2 =	sadd.s32 $0x2700, s11;
	s0 =	simm.s32 @p1 $0x1;
	p1 =	por p1, p0  }
0x5e: {  	[smem:$0x7CF] =	sst s0;
	p0 =	slt.u32 @!p1 s3, $0xD;
	s0 =	simm.s32 @!p1 $0x0  }
0x5f: {  	[smem:$0x7F5] =	sst s1;
	s0 =	simm.s32 @p1 $0x1;
	p0 =	por p1, p0  }
0x60: {  	s1 =	sadd.s32 $0x2600, s11;
	[smem:$0x7D0] =	sst s0;
	s0 =	simm.s32 @!p0 $0x0  }
0x61: {  	p1 =	por p4, p4;
	p4 =	por p6, p6;
	s0 =	simm.s32 @p0 $0x1  }
0x62: {  	p6 =	seq.s32 s7, $0x1;
	[smem:$0x7D1] =	sst s0;
	s0 =	sadd.s32 $0x2680, s11  }
.LBB2_1:
0x63: {  	s6 =	rddreg [dreg:$0x4]  }
0x64: {  	s7 =	rddreg [dreg:$0x5]  }
0x65: {  	s8 =	rddreg [dreg:$0x16]  }
0x66: {  	[spmem:s8], [sflag:s7] =	dma.local [hbm:s6], $0x500  }
0x67: {  	_ =	swait.ge [sflag:s26], $0x500  }
0x68: {  	[sflag:s26] =	ssyncset.done $0x0  }
0x69: {  	[sflag:s26] =	ssyncadd.s32 $0xFFFFFB00  }
0x6a: {  	s8 =	rddreg [dreg:$0x1]  }
0x6b: {  	[tilespmem:s9], [sflag:$0x2] =	stream.linear.gather [hbm4b:s8+s5], $0x800, $0x38;
	[tilespmem:$0x12400] =	vst v63  }
0x6c: {  	_ =	swait.ge [sflag:s26], $0x800  }
0x6d: {  	[sflag:s26] =	ssyncset.done $0x0  }
0x6e: {  	s7 =	rddreg [dreg:$0x6];
	[sflag:s26] =	ssyncadd.s32 $0xFFFFF800  }
0x6f: {  	[tilespmem:s5], [sflag:$0x2] =	stream.linear.gather [hbm4b:s7+s5], $0x2C00, $0x38;
	[tilespmem:$0x12400] =	vst v63  }
0x70: {  	_ =	swait.ge [sflag:s26], $0x2C00  }
0x71: {  	[sflag:s26] =	ssyncset.done $0x0  }
0x72: {  	[sflag:s26] =	ssyncadd.s32 $0xFFFFD400  }
0x73: {  	s6 =	simm.s32 @!p2 $0x80;
	s7 =	simm.s32 @!p2 $0x2C00;
	[bflag:$0x0] =	sbarrier.arrive $0xFFFF  }
0x74: {  	[spmem:s4] =	stream.indirect.scatter.add.f32 @!p2 [tilespmem:s7], [sflag:$0x1], $0x10, s11, s6, $0xb8;
	[tilespmem:$0x12400] =	vst v63  }
0x75: {  	s6 =	simm.s32 @!p3 $0x80;
	s7 =	simm.s32 @!p3 $0x2C00;
	s8 =	rddreg [dreg:$0xa]  }
0x76: {  	[spmem:s4] =	stream.indirect.scatter.add.f32 @!p3 [tilespmem:s7], [sflag:$0x1], $0x10, s8, s6, $0xb8;
	[tilespmem:$0x12400] =	vst v63  }
0x77: {  	s6 =	simm.s32 @!p1 $0x80;
	s7 =	simm.s32 @!p1 $0x2C00;
	s8 =	rddreg [dreg:$0xb]  }
0x78: {  	[spmem:s4] =	stream.indirect.scatter.add.f32 @!p1 [tilespmem:s7], [sflag:$0x1], $0x10, s8, s6, $0xb8;
	[tilespmem:$0x12400] =	vst v63  }
0x79: {  	s6 =	simm.s32 @!p4 $0x80;
	s7 =	simm.s32 @!p4 $0x2C00;
	s8 =	rddreg [dreg:$0xc]  }
0x7a: {  	[spmem:s4] =	stream.indirect.scatter.add.f32 @!p4 [tilespmem:s7], [sflag:$0x1], $0x10, s8, s6, $0xb8;
	[tilespmem:$0x12400] =	vst v63  }
0x7b: {  	s6 =	simm.s32 @!p6 $0x80;
	s7 =	simm.s32 @!p6 $0x2C00;
	s8 =	rddreg [dreg:$0xd]  }
0x7c: {  	[spmem:s4] =	stream.indirect.scatter.add.f32 @!p6 [tilespmem:s7], [sflag:$0x1], $0x10, s8, s6, $0xb8;
	[tilespmem:$0x12400] =	vst v63  }
0x7d: {  	s6 =	simm.s32 @!p5 $0x80;
	s7 =	simm.s32 @!p5 $0x2C00;
	s8 =	rddreg [dreg:$0xe]  }
0x7e: {  	[spmem:s4] =	stream.indirect.scatter.add.f32 @!p5 [tilespmem:s7], [sflag:$0x1], $0x10, s8, s6, $0xb8;
	[tilespmem:$0x12400] =	vst v63  }
0x7f: {  	s8 =	sld [smem:$0x7CB];
	_ =	sdelay $0x2  }
0x80: {  	p6 =	seq.s32 s8, $0x1  }
0x81: {  	s8 =	rddreg [dreg:$0xf];
	s6 =	simm.s32 @!p6 $0x80;
	s7 =	simm.s32 @!p6 $0x2C00  }
0x82: {  	[spmem:s4] =	stream.indirect.scatter.add.f32 @!p6 [tilespmem:s7], [sflag:$0x1], $0x10, s8, s6, $0xb8;
	[tilespmem:$0x12400] =	vst v63  }
0x83: {  	s7 =	sld [smem:$0x7CC];
	_ =	sdelay $0x2  }
0x84: {  	p0 =	seq.s32 s7, $0x1  }
0x85: {  	s8 =	rddreg [dreg:$0x10];
	s6 =	simm.s32 @!p0 $0x80;
	s7 =	simm.s32 @!p0 $0x2C00  }
0x86: {  	[spmem:s4] =	stream.indirect.scatter.add.f32 @!p0 [tilespmem:s7], [sflag:$0x1], $0x10, s8, s6, $0xb8;
	[tilespmem:$0x12400] =	vst v63  }
0x87: {  	s8 =	sld [smem:$0x7CD];
	_ =	sdelay $0x2  }
0x88: {  	p1 =	seq.s32 s8, $0x1  }
0x89: {  	s8 =	rddreg [dreg:$0x11];
	s6 =	simm.s32 @!p1 $0x80;
	s7 =	simm.s32 @!p1 $0x2C00  }
0x8a: {  	[spmem:s4] =	stream.indirect.scatter.add.f32 @!p1 [tilespmem:s7], [sflag:$0x1], $0x10, s8, s6, $0xb8;
	[tilespmem:$0x12400] =	vst v63  }
0x8b: {  	s7 =	sld [smem:$0x7CE];
	_ =	sdelay $0x2  }
0x8c: {  	p1 =	seq.s32 s7, $0x1  }
0x8d: {  	s8 =	rddreg [dreg:$0x12];
	s6 =	simm.s32 @!p1 $0x80;
	s7 =	simm.s32 @!p1 $0x2C00  }
0x8e: {  	[spmem:s4] =	stream.indirect.scatter.add.f32 @!p1 [tilespmem:s7], [sflag:$0x1], $0x10, s8, s6, $0xb8;
	[tilespmem:$0x12400] =	vst v63  }
0x8f: {  	s8 =	sld [smem:$0x7CF];
	_ =	sdelay $0x2  }
0x90: {  	p3 =	seq.s32 s8, $0x1  }
0x91: {  	s8 =	rddreg [dreg:$0x13];
	s6 =	simm.s32 @!p3 $0x80;
	s7 =	simm.s32 @!p3 $0x2C00  }
0x92: {  	[spmem:s4] =	stream.indirect.scatter.add.f32 @!p3 [tilespmem:s7], [sflag:$0x1], $0x10, s8, s6, $0xb8;
	[tilespmem:$0x12400] =	vst v63  }
0x93: {  	s7 =	sld [smem:$0x7D0];
	_ =	sdelay $0x2  }
0x94: {  	p3 =	seq.s32 s7, $0x1  }
0x95: {  	s8 =	rddreg [dreg:$0x14];
	s6 =	simm.s32 @!p3 $0x80;
	s7 =	simm.s32 @!p3 $0x2C00  }
0x96: {  	[spmem:s4] =	stream.indirect.scatter.add.f32 @!p3 [tilespmem:s7], [sflag:$0x1], $0x10, s8, s6, $0xb8;
	[tilespmem:$0x12400] =	vst v63  }
0x97: {  	s8 =	sld [smem:$0x7D1];
	_ =	sdelay $0x2  }
0x98: {  	p2 =	seq.s32 s8, $0x1  }
.Ltmp0:
0x99: {  	_ = 	snop;
	(pc) =	sbr.rel @p2 .LBB2_7-.Ltmp0, $1  }
0x9a: {  	_ =	sdelay $0x3  }
0x9b: {  	s5 =	smov.u32 s24;
	s24 =	smov.u32 s2  }
0x9c: {  	s2 =	smov.u32 s0;
	s0 =	smov.u32 s1;
	s1 =	smov.u32 s31  }
0x9d: {  	s31 =	smov.u32 s30;
	s30 =	smov.u32 s25;
	s25 =	smov.u32 s23  }
0x9e: {  	s23 =	smov.u32 s22;
	s22 =	smov.u32 s21;
	s21 =	smov.u32 s20  }
0x9f: {  	s20 =	smov.u32 s19;
	s19 =	smov.u32 s18;
	s18 =	smov.u32 s17  }
0xa0: {  	s17 =	smov.u32 s16;
	s16 =	smov.u32 s15;
	s15 =	smov.u32 s14  }
0xa1: {  	s14 =	smov.u32 s13;
	s13 =	smov.u32 s12;
	s12 =	smov.u32 s10  }
0xa2: {  	p0 =	slt.u32 s3, $0xE;
	s6 =	rddreg [dreg:$0x15];
	s10 =	simm.s32 $0x80  }
0xa3: {  	[spmem:s4] =	stream.indirect.scatter.add.f32 [tilespmem:s9], [sflag:$0x1], $0x10, s6, s10, $0xb8;
	[tilespmem:$0x12400] =	vst v63  }
0xa4: {  	s8 =	rddreg [dreg:$0x17];
	p1 =	slt.u32 @!p0 s3, $0xF  }
0xa5: {  	s6 =	simm.s32 @!p0 $0x80;
	s7 =	simm.s32 @!p0 $0x2C00;
	p1 =	por p0, p1  }
0xa6: {  	[spmem:s4] =	stream.indirect.scatter.add.f32 @!p0 [tilespmem:s7], [sflag:$0x1], $0x10, s8, s6, $0xb8;
	[tilespmem:$0x12400] =	vst v63  }
0xa7: {  	p2 =	slt.u32 @!p1 s3, $0x10  }
0xa8: {  	p5 =	por p1, p2  }
0xa9: {  	p2 =	slt.u32 @!p5 s3, $0x11  }
0xaa: {  	p2 =	por p5, p2  }
.Ltmp1:
0xab: {  	_ = 	snop;
	(pc) =	sbr.rel @p2 .LBB2_3-.Ltmp1, $4  }
0xac: {  	s6 =	simm.s32 @!p1 $0x80;
	s7 =	simm.s32 @!p1 $0x2C00;
	s8 =	rddreg [dreg:$0x18]  }
0xad: {  	[spmem:s4] =	stream.indirect.scatter.add.f32 @!p1 [tilespmem:s7], [sflag:$0x1], $0x10, s8, s6, $0xb8;
	[tilespmem:$0x12400] =	vst v63  }
0xae: {  	s6 =	simm.s32 @!p5 $0x80;
	s7 =	simm.s32 @!p5 $0x2C00;
	s8 =	rddreg [dreg:$0x19]  }
0xaf: {  	[spmem:s4] =	stream.indirect.scatter.add.f32 @!p5 [tilespmem:s7], [sflag:$0x1], $0x10, s8, s6, $0xb8;
	[tilespmem:$0x12400] =	vst v63  }
0xb0: {  	p5 =	slt.u32 s3, $0x12;
	s6 =	rddreg [dreg:$0x1a]  }
0xb1: {  	[spmem:s4] =	stream.indirect.scatter.add.f32 [tilespmem:s9], [sflag:$0x1], $0x10, s6, s10, $0xb8;
	[tilespmem:$0x12400] =	vst v63  }
0xb2: {  	s8 =	rddreg [dreg:$0x1b];
	p2 =	slt.u32 @!p5 s3, $0x13  }
0xb3: {  	s6 =	simm.s32 @!p5 $0x80;
	s7 =	simm.s32 @!p5 $0x2C00;
	p1 =	por p2, p5  }
0xb4: {  	[spmem:s4] =	stream.indirect.scatter.add.f32 @!p5 [tilespmem:s7], [sflag:$0x1], $0x10, s8, s6, $0xb8;
	[tilespmem:$0x12400] =	vst v63  }
0xb5: {  	p0 =	slt.u32 @!p1 s3, $0x14;
	s6 =	simm.s32 @!p1 $0x80  }
0xb6: {  	s7 =	simm.s32 @!p1 $0x2C00;
	s8 =	rddreg [dreg:$0x1c];
	p3 =	por @!p5 p0, p2  }
0xb7: {  	[spmem:s4] =	stream.indirect.scatter.add.f32 @!p1 [tilespmem:s7], [sflag:$0x1], $0x10, s8, s6, $0xb8;
	[tilespmem:$0x12400] =	vst v63  }
0xb8: {  	p4 =	por @!p5 !p0, p2;
	p0 =	por @!p1 $0x1, $0x1;
	p3 =	por p3, p5  }
0xb9: {  	s8 =	rddreg [dreg:$0x1d];
	p4 =	por !p4, p5;
	p1 =	por @!p1 $0x0, $0x0  }
0xba: {  	s6 =	simm.s32 @!p3 $0x80;
	s7 =	simm.s32 @!p3 $0x2C00;
	p6 =	por @!p3 $0x1, $0x1  }
0xbb: {  	[spmem:s4] =	stream.indirect.scatter.add.f32 @!p3 [tilespmem:s7], [sflag:$0x1], $0x10, s8, s6, $0xb8;
	[tilespmem:$0x12400] =	vst v63  }
0xbc: {  	p2 =	por !p2, p5;
	p0 =	por @!p4 p6, p6;
	p1 =	por @!p4 p6, p6  }
0xbd: {  	p4 =	por @!p5 $0x1, $0x1;
	p6 =	por @!p5 $0x0, $0x0;
	p3 =	por p0, p0  }
0xbe: {  	p1 =	por @!p2 p6, p6;
	p3 =	por @!p2 p6, p6;
	p6 =	por $0x0, $0x0  }
0xbf: {  	p0 =	por @!p2 p4, p4;
	p6 =	por @!p5 p3, p3;
	p3 =	por $0x1, $0x1  }
0xc0: {  	p3 =	por @!p5 p0, p0  }
0xc1: {  	s6 =	simm.s32 @!p3 $0x0  }
.Ltmp2:
0xc2: {  	s6 =	simm.s32 @p3 $0x1;
	p3 =	por $0x0, $0x0;
	(pc) =	sbr.rel .LBB2_5-.Ltmp2, $4  }
0xc3: {  	p4 =	por $0x1, $0x1;
	p2 =	por $0x1, $0x1;
	p3 =	por @!p5 p0, p0  }
0xc4: {  	p2 =	por @!p5 p0, p0;
	[smem:$0x7C9] =	sst s6;
	s6 =	simm.s32 @!p3 $0x0  }
0xc5: {  	s6 =	simm.s32 @p3 $0x1;
	p3 =	por p2, p2;
	p2 =	por $0x0, $0x0  }
0xc6: {  	p4 =	por @!p5 p0, p0;
	[smem:$0x7CA] =	sst s6;
	p2 =	por @!p5 p1, p1  }
.LBB2_7:
0xc7: {  	s6 =	sld [smem:$0x7F8];
	_ =	sdelay $0x1  }
0xc8: {  	s7 =	sld [smem:$0x7F9]  }
0xc9: {  	p6 =	seq.s32 s6, $0x1  }
0xca: {  	p1 =	por $0x0, $0x0;
	s8 =	sld [smem:$0x7FA];
	p2 =	por @!p6 $0x0, $0x0  }
0xcb: {  	p4 =	seq.s32 s7, $0x1;
	p1 =	por @!p6 p2, p2  }
0xcc: {  	p3 =	por @!p4 $0x0, $0x0;
	p2 =	por p1, p1  }
0xcd: {  	p2 =	por @!p4 p3, p3;
	p3 =	seq.s32 s8, $0x1  }
0xce: {  	p0 =	por @!p3 $0x0, $0x0  }
0xcf: {  	s6 =	simm.s32 @!p0 $0x0  }
0xd0: {  	p5 =	por @!p4 $0x1, $0x1;
	s6 =	simm.s32 @p0 $0x1  }
0xd1: {  	[smem:$0x7BC] =	sst s6;
	s6 =	simm.s32 @!p5 $0x0  }
0xd2: {  	s6 =	simm.s32 @p5 $0x1;
	s9 =	sld [smem:$0x7BC]  }
0xd3: {  	[smem:$0x7BD] =	sst s6  }
0xd4: {  	s7 =	sld [smem:$0x7BD];
	_ =	sdelay $0x1  }
0xd5: {  	p6 =	por p2, p2;
	p5 =	por p4, p4;
	p4 =	seq.s32 s9, $0x1  }
0xd6: {  	p6 =	por @!p3 p4, p4;
	p4 =	seq.s32 s7, $0x1  }
0xd7: {  	p1 =	por @!p5 p4, p4;
	p4 =	por @!p3 $0x1, $0x1  }
0xd8: {  	p0 =	por p3, p3;
	p2 =	por @!p3 p4, p4;
	p3 =	por @!p3 $0x1, $0x1  }
0xd9: {  	s6 =	simm.s32 @!p3 $0x0  }
0xda: {  	s6 =	simm.s32 @p3 $0x1  }
0xdb: {  	[smem:$0x7BE] =	sst s6  }
0xdc: {  	s6 =	sld [smem:$0x7BE]  }
0xdd: {  	s8 =	sld [smem:$0x7FB];
	_ =	sdelay $0x1  }
0xde: {  	p3 =	seq.s32 s6, $0x1  }
0xdf: {  	p1 =	por @!p0 p3, p3;
	p3 =	seq.s32 s8, $0x1  }
0xe0: {  	s9 =	sld [smem:$0x7FC];
	p4 =	por p6, p6;
	p0 =	por @!p3 $0x0, $0x0  }
0xe1: {  	p4 =	por @!p3 p0, p0;
	p0 =	por @!p3 $0x1, $0x1  }
0xe2: {  	p2 =	por @!p3 p0, p0  }
0xe3: {  	p1 =	por @!p3 p0, p0;
	p6 =	por @!p3 p0, p0;
	p0 =	seq.s32 s9, $0x1  }
0xe4: {  	p3 =	por p4, p4;
	p5 =	por @!p0 $0x0, $0x0  }
0xe5: {  	p3 =	por @!p0 p5, p5  }
0xe6: {  	s6 =	simm.s32 @!p3 $0x0  }
0xe7: {  	s6 =	simm.s32 @p3 $0x1  }
0xe8: {  	[smem:$0x7C5] =	sst s6  }
0xe9: {  	p3 =	por @!p0 $0x1, $0x1;
	s7 =	sld [smem:$0x7C5]  }
0xea: {  	p4 =	por @!p0 p3, p3  }
0xeb: {  	s6 =	simm.s32 @!p4 $0x0  }
0xec: {  	s6 =	simm.s32 @p4 $0x1;
	p3 =	seq.s32 s7, $0x1  }
0xed: {  	[smem:$0x7C4] =	sst s6;
	s6 =	simm.s32 @!p3 $0x0  }
0xee: {  	s8 =	sld [smem:$0x7FD];
	s6 =	simm.s32 @p3 $0x1  }
0xef: {  	[smem:$0x7C3] =	sst s6  }
0xf0: {  	s9 =	sld [smem:$0x7C3]  }
0xf1: {  	p5 =	seq.s32 s8, $0x1;
	p4 =	por @!p0 $0x1, $0x1  }
0xf2: {  	p2 =	por @!p0 p4, p4;
	p1 =	por @!p0 p4, p4;
	p4 =	por @!p0 $0x1, $0x1  }
0xf3: {  	p6 =	por @!p0 p4, p4;
	p0 =	por @!p5 $0x0, $0x0;
	p4 =	seq.s32 s9, $0x1  }
0xf4: {  	s7 =	sld [smem:$0x7C4];
	p4 =	por @!p5 p0, p0  }
0xf5: {  	s6 =	simm.s32 @!p4 $0x0  }
0xf6: {  	s8 =	sld [smem:$0x7CB];
	s6 =	simm.s32 @p4 $0x1  }
0xf7: {  	p0 =	seq.s32 s7, $0x1;
	p4 =	por @!p5 $0x1, $0x1;
	[smem:$0x7C3] =	sst s6  }
0xf8: {  	p0 =	por @!p5 p4, p4;
	p3 =	por @!p5 p4, p4;
	s9 =	sld [smem:$0x7C3]  }
0xf9: {  	p2 =	por @!p5 p4, p4;
	p1 =	por @!p5 p4, p4;
	s6 =	simm.s32 @!p3 $0x0  }
0xfa: {  	p6 =	por @!p5 p4, p4;
	s6 =	simm.s32 @p3 $0x1;
	p3 =	seq.s32 s8, $0x1  }
0xfb: {  	s7 =	sld [smem:$0x7C3];
	p5 =	por @!p3 $0x0, $0x0;
	p4 =	seq.s32 s9, $0x1  }
0xfc: {  	p4 =	por @!p3 p5, p5  }
0xfd: {  	[smem:$0x7C5] =	sst s6;
	s6 =	simm.s32 @!p4 $0x0  }
0xfe: {  	p5 =	por @!p3 $0x1, $0x1;
	s6 =	simm.s32 @p4 $0x1;
	p4 =	seq.s32 s7, $0x1  }
0xff: {  	[smem:$0x7C6] =	sst s6;
	p4 =	por @!p3 p5, p5  }
0x100: {  	p5 =	por @!p3 $0x1, $0x1;
	s6 =	simm.s32 @!p4 $0x0;
	s9 =	sld [smem:$0x7C6]  }
0x101: {  	s6 =	simm.s32 @p4 $0x1;
	p4 =	por p3, p3;
	p3 =	por p0, p0  }
0x102: {  	p3 =	por @!p4 p5, p5  }
0x103: {  	[smem:$0x7C3] =	sst s6;
	s6 =	simm.s32 @!p3 $0x0  }
0x104: {  	s8 =	sld [smem:$0x7CC];
	s6 =	simm.s32 @p3 $0x1;
	p3 =	seq.s32 s9, $0x1  }
0x105: {  	[smem:$0x7C4] =	sst s6;
	s6 =	simm.s32 @!p3 $0x0  }
0x106: {  	s7 =	sld [smem:$0x7C5];
	s6 =	simm.s32 @p3 $0x1  }
0x107: {  	[smem:$0x7C2] =	sst s6  }
0x108: {  	p0 =	seq.s32 s8, $0x1;
	s8 =	sld [smem:$0x7C2]  }
0x109: {  	p2 =	por @!p4 p5, p5;
	p1 =	por @!p4 p5, p5  }
0x10a: {  	p6 =	por @!p4 p5, p5;
	s9 =	sld [smem:$0x7C3];
	p3 =	seq.s32 s7, $0x1  }
0x10b: {  	p3 =	por @!p4 p5, p5;
	p4 =	por @!p0 $0x0, $0x0;
	p5 =	seq.s32 s8, $0x1  }
0x10c: {  	p5 =	por @!p0 p4, p4  }
0x10d: {  	s7 =	sld [smem:$0x7C4];
	s6 =	simm.s32 @!p5 $0x0  }
0x10e: {  	p4 =	seq.s32 s9, $0x1;
	s6 =	simm.s32 @p5 $0x1;
	p5 =	por @!p0 $0x1, $0x1  }
0x10f: {  	s8 =	sld [smem:$0x7C6];
	p4 =	por @!p0 p5, p5  }
0x110: {  	[smem:$0x7C2] =	sst s6;
	p5 =	seq.s32 s7, $0x1;
	s6 =	simm.s32 @!p4 $0x0  }
0x111: {  	s7 =	sld [smem:$0x7C2];
	s6 =	simm.s32 @p4 $0x1;
	p4 =	por @!p0 $0x1, $0x1  }
0x112: {  	[smem:$0x7C3] =	sst s6;
	p5 =	por @!p0 p4, p4;
	p2 =	por @!p0 p4, p4  }
0x113: {  	p1 =	por @!p0 p4, p4;
	p6 =	por @!p0 p4, p4;
	s6 =	simm.s32 @!p5 $0x0  }
0x114: {  	p3 =	por @!p0 p4, p4;
	p4 =	seq.s32 s8, $0x1;
	s6 =	simm.s32 @p5 $0x1  }
0x115: {  	p5 =	por @!p0 $0x1, $0x1;
	[smem:$0x7C4] =	sst s6;
	s6 =	simm.s32 @!p3 $0x0  }
0x116: {  	p4 =	por @!p0 p5, p5;
	s6 =	simm.s32 @p3 $0x1  }
0x117: {  	[smem:$0x7C5] =	sst s6;
	s6 =	simm.s32 @!p4 $0x0  }
0x118: {  	p5 =	seq.s32 s7, $0x1;
	s6 =	simm.s32 @p4 $0x1  }
0x119: {  	[smem:$0x7C6] =	sst s6;
	s6 =	simm.s32 @!p5 $0x0  }
0x11a: {  	s9 =	sld [smem:$0x7CD];
	s6 =	simm.s32 @p5 $0x1  }
0x11b: {  	[smem:$0x7C7] =	sst s6  }
0x11c: {  	s6 =	sld [smem:$0x7C7];
	_ =	sdelay $0x1  }
0x11d: {  	p4 =	seq.s32 s9, $0x1  }
0x11e: {  	p0 =	por @!p4 $0x0, $0x0;
	p3 =	seq.s32 s6, $0x1  }
0x11f: {  	p3 =	por @!p4 p0, p0  }
0x120: {  	s8 =	sld [smem:$0x7C3];
	s6 =	simm.s32 @!p3 $0x0  }
0x121: {  	s6 =	simm.s32 @p3 $0x1;
	p3 =	por @!p4 $0x1, $0x1  }
0x122: {  	s9 =	sld [smem:$0x7C4];
	p5 =	por @!p4 p3, p3  }
0x123: {  	p0 =	seq.s32 s8, $0x1;
	[smem:$0x7C7] =	sst s6;
	s6 =	simm.s32 @!p5 $0x0  }
0x124: {  	s7 =	sld [smem:$0x7C5];
	p0 =	por @!p4 p3, p3;
	s6 =	simm.s32 @p5 $0x1  }
0x125: {  	[smem:$0x7C2] =	sst s6;
	s6 =	simm.s32 @!p0 $0x0  }
0x126: {  	s8 =	sld [smem:$0x7CE];
	s6 =	simm.s32 @p0 $0x1;
	p0 =	seq.s32 s9, $0x1  }
0x127: {  	p2 =	por @!p4 p3, p3;
	p1 =	por @!p4 p3, p3;
	p0 =	por @!p4 p3, p3  }
0x128: {  	p6 =	por @!p4 p3, p3;
	[smem:$0x7C3] =	sst s6;
	s6 =	simm.s32 @!p0 $0x0  }
0x129: {  	s9 =	sld [smem:$0x7C7];
	s6 =	simm.s32 @p0 $0x1;
	p0 =	seq.s32 s8, $0x1  }
0x12a: {  	p3 =	seq.s32 s7, $0x1;
	s7 =	sld [smem:$0x7C6];
	p0 =	por @!p0 $0x0, $0x0  }
0x12b: {  	[smem:$0x7C4] =	sst s6;
	s6 =	simm.s32 @!p0 $0x0  }
0x12c: {  	s8 =	sld [smem:$0x7CE];
	s6 =	simm.s32 @p0 $0x1;
	p0 =	seq.s32 s9, $0x1  }
0x12d: {  	[smem:$0x7BF] =	sst s6;
	s6 =	simm.s32 @!p0 $0x0  }
0x12e: {  	s6 =	simm.s32 @p0 $0x1;
	p0 =	seq.s32 s7, $0x1;
	s7 =	sld [smem:$0x7BF]  }
0x12f: {  	p5 =	por @!p4 $0x1, $0x1;
	[smem:$0x7C8] =	sst s6  }
0x130: {  	p0 =	por @!p4 p5, p5;
	s9 =	sld [smem:$0x7C8]  }
0x131: {  	s6 =	simm.s32 @!p0 $0x0  }
0x132: {  	p3 =	por @!p4 p5, p5;
	s6 =	simm.s32 @p0 $0x1;
	p0 =	seq.s32 s8, $0x1  }
0x133: {  	p5 =	seq.s32 s7, $0x1;
	s8 =	sld [smem:$0x7C2];
	p4 =	seq.s32 s9, $0x1  }
0x134: {  	[smem:$0x7C6] =	sst s6;
	p4 =	por @!p0 p5, p5  }
0x135: {  	s9 =	sld [smem:$0x7C3];
	s6 =	simm.s32 @!p4 $0x0  }
0x136: {  	p5 =	por @!p0 $0x1, $0x1;
	s6 =	simm.s32 @p4 $0x1;
	p4 =	seq.s32 s8, $0x1  }
0x137: {  	s7 =	sld [smem:$0x7C4];
	p4 =	por @!p0 p5, p5  }
0x138: {  	[smem:$0x7C8] =	sst s6;
	s6 =	simm.s32 @!p4 $0x0  }
0x139: {  	s8 =	sld [smem:$0x7C6];
	s6 =	simm.s32 @p4 $0x1;
	p4 =	seq.s32 s9, $0x1  }
0x13a: {  	s9 =	sld [smem:$0x7CF];
	p4 =	por @!p0 p5, p5  }
0x13b: {  	[smem:$0x7C2] =	sst s6;
	p5 =	seq.s32 s7, $0x1;
	s6 =	simm.s32 @!p4 $0x0  }
0x13c: {  	s7 =	sld [smem:$0x7C8];
	s6 =	simm.s32 @p4 $0x1;
	p4 =	por @!p0 $0x1, $0x1  }
0x13d: {  	[smem:$0x7C3] =	sst s6;
	p5 =	por @!p0 p4, p4;
	p2 =	por @!p0 p4, p4  }
0x13e: {  	p1 =	por @!p0 p4, p4;
	p6 =	por @!p0 p4, p4;
	s6 =	simm.s32 @!p5 $0x0  }
0x13f: {  	p3 =	por @!p0 p4, p4;
	p4 =	seq.s32 s8, $0x1;
	s6 =	simm.s32 @p5 $0x1  }
0x140: {  	p5 =	por @!p0 $0x1, $0x1;
	[smem:$0x7C4] =	sst s6;
	s6 =	simm.s32 @!p3 $0x0  }
0x141: {  	p4 =	por @!p0 p5, p5;
	p0 =	por @!p0 $0x1, $0x1;
	s6 =	simm.s32 @p3 $0x1  }
0x142: {  	[smem:$0x7C5] =	sst s6;
	s6 =	simm.s32 @!p0 $0x0  }
0x143: {  	s8 =	sld [smem:$0x7C7];
	s6 =	simm.s32 @p0 $0x1  }
0x144: {  	[smem:$0x7C0] =	sst s6;
	s6 =	simm.s32 @!p4 $0x0  }
0x145: {  	s6 =	simm.s32 @p4 $0x1;
	p4 =	seq.s32 s9, $0x1;
	s9 =	sld [smem:$0x7CE]  }
0x146: {  	p0 =	seq.s32 s7, $0x1;
	s7 =	sld [smem:$0x7C0]  }
0x147: {  	[smem:$0x7C6] =	sst s6;
	s6 =	simm.s32 @!p0 $0x0  }
0x148: {  	s6 =	simm.s32 @p0 $0x1  }
0x149: {  	p0 =	seq.s32 s8, $0x1;
	[smem:$0x7C1] =	sst s6  }
0x14a: {  	p3 =	seq.s32 s9, $0x1;
	p5 =	seq.s32 s7, $0x1;
	s8 =	sld [smem:$0x7C1]  }
0x14b: {  	p0 =	por @!p3 p5, p5  }
0x14c: {  	s9 =	sld [smem:$0x7C2];
	s6 =	simm.s32 @!p0 $0x0  }
0x14d: {  	p3 =	por @!p4 $0x1, $0x1;
	s6 =	simm.s32 @p0 $0x1;
	p0 =	seq.s32 s8, $0x1  }
0x14e: {  	p0 =	por @!p4 p3, p3  }
0x14f: {  	[smem:$0x7C7] =	sst s6;
	s6 =	simm.s32 @!p0 $0x0  }
0x150: {  	s7 =	sld [smem:$0x7C3];
	s6 =	simm.s32 @p0 $0x1;
	p0 =	seq.s32 s9, $0x1  }
0x151: {  	p0 =	por @!p4 p3, p3  }
0x152: {  	[smem:$0x7C1] =	sst s6;
	s6 =	simm.s32 @!p0 $0x0  }
0x153: {  	s8 =	sld [smem:$0x7C4];
	s6 =	simm.s32 @p0 $0x1;
	p0 =	seq.s32 s7, $0x1  }
0x154: {  	p0 =	por @!p4 p3, p3  }
0x155: {  	[smem:$0x7C2] =	sst s6;
	s6 =	simm.s32 @!p0 $0x0  }
0x156: {  	s9 =	sld [smem:$0x7C5];
	s6 =	simm.s32 @p0 $0x1;
	p0 =	seq.s32 s8, $0x1  }
0x157: {  	p0 =	por @!p4 p3, p3  }
0x158: {  	[smem:$0x7C3] =	sst s6;
	s6 =	simm.s32 @!p0 $0x0  }
0x159: {  	s7 =	sld [smem:$0x7C6];
	s6 =	simm.s32 @p0 $0x1;
	p0 =	seq.s32 s9, $0x1  }
0x15a: {  	s8 =	sld [smem:$0x7C7];
	p0 =	por @!p4 p3, p3  }
0x15b: {  	p2 =	por @!p4 p3, p3;
	[smem:$0x7C4] =	sst s6;
	s6 =	simm.s32 @!p0 $0x0  }
0x15c: {  	s9 =	sld [smem:$0x7D0];
	s6 =	simm.s32 @p0 $0x1;
	p0 =	seq.s32 s7, $0x1  }
0x15d: {  	p1 =	por @!p4 p3, p3;
	s7 =	sld [smem:$0x7C8];
	p0 =	por @!p4 p3, p3  }
0x15e: {  	p6 =	por @!p4 p3, p3;
	[smem:$0x7C5] =	sst s6;
	s6 =	simm.s32 @!p0 $0x0  }
0x15f: {  	p3 =	por @!p4 $0x1, $0x1;
	s6 =	simm.s32 @p0 $0x1;
	p0 =	seq.s32 s8, $0x1  }
0x160: {  	p5 =	por @!p4 $0x0, $0x0;
	p0 =	por @!p4 p3, p3  }
0x161: {  	[smem:$0x7C6] =	sst s6;
	p3 =	seq.s32 s7, $0x1;
	s6 =	simm.s32 @!p0 $0x0  }
0x162: {  	s6 =	simm.s32 @p0 $0x1;
	p0 =	seq.s32 s9, $0x1;
	s9 =	sld [smem:$0x7C1]  }
0x163: {  	s8 =	sld [smem:$0x7C2];
	p3 =	por @!p4 p5, p5  }
0x164: {  	[smem:$0x7C7] =	sst s6;
	s6 =	simm.s32 @!p3 $0x0  }
0x165: {  	p4 =	por @!p0 $0x1, $0x1;
	s6 =	simm.s32 @p3 $0x1;
	p3 =	seq.s32 s9, $0x1  }
0x166: {  	s7 =	sld [smem:$0x7C3];
	p3 =	por @!p0 p4, p4  }
0x167: {  	p5 =	seq.s32 s8, $0x1;
	[smem:$0x7C8] =	sst s6;
	s6 =	simm.s32 @!p3 $0x0  }
0x168: {  	s8 =	sld [smem:$0x7C4];
	p5 =	por @!p0 p4, p4;
	s6 =	simm.s32 @p3 $0x1  }
0x169: {  	p3 =	seq.s32 s7, $0x1;
	[smem:$0x7C1] =	sst s6;
	s6 =	simm.s32 @!p5 $0x0  }
0x16a: {  	p3 =	por @!p0 p4, p4;
	s6 =	simm.s32 @p5 $0x1  }
0x16b: {  	[smem:$0x7C2] =	sst s6;
	s6 =	simm.s32 @!p3 $0x0  }
0x16c: {  	s9 =	sld [smem:$0x7C5];
	s6 =	simm.s32 @p3 $0x1;
	p3 =	seq.s32 s8, $0x1  }
0x16d: {  	p3 =	por @!p0 p4, p4  }
0x16e: {  	[smem:$0x7C3] =	sst s6;
	s6 =	simm.s32 @!p3 $0x0  }
0x16f: {  	s7 =	sld [smem:$0x7C6];
	s6 =	simm.s32 @p3 $0x1;
	p3 =	seq.s32 s9, $0x1  }
0x170: {  	p2 =	por @!p0 p4, p4;
	s8 =	sld [smem:$0x7C7];
	p3 =	por @!p0 p4, p4  }
0x171: {  	p1 =	por @!p0 p4, p4;
	[smem:$0x7C4] =	sst s6;
	s6 =	simm.s32 @!p3 $0x0  }
0x172: {  	p6 =	por @!p0 p4, p4;
	s6 =	simm.s32 @p3 $0x1;
	p3 =	seq.s32 s7, $0x1  }
0x173: {  	p5 =	por @!p0 $0x1, $0x1;
	s9 =	sld [smem:$0x7C8];
	p3 =	por @!p0 p4, p4  }
0x174: {  	[smem:$0x7C5] =	sst s6;
	p4 =	seq.s32 s8, $0x1;
	s6 =	simm.s32 @!p3 $0x0  }
0x175: {  	p4 =	por @!p0 p5, p5;
	s6 =	simm.s32 @p3 $0x1  }
0x176: {  	p3 =	sgt.s32 s3, $0x0;
	[smem:$0x7C6] =	sst s6;
	s6 =	simm.s32 @!p4 $0x0  }
.Ltmp3:
0x177: {  	s6 =	simm.s32 @p4 $0x1;
	p4 =	seq.s32 s9, $0x1;
	(pc) =	sbr.rel @!p3 .LBB2_8-.Ltmp3, $4  }
0x178: {  	p4 =	por @!p0 p5, p5  }
0x179: {  	[smem:$0x7C7] =	sst s6;
	s6 =	simm.s32 @!p4 $0x0  }
0x17a: {  	s6 =	simm.s32 @p4 $0x1  }
0x17b: {  	[smem:$0x7C8] =	sst s6  }
.Ltmp4:
0x17c: {  	(pc) =	sbr.rel @!p1 .LBB2_20-.Ltmp4, $4  }
0x17d: {  	_ = 	snop  }
0x17e: {  	_ =	swait.ge [sflag:s28], $0x800  }
0x17f: {  	[sflag:s28] =	ssyncset.done $0x0  }
0x180: {  	[sflag:s28] =	ssyncadd.s32 $0xFFFFF800  }
.LBB2_9:
.Ltmp5:
0x181: {  	(pc) =	sbr.rel @p2 .LBB2_21-.Ltmp5, $4  }
0x182: {  	_ = 	snop  }
0x183: {  	_ =	swait.ge [sflag:s28], $0x800  }
0x184: {  	[sflag:s28] =	ssyncset.done $0x0  }
0x185: {  	[sflag:s28] =	ssyncadd.s32 $0xFFFFF800  }
.LBB2_10:
.Ltmp6:
0x186: {  	(pc) =	sbr.rel @!p6 .LBB2_11-.Ltmp6, $1  }
0x187: {  	_ =	sdelay $0x3  }
.LBB2_22:
0x188: {  	_ =	swait.ge [sflag:s28], $0x800  }
0x189: {  	s6 =	sld [smem:$0x7C4];
	_ =	sdelay $0x2  }
0x18a: {  	p0 =	seq.s32 s6, $0x1  }
.Ltmp7:
0x18b: {  	_ = 	snop;
	(pc) =	sbr.rel @p0 .LBB2_23-.Ltmp7, $3  }
0x18c: {  	_ =	sdelay $0x1  }
0x18d: {  	[sflag:s28] =	ssyncset.done $0x0  }
0x18e: {  	[sflag:s28] =	ssyncadd.s32 $0xFFFFF800  }
.LBB2_12:
0x18f: {  	s6 =	sld [smem:$0x7C5];
	_ =	sdelay $0x2  }
0x190: {  	p0 =	seq.s32 s6, $0x1  }
.Ltmp8:
0x191: {  	_ = 	snop;
	(pc) =	sbr.rel @!p0 .LBB2_13-.Ltmp8, $1  }
0x192: {  	_ =	sdelay $0x3  }
.LBB2_24:
0x193: {  	_ =	swait.ge [sflag:s28], $0x800  }
0x194: {  	s6 =	sld [smem:$0x7C3];
	_ =	sdelay $0x2  }
0x195: {  	p0 =	seq.s32 s6, $0x1  }
.Ltmp9:
0x196: {  	_ = 	snop;
	(pc) =	sbr.rel @p0 .LBB2_25-.Ltmp9, $3  }
0x197: {  	_ =	sdelay $0x1  }
0x198: {  	[sflag:s28] =	ssyncset.done $0x0  }
0x199: {  	[sflag:s28] =	ssyncadd.s32 $0xFFFFF800  }
.LBB2_14:
0x19a: {  	s6 =	sld [smem:$0x7C6];
	_ =	sdelay $0x2  }
0x19b: {  	p0 =	seq.s32 s6, $0x1  }
.Ltmp10:
0x19c: {  	_ = 	snop;
	(pc) =	sbr.rel @!p0 .LBB2_15-.Ltmp10, $1  }
0x19d: {  	_ =	sdelay $0x3  }
.LBB2_26:
0x19e: {  	_ =	swait.ge [sflag:s28], $0x800  }
0x19f: {  	s6 =	sld [smem:$0x7C2];
	_ =	sdelay $0x2  }
0x1a0: {  	p0 =	seq.s32 s6, $0x1  }
.Ltmp11:
0x1a1: {  	_ = 	snop;
	(pc) =	sbr.rel @p0 .LBB2_27-.Ltmp11, $3  }
0x1a2: {  	_ =	sdelay $0x1  }
0x1a3: {  	[sflag:s28] =	ssyncset.done $0x0  }
0x1a4: {  	[sflag:s28] =	ssyncadd.s32 $0xFFFFF800  }
.LBB2_16:
0x1a5: {  	s6 =	sld [smem:$0x7C7];
	_ =	sdelay $0x2  }
0x1a6: {  	p0 =	seq.s32 s6, $0x1  }
.Ltmp12:
0x1a7: {  	_ = 	snop;
	(pc) =	sbr.rel @!p0 .LBB2_17-.Ltmp12, $1  }
0x1a8: {  	_ =	sdelay $0x3  }
.LBB2_28:
0x1a9: {  	_ =	swait.ge [sflag:s28], $0x800  }
0x1aa: {  	s6 =	sld [smem:$0x7C1];
	_ =	sdelay $0x2  }
0x1ab: {  	p0 =	seq.s32 s6, $0x1  }
.Ltmp13:
0x1ac: {  	_ = 	snop;
	(pc) =	sbr.rel @p0 .LBB2_29-.Ltmp13, $3  }
0x1ad: {  	_ =	sdelay $0x1  }
0x1ae: {  	[sflag:s28] =	ssyncset.done $0x0  }
0x1af: {  	[sflag:s28] =	ssyncadd.s32 $0xFFFFF800  }
.LBB2_18:
0x1b0: {  	s6 =	sld [smem:$0x7C8];
	_ =	sdelay $0x2  }
0x1b1: {  	p0 =	seq.s32 s6, $0x1  }
.Ltmp14:
0x1b2: {  	_ = 	snop;
	(pc) =	sbr.rel @!p0 .LBB2_31-.Ltmp14, $4  }
.Ltmp15:
0x1b3: {  	_ = 	snop;
	(pc) =	sbr.rel @p0 .LBB2_30-.Ltmp15, $4  }
0x1b4: {  	_ = 	snop  }
0x1b5: {  	p2 =	por $0x0, $0x0;
	p1 =	por $0x0, $0x0;
	p5 =	por $0x0, $0x0  }
0x1b6: {  	p4 =	por $0x0, $0x0;
	p3 =	por $0x0, $0x0;
	p6 =	por $0x0, $0x0  }
0x1b7: {  	_ = 	snop  }
.LBB2_3:
0x1b8: {  	p2 =	por @!p0 $0x0, $0x0;
	p4 =	por $0x0, $0x0  }
0x1b9: {  	p4 =	por @!p0 p2, p2  }
0x1ba: {  	p0 =	por @!p1 $0x0, $0x0;
	p2 =	por p4, p4  }
0x1bb: {  	p3 =	por @!p1 $0x1, $0x1;
	p2 =	por @!p1 p0, p0  }
0x1bc: {  	p4 =	por @!p1 p3, p3;
	p0 =	por @!p5 $0x1, $0x1;
	p3 =	por p2, p2  }
0x1bd: {  	p1 =	por @!p5 $0x0, $0x0;
	p3 =	por @!p5 p0, p0  }
0x1be: {  	p4 =	por @!p5 p0, p0;
	p0 =	por p2, p2;
	s6 =	simm.s32 @!p3 $0x0  }
0x1bf: {  	p0 =	por @!p5 p1, p1;
	s6 =	simm.s32 @p3 $0x1  }
0x1c0: {  	p6 =	por p2, p2;
	[smem:$0x7C9] =	sst s6;
	s6 =	simm.s32 @!p0 $0x0  }
0x1c1: {  	p6 =	por @!p5 p1, p1;
	p3 =	por p2, p2;
	s6 =	simm.s32 @p0 $0x1  }
0x1c2: {  	p2 =	por @!p5 p1, p1;
	p3 =	por @!p5 p1, p1;
	[smem:$0x7CA] =	sst s6  }
.LBB2_5:
0x1c3: {  	_ =	swait.ge [sflag:s28], $0x800  }
0x1c4: {  	[sflag:s28] =	ssyncset.done $0x0  }
0x1c5: {  	[sflag:s28] =	ssyncadd.s32 $0xFFFFF800  }
0x1c6: {  	_ =	swait.ge [sflag:s28], $0x800  }
0x1c7: {  	[sflag:s28] =	ssyncset.done $0x0  }
0x1c8: {  	[sflag:s28] =	ssyncadd.s32 $0xFFFFF800  }
0x1c9: {  	_ =	swait.ge [sflag:s28], $0x800  }
0x1ca: {  	[sflag:s28] =	ssyncset.done $0x0  }
0x1cb: {  	[sflag:s28] =	ssyncadd.s32 $0xFFFFF800  }
0x1cc: {  	_ =	swait.ge [sflag:s28], $0x800  }
0x1cd: {  	[sflag:s28] =	ssyncset.done $0x0  }
0x1ce: {  	[sflag:s28] =	ssyncadd.s32 $0xFFFFF800  }
0x1cf: {  	_ =	swait.ge [sflag:s28], $0x800  }
0x1d0: {  	[sflag:s28] =	ssyncset.done $0x0  }
0x1d1: {  	[sflag:s28] =	ssyncadd.s32 $0xFFFFF800  }
0x1d2: {  	_ =	swait.ge [sflag:s28], $0x800  }
0x1d3: {  	[sflag:s28] =	ssyncset.done $0x0  }
0x1d4: {  	[sflag:s28] =	ssyncadd.s32 $0xFFFFF800  }
0x1d5: {  	_ =	swait.ge [sflag:s28], $0x800  }
0x1d6: {  	[sflag:s28] =	ssyncset.done $0x0  }
0x1d7: {  	[sflag:s28] =	ssyncadd.s32 $0xFFFFF800  }
0x1d8: {  	_ =	swait.ge [sflag:s28], $0x800  }
0x1d9: {  	[sflag:s28] =	ssyncset.done $0x0  }
0x1da: {  	[sflag:s28] =	ssyncadd.s32 $0xFFFFF800  }
0x1db: {  	_ =	swait.ge [sflag:s28], $0x800  }
0x1dc: {  	[sflag:s28] =	ssyncset.done $0x0  }
0x1dd: {  	[sflag:s28] =	ssyncadd.s32 $0xFFFFF800  }
0x1de: {  	_ =	swait.ge [sflag:s28], $0x800  }
0x1df: {  	[sflag:s28] =	ssyncset.done $0x0  }
0x1e0: {  	[sflag:s28] =	ssyncadd.s32 $0xFFFFF800  }
0x1e1: {  	_ =	swait.ge [sflag:s28], $0x800  }
0x1e2: {  	[sflag:s28] =	ssyncset.done $0x0  }
0x1e3: {  	[sflag:s28] =	ssyncadd.s32 $0xFFFFF800  }
0x1e4: {  	p0 =	sgt.u32 s3, $0xD;
	_ =	swait.ge [sflag:s28], $0x800  }
.Ltmp16:
0x1e5: {  	[sflag:s28] =	ssyncset.done $0x0;
	(pc) =	sbr.rel @!p0 .LBB2_6-.Ltmp16, $4  }
0x1e6: {  	[sflag:s28] =	ssyncadd.s32 $0xFFFFF800  }
0x1e7: {  	_ =	swait.ge [sflag:s28], $0x800  }
0x1e8: {  	[sflag:s28] =	ssyncset.done $0x0  }
0x1e9: {  	s10 =	smov.u32 s12;
	[sflag:s28] =	ssyncadd.s32 $0xFFFFF800  }
0x1ea: {  	_ =	swait.ge [sflag:s28], $0x800  }
0x1eb: {  	s12 =	smov.u32 s13;
	s13 =	smov.u32 s14;
	s14 =	smov.u32 s15  }
0x1ec: {  	s15 =	smov.u32 s16;
	s16 =	smov.u32 s17;
	s17 =	smov.u32 s18  }
0x1ed: {  	s18 =	smov.u32 s19;
	s19 =	smov.u32 s20;
	s20 =	smov.u32 s21  }
0x1ee: {  	s21 =	smov.u32 s22;
	s22 =	smov.u32 s23;
	s23 =	smov.u32 s25  }
.Ltmp17:
0x1ef: {  	s25 =	smov.u32 s30;
	s6 =	sld [smem:$0x7CA];
	(pc) =	sbr.rel @p4 .LBB2_32-.Ltmp17, $4  }
0x1f0: {  	s30 =	smov.u32 s31;
	s31 =	smov.u32 s1;
	s9 =	sld [smem:$0x7C9]  }
0x1f1: {  	s1 =	smov.u32 s0;
	s0 =	smov.u32 s2;
	s2 =	smov.u32 s24  }
0x1f2: {  	s24 =	smov.u32 s5;
	s5 =	simm.s32 $0x0;
	[sflag:s28] =	ssyncset.done $0x0  }
0x1f3: {  	[sflag:s28] =	ssyncadd.s32 $0xFFFFF800;
	p1 =	seq.s32 s6, $0x1;
	p5 =	seq.s32 s9, $0x1  }
.LBB2_38:
.Ltmp18:
0x1f4: {  	(pc) =	sbr.rel @!p5 .LBB2_33-.Ltmp18, $1  }
0x1f5: {  	_ =	sdelay $0x3  }
.LBB2_39:
.Ltmp19:
0x1f6: {  	(pc) =	sbr.rel @p3 .LBB2_40-.Ltmp19, $4  }
0x1f7: {  	_ = 	snop  }
0x1f8: {  	_ =	swait.ge [sflag:s28], $0x800  }
0x1f9: {  	[sflag:s28] =	ssyncset.done $0x0  }
0x1fa: {  	[sflag:s28] =	ssyncadd.s32 $0xFFFFF800  }
.LBB2_34:
.Ltmp20:
0x1fb: {  	(pc) =	sbr.rel @!p1 .LBB2_35-.Ltmp20, $1  }
0x1fc: {  	_ =	sdelay $0x3  }
.LBB2_41:
.Ltmp21:
0x1fd: {  	(pc) =	sbr.rel @p6 .LBB2_42-.Ltmp21, $4  }
0x1fe: {  	_ = 	snop  }
0x1ff: {  	_ =	swait.ge [sflag:s28], $0x800  }
0x200: {  	[sflag:s28] =	ssyncset.done $0x0  }
0x201: {  	[sflag:s28] =	ssyncadd.s32 $0xFFFFF800  }
.LBB2_36:
.Ltmp22:
0x202: {  	(pc) =	sbr.rel @!p2 .LBB2_44-.Ltmp22, $1  }
0x203: {  	_ =	sdelay $0x3  }
.LBB2_43:
0x204: {  	_ =	swait.ge [sflag:s28], $0x800  }
0x205: {  	[sflag:s28] =	ssyncset.done $0x0  }
0x206: {  	[sflag:s28] =	ssyncadd.s32 $0xFFFFF800  }
.LBB2_44:
0x207: {  	p1 =	slt.s32 s3, $0x15;
	s8 =	rddreg [dreg:$0x1e]  }
0x208: {  	p2 =	slt.s32 s3, $0x16;
	s6 =	simm.s32 @!p1 $0x80;
	s7 =	simm.s32 @!p1 $0x2C00  }
0x209: {  	[spmem:s4] =	stream.indirect.scatter.add.f32 @!p1 [tilespmem:s7], [sflag:$0x1], $0x10, s8, s6, $0xb8;
	[tilespmem:$0x12400] =	vst v63  }
0x20a: {  	s6 =	simm.s32 @!p2 $0x80;
	s7 =	simm.s32 @!p2 $0x2C00;
	s8 =	rddreg [dreg:$0x1f]  }
0x20b: {  	[spmem:s4] =	stream.indirect.scatter.add.f32 @!p2 [tilespmem:s7], [sflag:$0x1], $0x10, s8, s6, $0xb8;
	[tilespmem:$0x12400] =	vst v63  }
0x20c: {  	s8 =	sld [smem:$0x7D2]  }
0x20d: {  	p3 =	slt.s32 s3, $0x17  }
0x20e: {  	s6 =	simm.s32 @!p3 $0x80;
	s7 =	simm.s32 @!p3 $0x2C00  }
0x20f: {  	[spmem:s4] =	stream.indirect.scatter.add.f32 @!p3 [tilespmem:s7], [sflag:$0x1], $0x10, s8, s6, $0xb8;
	[tilespmem:$0x12400] =	vst v63  }
0x210: {  	s8 =	sld [smem:$0x7D3]  }
0x211: {  	p4 =	slt.s32 s3, $0x18  }
0x212: {  	s6 =	simm.s32 @!p4 $0x80;
	s7 =	simm.s32 @!p4 $0x2C00  }
0x213: {  	[spmem:s4] =	stream.indirect.scatter.add.f32 @!p4 [tilespmem:s7], [sflag:$0x1], $0x10, s8, s6, $0xb8;
	[tilespmem:$0x12400] =	vst v63  }
0x214: {  	s8 =	sld [smem:$0x7D4]  }
0x215: {  	p5 =	slt.s32 s3, $0x19  }
0x216: {  	s6 =	simm.s32 @!p5 $0x80;
	s7 =	simm.s32 @!p5 $0x2C00  }
0x217: {  	[spmem:s4] =	stream.indirect.scatter.add.f32 @!p5 [tilespmem:s7], [sflag:$0x1], $0x10, s8, s6, $0xb8;
	[tilespmem:$0x12400] =	vst v63  }
0x218: {  	s8 =	sld [smem:$0x7D5]  }
0x219: {  	p6 =	slt.s32 s3, $0x1A  }
0x21a: {  	p0 =	slt.s32 s3, $0x1B;
	s6 =	simm.s32 @!p6 $0x80;
	s7 =	simm.s32 @!p6 $0x2C00  }
0x21b: {  	[spmem:s4] =	stream.indirect.scatter.add.f32 @!p6 [tilespmem:s7], [sflag:$0x1], $0x10, s8, s6, $0xb8;
	[tilespmem:$0x12400] =	vst v63  }
0x21c: {  	s6 =	simm.s32 @!p0 $0x0;
	s8 =	sld [smem:$0x7D6]  }
0x21d: {  	s6 =	simm.s32 @p0 $0x1  }
0x21e: {  	s7 =	simm.s32 @!p0 $0x2C00;
	[smem:$0x792] =	sst s6;
	s6 =	simm.s32 @!p0 $0x80  }
0x21f: {  	[spmem:s4] =	stream.indirect.scatter.add.f32 @!p0 [tilespmem:s7], [sflag:$0x1], $0x10, s8, s6, $0xb8;
	[tilespmem:$0x12400] =	vst v63  }
0x220: {  	p0 =	slt.s32 s3, $0x1C  }
0x221: {  	s8 =	sld [smem:$0x7D7];
	s6 =	simm.s32 @!p0 $0x0  }
0x222: {  	s6 =	simm.s32 @p0 $0x1  }
0x223: {  	s7 =	simm.s32 @!p0 $0x2C00;
	[smem:$0x793] =	sst s6;
	s6 =	simm.s32 @!p0 $0x80  }
0x224: {  	[spmem:s4] =	stream.indirect.scatter.add.f32 @!p0 [tilespmem:s7], [sflag:$0x1], $0x10, s8, s6, $0xb8;
	[tilespmem:$0x12400] =	vst v63  }
0x225: {  	p0 =	slt.s32 s3, $0x1D  }
0x226: {  	s8 =	sld [smem:$0x7D8];
	s6 =	simm.s32 @!p0 $0x0  }
0x227: {  	s6 =	simm.s32 @p0 $0x1  }
0x228: {  	s7 =	simm.s32 @!p0 $0x2C00;
	[smem:$0x794] =	sst s6;
	s6 =	simm.s32 @!p0 $0x80  }
0x229: {  	[spmem:s4] =	stream.indirect.scatter.add.f32 @!p0 [tilespmem:s7], [sflag:$0x1], $0x10, s8, s6, $0xb8;
	[tilespmem:$0x12400] =	vst v63  }
0x22a: {  	p0 =	slt.s32 s3, $0x1E  }
0x22b: {  	s8 =	sld [smem:$0x7D9];
	s6 =	simm.s32 @!p0 $0x0  }
0x22c: {  	s6 =	simm.s32 @p0 $0x1  }
0x22d: {  	s7 =	simm.s32 @!p0 $0x2C00;
	[smem:$0x795] =	sst s6;
	s6 =	simm.s32 @!p0 $0x80  }
0x22e: {  	[spmem:s4] =	stream.indirect.scatter.add.f32 @!p0 [tilespmem:s7], [sflag:$0x1], $0x10, s8, s6, $0xb8;
	[tilespmem:$0x12400] =	vst v63  }
0x22f: {  	p0 =	slt.s32 s3, $0x1F  }
0x230: {  	s8 =	sld [smem:$0x7DA];
	s6 =	simm.s32 @!p0 $0x0  }
0x231: {  	s6 =	simm.s32 @p0 $0x1  }
0x232: {  	s7 =	simm.s32 @!p0 $0x2C00;
	[smem:$0x796] =	sst s6;
	s6 =	simm.s32 @!p0 $0x80  }
0x233: {  	[spmem:s4] =	stream.indirect.scatter.add.f32 @!p0 [tilespmem:s7], [sflag:$0x1], $0x10, s8, s6, $0xb8;
	[tilespmem:$0x12400] =	vst v63  }
0x234: {  	p0 =	slt.s32 s3, $0x20  }
0x235: {  	s8 =	sld [smem:$0x7DB];
	s6 =	simm.s32 @!p0 $0x0  }
0x236: {  	s6 =	simm.s32 @p0 $0x1  }
0x237: {  	s7 =	simm.s32 @!p0 $0x2C00;
	[smem:$0x797] =	sst s6;
	s6 =	simm.s32 @!p0 $0x80  }
0x238: {  	[spmem:s4] =	stream.indirect.scatter.add.f32 @!p0 [tilespmem:s7], [sflag:$0x1], $0x10, s8, s6, $0xb8;
	[tilespmem:$0x12400] =	vst v63  }
0x239: {  	p0 =	slt.s32 s3, $0x21  }
0x23a: {  	s8 =	sld [smem:$0x7DC];
	s6 =	simm.s32 @!p0 $0x0  }
0x23b: {  	s6 =	simm.s32 @p0 $0x1  }
0x23c: {  	s7 =	simm.s32 @!p0 $0x2C00;
	[smem:$0x798] =	sst s6;
	s6 =	simm.s32 @!p0 $0x80  }
0x23d: {  	[spmem:s4] =	stream.indirect.scatter.add.f32 @!p0 [tilespmem:s7], [sflag:$0x1], $0x10, s8, s6, $0xb8;
	[tilespmem:$0x12400] =	vst v63  }
0x23e: {  	p0 =	slt.s32 s3, $0x22  }
0x23f: {  	s8 =	sld [smem:$0x7DD];
	s6 =	simm.s32 @!p0 $0x0  }
0x240: {  	s6 =	simm.s32 @p0 $0x1  }
0x241: {  	s7 =	simm.s32 @!p0 $0x2C00;
	[smem:$0x799] =	sst s6;
	s6 =	simm.s32 @!p0 $0x80  }
0x242: {  	[spmem:s4] =	stream.indirect.scatter.add.f32 @!p0 [tilespmem:s7], [sflag:$0x1], $0x10, s8, s6, $0xb8;
	[tilespmem:$0x12400] =	vst v63  }
0x243: {  	p0 =	slt.s32 s3, $0x23  }
0x244: {  	s8 =	sld [smem:$0x7DE];
	s6 =	simm.s32 @!p0 $0x0  }
0x245: {  	s6 =	simm.s32 @p0 $0x1  }
0x246: {  	s7 =	simm.s32 @!p0 $0x2C00;
	[smem:$0x79A] =	sst s6;
	s6 =	simm.s32 @!p0 $0x80  }
0x247: {  	[spmem:s4] =	stream.indirect.scatter.add.f32 @!p0 [tilespmem:s7], [sflag:$0x1], $0x10, s8, s6, $0xb8;
	[tilespmem:$0x12400] =	vst v63  }
0x248: {  	p0 =	slt.s32 s3, $0x24  }
0x249: {  	s8 =	sld [smem:$0x7DF];
	s6 =	simm.s32 @!p0 $0x0  }
0x24a: {  	s6 =	simm.s32 @p0 $0x1  }
0x24b: {  	s7 =	simm.s32 @!p0 $0x2C00;
	[smem:$0x79B] =	sst s6;
	s6 =	simm.s32 @!p0 $0x80  }
0x24c: {  	[spmem:s4] =	stream.indirect.scatter.add.f32 @!p0 [tilespmem:s7], [sflag:$0x1], $0x10, s8, s6, $0xb8;
	[tilespmem:$0x12400] =	vst v63  }
0x24d: {  	p0 =	slt.s32 s3, $0x25  }
0x24e: {  	s8 =	sld [smem:$0x7E0];
	s6 =	simm.s32 @!p0 $0x0  }
0x24f: {  	s6 =	simm.s32 @p0 $0x1  }
0x250: {  	s7 =	simm.s32 @!p0 $0x2C00;
	[smem:$0x79C] =	sst s6;
	s6 =	simm.s32 @!p0 $0x80  }
0x251: {  	[spmem:s4] =	stream.indirect.scatter.add.f32 @!p0 [tilespmem:s7], [sflag:$0x1], $0x10, s8, s6, $0xb8;
	[tilespmem:$0x12400] =	vst v63  }
0x252: {  	p0 =	slt.s32 s3, $0x26  }
0x253: {  	s8 =	sld [smem:$0x7E1];
	s6 =	simm.s32 @!p0 $0x0  }
0x254: {  	s6 =	simm.s32 @p0 $0x1  }
0x255: {  	s7 =	simm.s32 @!p0 $0x2C00;
	[smem:$0x79D] =	sst s6;
	s6 =	simm.s32 @!p0 $0x80  }
0x256: {  	[spmem:s4] =	stream.indirect.scatter.add.f32 @!p0 [tilespmem:s7], [sflag:$0x1], $0x10, s8, s6, $0xb8;
	[tilespmem:$0x12400] =	vst v63  }
0x257: {  	p0 =	slt.s32 s3, $0x27  }
0x258: {  	s8 =	sld [smem:$0x7E2];
	s6 =	simm.s32 @!p0 $0x0  }
0x259: {  	s6 =	simm.s32 @p0 $0x1  }
0x25a: {  	s7 =	simm.s32 @!p0 $0x2C00;
	[smem:$0x79E] =	sst s6;
	s6 =	simm.s32 @!p0 $0x80  }
0x25b: {  	[spmem:s4] =	stream.indirect.scatter.add.f32 @!p0 [tilespmem:s7], [sflag:$0x1], $0x10, s8, s6, $0xb8;
	[tilespmem:$0x12400] =	vst v63  }
0x25c: {  	p0 =	slt.s32 s3, $0x28  }
0x25d: {  	s8 =	sld [smem:$0x7E3];
	s6 =	simm.s32 @!p0 $0x0  }
0x25e: {  	s6 =	simm.s32 @p0 $0x1  }
0x25f: {  	s7 =	simm.s32 @!p0 $0x2C00;
	[smem:$0x79F] =	sst s6;
	s6 =	simm.s32 @!p0 $0x80  }
0x260: {  	[spmem:s4] =	stream.indirect.scatter.add.f32 @!p0 [tilespmem:s7], [sflag:$0x1], $0x10, s8, s6, $0xb8;
	[tilespmem:$0x12400] =	vst v63  }
0x261: {  	s6 =	simm.s32 @!p1 $0x1  }
0x262: {  	_ =	swait.ge @!p1 [sflag:s6], $0x800  }
0x263: {  	[sflag:s6] =	ssyncset.done @!p1 $0x0  }
0x264: {  	[sflag:s6] =	ssyncadd.s32 @!p1 $0xFFFFF800;
	s6 =	simm.s32 @!p2 $0x1  }
0x265: {  	_ =	swait.ge @!p2 [sflag:s6], $0x800  }
0x266: {  	[sflag:s6] =	ssyncset.done @!p2 $0x0  }
0x267: {  	[sflag:s6] =	ssyncadd.s32 @!p2 $0xFFFFF800;
	s6 =	simm.s32 @!p3 $0x1  }
0x268: {  	_ =	swait.ge @!p3 [sflag:s6], $0x800  }
0x269: {  	[sflag:s6] =	ssyncset.done @!p3 $0x0  }
0x26a: {  	[sflag:s6] =	ssyncadd.s32 @!p3 $0xFFFFF800;
	s6 =	simm.s32 @!p4 $0x1  }
0x26b: {  	_ =	swait.ge @!p4 [sflag:s6], $0x800  }
0x26c: {  	[sflag:s6] =	ssyncset.done @!p4 $0x0  }
0x26d: {  	[sflag:s6] =	ssyncadd.s32 @!p4 $0xFFFFF800;
	s6 =	simm.s32 @!p5 $0x1  }
0x26e: {  	_ =	swait.ge @!p5 [sflag:s6], $0x800  }
0x26f: {  	[sflag:s6] =	ssyncset.done @!p5 $0x0  }
0x270: {  	[sflag:s6] =	ssyncadd.s32 @!p5 $0xFFFFF800;
	s6 =	simm.s32 @!p6 $0x1  }
0x271: {  	_ =	swait.ge @!p6 [sflag:s6], $0x800  }
0x272: {  	s7 =	sld [smem:$0x792];
	_ =	sdelay $0x2  }
0x273: {  	[sflag:s6] =	ssyncset.done @!p6 $0x0;
	p0 =	seq.s32 s7, $0x1  }
0x274: {  	[sflag:s6] =	ssyncadd.s32 @!p6 $0xFFFFF800;
	s6 =	simm.s32 @!p0 $0x1  }
0x275: {  	_ =	swait.ge @!p0 [sflag:s6], $0x800  }
0x276: {  	s8 =	sld [smem:$0x793];
	_ =	sdelay $0x1  }
0x277: {  	[sflag:s6] =	ssyncset.done @!p0 $0x0  }
0x278: {  	[sflag:s6] =	ssyncadd.s32 @!p0 $0xFFFFF800;
	p0 =	seq.s32 s8, $0x1  }
0x279: {  	s6 =	simm.s32 @!p0 $0x1  }
0x27a: {  	_ =	swait.ge @!p0 [sflag:s6], $0x800  }
0x27b: {  	s9 =	sld [smem:$0x794];
	_ =	sdelay $0x1  }
0x27c: {  	[sflag:s6] =	ssyncset.done @!p0 $0x0  }
0x27d: {  	[sflag:s6] =	ssyncadd.s32 @!p0 $0xFFFFF800;
	p0 =	seq.s32 s9, $0x1  }
0x27e: {  	s6 =	simm.s32 @!p0 $0x1  }
0x27f: {  	_ =	swait.ge @!p0 [sflag:s6], $0x800  }
0x280: {  	s7 =	sld [smem:$0x795];
	_ =	sdelay $0x1  }
0x281: {  	[sflag:s6] =	ssyncset.done @!p0 $0x0  }
0x282: {  	[sflag:s6] =	ssyncadd.s32 @!p0 $0xFFFFF800;
	p0 =	seq.s32 s7, $0x1  }
0x283: {  	s6 =	simm.s32 @!p0 $0x1  }
0x284: {  	_ =	swait.ge @!p0 [sflag:s6], $0x800  }
0x285: {  	s8 =	sld [smem:$0x796];
	_ =	sdelay $0x1  }
0x286: {  	[sflag:s6] =	ssyncset.done @!p0 $0x0  }
0x287: {  	[sflag:s6] =	ssyncadd.s32 @!p0 $0xFFFFF800;
	p0 =	seq.s32 s8, $0x1  }
0x288: {  	s6 =	simm.s32 @!p0 $0x1  }
0x289: {  	_ =	swait.ge @!p0 [sflag:s6], $0x800  }
0x28a: {  	s9 =	sld [smem:$0x797];
	_ =	sdelay $0x1  }
0x28b: {  	[sflag:s6] =	ssyncset.done @!p0 $0x0  }
0x28c: {  	[sflag:s6] =	ssyncadd.s32 @!p0 $0xFFFFF800;
	p0 =	seq.s32 s9, $0x1  }
0x28d: {  	s6 =	simm.s32 @!p0 $0x1  }
0x28e: {  	_ =	swait.ge @!p0 [sflag:s6], $0x800  }
0x28f: {  	s7 =	sld [smem:$0x798];
	_ =	sdelay $0x1  }
0x290: {  	[sflag:s6] =	ssyncset.done @!p0 $0x0  }
0x291: {  	[sflag:s6] =	ssyncadd.s32 @!p0 $0xFFFFF800;
	p0 =	seq.s32 s7, $0x1  }
0x292: {  	s6 =	simm.s32 @!p0 $0x1  }
0x293: {  	_ =	swait.ge @!p0 [sflag:s6], $0x800  }
0x294: {  	s8 =	sld [smem:$0x799];
	_ =	sdelay $0x1  }
0x295: {  	[sflag:s6] =	ssyncset.done @!p0 $0x0  }
0x296: {  	[sflag:s6] =	ssyncadd.s32 @!p0 $0xFFFFF800;
	p0 =	seq.s32 s8, $0x1  }
0x297: {  	s6 =	simm.s32 @!p0 $0x1  }
0x298: {  	_ =	swait.ge @!p0 [sflag:s6], $0x800  }
0x299: {  	s9 =	sld [smem:$0x79A];
	_ =	sdelay $0x1  }
0x29a: {  	[sflag:s6] =	ssyncset.done @!p0 $0x0  }
0x29b: {  	[sflag:s6] =	ssyncadd.s32 @!p0 $0xFFFFF800;
	p0 =	seq.s32 s9, $0x1  }
0x29c: {  	s6 =	simm.s32 @!p0 $0x1  }
0x29d: {  	_ =	swait.ge @!p0 [sflag:s6], $0x800  }
0x29e: {  	s7 =	sld [smem:$0x79B];
	_ =	sdelay $0x1  }
0x29f: {  	[sflag:s6] =	ssyncset.done @!p0 $0x0  }
0x2a0: {  	[sflag:s6] =	ssyncadd.s32 @!p0 $0xFFFFF800;
	p0 =	seq.s32 s7, $0x1  }
0x2a1: {  	s6 =	simm.s32 @!p0 $0x1  }
0x2a2: {  	_ =	swait.ge @!p0 [sflag:s6], $0x800  }
0x2a3: {  	s8 =	sld [smem:$0x79C];
	_ =	sdelay $0x1  }
0x2a4: {  	[sflag:s6] =	ssyncset.done @!p0 $0x0  }
0x2a5: {  	[sflag:s6] =	ssyncadd.s32 @!p0 $0xFFFFF800;
	p0 =	seq.s32 s8, $0x1  }
0x2a6: {  	s6 =	simm.s32 @!p0 $0x1  }
0x2a7: {  	_ =	swait.ge @!p0 [sflag:s6], $0x800  }
0x2a8: {  	s9 =	sld [smem:$0x79D];
	_ =	sdelay $0x1  }
0x2a9: {  	[sflag:s6] =	ssyncset.done @!p0 $0x0  }
0x2aa: {  	[sflag:s6] =	ssyncadd.s32 @!p0 $0xFFFFF800;
	p0 =	seq.s32 s9, $0x1  }
0x2ab: {  	s6 =	simm.s32 @!p0 $0x1  }
0x2ac: {  	_ =	swait.ge @!p0 [sflag:s6], $0x800  }
0x2ad: {  	s7 =	sld [smem:$0x79E];
	_ =	sdelay $0x1  }
0x2ae: {  	[sflag:s6] =	ssyncset.done @!p0 $0x0  }
0x2af: {  	[sflag:s6] =	ssyncadd.s32 @!p0 $0xFFFFF800;
	p0 =	seq.s32 s7, $0x1  }
0x2b0: {  	s6 =	simm.s32 @!p0 $0x1  }
0x2b1: {  	_ =	swait.ge @!p0 [sflag:s6], $0x800  }
0x2b2: {  	s8 =	sld [smem:$0x79F];
	_ =	sdelay $0x1  }
0x2b3: {  	[sflag:s6] =	ssyncset.done @!p0 $0x0  }
0x2b4: {  	[sflag:s6] =	ssyncadd.s32 @!p0 $0xFFFFF800;
	p0 =	seq.s32 s8, $0x1  }
0x2b5: {  	p1 =	slt.s32 s3, $0x29;
	s6 =	simm.s32 @!p0 $0x1  }
0x2b6: {  	s7 =	simm.s32 @!p1 $0x0;
	_ =	swait.ge @!p0 [sflag:s6], $0x800  }
0x2b7: {  	s7 =	simm.s32 @p1 $0x1;
	s8 =	sld [smem:$0x7E4]  }
0x2b8: {  	[sflag:s6] =	ssyncset.done @!p0 $0x0;
	[smem:$0x7A0] =	sst s7  }
0x2b9: {  	s7 =	simm.s32 @!p1 $0x2C00;
	[sflag:s6] =	ssyncadd.s32 @!p0 $0xFFFFF800;
	s6 =	simm.s32 @!p1 $0x80  }
0x2ba: {  	[spmem:s4] =	stream.indirect.scatter.add.f32 @!p1 [tilespmem:s7], [sflag:$0x1], $0x10, s8, s6, $0xb8;
	[tilespmem:$0x12400] =	vst v63  }
0x2bb: {  	s8 =	sld [smem:$0x7E5]  }
0x2bc: {  	p2 =	slt.s32 s3, $0x2A  }
0x2bd: {  	s6 =	simm.s32 @!p2 $0x80;
	s7 =	simm.s32 @!p2 $0x2C00  }
0x2be: {  	[spmem:s4] =	stream.indirect.scatter.add.f32 @!p2 [tilespmem:s7], [sflag:$0x1], $0x10, s8, s6, $0xb8;
	[tilespmem:$0x12400] =	vst v63  }
0x2bf: {  	s8 =	sld [smem:$0x7E6]  }
0x2c0: {  	p3 =	slt.s32 s3, $0x2B  }
0x2c1: {  	s6 =	simm.s32 @!p3 $0x80;
	s7 =	simm.s32 @!p3 $0x2C00  }
0x2c2: {  	[spmem:s4] =	stream.indirect.scatter.add.f32 @!p3 [tilespmem:s7], [sflag:$0x1], $0x10, s8, s6, $0xb8;
	[tilespmem:$0x12400] =	vst v63  }
0x2c3: {  	s8 =	sld [smem:$0x7E7]  }
0x2c4: {  	p4 =	slt.s32 s3, $0x2C  }
0x2c5: {  	s6 =	simm.s32 @!p4 $0x80;
	s7 =	simm.s32 @!p4 $0x2C00  }
0x2c6: {  	[spmem:s4] =	stream.indirect.scatter.add.f32 @!p4 [tilespmem:s7], [sflag:$0x1], $0x10, s8, s6, $0xb8;
	[tilespmem:$0x12400] =	vst v63  }
0x2c7: {  	s8 =	sld [smem:$0x7E8]  }
0x2c8: {  	p5 =	slt.s32 s3, $0x2D  }
0x2c9: {  	s6 =	simm.s32 @!p5 $0x80;
	s7 =	simm.s32 @!p5 $0x2C00  }
0x2ca: {  	[spmem:s4] =	stream.indirect.scatter.add.f32 @!p5 [tilespmem:s7], [sflag:$0x1], $0x10, s8, s6, $0xb8;
	[tilespmem:$0x12400] =	vst v63  }
0x2cb: {  	s8 =	sld [smem:$0x7E9]  }
0x2cc: {  	p6 =	slt.s32 s3, $0x2E  }
0x2cd: {  	p0 =	slt.s32 s3, $0x2F;
	s6 =	simm.s32 @!p6 $0x80;
	s7 =	simm.s32 @!p6 $0x2C00  }
0x2ce: {  	[spmem:s4] =	stream.indirect.scatter.add.f32 @!p6 [tilespmem:s7], [sflag:$0x1], $0x10, s8, s6, $0xb8;
	[tilespmem:$0x12400] =	vst v63  }
0x2cf: {  	s6 =	simm.s32 @!p0 $0x0;
	s8 =	sld [smem:$0x7EA]  }
0x2d0: {  	s6 =	simm.s32 @p0 $0x1  }
0x2d1: {  	s7 =	simm.s32 @!p0 $0x2C00;
	[smem:$0x7A1] =	sst s6;
	s6 =	simm.s32 @!p0 $0x80  }
0x2d2: {  	[spmem:s4] =	stream.indirect.scatter.add.f32 @!p0 [tilespmem:s7], [sflag:$0x1], $0x10, s8, s6, $0xb8;
	[tilespmem:$0x12400] =	vst v63  }
0x2d3: {  	s8 =	sld [smem:$0x7EB]  }
0x2d4: {  	p1 =	slt.s32 s3, $0x30  }
0x2d5: {  	s6 =	simm.s32 @!p1 $0x80;
	s7 =	simm.s32 @!p1 $0x2C00;
	p0 =	slt.s32 s3, $0x31  }
0x2d6: {  	[spmem:s4] =	stream.indirect.scatter.add.f32 @!p1 [tilespmem:s7], [sflag:$0x1], $0x10, s8, s6, $0xb8;
	[tilespmem:$0x12400] =	vst v63  }
0x2d7: {  	s6 =	simm.s32 @!p0 $0x0;
	s8 =	sld [smem:$0x7EC]  }
0x2d8: {  	s6 =	simm.s32 @p0 $0x1  }
0x2d9: {  	s7 =	simm.s32 @!p0 $0x2C00;
	[smem:$0x7A2] =	sst s6;
	s6 =	simm.s32 @!p0 $0x80  }
0x2da: {  	[spmem:s4] =	stream.indirect.scatter.add.f32 @!p0 [tilespmem:s7], [sflag:$0x1], $0x10, s8, s6, $0xb8;
	[tilespmem:$0x12400] =	vst v63  }
0x2db: {  	p0 =	slt.s32 s3, $0x32  }
0x2dc: {  	s8 =	sld [smem:$0x7ED];
	s6 =	simm.s32 @!p0 $0x0  }
0x2dd: {  	s6 =	simm.s32 @p0 $0x1  }
0x2de: {  	s7 =	simm.s32 @!p0 $0x2C00;
	[smem:$0x7A3] =	sst s6;
	s6 =	simm.s32 @!p0 $0x80  }
0x2df: {  	[spmem:s4] =	stream.indirect.scatter.add.f32 @!p0 [tilespmem:s7], [sflag:$0x1], $0x10, s8, s6, $0xb8;
	[tilespmem:$0x12400] =	vst v63  }
0x2e0: {  	p0 =	slt.s32 s3, $0x33  }
0x2e1: {  	s8 =	sld [smem:$0x7EE];
	s6 =	simm.s32 @!p0 $0x0  }
0x2e2: {  	s6 =	simm.s32 @p0 $0x1  }
0x2e3: {  	s7 =	simm.s32 @!p0 $0x2C00;
	[smem:$0x7A4] =	sst s6;
	s6 =	simm.s32 @!p0 $0x80  }
0x2e4: {  	[spmem:s4] =	stream.indirect.scatter.add.f32 @!p0 [tilespmem:s7], [sflag:$0x1], $0x10, s8, s6, $0xb8;
	[tilespmem:$0x12400] =	vst v63  }
0x2e5: {  	p0 =	slt.s32 s3, $0x34  }
0x2e6: {  	s8 =	sld [smem:$0x7EF];
	s6 =	simm.s32 @!p0 $0x0  }
0x2e7: {  	s6 =	simm.s32 @p0 $0x1  }
0x2e8: {  	s7 =	simm.s32 @!p0 $0x2C00;
	[smem:$0x7A5] =	sst s6;
	s6 =	simm.s32 @!p0 $0x80  }
0x2e9: {  	[spmem:s4] =	stream.indirect.scatter.add.f32 @!p0 [tilespmem:s7], [sflag:$0x1], $0x10, s8, s6, $0xb8;
	[tilespmem:$0x12400] =	vst v63  }
0x2ea: {  	p0 =	slt.s32 s3, $0x35  }
0x2eb: {  	s8 =	sld [smem:$0x7F0];
	s6 =	simm.s32 @!p0 $0x0  }
0x2ec: {  	s6 =	simm.s32 @p0 $0x1  }
0x2ed: {  	s7 =	simm.s32 @!p0 $0x2C00;
	[smem:$0x7A6] =	sst s6;
	s6 =	simm.s32 @!p0 $0x80  }
0x2ee: {  	[spmem:s4] =	stream.indirect.scatter.add.f32 @!p0 [tilespmem:s7], [sflag:$0x1], $0x10, s8, s6, $0xb8;
	[tilespmem:$0x12400] =	vst v63  }
0x2ef: {  	p0 =	slt.s32 s3, $0x36  }
0x2f0: {  	s8 =	sld [smem:$0x7F1];
	s6 =	simm.s32 @!p0 $0x0  }
0x2f1: {  	s6 =	simm.s32 @p0 $0x1  }
0x2f2: {  	s7 =	simm.s32 @!p0 $0x2C00;
	[smem:$0x7A7] =	sst s6;
	s6 =	simm.s32 @!p0 $0x80  }
0x2f3: {  	[spmem:s4] =	stream.indirect.scatter.add.f32 @!p0 [tilespmem:s7], [sflag:$0x1], $0x10, s8, s6, $0xb8;
	[tilespmem:$0x12400] =	vst v63  }
0x2f4: {  	p0 =	slt.s32 s3, $0x37  }
0x2f5: {  	s8 =	sld [smem:$0x7F2];
	s6 =	simm.s32 @!p0 $0x0  }
0x2f6: {  	s6 =	simm.s32 @p0 $0x1  }
0x2f7: {  	s7 =	simm.s32 @!p0 $0x2C00;
	[smem:$0x7A8] =	sst s6;
	s6 =	simm.s32 @!p0 $0x80  }
0x2f8: {  	[spmem:s4] =	stream.indirect.scatter.add.f32 @!p0 [tilespmem:s7], [sflag:$0x1], $0x10, s8, s6, $0xb8;
	[tilespmem:$0x12400] =	vst v63  }
0x2f9: {  	p0 =	slt.s32 s3, $0x38  }
0x2fa: {  	s8 =	sld [smem:$0x7F3];
	s6 =	simm.s32 @!p0 $0x0  }
0x2fb: {  	s6 =	simm.s32 @p0 $0x1  }
0x2fc: {  	s7 =	simm.s32 @!p0 $0x2C00;
	[smem:$0x7A9] =	sst s6;
	s6 =	simm.s32 @!p0 $0x80  }
0x2fd: {  	[spmem:s4] =	stream.indirect.scatter.add.f32 @!p0 [tilespmem:s7], [sflag:$0x1], $0x10, s8, s6, $0xb8;
	[tilespmem:$0x12400] =	vst v63  }
0x2fe: {  	p0 =	slt.s32 s3, $0x39  }
0x2ff: {  	s8 =	sld [smem:$0x7F4];
	s6 =	simm.s32 @!p0 $0x0  }
0x300: {  	s6 =	simm.s32 @p0 $0x1  }
0x301: {  	s7 =	simm.s32 @!p0 $0x2C00;
	[smem:$0x7AA] =	sst s6;
	s6 =	simm.s32 @!p0 $0x80  }
0x302: {  	[spmem:s4] =	stream.indirect.scatter.add.f32 @!p0 [tilespmem:s7], [sflag:$0x1], $0x10, s8, s6, $0xb8;
	[tilespmem:$0x12400] =	vst v63  }
0x303: {  	p0 =	slt.s32 s3, $0x3A  }
0x304: {  	s8 =	sld [smem:$0x7F5];
	s6 =	simm.s32 @!p0 $0x0  }
0x305: {  	s6 =	simm.s32 @p0 $0x1  }
0x306: {  	s7 =	simm.s32 @!p0 $0x2C00;
	[smem:$0x7AB] =	sst s6;
	s6 =	simm.s32 @!p0 $0x80  }
0x307: {  	[spmem:s4] =	stream.indirect.scatter.add.f32 @!p0 [tilespmem:s7], [sflag:$0x1], $0x10, s8, s6, $0xb8;
	[tilespmem:$0x12400] =	vst v63  }
0x308: {  	p0 =	slt.s32 s3, $0x3B  }
0x309: {  	s8 =	sld [smem:$0x7F6];
	s6 =	simm.s32 @!p0 $0x0  }
0x30a: {  	s6 =	simm.s32 @p0 $0x1  }
0x30b: {  	s7 =	simm.s32 @!p0 $0x2C00;
	[smem:$0x7AC] =	sst s6;
	s6 =	simm.s32 @!p0 $0x80  }
0x30c: {  	[spmem:s4] =	stream.indirect.scatter.add.f32 @!p0 [tilespmem:s7], [sflag:$0x1], $0x10, s8, s6, $0xb8;
	[tilespmem:$0x12400] =	vst v63  }
0x30d: {  	p0 =	slt.s32 s3, $0x3C  }
0x30e: {  	s8 =	sld [smem:$0x7F7];
	s6 =	simm.s32 @!p0 $0x0  }
0x30f: {  	s9 =	sld [smem:$0x7A0];
	s6 =	simm.s32 @p0 $0x1  }
0x310: {  	s7 =	simm.s32 @!p0 $0x2C00;
	[smem:$0x7AD] =	sst s6;
	s6 =	simm.s32 @!p0 $0x80  }
0x311: {  	[spmem:s4] =	stream.indirect.scatter.add.f32 @!p0 [tilespmem:s7], [sflag:$0x1], $0x10, s8, s6, $0xb8;
	[tilespmem:$0x12400] =	vst v63  }
0x312: {  	p0 =	seq.s32 s9, $0x1  }
0x313: {  	s6 =	simm.s32 @!p0 $0x1  }
0x314: {  	_ =	swait.ge @!p0 [sflag:s6], $0x800  }
0x315: {  	[sflag:s6] =	ssyncset.done @!p0 $0x0  }
0x316: {  	[sflag:s6] =	ssyncadd.s32 @!p0 $0xFFFFF800;
	s6 =	simm.s32 @!p2 $0x1  }
0x317: {  	_ =	swait.ge @!p2 [sflag:s6], $0x800  }
0x318: {  	[sflag:s6] =	ssyncset.done @!p2 $0x0  }
0x319: {  	[sflag:s6] =	ssyncadd.s32 @!p2 $0xFFFFF800;
	s6 =	simm.s32 @!p3 $0x1  }
0x31a: {  	_ =	swait.ge @!p3 [sflag:s6], $0x800  }
0x31b: {  	[sflag:s6] =	ssyncset.done @!p3 $0x0  }
0x31c: {  	[sflag:s6] =	ssyncadd.s32 @!p3 $0xFFFFF800;
	s6 =	simm.s32 @!p4 $0x1  }
0x31d: {  	_ =	swait.ge @!p4 [sflag:s6], $0x800  }
0x31e: {  	[sflag:s6] =	ssyncset.done @!p4 $0x0  }
0x31f: {  	[sflag:s6] =	ssyncadd.s32 @!p4 $0xFFFFF800;
	s6 =	simm.s32 @!p5 $0x1  }
0x320: {  	_ =	swait.ge @!p5 [sflag:s6], $0x800  }
0x321: {  	[sflag:s6] =	ssyncset.done @!p5 $0x0  }
0x322: {  	[sflag:s6] =	ssyncadd.s32 @!p5 $0xFFFFF800;
	s6 =	simm.s32 @!p6 $0x1  }
0x323: {  	_ =	swait.ge @!p6 [sflag:s6], $0x800  }
0x324: {  	s7 =	sld [smem:$0x7A1];
	_ =	sdelay $0x2  }
0x325: {  	[sflag:s6] =	ssyncset.done @!p6 $0x0;
	p0 =	seq.s32 s7, $0x1  }
0x326: {  	[sflag:s6] =	ssyncadd.s32 @!p6 $0xFFFFF800;
	s6 =	simm.s32 @!p0 $0x1  }
0x327: {  	_ =	swait.ge @!p0 [sflag:s6], $0x800  }
0x328: {  	[sflag:s6] =	ssyncset.done @!p0 $0x0  }
0x329: {  	[sflag:s6] =	ssyncadd.s32 @!p0 $0xFFFFF800;
	s6 =	simm.s32 @!p1 $0x1  }
0x32a: {  	_ =	swait.ge @!p1 [sflag:s6], $0x800  }
0x32b: {  	s8 =	sld [smem:$0x7A2];
	_ =	sdelay $0x2  }
0x32c: {  	[sflag:s6] =	ssyncset.done @!p1 $0x0;
	p0 =	seq.s32 s8, $0x1  }
0x32d: {  	[sflag:s6] =	ssyncadd.s32 @!p1 $0xFFFFF800;
	s6 =	simm.s32 @!p0 $0x1  }
0x32e: {  	_ =	swait.ge @!p0 [sflag:s6], $0x800  }
0x32f: {  	s9 =	sld [smem:$0x7A3];
	_ =	sdelay $0x1  }
0x330: {  	[sflag:s6] =	ssyncset.done @!p0 $0x0  }
0x331: {  	[sflag:s6] =	ssyncadd.s32 @!p0 $0xFFFFF800;
	p0 =	seq.s32 s9, $0x1  }
0x332: {  	s6 =	simm.s32 @!p0 $0x1  }
0x333: {  	_ =	swait.ge @!p0 [sflag:s6], $0x800  }
0x334: {  	s7 =	sld [smem:$0x7A4];
	_ =	sdelay $0x1  }
0x335: {  	[sflag:s6] =	ssyncset.done @!p0 $0x0  }
0x336: {  	[sflag:s6] =	ssyncadd.s32 @!p0 $0xFFFFF800;
	p0 =	seq.s32 s7, $0x1  }
0x337: {  	s6 =	simm.s32 @!p0 $0x1  }
0x338: {  	_ =	swait.ge @!p0 [sflag:s6], $0x800  }
0x339: {  	s8 =	sld [smem:$0x7A5];
	_ =	sdelay $0x1  }
0x33a: {  	[sflag:s6] =	ssyncset.done @!p0 $0x0  }
0x33b: {  	[sflag:s6] =	ssyncadd.s32 @!p0 $0xFFFFF800;
	p0 =	seq.s32 s8, $0x1  }
0x33c: {  	s6 =	simm.s32 @!p0 $0x1  }
0x33d: {  	_ =	swait.ge @!p0 [sflag:s6], $0x800  }
0x33e: {  	s9 =	sld [smem:$0x7A6];
	_ =	sdelay $0x1  }
0x33f: {  	[sflag:s6] =	ssyncset.done @!p0 $0x0  }
0x340: {  	[sflag:s6] =	ssyncadd.s32 @!p0 $0xFFFFF800;
	p0 =	seq.s32 s9, $0x1  }
0x341: {  	s6 =	simm.s32 @!p0 $0x1  }
0x342: {  	_ =	swait.ge @!p0 [sflag:s6], $0x800  }
0x343: {  	s7 =	sld [smem:$0x7A7];
	_ =	sdelay $0x1  }
0x344: {  	[sflag:s6] =	ssyncset.done @!p0 $0x0  }
0x345: {  	[sflag:s6] =	ssyncadd.s32 @!p0 $0xFFFFF800;
	p0 =	seq.s32 s7, $0x1  }
0x346: {  	s6 =	simm.s32 @!p0 $0x1  }
0x347: {  	_ =	swait.ge @!p0 [sflag:s6], $0x800  }
0x348: {  	s8 =	sld [smem:$0x7A8];
	_ =	sdelay $0x1  }
0x349: {  	[sflag:s6] =	ssyncset.done @!p0 $0x0  }
0x34a: {  	[sflag:s6] =	ssyncadd.s32 @!p0 $0xFFFFF800;
	p0 =	seq.s32 s8, $0x1  }
0x34b: {  	s6 =	simm.s32 @!p0 $0x1  }
0x34c: {  	_ =	swait.ge @!p0 [sflag:s6], $0x800  }
0x34d: {  	s9 =	sld [smem:$0x7A9];
	_ =	sdelay $0x1  }
0x34e: {  	[sflag:s6] =	ssyncset.done @!p0 $0x0  }
0x34f: {  	[sflag:s6] =	ssyncadd.s32 @!p0 $0xFFFFF800;
	p0 =	seq.s32 s9, $0x1  }
0x350: {  	s6 =	simm.s32 @!p0 $0x1  }
0x351: {  	_ =	swait.ge @!p0 [sflag:s6], $0x800  }
0x352: {  	s7 =	sld [smem:$0x7AA];
	_ =	sdelay $0x1  }
0x353: {  	[sflag:s6] =	ssyncset.done @!p0 $0x0  }
0x354: {  	[sflag:s6] =	ssyncadd.s32 @!p0 $0xFFFFF800;
	p0 =	seq.s32 s7, $0x1  }
0x355: {  	s6 =	simm.s32 @!p0 $0x1  }
0x356: {  	_ =	swait.ge @!p0 [sflag:s6], $0x800  }
0x357: {  	s8 =	sld [smem:$0x7AB];
	_ =	sdelay $0x1  }
0x358: {  	[sflag:s6] =	ssyncset.done @!p0 $0x0  }
0x359: {  	[sflag:s6] =	ssyncadd.s32 @!p0 $0xFFFFF800;
	p0 =	seq.s32 s8, $0x1  }
0x35a: {  	s6 =	simm.s32 @!p0 $0x1  }
0x35b: {  	_ =	swait.ge @!p0 [sflag:s6], $0x800  }
0x35c: {  	s9 =	sld [smem:$0x7AC];
	_ =	sdelay $0x1  }
0x35d: {  	[sflag:s6] =	ssyncset.done @!p0 $0x0  }
0x35e: {  	[sflag:s6] =	ssyncadd.s32 @!p0 $0xFFFFF800;
	p0 =	seq.s32 s9, $0x1  }
0x35f: {  	s6 =	simm.s32 @!p0 $0x1  }
0x360: {  	_ =	swait.ge @!p0 [sflag:s6], $0x800  }
0x361: {  	s7 =	sld [smem:$0x7AD];
	_ =	sdelay $0x1  }
0x362: {  	[sflag:s6] =	ssyncset.done @!p0 $0x0  }
0x363: {  	p1 =	slt.s32 s3, $0x3D;
	[sflag:s6] =	ssyncadd.s32 @!p0 $0xFFFFF800;
	p0 =	seq.s32 s7, $0x1  }
0x364: {  	s7 =	simm.s32 @!p1 $0x0;
	s6 =	simm.s32 @!p0 $0x1  }
0x365: {  	s7 =	simm.s32 @p1 $0x1;
	_ =	swait.ge @!p0 [sflag:s6], $0x800  }
0x366: {  	[sflag:s6] =	ssyncset.done @!p0 $0x0;
	[smem:$0x7AE] =	sst s7;
	s7 =	simm.s32 @!p1 $0x2C00  }
0x367: {  	[sflag:s6] =	ssyncadd.s32 @!p0 $0xFFFFF800;
	s6 =	simm.s32 @!p1 $0x80;
	p0 =	slt.s32 s3, $0x3E  }
0x368: {  	[spmem:s4] =	stream.indirect.scatter.add.f32 @!p1 [tilespmem:s7], [sflag:$0x1], $0x10, s10, s6, $0xb8;
	[tilespmem:$0x12400] =	vst v63  }
0x369: {  	s6 =	simm.s32 @!p0 $0x0  }
0x36a: {  	p2 =	slt.s32 s3, $0x3F;
	s6 =	simm.s32 @p0 $0x1  }
0x36b: {  	s7 =	simm.s32 @!p0 $0x2C00;
	[smem:$0x7AF] =	sst s6;
	s6 =	simm.s32 @!p0 $0x80  }
0x36c: {  	[spmem:s4] =	stream.indirect.scatter.add.f32 @!p0 [tilespmem:s7], [sflag:$0x1], $0x10, s12, s6, $0xb8;
	[tilespmem:$0x12400] =	vst v63  }
0x36d: {  	p3 =	slt.s32 s3, $0x40;
	s6 =	simm.s32 @!p2 $0x80;
	s7 =	simm.s32 @!p2 $0x2C00  }
0x36e: {  	[spmem:s4] =	stream.indirect.scatter.add.f32 @!p2 [tilespmem:s7], [sflag:$0x1], $0x10, s13, s6, $0xb8;
	[tilespmem:$0x12400] =	vst v63  }
0x36f: {  	p4 =	slt.s32 s3, $0x41;
	s6 =	simm.s32 @!p3 $0x80;
	s7 =	simm.s32 @!p3 $0x2C00  }
0x370: {  	[spmem:s4] =	stream.indirect.scatter.add.f32 @!p3 [tilespmem:s7], [sflag:$0x1], $0x10, s14, s6, $0xb8;
	[tilespmem:$0x12400] =	vst v63  }
0x371: {  	p5 =	slt.s32 s3, $0x42;
	s6 =	simm.s32 @!p4 $0x80;
	s7 =	simm.s32 @!p4 $0x2C00  }
0x372: {  	[spmem:s4] =	stream.indirect.scatter.add.f32 @!p4 [tilespmem:s7], [sflag:$0x1], $0x10, s15, s6, $0xb8;
	[tilespmem:$0x12400] =	vst v63  }
0x373: {  	p6 =	slt.s32 s3, $0x43;
	s6 =	simm.s32 @!p5 $0x80;
	s7 =	simm.s32 @!p5 $0x2C00  }
0x374: {  	[spmem:s4] =	stream.indirect.scatter.add.f32 @!p5 [tilespmem:s7], [sflag:$0x1], $0x10, s16, s6, $0xb8;
	[tilespmem:$0x12400] =	vst v63  }
0x375: {  	p1 =	slt.s32 s3, $0x44;
	s6 =	simm.s32 @!p6 $0x80;
	s7 =	simm.s32 @!p6 $0x2C00  }
0x376: {  	[spmem:s4] =	stream.indirect.scatter.add.f32 @!p6 [tilespmem:s7], [sflag:$0x1], $0x10, s17, s6, $0xb8;
	[tilespmem:$0x12400] =	vst v63  }
0x377: {  	p0 =	slt.s32 s3, $0x45;
	s6 =	simm.s32 @!p1 $0x80;
	s7 =	simm.s32 @!p1 $0x2C00  }
0x378: {  	[spmem:s4] =	stream.indirect.scatter.add.f32 @!p1 [tilespmem:s7], [sflag:$0x1], $0x10, s18, s6, $0xb8;
	[tilespmem:$0x12400] =	vst v63  }
0x379: {  	s6 =	simm.s32 @!p0 $0x0  }
0x37a: {  	s6 =	simm.s32 @p0 $0x1  }
0x37b: {  	s7 =	simm.s32 @!p0 $0x2C00;
	[smem:$0x7B0] =	sst s6;
	s6 =	simm.s32 @!p0 $0x80  }
0x37c: {  	[spmem:s4] =	stream.indirect.scatter.add.f32 @!p0 [tilespmem:s7], [sflag:$0x1], $0x10, s19, s6, $0xb8;
	[tilespmem:$0x12400] =	vst v63  }
0x37d: {  	p0 =	slt.s32 s3, $0x46  }
0x37e: {  	s6 =	simm.s32 @!p0 $0x0  }
0x37f: {  	s6 =	simm.s32 @p0 $0x1  }
0x380: {  	s7 =	simm.s32 @!p0 $0x2C00;
	[smem:$0x7B1] =	sst s6;
	s6 =	simm.s32 @!p0 $0x80  }
0x381: {  	[spmem:s4] =	stream.indirect.scatter.add.f32 @!p0 [tilespmem:s7], [sflag:$0x1], $0x10, s20, s6, $0xb8;
	[tilespmem:$0x12400] =	vst v63  }
0x382: {  	p0 =	slt.s32 s3, $0x47  }
0x383: {  	s6 =	simm.s32 @!p0 $0x0  }
0x384: {  	s6 =	simm.s32 @p0 $0x1  }
0x385: {  	s7 =	simm.s32 @!p0 $0x2C00;
	[smem:$0x7B2] =	sst s6;
	s6 =	simm.s32 @!p0 $0x80  }
0x386: {  	[spmem:s4] =	stream.indirect.scatter.add.f32 @!p0 [tilespmem:s7], [sflag:$0x1], $0x10, s21, s6, $0xb8;
	[tilespmem:$0x12400] =	vst v63  }
0x387: {  	p0 =	slt.s32 s3, $0x48  }
0x388: {  	s6 =	simm.s32 @!p0 $0x0  }
0x389: {  	s6 =	simm.s32 @p0 $0x1  }
0x38a: {  	s7 =	simm.s32 @!p0 $0x2C00;
	[smem:$0x7B3] =	sst s6;
	s6 =	simm.s32 @!p0 $0x80  }
0x38b: {  	[spmem:s4] =	stream.indirect.scatter.add.f32 @!p0 [tilespmem:s7], [sflag:$0x1], $0x10, s22, s6, $0xb8;
	[tilespmem:$0x12400] =	vst v63  }
0x38c: {  	p0 =	slt.s32 s3, $0x49  }
0x38d: {  	s6 =	simm.s32 @!p0 $0x0  }
0x38e: {  	s6 =	simm.s32 @p0 $0x1  }
0x38f: {  	s7 =	simm.s32 @!p0 $0x2C00;
	[smem:$0x7B4] =	sst s6;
	s6 =	simm.s32 @!p0 $0x80  }
0x390: {  	[spmem:s4] =	stream.indirect.scatter.add.f32 @!p0 [tilespmem:s7], [sflag:$0x1], $0x10, s23, s6, $0xb8;
	[tilespmem:$0x12400] =	vst v63  }
0x391: {  	p0 =	slt.s32 s3, $0x4A  }
0x392: {  	s6 =	simm.s32 @!p0 $0x0  }
0x393: {  	s6 =	simm.s32 @p0 $0x1  }
0x394: {  	s7 =	simm.s32 @!p0 $0x2C00;
	[smem:$0x7B5] =	sst s6;
	s6 =	simm.s32 @!p0 $0x80  }
0x395: {  	[spmem:s4] =	stream.indirect.scatter.add.f32 @!p0 [tilespmem:s7], [sflag:$0x1], $0x10, s25, s6, $0xb8;
	[tilespmem:$0x12400] =	vst v63  }
0x396: {  	p0 =	slt.s32 s3, $0x4B  }
0x397: {  	s6 =	simm.s32 @!p0 $0x0  }
0x398: {  	s6 =	simm.s32 @p0 $0x1  }
0x399: {  	s7 =	simm.s32 @!p0 $0x2C00;
	[smem:$0x7B6] =	sst s6;
	s6 =	simm.s32 @!p0 $0x80  }
0x39a: {  	[spmem:s4] =	stream.indirect.scatter.add.f32 @!p0 [tilespmem:s7], [sflag:$0x1], $0x10, s30, s6, $0xb8;
	[tilespmem:$0x12400] =	vst v63  }
0x39b: {  	p0 =	slt.s32 s3, $0x4C  }
0x39c: {  	s6 =	simm.s32 @!p0 $0x0  }
0x39d: {  	s6 =	simm.s32 @p0 $0x1  }
0x39e: {  	s7 =	simm.s32 @!p0 $0x2C00;
	[smem:$0x7B7] =	sst s6;
	s6 =	simm.s32 @!p0 $0x80  }
0x39f: {  	[spmem:s4] =	stream.indirect.scatter.add.f32 @!p0 [tilespmem:s7], [sflag:$0x1], $0x10, s31, s6, $0xb8;
	[tilespmem:$0x12400] =	vst v63  }
0x3a0: {  	p0 =	slt.s32 s3, $0x4D  }
0x3a1: {  	s6 =	simm.s32 @!p0 $0x0  }
0x3a2: {  	s6 =	simm.s32 @p0 $0x1  }
0x3a3: {  	s7 =	simm.s32 @!p0 $0x2C00;
	[smem:$0x7B8] =	sst s6;
	s6 =	simm.s32 @!p0 $0x80  }
0x3a4: {  	[spmem:s4] =	stream.indirect.scatter.add.f32 @!p0 [tilespmem:s7], [sflag:$0x1], $0x10, s1, s6, $0xb8;
	[tilespmem:$0x12400] =	vst v63  }
0x3a5: {  	p0 =	slt.s32 s3, $0x4E  }
0x3a6: {  	s6 =	simm.s32 @!p0 $0x0  }
0x3a7: {  	s6 =	simm.s32 @p0 $0x1  }
0x3a8: {  	s7 =	simm.s32 @!p0 $0x2C00;
	[smem:$0x7B9] =	sst s6;
	s6 =	simm.s32 @!p0 $0x80  }
0x3a9: {  	[spmem:s4] =	stream.indirect.scatter.add.f32 @!p0 [tilespmem:s7], [sflag:$0x1], $0x10, s0, s6, $0xb8;
	[tilespmem:$0x12400] =	vst v63  }
0x3aa: {  	p0 =	slt.s32 s3, $0x4F  }
0x3ab: {  	s6 =	simm.s32 @!p0 $0x0  }
0x3ac: {  	s6 =	simm.s32 @p0 $0x1  }
0x3ad: {  	s7 =	simm.s32 @!p0 $0x2C00;
	[smem:$0x7BA] =	sst s6;
	s6 =	simm.s32 @!p0 $0x80  }
0x3ae: {  	[spmem:s4] =	stream.indirect.scatter.add.f32 @!p0 [tilespmem:s7], [sflag:$0x1], $0x10, s2, s6, $0xb8;
	[tilespmem:$0x12400] =	vst v63  }
0x3af: {  	p0 =	slt.s32 s3, $0x50  }
0x3b0: {  	s6 =	simm.s32 @!p0 $0x0  }
0x3b1: {  	s8 =	sld [smem:$0x7AE];
	s6 =	simm.s32 @p0 $0x1  }
0x3b2: {  	s7 =	simm.s32 @!p0 $0x2C00;
	[smem:$0x7BB] =	sst s6;
	s6 =	simm.s32 @!p0 $0x80  }
0x3b3: {  	[spmem:s4] =	stream.indirect.scatter.add.f32 @!p0 [tilespmem:s7], [sflag:$0x1], $0x10, s24, s6, $0xb8;
	[tilespmem:$0x12400] =	vst v63  }
0x3b4: {  	p0 =	seq.s32 s8, $0x1  }
0x3b5: {  	s6 =	simm.s32 @!p0 $0x1  }
0x3b6: {  	_ =	swait.ge @!p0 [sflag:s6], $0x800  }
0x3b7: {  	s9 =	sld [smem:$0x7AF];
	_ =	sdelay $0x1  }
0x3b8: {  	[sflag:s6] =	ssyncset.done @!p0 $0x0  }
0x3b9: {  	[sflag:s6] =	ssyncadd.s32 @!p0 $0xFFFFF800;
	p0 =	seq.s32 s9, $0x1  }
0x3ba: {  	s6 =	simm.s32 @!p0 $0x1  }
0x3bb: {  	_ =	swait.ge @!p0 [sflag:s6], $0x800  }
0x3bc: {  	[sflag:s6] =	ssyncset.done @!p0 $0x0  }
0x3bd: {  	[sflag:s6] =	ssyncadd.s32 @!p0 $0xFFFFF800;
	s6 =	simm.s32 @!p2 $0x1  }
0x3be: {  	_ =	swait.ge @!p2 [sflag:s6], $0x800  }
0x3bf: {  	[sflag:s6] =	ssyncset.done @!p2 $0x0  }
0x3c0: {  	[sflag:s6] =	ssyncadd.s32 @!p2 $0xFFFFF800;
	s6 =	simm.s32 @!p3 $0x1  }
0x3c1: {  	_ =	swait.ge @!p3 [sflag:s6], $0x800  }
0x3c2: {  	[sflag:s6] =	ssyncset.done @!p3 $0x0  }
0x3c3: {  	[sflag:s6] =	ssyncadd.s32 @!p3 $0xFFFFF800;
	s6 =	simm.s32 @!p4 $0x1  }
0x3c4: {  	_ =	swait.ge @!p4 [sflag:s6], $0x800  }
0x3c5: {  	[sflag:s6] =	ssyncset.done @!p4 $0x0  }
0x3c6: {  	[sflag:s6] =	ssyncadd.s32 @!p4 $0xFFFFF800;
	s6 =	simm.s32 @!p5 $0x1  }
0x3c7: {  	_ =	swait.ge @!p5 [sflag:s6], $0x800  }
0x3c8: {  	[sflag:s6] =	ssyncset.done @!p5 $0x0  }
0x3c9: {  	[sflag:s6] =	ssyncadd.s32 @!p5 $0xFFFFF800;
	s6 =	simm.s32 @!p6 $0x1  }
0x3ca: {  	_ =	swait.ge @!p6 [sflag:s6], $0x800  }
0x3cb: {  	[sflag:s6] =	ssyncset.done @!p6 $0x0  }
0x3cc: {  	[sflag:s6] =	ssyncadd.s32 @!p6 $0xFFFFF800;
	s6 =	simm.s32 @!p1 $0x1  }
0x3cd: {  	_ =	swait.ge @!p1 [sflag:s6], $0x800  }
0x3ce: {  	s7 =	sld [smem:$0x7B0];
	_ =	sdelay $0x2  }
0x3cf: {  	[sflag:s6] =	ssyncset.done @!p1 $0x0;
	p0 =	seq.s32 s7, $0x1  }
0x3d0: {  	[sflag:s6] =	ssyncadd.s32 @!p1 $0xFFFFF800;
	s6 =	simm.s32 @!p0 $0x1  }
0x3d1: {  	_ =	swait.ge @!p0 [sflag:s6], $0x800  }
0x3d2: {  	s8 =	sld [smem:$0x7B1];
	_ =	sdelay $0x1  }
0x3d3: {  	[sflag:s6] =	ssyncset.done @!p0 $0x0  }
0x3d4: {  	[sflag:s6] =	ssyncadd.s32 @!p0 $0xFFFFF800;
	p0 =	seq.s32 s8, $0x1  }
0x3d5: {  	s6 =	simm.s32 @!p0 $0x1  }
0x3d6: {  	_ =	swait.ge @!p0 [sflag:s6], $0x800  }
0x3d7: {  	s9 =	sld [smem:$0x7B2];
	_ =	sdelay $0x1  }
0x3d8: {  	[sflag:s6] =	ssyncset.done @!p0 $0x0  }
0x3d9: {  	[sflag:s6] =	ssyncadd.s32 @!p0 $0xFFFFF800;
	p0 =	seq.s32 s9, $0x1  }
0x3da: {  	s6 =	simm.s32 @!p0 $0x1  }
0x3db: {  	_ =	swait.ge @!p0 [sflag:s6], $0x800  }
0x3dc: {  	s7 =	sld [smem:$0x7B3];
	_ =	sdelay $0x1  }
0x3dd: {  	[sflag:s6] =	ssyncset.done @!p0 $0x0  }
0x3de: {  	[sflag:s6] =	ssyncadd.s32 @!p0 $0xFFFFF800;
	p0 =	seq.s32 s7, $0x1  }
0x3df: {  	s6 =	simm.s32 @!p0 $0x1  }
0x3e0: {  	_ =	swait.ge @!p0 [sflag:s6], $0x800  }
0x3e1: {  	s8 =	sld [smem:$0x7B4];
	_ =	sdelay $0x1  }
0x3e2: {  	[sflag:s6] =	ssyncset.done @!p0 $0x0  }
0x3e3: {  	[sflag:s6] =	ssyncadd.s32 @!p0 $0xFFFFF800;
	p0 =	seq.s32 s8, $0x1  }
0x3e4: {  	s6 =	simm.s32 @!p0 $0x1  }
0x3e5: {  	_ =	swait.ge @!p0 [sflag:s6], $0x800  }
0x3e6: {  	s9 =	sld [smem:$0x7B5];
	_ =	sdelay $0x1  }
0x3e7: {  	[sflag:s6] =	ssyncset.done @!p0 $0x0  }
0x3e8: {  	[sflag:s6] =	ssyncadd.s32 @!p0 $0xFFFFF800;
	p0 =	seq.s32 s9, $0x1  }
0x3e9: {  	s6 =	simm.s32 @!p0 $0x1  }
0x3ea: {  	_ =	swait.ge @!p0 [sflag:s6], $0x800  }
0x3eb: {  	s7 =	sld [smem:$0x7B6];
	_ =	sdelay $0x1  }
0x3ec: {  	[sflag:s6] =	ssyncset.done @!p0 $0x0  }
0x3ed: {  	[sflag:s6] =	ssyncadd.s32 @!p0 $0xFFFFF800;
	p0 =	seq.s32 s7, $0x1  }
0x3ee: {  	s6 =	simm.s32 @!p0 $0x1  }
0x3ef: {  	_ =	swait.ge @!p0 [sflag:s6], $0x800  }
0x3f0: {  	s8 =	sld [smem:$0x7B7];
	_ =	sdelay $0x1  }
0x3f1: {  	[sflag:s6] =	ssyncset.done @!p0 $0x0  }
0x3f2: {  	[sflag:s6] =	ssyncadd.s32 @!p0 $0xFFFFF800;
	p0 =	seq.s32 s8, $0x1  }
0x3f3: {  	s6 =	simm.s32 @!p0 $0x1  }
0x3f4: {  	_ =	swait.ge @!p0 [sflag:s6], $0x800  }
0x3f5: {  	s9 =	sld [smem:$0x7B8];
	_ =	sdelay $0x1  }
0x3f6: {  	[sflag:s6] =	ssyncset.done @!p0 $0x0  }
0x3f7: {  	[sflag:s6] =	ssyncadd.s32 @!p0 $0xFFFFF800;
	p0 =	seq.s32 s9, $0x1  }
0x3f8: {  	s6 =	simm.s32 @!p0 $0x1  }
0x3f9: {  	_ =	swait.ge @!p0 [sflag:s6], $0x800  }
0x3fa: {  	s7 =	sld [smem:$0x7B9];
	_ =	sdelay $0x1  }
0x3fb: {  	[sflag:s6] =	ssyncset.done @!p0 $0x0  }
0x3fc: {  	[sflag:s6] =	ssyncadd.s32 @!p0 $0xFFFFF800;
	p0 =	seq.s32 s7, $0x1  }
0x3fd: {  	s6 =	simm.s32 @!p0 $0x1  }
0x3fe: {  	_ =	swait.ge @!p0 [sflag:s6], $0x800  }
0x3ff: {  	s8 =	sld [smem:$0x7BA];
	_ =	sdelay $0x1  }
0x400: {  	[sflag:s6] =	ssyncset.done @!p0 $0x0  }
0x401: {  	[sflag:s6] =	ssyncadd.s32 @!p0 $0xFFFFF800;
	p0 =	seq.s32 s8, $0x1  }
0x402: {  	s6 =	simm.s32 @!p0 $0x1  }
0x403: {  	_ =	swait.ge @!p0 [sflag:s6], $0x800  }
0x404: {  	s9 =	sld [smem:$0x7BB];
	_ =	sdelay $0x1  }
0x405: {  	[sflag:s6] =	ssyncset.done @!p0 $0x0  }
0x406: {  	[sflag:s6] =	ssyncadd.s32 @!p0 $0xFFFFF800;
	p0 =	seq.s32 s9, $0x1  }
0x407: {  	s6 =	simm.s32 @!p0 $0x1  }
0x408: {  	_ =	swait.ge @!p0 [sflag:s6], $0x800  }
0x409: {  	[sflag:s6] =	ssyncset.done @!p0 $0x0  }
0x40a: {  	[sflag:s6] =	ssyncadd.s32 @!p0 $0xFFFFF800  }
0x40b: {  	[bflag:$0x0] =	sbarrier.arrive $0xFFFF  }
0x40c: {  	s8 =	simm.s32 $0x3400;
	s7 =	rddreg [dreg:$0x7]  }
0x40d: {  	[tilespmem:s8], [sflag:$0x2] =	stream.linear.gather [spmem:s7], $0x2800, $0x38;
	[tilespmem:$0x12400] =	vst v63  }
0x40e: {  	_ =	swait.ge [sflag:s26], $0x2800  }
0x40f: {  	[sflag:s26] =	ssyncset.done $0x0  }
0x410: {  	s9 =	simm.s32 $0x10;
	[sflag:s26] =	ssyncadd.s32 $0xFFFFD800  }
0x411: {  	v1 =	vld [tilespmem:s9+$0x33F0]  }
0x412: {  	s6 =	simm.s32 $0x5C40;
	s7 =	simm.s32 $0xC0;
	s8 =	simm.s32 $0x5C40;
	v0 =	vld [tilespmem:s9+$0x3400]  }
.LBB2_45:
0x413: {  	_ =	sdelay $0x1  }
0x414: {  	p0 =	sne.s32 s7, $0x9FC0  }
0x415: {  	s8 =	sadd.s32 $0x80, s8;
	s9 =	smov.u32 s7;
	s7 =	sadd.s32 $0x80, s7;
	[tilespmem:s6+$0xFFFFFFC0] =	vst v1  }
0x416: {  	[tilespmem:s6+$0xFFFFFFF0] =	vst v1  }
0x417: {  	[tilespmem:s6+$0xFFFFFFE0] =	vst v1  }
0x418: {  	[tilespmem:s6+$0xFFFFFFD0] =	vst v1  }
0x419: {  	[tilespmem:s6+$0x30] =	vst v0  }
.Ltmp23:
0x41a: {  	[tilespmem:s6+$0x20] =	vst v0;
	(pc) =	sbr.rel @p0 .LBB2_45-.Ltmp23, $4  }
0x41b: {  	[tilespmem:s6+$0x0] =	vst v0  }
0x41c: {  	s9 =	sshra.s32 s9, $0x2;
	[tilespmem:s6+$0x10] =	vst v0;
	s6 =	smov.u32 s8  }
0x41d: {  	v1 =	vld [tilespmem:s9+$0x33F0]  }
0x41e: {  	v0 =	vld [tilespmem:s9+$0x3400]  }
0x41f: {  	_ =	sdelay $0x2  }
0x420: {  	[tilespmem:s6+$0xFFFFFFC0] =	vst v1  }
0x421: {  	[tilespmem:s6+$0xFFFFFFF0] =	vst v1  }
0x422: {  	[tilespmem:s6+$0xFFFFFFE0] =	vst v1  }
0x423: {  	[tilespmem:s6+$0xFFFFFFD0] =	vst v1  }
0x424: {  	[tilespmem:s6+$0x30] =	vst v0  }
0x425: {  	[tilespmem:s6+$0x20] =	vst v0  }
0x426: {  	[tilespmem:s6+$0x0] =	vst v0  }
0x427: {  	s9 =	rddreg [dreg:$0x8];
	s7 =	simm.s32 $0x5C00;
	[tilespmem:s6+$0x10] =	vst v0  }
0x428: {  	[hbm4b:s9+s5] =	stream.linear.scatter [tilespmem:s7], [sflag:$0x2], $0xA000, $0x38;
	[tilespmem:$0x12400] =	vst v63  }
0x429: {  	_ =	swait.ge [sflag:s26], $0xA000  }
0x42a: {  	s8 =	sld [smem:$0x7F8]  }
0x42b: {  	s29 =	sadd.s32 $0x1, s29;
	s7 =	rddreg [dreg:$0x9]  }
0x42c: {  	p0 =	sne.s32 s29, s7  }
0x42d: {  	s6 =	simm.s32 @!p0 $0x0;
	p2 =	seq.s32 s8, $0x1;
	s8 =	sld [smem:$0x7FB]  }
0x42e: {  	s6 =	simm.s32 @p0 $0x1  }
0x42f: {  	[smem:$0x791] =	sst s6  }
0x430: {  	p4 =	seq.s32 s8, $0x1;
	s8 =	sld [smem:$0x791]  }
0x431: {  	s9 =	sld [smem:$0x7F9]  }
0x432: {  	s7 =	sld [smem:$0x7FA]  }
0x433: {  	p0 =	seq.s32 s8, $0x1  }
.Ltmp24:
0x434: {  	p3 =	seq.s32 s9, $0x1;
	s9 =	sld [smem:$0x7FC];
	(pc) =	sbr.rel @p0 .LBB2_1-.Ltmp24, $4  }
.Ltmp25:
0x435: {  	p1 =	seq.s32 s7, $0x1;
	s7 =	sld [smem:$0x7FD];
	(pc) =	sbr.rel @!p0 .LBB2_47-.Ltmp25, $4  }
0x436: {  	[sflag:s26] =	ssyncset.done $0x0  }
0x437: {  	[sflag:s26] =	ssyncadd.s32 $0xFFFF6000  }
0x438: {  	p6 =	seq.s32 s9, $0x1;
	s9 =	simm.s32 $0x2C00;
	p5 =	seq.s32 s7, $0x1  }
0x439: {  	_ = 	snop  }
.LBB2_6:
0x43a: {  	s12 =	smov.u32 s13  }
0x43b: {  	s13 =	smov.u32 s14;
	s14 =	smov.u32 s15;
	s15 =	smov.u32 s16  }
0x43c: {  	s16 =	smov.u32 s17;
	s17 =	smov.u32 s18;
	s18 =	smov.u32 s19  }
0x43d: {  	s19 =	smov.u32 s20;
	s20 =	smov.u32 s21;
	s21 =	smov.u32 s22  }
.Ltmp26:
0x43e: {  	s22 =	smov.u32 s23;
	s6 =	sld [smem:$0x7CA];
	(pc) =	sbr.rel .LBB2_31-.Ltmp26, $4  }
0x43f: {  	s23 =	smov.u32 s25;
	s25 =	smov.u32 s30;
	s9 =	sld [smem:$0x7C9]  }
0x440: {  	s30 =	smov.u32 s31;
	s31 =	smov.u32 s1;
	s1 =	smov.u32 s0  }
0x441: {  	s0 =	smov.u32 s2;
	s2 =	smov.u32 s24;
	s24 =	smov.u32 s5  }
0x442: {  	s5 =	simm.s32 $0x0;
	p1 =	seq.s32 s6, $0x1;
	p5 =	seq.s32 s9, $0x1  }
.LBB2_8:
.Ltmp27:
0x443: {  	(pc) =	sbr.rel @p1 .LBB2_9-.Ltmp27, $1  }
0x444: {  	_ =	sdelay $0x3  }
.LBB2_20:
.Ltmp28:
0x445: {  	(pc) =	sbr.rel @!p2 .LBB2_10-.Ltmp28, $1  }
0x446: {  	_ =	sdelay $0x3  }
.LBB2_21:
.Ltmp29:
0x447: {  	(pc) =	sbr.rel @p6 .LBB2_22-.Ltmp29, $4  }
0x448: {  	_ = 	snop  }
0x449: {  	_ =	swait.ge [sflag:s28], $0x800  }
0x44a: {  	[sflag:s28] =	ssyncset.done $0x0  }
0x44b: {  	[sflag:s28] =	ssyncadd.s32 $0xFFFFF800  }
.LBB2_11:
0x44c: {  	s6 =	sld [smem:$0x7C4];
	_ =	sdelay $0x2  }
0x44d: {  	p0 =	seq.s32 s6, $0x1  }
.Ltmp30:
0x44e: {  	_ = 	snop;
	(pc) =	sbr.rel @!p0 .LBB2_12-.Ltmp30, $1  }
0x44f: {  	_ =	sdelay $0x3  }
.LBB2_23:
0x450: {  	_ =	swait.ge [sflag:s28], $0x800  }
0x451: {  	s6 =	sld [smem:$0x7C5];
	_ =	sdelay $0x2  }
0x452: {  	p0 =	seq.s32 s6, $0x1  }
.Ltmp31:
0x453: {  	_ = 	snop;
	(pc) =	sbr.rel @p0 .LBB2_24-.Ltmp31, $3  }
0x454: {  	_ =	sdelay $0x1  }
0x455: {  	[sflag:s28] =	ssyncset.done $0x0  }
0x456: {  	[sflag:s28] =	ssyncadd.s32 $0xFFFFF800  }
.LBB2_13:
0x457: {  	s6 =	sld [smem:$0x7C3];
	_ =	sdelay $0x2  }
0x458: {  	p0 =	seq.s32 s6, $0x1  }
.Ltmp32:
0x459: {  	_ = 	snop;
	(pc) =	sbr.rel @!p0 .LBB2_14-.Ltmp32, $1  }
0x45a: {  	_ =	sdelay $0x3  }
.LBB2_25:
0x45b: {  	_ =	swait.ge [sflag:s28], $0x800  }
0x45c: {  	s6 =	sld [smem:$0x7C6];
	_ =	sdelay $0x2  }
0x45d: {  	p0 =	seq.s32 s6, $0x1  }
.Ltmp33:
0x45e: {  	_ = 	snop;
	(pc) =	sbr.rel @p0 .LBB2_26-.Ltmp33, $3  }
0x45f: {  	_ =	sdelay $0x1  }
0x460: {  	[sflag:s28] =	ssyncset.done $0x0  }
0x461: {  	[sflag:s28] =	ssyncadd.s32 $0xFFFFF800  }
.LBB2_15:
0x462: {  	s6 =	sld [smem:$0x7C2];
	_ =	sdelay $0x2  }
0x463: {  	p0 =	seq.s32 s6, $0x1  }
.Ltmp34:
0x464: {  	_ = 	snop;
	(pc) =	sbr.rel @!p0 .LBB2_16-.Ltmp34, $1  }
0x465: {  	_ =	sdelay $0x3  }
.LBB2_27:
0x466: {  	_ =	swait.ge [sflag:s28], $0x800  }
0x467: {  	s6 =	sld [smem:$0x7C7];
	_ =	sdelay $0x2  }
0x468: {  	p0 =	seq.s32 s6, $0x1  }
.Ltmp35:
0x469: {  	_ = 	snop;
	(pc) =	sbr.rel @p0 .LBB2_28-.Ltmp35, $3  }
0x46a: {  	_ =	sdelay $0x1  }
0x46b: {  	[sflag:s28] =	ssyncset.done $0x0  }
0x46c: {  	[sflag:s28] =	ssyncadd.s32 $0xFFFFF800  }
.LBB2_17:
0x46d: {  	s6 =	sld [smem:$0x7C1];
	_ =	sdelay $0x2  }
0x46e: {  	p0 =	seq.s32 s6, $0x1  }
.Ltmp36:
0x46f: {  	_ = 	snop;
	(pc) =	sbr.rel @!p0 .LBB2_18-.Ltmp36, $1  }
0x470: {  	_ =	sdelay $0x3  }
.LBB2_29:
0x471: {  	_ =	swait.ge [sflag:s28], $0x800  }
0x472: {  	s6 =	sld [smem:$0x7C8];
	_ =	sdelay $0x2  }
0x473: {  	p0 =	seq.s32 s6, $0x1  }
.Ltmp37:
0x474: {  	_ = 	snop;
	(pc) =	sbr.rel @!p0 .LBB2_31-.Ltmp37, $4  }
0x475: {  	_ = 	snop  }
0x476: {  	p2 =	por $0x0, $0x0;
	p1 =	por $0x0, $0x0  }
0x477: {  	p5 =	por $0x0, $0x0;
	p4 =	por $0x0, $0x0;
	[sflag:s28] =	ssyncset.done $0x0  }
0x478: {  	p3 =	por $0x0, $0x0;
	p6 =	por $0x0, $0x0;
	[sflag:s28] =	ssyncadd.s32 $0xFFFFF800  }
.LBB2_30:
0x479: {  	_ =	swait.ge [sflag:s28], $0x800;
	p2 =	por $0x0, $0x0;
	p1 =	por $0x0, $0x0  }
0x47a: {  	p5 =	por $0x0, $0x0;
	p4 =	por $0x0, $0x0;
	[sflag:s28] =	ssyncset.done $0x0  }
0x47b: {  	p3 =	por $0x0, $0x0;
	p6 =	por $0x0, $0x0;
	[sflag:s28] =	ssyncadd.s32 $0xFFFFF800  }
.LBB2_31:
.Ltmp38:
0x47c: {  	(pc) =	sbr.rel @!p4 .LBB2_38-.Ltmp38, $1  }
0x47d: {  	_ =	sdelay $0x3  }
.LBB2_32:
.Ltmp39:
0x47e: {  	(pc) =	sbr.rel @p5 .LBB2_39-.Ltmp39, $4  }
0x47f: {  	_ = 	snop  }
0x480: {  	_ =	swait.ge [sflag:s28], $0x800  }
0x481: {  	[sflag:s28] =	ssyncset.done $0x0  }
0x482: {  	[sflag:s28] =	ssyncadd.s32 $0xFFFFF800  }
.LBB2_33:
.Ltmp40:
0x483: {  	(pc) =	sbr.rel @!p3 .LBB2_34-.Ltmp40, $1  }
0x484: {  	_ =	sdelay $0x3  }
.LBB2_40:
.Ltmp41:
0x485: {  	(pc) =	sbr.rel @p1 .LBB2_41-.Ltmp41, $4  }
0x486: {  	_ = 	snop  }
0x487: {  	_ =	swait.ge [sflag:s28], $0x800  }
0x488: {  	[sflag:s28] =	ssyncset.done $0x0  }
0x489: {  	[sflag:s28] =	ssyncadd.s32 $0xFFFFF800  }
.LBB2_35:
.Ltmp42:
0x48a: {  	(pc) =	sbr.rel @!p6 .LBB2_36-.Ltmp42, $1  }
0x48b: {  	_ =	sdelay $0x3  }
.LBB2_42:
.Ltmp43:
0x48c: {  	(pc) =	sbr.rel @!p2 .LBB2_44-.Ltmp43, $4  }
.Ltmp44:
0x48d: {  	(pc) =	sbr.rel @p2 .LBB2_43-.Ltmp44, $4  }
0x48e: {  	_ =	swait.ge [sflag:s28], $0x800  }
0x48f: {  	[sflag:s28] =	ssyncset.done $0x0  }
0x490: {  	[sflag:s28] =	ssyncadd.s32 $0xFFFFF800  }
0x491: {  	_ = 	snop  }
.LBB2_47:
0x492: {  	_ =	sfence.sel $0x180000  }
0x493: {  	[bflag:$0x0] =	sbarrier.arrive $0xFFFF  }
0x494: {  	_ =	strace $0x90000047  }
0x495: {  	s0 =	stileid.u32;
	[bflag:$0x2] =	sbarrier.arrive $0xFFFF  }
0x496: {  	p0 =	sne.s32 s0, $0x0;
	s0 =	rddreg [dreg:$0x3]  }
0x497: {  	s0 =	sadd.s32 @!p0 $0x100000, s0  }
0x498: {  	[sflag:s0] =	ssyncadd.tile.s32 @!p0 $0x1;
	_ =	shalt  }
.Lfunc_end2:
_tile_overlayer_lowered:
.L_overlay_start_2:
0x499: {  	(tag) =	ssettag $0x2  }
0x49a: {  	s0 =	rddreg [dreg:$0x0];
	s2 =	stileid.u32  }
0x49b: {  	s1 =	rddreg [dreg:$0x1];
	p0 =	sne.s32 s2, $0x0  }
0x49c: {  	s3 =	rddreg [dreg:$0x2];
	[bflag:$0x3] =	sbarrier.arrive $0xFFFF;
	s2 =	simm.s32 @!p0 $0x1C02  }
0x49d: {  	[timem:s3], [sflag:s2] =	dma.local @!p0 [hbm:s0], s1  }
0x49e: {  	s0 =	simm.s32 @!p0 $0x2  }
0x49f: {  	_ =	swait.ge @!p0 [sflag:s0], s1  }
0x4a0: {  	s1 =	ssub.s32 @!p0 $0x0, s1;
	[sflag:s0] =	ssyncset.done @!p0 $0x0  }
0x4a1: {  	[sflag:s0] =	ssyncadd.s32 @!p0 s1  }
0x4a2: {  	[bflag:$0x3] =	sbarrier.arrive $0xFFFF  }
0x4a3: {  	_ =	shalt  }

</sc_bundles>
